<compile_context>
chip_gen: v7x
topology: tpu7x:2x2x1
jax: 0.10.2.dev20260603
libtpu: 0.0.44.dev20260713+nightly
codegen_flags: <defaults>
</compile_context>

<pallas_src>
import jax
import jax.numpy as jnp
from jax import lax
from jax.experimental import pallas as pl
from jax.experimental.pallas import tpu as pltpu
from jax.experimental.pallas import tpu_sc as plsc

N = 10000
D = 128
H = 128
OUT = 256
E = 320000

NC = 2
NS = 16
NW = NC * NS
EW = E // NW
C = 112
NCH = 90
GD = 3
ID = 6
EP = NCH * C
TRASH = N
AGG_ROWS = N + 8
STR = 624
TAIL = N - NS * STR
DEGW = 16

ROWS_BLK = 1000
GRID = N // ROWS_BLK

_mesh = plsc.VectorSubcoreMesh(core_axis_name="c", subcore_axis_name="s",
                               num_cores=NC, num_subcores=NS)


def _zero_vec():
    return jnp.zeros((16,), jnp.float32)


def _sc_deg_body(eidx_hbm, deg_out, *rest):
    ib = rest[:ID]
    ones_v = rest[ID]
    deg_sh = rest[ID + 1]
    si = rest[ID + 2:]
    cid = lax.axis_index("c")
    sid = lax.axis_index("s")
    wid = cid * NS + sid
    base = sid * STR

    def zrow(r, c):
        for k in range(H // 16):
            ones_v[r, pl.ds(k * 16, 16)] = _zero_vec()
        return c

    lax.fori_loop(0, C, zrow, 0)

    for j in range(STR // C):
        pltpu.sync_copy(ones_v, deg_sh.at[pl.ds(base + j * C, C)])
    rem = STR - (STR // C) * C
    if rem:
        pltpu.sync_copy(ones_v.at[pl.ds(0, rem)],
                        deg_sh.at[pl.ds(base + STR - rem, rem)])

    @pl.when(sid == NS - 1)
    def _():
        pltpu.sync_copy(ones_v.at[pl.ds(0, TAIL)],
                        deg_sh.at[pl.ds(NS * STR, TAIL)])

    def onesrow(r, c):
        for k in range(H // 16):
            ones_v[r, pl.ds(k * 16, 16)] = jnp.ones((16,), jnp.float32)
        return c

    lax.fori_loop(0, C, onesrow, 0)

    plsc.subcore_barrier()

    for k in range(ID):
        pltpu.async_copy(eidx_hbm.at[wid, k], ib[k], si[k])

    def block(jo, c):
        for k in range(ID):
            j = jo * ID + k
            pltpu.make_async_copy(eidx_hbm.at[wid, 0], ib[k], si[k]).wait()
            pltpu.sync_copy(ones_v, deg_sh.at[ib[k].at[1]], add=True)

            @pl.when(j < NCH - ID)
            def _():
                pltpu.async_copy(eidx_hbm.at[wid, j + ID], ib[k], si[k])

        return c

    lax.fori_loop(0, NCH // ID, block, 0)

    plsc.subcore_barrier()

    pltpu.sync_copy(deg_sh.at[pl.ds(base, STR)],
                    deg_out.at[cid, pl.ds(base, STR)])

    @pl.when(sid == NS - 1)
    def _():
        pltpu.sync_copy(deg_sh.at[pl.ds(NS * STR, TAIL)],
                        deg_out.at[cid, pl.ds(NS * STR, TAIL)])


_sc_deg = pl.kernel(
    _sc_deg_body,
    out_type=jax.ShapeDtypeStruct((NC, N, H), jnp.float32),
    mesh=_mesh,
    scratch_types=(
        [pltpu.VMEM((2, C), jnp.int32) for _ in range(ID)]
        + [pltpu.VMEM((C, H), jnp.float32)]
        + [pltpu.VMEM_SHARED((AGG_ROWS, H), jnp.float32)]
        + [pltpu.SemaphoreType.DMA for _ in range(ID)]
    ),
)


def _sc_agg_body(h_hbm, eidx_hbm, agg_out, *rest):
    ib = rest[:ID]
    rows = rest[ID:ID + GD]
    agg_sh = rest[ID + GD]
    sg = rest[ID + GD + 1:ID + GD + 1 + GD]
    si = rest[ID + GD + 1 + GD:]
    cid = lax.axis_index("c")
    sid = lax.axis_index("s")
    wid = cid * NS + sid
    base = sid * STR

    def zrow(r, c):
        for k in range(H // 16):
            rows[0][r, pl.ds(k * 16, 16)] = _zero_vec()
        return c

    lax.fori_loop(0, C, zrow, 0)

    for j in range(STR // C):
        pltpu.sync_copy(rows[0], agg_sh.at[pl.ds(base + j * C, C)])
    rem = STR - (STR // C) * C
    if rem:
        pltpu.sync_copy(rows[0].at[pl.ds(0, rem)],
                        agg_sh.at[pl.ds(base + STR - rem, rem)])

    @pl.when(sid == NS - 1)
    def _():
        pltpu.sync_copy(rows[0].at[pl.ds(0, TAIL)],
                        agg_sh.at[pl.ds(NS * STR, TAIL)])

    plsc.subcore_barrier()

    for k in range(GD):
        pltpu.sync_copy(eidx_hbm.at[wid, k], ib[k])
    for k in range(GD):
        pltpu.async_copy(h_hbm.at[ib[k].at[0]], rows[k], sg[k])
    for k in range(GD, ID):
        pltpu.async_copy(eidx_hbm.at[wid, k], ib[k], si[k])

    def block(jo, c):
        for k in range(ID):
            j = jo * ID + k
            r = k % GD
            pltpu.make_async_copy(h_hbm.at[ib[k].at[0]], rows[r],
                                  sg[r]).wait()
            pltpu.sync_copy(rows[r], agg_sh.at[ib[k].at[1]], add=True)

            @pl.when(j < NCH - ID)
            def _():
                pltpu.async_copy(eidx_hbm.at[wid, j + ID], ib[k], si[k])

            @pl.when(j < NCH - GD)
            def _():
                kn = (k + GD) % ID
                pltpu.make_async_copy(eidx_hbm.at[wid, 0], ib[kn],
                                      si[kn]).wait()
                pltpu.async_copy(h_hbm.at[ib[kn].at[0]], rows[r], sg[r])

        return c

    lax.fori_loop(0, NCH // ID, block, 0)

    plsc.subcore_barrier()

    pltpu.sync_copy(agg_sh.at[pl.ds(base, STR)],
                    agg_out.at[cid, pl.ds(base, STR)])

    @pl.when(sid == NS - 1)
    def _():
        pltpu.sync_copy(agg_sh.at[pl.ds(NS * STR, TAIL)],
                        agg_out.at[cid, pl.ds(NS * STR, TAIL)])


_sc_agg = pl.kernel(
    _sc_agg_body,
    out_type=jax.ShapeDtypeStruct((NC, N, H), jnp.float32),
    mesh=_mesh,
    scratch_types=(
        [pltpu.VMEM((2, C), jnp.int32) for _ in range(ID)]
        + [pltpu.VMEM((C, H), jnp.float32) for _ in range(GD)]
        + [pltpu.VMEM_SHARED((AGG_ROWS, H), jnp.float32)]
        + [pltpu.SemaphoreType.DMA for _ in range(GD + ID)]
    ),
)


def _encode_body(x_ref, w_ref, b_ref, d_ref, o_ref, dinv_ref):
    o_ref[...] = jnp.maximum(
        jnp.dot(x_ref[...], w_ref[...], preferred_element_type=jnp.float32)
        + b_ref[...], 0.0)
    dinv = 1.0 / jnp.maximum(d_ref[0, :, 0:1] + d_ref[1, :, 0:1], 1.0)
    dinv_ref[...] = jnp.broadcast_to(dinv, dinv_ref.shape)


_encode = pl.pallas_call(
    _encode_body,
    grid=(GRID,),
    in_specs=[
        pl.BlockSpec((ROWS_BLK, D), lambda i: (i, 0)),
        pl.BlockSpec((D, H), lambda i: (0, 0)),
        pl.BlockSpec((1, H), lambda i: (0, 0)),
        pl.BlockSpec((NC, ROWS_BLK, H), lambda i: (0, i, 0)),
    ],
    out_specs=[
        pl.BlockSpec((ROWS_BLK, H), lambda i: (i, 0)),
        pl.BlockSpec((ROWS_BLK, DEGW), lambda i: (i, 0)),
    ],
    out_shape=[
        jax.ShapeDtypeStruct((N, H), jnp.float32),
        jax.ShapeDtypeStruct((N, DEGW), jnp.float32),
    ],
)


def _update_body(h_ref, a_ref, d_ref, ws_ref, wn_ref, b_ref, o_ref):
    agg = (a_ref[0] + a_ref[1]) * d_ref[:, 0:1]
    o_ref[...] = jnp.maximum(
        jnp.dot(h_ref[...], ws_ref[...], preferred_element_type=jnp.float32)
        + jnp.dot(agg, wn_ref[...], preferred_element_type=jnp.float32)
        + b_ref[...], 0.0)


_update = pl.pallas_call(
    _update_body,
    grid=(GRID,),
    in_specs=[
        pl.BlockSpec((ROWS_BLK, H), lambda i: (i, 0)),
        pl.BlockSpec((NC, ROWS_BLK, H), lambda i: (0, i, 0)),
        pl.BlockSpec((ROWS_BLK, DEGW), lambda i: (i, 0)),
        pl.BlockSpec((H, H), lambda i: (0, 0)),
        pl.BlockSpec((H, H), lambda i: (0, 0)),
        pl.BlockSpec((1, H), lambda i: (0, 0)),
    ],
    out_specs=pl.BlockSpec((ROWS_BLK, H), lambda i: (i, 0)),
    out_shape=jax.ShapeDtypeStruct((N, H), jnp.float32),
)


def _final_body(h_ref, a_ref, d_ref, ws_ref, wn_ref, b_ref,
                wp1_ref, bp1_ref, wp2_ref, bp2_ref, o_ref, acc_ref):
    i = pl.program_id(0)
    agg = (a_ref[0] + a_ref[1]) * d_ref[:, 0:1]
    h3 = jnp.maximum(
        jnp.dot(h_ref[...], ws_ref[...], preferred_element_type=jnp.float32)
        + jnp.dot(agg, wn_ref[...], preferred_element_type=jnp.float32)
        + b_ref[...], 0.0)

    @pl.when(i == 0)
    def _():
        acc_ref[...] = jnp.zeros_like(acc_ref)

    acc_ref[...] += jnp.sum(h3, axis=0, keepdims=True)

    @pl.when(i == GRID - 1)
    def _():
        g = acc_ref[...] * (1.0 / N)
        p = jnp.maximum(
            jnp.dot(g, wp1_ref[...], preferred_element_type=jnp.float32)
            + bp1_ref[...], 0.0)
        o_ref[...] = (jnp.dot(p, wp2_ref[...],
                              preferred_element_type=jnp.float32)
                      + bp2_ref[...])


_final = pl.pallas_call(
    _final_body,
    grid=(GRID,),
    in_specs=[
        pl.BlockSpec((ROWS_BLK, H), lambda i: (i, 0)),
        pl.BlockSpec((NC, ROWS_BLK, H), lambda i: (0, i, 0)),
        pl.BlockSpec((ROWS_BLK, DEGW), lambda i: (i, 0)),
        pl.BlockSpec((H, H), lambda i: (0, 0)),
        pl.BlockSpec((H, H), lambda i: (0, 0)),
        pl.BlockSpec((1, H), lambda i: (0, 0)),
        pl.BlockSpec((H, OUT), lambda i: (0, 0)),
        pl.BlockSpec((1, OUT), lambda i: (0, 0)),
        pl.BlockSpec((OUT, OUT), lambda i: (0, 0)),
        pl.BlockSpec((1, OUT), lambda i: (0, 0)),
    ],
    out_specs=pl.BlockSpec((1, OUT), lambda i: (0, 0)),
    out_shape=jax.ShapeDtypeStruct((1, OUT), jnp.float32),
    scratch_shapes=[pltpu.VMEM((1, H), jnp.float32)],
)


def kernel(x, edge_index, W_enc, b_enc, Ws0, Wn0, bb0, Ws1, Wn1, bb1,
           Ws2, Wn2, bb2, Wp1, bp1, Wp2, bp2):
    pad = EP - EW
    src = jnp.pad(edge_index[0].reshape(NW, EW), ((0, 0), (0, pad)),
                  constant_values=0).reshape(NW, NCH, C)
    dst = jnp.pad(edge_index[1].reshape(NW, EW), ((0, 0), (0, pad)),
                  constant_values=TRASH).reshape(NW, NCH, C)
    eidx = jnp.stack([src, dst], axis=2)

    deg2 = _sc_deg(eidx)
    h, dinv = _encode(x, W_enc, b_enc.reshape(1, H), deg2)
    agg = _sc_agg(h, eidx)
    h = _update(h, agg, dinv, Ws0, Wn0, bb0.reshape(1, H))
    agg = _sc_agg(h, eidx)
    h = _update(h, agg, dinv, Ws1, Wn1, bb1.reshape(1, H))
    agg = _sc_agg(h, eidx)
    out = _final(h, agg, dinv, Ws2, Wn2, bb2.reshape(1, H),
                 Wp1, bp1.reshape(1, OUT), Wp2, bp2.reshape(1, OUT))
    return out.reshape(OUT)

# --- scband reference (transcript-rebuilt; emitter-appended) ---
"""Pipeline reference for scband-graph-state-encoder-43207370997886 (READ-ONLY COPY).

The authoritative reference and input builder live on the scoring server;
editing this copy changes nothing except your own understanding.
"""

import jax, jax.numpy as jnp
import numpy as np

N = 10000
E = 320000
D = 128
H = 128
OUT = 256


def setup_inputs(seed: int = 0) -> dict:
    key = jax.random.key(seed)
    ks = jax.random.split(key, 20)
    inp = {}
    inp['x'] = jax.random.normal(ks[0], (N, D), dtype=jnp.float32)
    inp['edge_index'] = jax.random.randint(ks[1], (2, E), 0, N, dtype=jnp.int32)
    s = 1.0 / np.sqrt(D)
    inp['W_enc'] = jax.random.normal(ks[2], (D, H), dtype=jnp.float32) * s
    inp['b_enc'] = jnp.zeros((H,), dtype=jnp.float32)
    sh = 1.0 / np.sqrt(H)
    inp['Ws0'] = jax.random.normal(ks[3], (H, H), dtype=jnp.float32) * sh
    inp['Wn0'] = jax.random.normal(ks[4], (H, H), dtype=jnp.float32) * sh
    inp['bb0'] = jnp.zeros((H,), dtype=jnp.float32)
    inp['Ws1'] = jax.random.normal(ks[5], (H, H), dtype=jnp.float32) * sh
    inp['Wn1'] = jax.random.normal(ks[6], (H, H), dtype=jnp.float32) * sh
    inp['bb1'] = jnp.zeros((H,), dtype=jnp.float32)
    inp['Ws2'] = jax.random.normal(ks[7], (H, H), dtype=jnp.float32) * sh
    inp['Wn2'] = jax.random.normal(ks[8], (H, H), dtype=jnp.float32) * sh
    inp['bb2'] = jnp.zeros((H,), dtype=jnp.float32)
    inp['Wp1'] = jax.random.normal(ks[9], (H, OUT), dtype=jnp.float32) * sh
    inp['bp1'] = jnp.zeros((OUT,), dtype=jnp.float32)
    inp['Wp2'] = jax.random.normal(ks[10], (OUT, OUT), dtype=jnp.float32) * (1.0 / np.sqrt(OUT))
    inp['bp2'] = jnp.zeros((OUT,), dtype=jnp.float32)
    return inp


def reference(x, edge_index, W_enc, b_enc, Ws0, Wn0, bb0, Ws1, Wn1, bb1, Ws2, Wn2, bb2, Wp1, bp1, Wp2, bp2):
    src = edge_index[0]
    dst = edge_index[1]
    n = x.shape[0]
    # node encoder
    h = jax.nn.relu(x @ W_enc + b_enc)
    # precompute in-degree for mean aggregation
    deg = jax.ops.segment_sum(jnp.ones((src.shape[0],), dtype=x.dtype), dst, num_segments=n)
    deg = jnp.clip(deg, 1.0)[:, None]
    # 3 message-passing layers with mean aggregation
    for Ws, Wn, b in ((Ws0, Wn0, bb0), (Ws1, Wn1, bb1), (Ws2, Wn2, bb2)):
        msgs = jnp.take(h, src, axis=0)
        agg = jax.ops.segment_sum(msgs, dst, num_segments=n) / deg
        h = jax.nn.relu(h @ Ws + agg @ Wn + b)
    # global mean pooling -> graph embedding
    g = jnp.mean(h, axis=0)
    # output projection: Linear -> ReLU -> Linear
    out = jax.nn.relu(g @ Wp1 + bp1) @ Wp2 + bp2
    return out

if __name__ == "__main__":
    import jax
    _d = setup_inputs()
    print(jax.jit(kernel)(*tuple(_d.values())))

</pallas_src>

<mosaic_0001>
#map = affine_map<(d0, d1) -> (0, 0)>
#map1 = affine_map<(d0, d1) -> (0, 0, 0, 0)>
#map2 = affine_map<(d0, d1) -> (0, 0, 0)>
module attributes {stable_mosaic.version = 14 : i64} {
  func.func @_sc_agg_body(%arg0: i32, %arg1: i32, %arg2: memref<10000x128xf32, #tpu.memory_space<hbm>>, %arg3: memref<32x90x2x112xi32, #tpu.memory_space<hbm>>, %arg4: memref<2x10000x128xf32, #tpu.memory_space<hbm>>, %arg5: memref<2x112xi32, #tpu.memory_space<vmem>>, %arg6: memref<2x112xi32, #tpu.memory_space<vmem>>, %arg7: memref<2x112xi32, #tpu.memory_space<vmem>>, %arg8: memref<2x112xi32, #tpu.memory_space<vmem>>, %arg9: memref<2x112xi32, #tpu.memory_space<vmem>>, %arg10: memref<2x112xi32, #tpu.memory_space<vmem>>, %arg11: memref<112x128xf32, #tpu.memory_space<vmem>>, %arg12: memref<112x128xf32, #tpu.memory_space<vmem>>, %arg13: memref<112x128xf32, #tpu.memory_space<vmem>>, %arg14: memref<10008x128xf32, #tpu.memory_space<vmem_shared>>, %arg15: memref<!tpu.dma_semaphore, #tpu.memory_space<semaphore_mem>>, %arg16: memref<!tpu.dma_semaphore, #tpu.memory_space<semaphore_mem>>, %arg17: memref<!tpu.dma_semaphore, #tpu.memory_space<semaphore_mem>>, %arg18: memref<!tpu.dma_semaphore, #tpu.memory_space<semaphore_mem>>, %arg19: memref<!tpu.dma_semaphore, #tpu.memory_space<semaphore_mem>>, %arg20: memref<!tpu.dma_semaphore, #tpu.memory_space<semaphore_mem>>, %arg21: memref<!tpu.dma_semaphore, #tpu.memory_space<semaphore_mem>>, %arg22: memref<!tpu.dma_semaphore, #tpu.memory_space<semaphore_mem>>, %arg23: memref<!tpu.dma_semaphore, #tpu.memory_space<semaphore_mem>>) attributes {dimension_semantics = [#tpu.dimension_semantics<core_parallel>, #tpu.dimension_semantics<subcore_parallel>], iteration_bounds = array<i64: 2, 16>, scalar_prefetch = 0 : i64, scratch_operands = 19 : i64, tpu.core_type = #tpu.core_type<sc_vector_subcore>, window_params = [{transform_indices = #map}, {transform_indices = #map1}, {transform_indices = #map2}]} {
    %mul3A = arith.constant 16 : i32
    %mul3A_0 = arith.muli %arg0, %mul3A : i32
    %add3A = arith.addi %mul3A_0, %arg1 : i32
    %mul3A_1 = arith.constant 624 : i32
    %mul3A_2 = arith.muli %arg1, %mul3A_1 : i32
    %scan3A = arith.constant 0 : i32
    %scan3A_3 = arith.constant 0 : i32
    %scan3A_4 = arith.constant 112 : i32
    %scan3A_5 = arith.addi %scan3A_3, %scan3A_4 : i32
    %scan3A_6 = arith.constant 1 : i32
    scf.for %scan3A_84 = %scan3A_3 to %scan3A_5 step %scan3A_6  : i32 {
      %broadcast_in_dim3A = arith.constant 0.000000e+00 : f32
      %broadcast_in_dim3A_85 = vector.broadcast %broadcast_in_dim3A : f32 to vector<16xf32>
      %swap3A = arith.index_cast %scan3A_84 : i32 to index
      %swap3A_86 = arith.constant 0 : index
      %swap3A_87 = tpu.vector_load %arg11[%swap3A, %swap3A_86] {strides = array<i32>} : memref<112x128xf32, #tpu.memory_space<vmem>>, vector<1x16xf32>,
      %swap3A_88 = vector.shape_cast %swap3A_87 : vector<1x16xf32> to vector<16xf32>
      %swap3A_89 = vector.shape_cast %broadcast_in_dim3A_85 : vector<16xf32> to vector<1x16xf32>
      tpu.vector_store %arg11[%swap3A, %swap3A_86], %swap3A_89 {strides = array<i32>} : memref<112x128xf32, #tpu.memory_space<vmem>>, vector<1x16xf32>,
      %broadcast_in_dim3A_90 = arith.constant 0.000000e+00 : f32
      %broadcast_in_dim3A_91 = vector.broadcast %broadcast_in_dim3A_90 : f32 to vector<16xf32>
      %swap3A_92 = arith.index_cast %scan3A_84 : i32 to index
      %swap3A_93 = arith.constant 16 : index
      %swap3A_94 = tpu.vector_load %arg11[%swap3A_92, %swap3A_93] {strides = array<i32>} : memref<112x128xf32, #tpu.memory_space<vmem>>, vector<1x16xf32>,
      %swap3A_95 = vector.shape_cast %swap3A_94 : vector<1x16xf32> to vector<16xf32>
      %swap3A_96 = vector.shape_cast %broadcast_in_dim3A_91 : vector<16xf32> to vector<1x16xf32>
      tpu.vector_store %arg11[%swap3A_92, %swap3A_93], %swap3A_96 {strides = array<i32>} : memref<112x128xf32, #tpu.memory_space<vmem>>, vector<1x16xf32>,
      %broadcast_in_dim3A_97 = arith.constant 0.000000e+00 : f32
      %broadcast_in_dim3A_98 = vector.broadcast %broadcast_in_dim3A_97 : f32 to vector<16xf32>
      %swap3A_99 = arith.index_cast %scan3A_84 : i32 to index
      %swap3A_100 = arith.constant 32 : index
      %swap3A_101 = tpu.vector_load %arg11[%swap3A_99, %swap3A_100] {strides = array<i32>} : memref<112x128xf32, #tpu.memory_space<vmem>>, vector<1x16xf32>,
      %swap3A_102 = vector.shape_cast %swap3A_101 : vector<1x16xf32> to vector<16xf32>
      %swap3A_103 = vector.shape_cast %broadcast_in_dim3A_98 : vector<16xf32> to vector<1x16xf32>
      tpu.vector_store %arg11[%swap3A_99, %swap3A_100], %swap3A_103 {strides = array<i32>} : memref<112x128xf32, #tpu.memory_space<vmem>>, vector<1x16xf32>,
      %broadcast_in_dim3A_104 = arith.constant 0.000000e+00 : f32
      %broadcast_in_dim3A_105 = vector.broadcast %broadcast_in_dim3A_104 : f32 to vector<16xf32>
      %swap3A_106 = arith.index_cast %scan3A_84 : i32 to index
      %swap3A_107 = arith.constant 48 : index
      %swap3A_108 = tpu.vector_load %arg11[%swap3A_106, %swap3A_107] {strides = array<i32>} : memref<112x128xf32, #tpu.memory_space<vmem>>, vector<1x16xf32>,
      %swap3A_109 = vector.shape_cast %swap3A_108 : vector<1x16xf32> to vector<16xf32>
      %swap3A_110 = vector.shape_cast %broadcast_in_dim3A_105 : vector<16xf32> to vector<1x16xf32>
      tpu.vector_store %arg11[%swap3A_106, %swap3A_107], %swap3A_110 {strides = array<i32>} : memref<112x128xf32, #tpu.memory_space<vmem>>, vector<1x16xf32>,
      %broadcast_in_dim3A_111 = arith.constant 0.000000e+00 : f32
      %broadcast_in_dim3A_112 = vector.broadcast %broadcast_in_dim3A_111 : f32 to vector<16xf32>
      %swap3A_113 = arith.index_cast %scan3A_84 : i32 to index
      %swap3A_114 = arith.constant 64 : index
      %swap3A_115 = tpu.vector_load %arg11[%swap3A_113, %swap3A_114] {strides = array<i32>} : memref<112x128xf32, #tpu.memory_space<vmem>>, vector<1x16xf32>,
      %swap3A_116 = vector.shape_cast %swap3A_115 : vector<1x16xf32> to vector<16xf32>
      %swap3A_117 = vector.shape_cast %broadcast_in_dim3A_112 : vector<16xf32> to vector<1x16xf32>
      tpu.vector_store %arg11[%swap3A_113, %swap3A_114], %swap3A_117 {strides = array<i32>} : memref<112x128xf32, #tpu.memory_space<vmem>>, vector<1x16xf32>,
      %broadcast_in_dim3A_118 = arith.constant 0.000000e+00 : f32
      %broadcast_in_dim3A_119 = vector.broadcast %broadcast_in_dim3A_118 : f32 to vector<16xf32>
      %swap3A_120 = arith.index_cast %scan3A_84 : i32 to index
      %swap3A_121 = arith.constant 80 : index
      %swap3A_122 = tpu.vector_load %arg11[%swap3A_120, %swap3A_121] {strides = array<i32>} : memref<112x128xf32, #tpu.memory_space<vmem>>, vector<1x16xf32>,
      %swap3A_123 = vector.shape_cast %swap3A_122 : vector<1x16xf32> to vector<16xf32>
      %swap3A_124 = vector.shape_cast %broadcast_in_dim3A_119 : vector<16xf32> to vector<1x16xf32>
      tpu.vector_store %arg11[%swap3A_120, %swap3A_121], %swap3A_124 {strides = array<i32>} : memref<112x128xf32, #tpu.memory_space<vmem>>, vector<1x16xf32>,
      %broadcast_in_dim3A_125 = arith.constant 0.000000e+00 : f32
      %broadcast_in_dim3A_126 = vector.broadcast %broadcast_in_dim3A_125 : f32 to vector<16xf32>
      %swap3A_127 = arith.index_cast %scan3A_84 : i32 to index
      %swap3A_128 = arith.constant 96 : index
      %swap3A_129 = tpu.vector_load %arg11[%swap3A_127, %swap3A_128] {strides = array<i32>} : memref<112x128xf32, #tpu.memory_space<vmem>>, vector<1x16xf32>,
      %swap3A_130 = vector.shape_cast %swap3A_129 : vector<1x16xf32> to vector<16xf32>
      %swap3A_131 = vector.shape_cast %broadcast_in_dim3A_126 : vector<16xf32> to vector<1x16xf32>
      tpu.vector_store %arg11[%swap3A_127, %swap3A_128], %swap3A_131 {strides = array<i32>} : memref<112x128xf32, #tpu.memory_space<vmem>>, vector<1x16xf32>,
      %broadcast_in_dim3A_132 = arith.constant 0.000000e+00 : f32
      %broadcast_in_dim3A_133 = vector.broadcast %broadcast_in_dim3A_132 : f32 to vector<16xf32>
      %swap3A_134 = arith.index_cast %scan3A_84 : i32 to index
      %swap3A_135 = arith.constant 112 : index
      %swap3A_136 = tpu.vector_load %arg11[%swap3A_134, %swap3A_135] {strides = array<i32>} : memref<112x128xf32, #tpu.memory_space<vmem>>, vector<1x16xf32>,
      %swap3A_137 = vector.shape_cast %swap3A_136 : vector<1x16xf32> to vector<16xf32>
      %swap3A_138 = vector.shape_cast %broadcast_in_dim3A_133 : vector<16xf32> to vector<1x16xf32>
      tpu.vector_store %arg11[%swap3A_134, %swap3A_135], %swap3A_138 {strides = array<i32>} : memref<112x128xf32, #tpu.memory_space<vmem>>, vector<1x16xf32>,
    }
    %scan3A_7 = arith.constant 112 : i32
    %add3A_8 = arith.constant 0 : i32
    %add3A_9 = arith.addi %mul3A_2, %add3A_8 : i32
    "tpu.region"() ({
      %run_scoped3A_84 = tpu.sem_alloc : memref<!tpu.dma_semaphore, #tpu.memory_space<semaphore_mem>>
      %dma_start3A_85 = arith.constant 0 : i32
      %dma_start3A_86 = tpu.memref_slice %arg14[%add3A_9, %dma_start3A_85] : memref<10008x128xf32, #tpu.memory_space<vmem_shared>> -> memref<112x128xf32, #tpu.memory_space<vmem_shared>>
      %dma_start3A_87 = arith.constant 0 : i32
      %dma_start3A_88 = tpu.memref_slice %arg14[%add3A_9, %dma_start3A_87] : memref<10008x128xf32, #tpu.memory_space<vmem_shared>> -> memref<112x128xf32, #tpu.memory_space<vmem_shared>>
      tpu.enqueue_dma source(%arg11 : memref<112x128xf32, #tpu.memory_space<vmem>>) target(%dma_start3A_88 : memref<112x128xf32, #tpu.memory_space<vmem_shared>>) target_semaphore(%run_scoped3A_84 : memref<!tpu.dma_semaphore, #tpu.memory_space<semaphore_mem>>)
      %dma_wait3A = arith.constant 0 : i32
      %dma_wait3A_89 = tpu.memref_slice %arg14[%add3A_9, %dma_wait3A] : memref<10008x128xf32, #tpu.memory_space<vmem_shared>> -> memref<112x128xf32, #tpu.memory_space<vmem_shared>>
      %dma_wait3A_90 = arith.constant 0 : i32
      %dma_wait3A_91 = tpu.memref_slice %arg14[%add3A_9, %dma_wait3A_90] : memref<10008x128xf32, #tpu.memory_space<vmem_shared>> -> memref<112x128xf32, #tpu.memory_space<vmem_shared>>
      tpu.wait_dma2 semaphore(%run_scoped3A_84 : memref<!tpu.dma_semaphore, #tpu.memory_space<semaphore_mem>>) src(%arg11 : memref<112x128xf32, #tpu.memory_space<vmem>>) dst(%dma_wait3A_91 : memref<112x128xf32, #tpu.memory_space<vmem_shared>>)
      tpu.yield
    }) : () -> ()
    %add3A_10 = arith.constant 112 : i32
    %add3A_11 = arith.addi %mul3A_2, %add3A_10 : i32
    "tpu.region"() ({
      %run_scoped3A_84 = tpu.sem_alloc : memref<!tpu.dma_semaphore, #tpu.memory_space<semaphore_mem>>
      %dma_start3A_85 = arith.constant 0 : i32
      %dma_start3A_86 = tpu.memref_slice %arg14[%add3A_11, %dma_start3A_85] : memref<10008x128xf32, #tpu.memory_space<vmem_shared>> -> memref<112x128xf32, #tpu.memory_space<vmem_shared>>
      %dma_start3A_87 = arith.constant 0 : i32
      %dma_start3A_88 = tpu.memref_slice %arg14[%add3A_11, %dma_start3A_87] : memref<10008x128xf32, #tpu.memory_space<vmem_shared>> -> memref<112x128xf32, #tpu.memory_space<vmem_shared>>
      tpu.enqueue_dma source(%arg11 : memref<112x128xf32, #tpu.memory_space<vmem>>) target(%dma_start3A_88 : memref<112x128xf32, #tpu.memory_space<vmem_shared>>) target_semaphore(%run_scoped3A_84 : memref<!tpu.dma_semaphore, #tpu.memory_space<semaphore_mem>>)
      %dma_wait3A = arith.constant 0 : i32
      %dma_wait3A_89 = tpu.memref_slice %arg14[%add3A_11, %dma_wait3A] : memref<10008x128xf32, #tpu.memory_space<vmem_shared>> -> memref<112x128xf32, #tpu.memory_space<vmem_shared>>
      %dma_wait3A_90 = arith.constant 0 : i32
      %dma_wait3A_91 = tpu.memref_slice %arg14[%add3A_11, %dma_wait3A_90] : memref<10008x128xf32, #tpu.memory_space<vmem_shared>> -> memref<112x128xf32, #tpu.memory_space<vmem_shared>>
      tpu.wait_dma2 semaphore(%run_scoped3A_84 : memref<!tpu.dma_semaphore, #tpu.memory_space<semaphore_mem>>) src(%arg11 : memref<112x128xf32, #tpu.memory_space<vmem>>) dst(%dma_wait3A_91 : memref<112x128xf32, #tpu.memory_space<vmem_shared>>)
      tpu.yield
    }) : () -> ()
    %add3A_12 = arith.constant 224 : i32
    %add3A_13 = arith.addi %mul3A_2, %add3A_12 : i32
    "tpu.region"() ({
      %run_scoped3A_84 = tpu.sem_alloc : memref<!tpu.dma_semaphore, #tpu.memory_space<semaphore_mem>>
      %dma_start3A_85 = arith.constant 0 : i32
      %dma_start3A_86 = tpu.memref_slice %arg14[%add3A_13, %dma_start3A_85] : memref<10008x128xf32, #tpu.memory_space<vmem_shared>> -> memref<112x128xf32, #tpu.memory_space<vmem_shared>>
      %dma_start3A_87 = arith.constant 0 : i32
      %dma_start3A_88 = tpu.memref_slice %arg14[%add3A_13, %dma_start3A_87] : memref<10008x128xf32, #tpu.memory_space<vmem_shared>> -> memref<112x128xf32, #tpu.memory_space<vmem_shared>>
      tpu.enqueue_dma source(%arg11 : memref<112x128xf32, #tpu.memory_space<vmem>>) target(%dma_start3A_88 : memref<112x128xf32, #tpu.memory_space<vmem_shared>>) target_semaphore(%run_scoped3A_84 : memref<!tpu.dma_semaphore, #tpu.memory_space<semaphore_mem>>)
      %dma_wait3A = arith.constant 0 : i32
      %dma_wait3A_89 = tpu.memref_slice %arg14[%add3A_13, %dma_wait3A] : memref<10008x128xf32, #tpu.memory_space<vmem_shared>> -> memref<112x128xf32, #tpu.memory_space<vmem_shared>>
      %dma_wait3A_90 = arith.constant 0 : i32
      %dma_wait3A_91 = tpu.memref_slice %arg14[%add3A_13, %dma_wait3A_90] : memref<10008x128xf32, #tpu.memory_space<vmem_shared>> -> memref<112x128xf32, #tpu.memory_space<vmem_shared>>
      tpu.wait_dma2 semaphore(%run_scoped3A_84 : memref<!tpu.dma_semaphore, #tpu.memory_space<semaphore_mem>>) src(%arg11 : memref<112x128xf32, #tpu.memory_space<vmem>>) dst(%dma_wait3A_91 : memref<112x128xf32, #tpu.memory_space<vmem_shared>>)
      tpu.yield
    }) : () -> ()
    %add3A_14 = arith.constant 336 : i32
    %add3A_15 = arith.addi %mul3A_2, %add3A_14 : i32
    "tpu.region"() ({
      %run_scoped3A_84 = tpu.sem_alloc : memref<!tpu.dma_semaphore, #tpu.memory_space<semaphore_mem>>
      %dma_start3A_85 = arith.constant 0 : i32
      %dma_start3A_86 = tpu.memref_slice %arg14[%add3A_15, %dma_start3A_85] : memref<10008x128xf32, #tpu.memory_space<vmem_shared>> -> memref<112x128xf32, #tpu.memory_space<vmem_shared>>
      %dma_start3A_87 = arith.constant 0 : i32
      %dma_start3A_88 = tpu.memref_slice %arg14[%add3A_15, %dma_start3A_87] : memref<10008x128xf32, #tpu.memory_space<vmem_shared>> -> memref<112x128xf32, #tpu.memory_space<vmem_shared>>
      tpu.enqueue_dma source(%arg11 : memref<112x128xf32, #tpu.memory_space<vmem>>) target(%dma_start3A_88 : memref<112x128xf32, #tpu.memory_space<vmem_shared>>) target_semaphore(%run_scoped3A_84 : memref<!tpu.dma_semaphore, #tpu.memory_space<semaphore_mem>>)
      %dma_wait3A = arith.constant 0 : i32
      %dma_wait3A_89 = tpu.memref_slice %arg14[%add3A_15, %dma_wait3A] : memref<10008x128xf32, #tpu.memory_space<vmem_shared>> -> memref<112x128xf32, #tpu.memory_space<vmem_shared>>
      %dma_wait3A_90 = arith.constant 0 : i32
      %dma_wait3A_91 = tpu.memref_slice %arg14[%add3A_15, %dma_wait3A_90] : memref<10008x128xf32, #tpu.memory_space<vmem_shared>> -> memref<112x128xf32, #tpu.memory_space<vmem_shared>>
      tpu.wait_dma2 semaphore(%run_scoped3A_84 : memref<!tpu.dma_semaphore, #tpu.memory_space<semaphore_mem>>) src(%arg11 : memref<112x128xf32, #tpu.memory_space<vmem>>) dst(%dma_wait3A_91 : memref<112x128xf32, #tpu.memory_space<vmem_shared>>)
      tpu.yield
    }) : () -> ()
    %add3A_16 = arith.constant 448 : i32
    %add3A_17 = arith.addi %mul3A_2, %add3A_16 : i32
    "tpu.region"() ({
      %run_scoped3A_84 = tpu.sem_alloc : memref<!tpu.dma_semaphore, #tpu.memory_space<semaphore_mem>>
      %dma_start3A_85 = arith.constant 0 : i32
      %dma_start3A_86 = tpu.memref_slice %arg14[%add3A_17, %dma_start3A_85] : memref<10008x128xf32, #tpu.memory_space<vmem_shared>> -> memref<112x128xf32, #tpu.memory_space<vmem_shared>>
      %dma_start3A_87 = arith.constant 0 : i32
      %dma_start3A_88 = tpu.memref_slice %arg14[%add3A_17, %dma_start3A_87] : memref<10008x128xf32, #tpu.memory_space<vmem_shared>> -> memref<112x128xf32, #tpu.memory_space<vmem_shared>>
      tpu.enqueue_dma source(%arg11 : memref<112x128xf32, #tpu.memory_space<vmem>>) target(%dma_start3A_88 : memref<112x128xf32, #tpu.memory_space<vmem_shared>>) target_semaphore(%run_scoped3A_84 : memref<!tpu.dma_semaphore, #tpu.memory_space<semaphore_mem>>)
      %dma_wait3A = arith.constant 0 : i32
      %dma_wait3A_89 = tpu.memref_slice %arg14[%add3A_17, %dma_wait3A] : memref<10008x128xf32, #tpu.memory_space<vmem_shared>> -> memref<112x128xf32, #tpu.memory_space<vmem_shared>>
      %dma_wait3A_90 = arith.constant 0 : i32
      %dma_wait3A_91 = tpu.memref_slice %arg14[%add3A_17, %dma_wait3A_90] : memref<10008x128xf32, #tpu.memory_space<vmem_shared>> -> memref<112x128xf32, #tpu.memory_space<vmem_shared>>
      tpu.wait_dma2 semaphore(%run_scoped3A_84 : memref<!tpu.dma_semaphore, #tpu.memory_space<semaphore_mem>>) src(%arg11 : memref<112x128xf32, #tpu.memory_space<vmem>>) dst(%dma_wait3A_91 : memref<112x128xf32, #tpu.memory_space<vmem_shared>>)
      tpu.yield
    }) : () -> ()
    %add3A_18 = arith.constant 624 : i32
    %add3A_19 = arith.addi %mul3A_2, %add3A_18 : i32
    %sub3A = arith.constant 64 : i32
    %sub3A_20 = arith.subi %add3A_19, %sub3A : i32
    "tpu.region"() ({
      %run_scoped3A_84 = tpu.sem_alloc : memref<!tpu.dma_semaphore, #tpu.memory_space<semaphore_mem>>
      %dma_start3A_85 = arith.constant 0 : i32
      %dma_start3A_86 = arith.constant 0 : i32
      %dma_start3A_87 = tpu.memref_slice %arg11[%dma_start3A_85, %dma_start3A_86] : memref<112x128xf32, #tpu.memory_space<vmem>> -> memref<64x128xf32, #tpu.memory_space<vmem>>
      %dma_start3A_88 = arith.constant 0 : i32
      %dma_start3A_89 = tpu.memref_slice %arg14[%sub3A_20, %dma_start3A_88] : memref<10008x128xf32, #tpu.memory_space<vmem_shared>> -> memref<64x128xf32, #tpu.memory_space<vmem_shared>>
      %dma_start3A_90 = arith.constant 0 : i32
      %dma_start3A_91 = tpu.memref_slice %arg14[%sub3A_20, %dma_start3A_90] : memref<10008x128xf32, #tpu.memory_space<vmem_shared>> -> memref<64x128xf32, #tpu.memory_space<vmem_shared>>
      %dma_start3A_92 = arith.constant 0 : i32
      %dma_start3A_93 = arith.constant 0 : i32
      %dma_start3A_94 = tpu.memref_slice %arg11[%dma_start3A_92, %dma_start3A_93] : memref<112x128xf32, #tpu.memory_space<vmem>> -> memref<64x128xf32, #tpu.memory_space<vmem>>
      tpu.enqueue_dma source(%dma_start3A_94 : memref<64x128xf32, #tpu.memory_space<vmem>>) target(%dma_start3A_91 : memref<64x128xf32, #tpu.memory_space<vmem_shared>>) target_semaphore(%run_scoped3A_84 : memref<!tpu.dma_semaphore, #tpu.memory_space<semaphore_mem>>)
      %dma_wait3A = arith.constant 0 : i32
      %dma_wait3A_95 = arith.constant 0 : i32
      %dma_wait3A_96 = tpu.memref_slice %arg11[%dma_wait3A, %dma_wait3A_95] : memref<112x128xf32, #tpu.memory_space<vmem>> -> memref<64x128xf32, #tpu.memory_space<vmem>>
      %dma_wait3A_97 = arith.constant 0 : i32
      %dma_wait3A_98 = tpu.memref_slice %arg14[%sub3A_20, %dma_wait3A_97] : memref<10008x128xf32, #tpu.memory_space<vmem_shared>> -> memref<64x128xf32, #tpu.memory_space<vmem_shared>>
      %dma_wait3A_99 = arith.constant 0 : i32
      %dma_wait3A_100 = tpu.memref_slice %arg14[%sub3A_20, %dma_wait3A_99] : memref<10008x128xf32, #tpu.memory_space<vmem_shared>> -> memref<64x128xf32, #tpu.memory_space<vmem_shared>>
      %dma_wait3A_101 = arith.constant 0 : i32
      %dma_wait3A_102 = arith.constant 0 : i32
      %dma_wait3A_103 = tpu.memref_slice %arg11[%dma_wait3A_101, %dma_wait3A_102] : memref<112x128xf32, #tpu.memory_space<vmem>> -> memref<64x128xf32, #tpu.memory_space<vmem>>
      tpu.wait_dma2 semaphore(%run_scoped3A_84 : memref<!tpu.dma_semaphore, #tpu.memory_space<semaphore_mem>>) src(%dma_wait3A_103 : memref<64x128xf32, #tpu.memory_space<vmem>>) dst(%dma_wait3A_100 : memref<64x128xf32, #tpu.memory_space<vmem_shared>>)
      tpu.yield
    }) : () -> ()
    %eq3A = arith.constant 15 : i32
    %eq3A_21 = arith.cmpi eq, %arg1, %eq3A : i32
    %convert_element_type3A = arith.extui %eq3A_21 : i1 to i32
    %cond3A = arith.constant 0 : i32
    %cond3A_22 = arith.cmpi ne, %convert_element_type3A, %cond3A : i32
    scf.if %cond3A_22 {
      "tpu.region"() ({
        %run_scoped3A_84 = tpu.sem_alloc : memref<!tpu.dma_semaphore, #tpu.memory_space<semaphore_mem>>
        %dma_start3A_85 = arith.constant 0 : i32
        %dma_start3A_86 = arith.constant 0 : i32
        %dma_start3A_87 = tpu.memref_slice %arg11[%dma_start3A_85, %dma_start3A_86] : memref<112x128xf32, #tpu.memory_space<vmem>> -> memref<16x128xf32, #tpu.memory_space<vmem>>
        %dma_start3A_88 = arith.constant 9984 : i32
        %dma_start3A_89 = arith.constant 0 : i32
        %dma_start3A_90 = tpu.memref_slice %arg14[%dma_start3A_88, %dma_start3A_89] : memref<10008x128xf32, #tpu.memory_space<vmem_shared>> -> memref<16x128xf32, #tpu.memory_space<vmem_shared>>
        %dma_start3A_91 = arith.constant 9984 : i32
        %dma_start3A_92 = arith.constant 0 : i32
        %dma_start3A_93 = tpu.memref_slice %arg14[%dma_start3A_91, %dma_start3A_92] : memref<10008x128xf32, #tpu.memory_space<vmem_shared>> -> memref<16x128xf32, #tpu.memory_space<vmem_shared>>
        %dma_start3A_94 = arith.constant 0 : i32
        %dma_start3A_95 = arith.constant 0 : i32
        %dma_start3A_96 = tpu.memref_slice %arg11[%dma_start3A_94, %dma_start3A_95] : memref<112x128xf32, #tpu.memory_space<vmem>> -> memref<16x128xf32, #tpu.memory_space<vmem>>
        tpu.enqueue_dma source(%dma_start3A_96 : memref<16x128xf32, #tpu.memory_space<vmem>>) target(%dma_start3A_93 : memref<16x128xf32, #tpu.memory_space<vmem_shared>>) target_semaphore(%run_scoped3A_84 : memref<!tpu.dma_semaphore, #tpu.memory_space<semaphore_mem>>)
        %dma_wait3A = arith.constant 0 : i32
        %dma_wait3A_97 = arith.constant 0 : i32
        %dma_wait3A_98 = tpu.memref_slice %arg11[%dma_wait3A, %dma_wait3A_97] : memref<112x128xf32, #tpu.memory_space<vmem>> -> memref<16x128xf32, #tpu.memory_space<vmem>>
        %dma_wait3A_99 = arith.constant 9984 : i32
        %dma_wait3A_100 = arith.constant 0 : i32
        %dma_wait3A_101 = tpu.memref_slice %arg14[%dma_wait3A_99, %dma_wait3A_100] : memref<10008x128xf32, #tpu.memory_space<vmem_shared>> -> memref<16x128xf32, #tpu.memory_space<vmem_shared>>
        %dma_wait3A_102 = arith.constant 9984 : i32
        %dma_wait3A_103 = arith.constant 0 : i32
        %dma_wait3A_104 = tpu.memref_slice %arg14[%dma_wait3A_102, %dma_wait3A_103] : memref<10008x128xf32, #tpu.memory_space<vmem_shared>> -> memref<16x128xf32, #tpu.memory_space<vmem_shared>>
        %dma_wait3A_105 = arith.constant 0 : i32
        %dma_wait3A_106 = arith.constant 0 : i32
        %dma_wait3A_107 = tpu.memref_slice %arg11[%dma_wait3A_105, %dma_wait3A_106] : memref<112x128xf32, #tpu.memory_space<vmem>> -> memref<16x128xf32, #tpu.memory_space<vmem>>
        tpu.wait_dma2 semaphore(%run_scoped3A_84 : memref<!tpu.dma_semaphore, #tpu.memory_space<semaphore_mem>>) src(%dma_wait3A_107 : memref<16x128xf32, #tpu.memory_space<vmem>>) dst(%dma_wait3A_104 : memref<16x128xf32, #tpu.memory_space<vmem_shared>>)
        tpu.yield
      }) : () -> ()
    } else {
    }
    %barrier3A = arith.constant 0 : index
    tpu.barrier barrier_id(%barrier3A)
    %run_scoped3A = arith.constant 0 : i32
    "tpu.region"() ({
      %run_scoped3A_84 = tpu.sem_alloc : memref<!tpu.dma_semaphore, #tpu.memory_space<semaphore_mem>>
      %dma_start3A_85 = arith.constant 0 : i32
      %dma_start3A_86 = arith.constant 0 : i32
      %dma_start3A_87 = tpu.memref_slice %arg3[%add3A, %run_scoped3A, %dma_start3A_85, %dma_start3A_86] : memref<32x90x2x112xi32, #tpu.memory_space<hbm>> -> memref<1x1x2x112xi32, #tpu.memory_space<hbm>>
      %dma_start3A_88 = tpu.memref_squeeze %dma_start3A_87 : memref<1x1x2x112xi32, #tpu.memory_space<hbm>> -> memref<2x112xi32, #tpu.memory_space<hbm>>
      %dma_start3A_89 = arith.constant 0 : i32
      %dma_start3A_90 = arith.constant 0 : i32
      %dma_start3A_91 = tpu.memref_slice %arg3[%add3A, %run_scoped3A, %dma_start3A_89, %dma_start3A_90] : memref<32x90x2x112xi32, #tpu.memory_space<hbm>> -> memref<1x1x2x112xi32, #tpu.memory_space<hbm>>
      %dma_start3A_92 = tpu.memref_squeeze %dma_start3A_91 : memref<1x1x2x112xi32, #tpu.memory_space<hbm>> -> memref<2x112xi32, #tpu.memory_space<hbm>>
      tpu.enqueue_dma source(%dma_start3A_92 : memref<2x112xi32, #tpu.memory_space<hbm>>) target(%arg5 : memref<2x112xi32, #tpu.memory_space<vmem>>) target_semaphore(%run_scoped3A_84 : memref<!tpu.dma_semaphore, #tpu.memory_space<semaphore_mem>>)
      %dma_wait3A = arith.constant 0 : i32
      %dma_wait3A_93 = arith.constant 0 : i32
      %dma_wait3A_94 = tpu.memref_slice %arg3[%add3A, %run_scoped3A, %dma_wait3A, %dma_wait3A_93] : memref<32x90x2x112xi32, #tpu.memory_space<hbm>> -> memref<1x1x2x112xi32, #tpu.memory_space<hbm>>
      %dma_wait3A_95 = tpu.memref_squeeze %dma_wait3A_94 : memref<1x1x2x112xi32, #tpu.memory_space<hbm>> -> memref<2x112xi32, #tpu.memory_space<hbm>>
      %dma_wait3A_96 = arith.constant 0 : i32
      %dma_wait3A_97 = arith.constant 0 : i32
      %dma_wait3A_98 = tpu.memref_slice %arg3[%add3A, %run_scoped3A, %dma_wait3A_96, %dma_wait3A_97] : memref<32x90x2x112xi32, #tpu.memory_space<hbm>> -> memref<1x1x2x112xi32, #tpu.memory_space<hbm>>
      %dma_wait3A_99 = tpu.memref_squeeze %dma_wait3A_98 : memref<1x1x2x112xi32, #tpu.memory_space<hbm>> -> memref<2x112xi32, #tpu.memory_space<hbm>>
      tpu.wait_dma2 semaphore(%run_scoped3A_84 : memref<!tpu.dma_semaphore, #tpu.memory_space<semaphore_mem>>) src(%dma_wait3A_99 : memref<2x112xi32, #tpu.memory_space<hbm>>) dst(%arg5 : memref<2x112xi32, #tpu.memory_space<vmem>>)
      tpu.yield
    }) : () -> ()
    %run_scoped3A_23 = arith.constant 1 : i32
    "tpu.region"() ({
      %run_scoped3A_84 = tpu.sem_alloc : memref<!tpu.dma_semaphore, #tpu.memory_space<semaphore_mem>>
      %dma_start3A_85 = arith.constant 0 : i32
      %dma_start3A_86 = arith.constant 0 : i32
      %dma_start3A_87 = tpu.memref_slice %arg3[%add3A, %run_scoped3A_23, %dma_start3A_85, %dma_start3A_86] : memref<32x90x2x112xi32, #tpu.memory_space<hbm>> -> memref<1x1x2x112xi32, #tpu.memory_space<hbm>>
      %dma_start3A_88 = tpu.memref_squeeze %dma_start3A_87 : memref<1x1x2x112xi32, #tpu.memory_space<hbm>> -> memref<2x112xi32, #tpu.memory_space<hbm>>
      %dma_start3A_89 = arith.constant 0 : i32
      %dma_start3A_90 = arith.constant 0 : i32
      %dma_start3A_91 = tpu.memref_slice %arg3[%add3A, %run_scoped3A_23, %dma_start3A_89, %dma_start3A_90] : memref<32x90x2x112xi32, #tpu.memory_space<hbm>> -> memref<1x1x2x112xi32, #tpu.memory_space<hbm>>
      %dma_start3A_92 = tpu.memref_squeeze %dma_start3A_91 : memref<1x1x2x112xi32, #tpu.memory_space<hbm>> -> memref<2x112xi32, #tpu.memory_space<hbm>>
      tpu.enqueue_dma source(%dma_start3A_92 : memref<2x112xi32, #tpu.memory_space<hbm>>) target(%arg6 : memref<2x112xi32, #tpu.memory_space<vmem>>) target_semaphore(%run_scoped3A_84 : memref<!tpu.dma_semaphore, #tpu.memory_space<semaphore_mem>>)
      %dma_wait3A = arith.constant 0 : i32
      %dma_wait3A_93 = arith.constant 0 : i32
      %dma_wait3A_94 = tpu.memref_slice %arg3[%add3A, %run_scoped3A_23, %dma_wait3A, %dma_wait3A_93] : memref<32x90x2x112xi32, #tpu.memory_space<hbm>> -> memref<1x1x2x112xi32, #tpu.memory_space<hbm>>
      %dma_wait3A_95 = tpu.memref_squeeze %dma_wait3A_94 : memref<1x1x2x112xi32, #tpu.memory_space<hbm>> -> memref<2x112xi32, #tpu.memory_space<hbm>>
      %dma_wait3A_96 = arith.constant 0 : i32
      %dma_wait3A_97 = arith.constant 0 : i32
      %dma_wait3A_98 = tpu.memref_slice %arg3[%add3A, %run_scoped3A_23, %dma_wait3A_96, %dma_wait3A_97] : memref<32x90x2x112xi32, #tpu.memory_space<hbm>> -> memref<1x1x2x112xi32, #tpu.memory_space<hbm>>
      %dma_wait3A_99 = tpu.memref_squeeze %dma_wait3A_98 : memref<1x1x2x112xi32, #tpu.memory_space<hbm>> -> memref<2x112xi32, #tpu.memory_space<hbm>>
      tpu.wait_dma2 semaphore(%run_scoped3A_84 : memref<!tpu.dma_semaphore, #tpu.memory_space<semaphore_mem>>) src(%dma_wait3A_99 : memref<2x112xi32, #tpu.memory_space<hbm>>) dst(%arg6 : memref<2x112xi32, #tpu.memory_space<vmem>>)
      tpu.yield
    }) : () -> ()
    %run_scoped3A_24 = arith.constant 2 : i32
    "tpu.region"() ({
      %run_scoped3A_84 = tpu.sem_alloc : memref<!tpu.dma_semaphore, #tpu.memory_space<semaphore_mem>>
      %dma_start3A_85 = arith.constant 0 : i32
      %dma_start3A_86 = arith.constant 0 : i32
      %dma_start3A_87 = tpu.memref_slice %arg3[%add3A, %run_scoped3A_24, %dma_start3A_85, %dma_start3A_86] : memref<32x90x2x112xi32, #tpu.memory_space<hbm>> -> memref<1x1x2x112xi32, #tpu.memory_space<hbm>>
      %dma_start3A_88 = tpu.memref_squeeze %dma_start3A_87 : memref<1x1x2x112xi32, #tpu.memory_space<hbm>> -> memref<2x112xi32, #tpu.memory_space<hbm>>
      %dma_start3A_89 = arith.constant 0 : i32
      %dma_start3A_90 = arith.constant 0 : i32
      %dma_start3A_91 = tpu.memref_slice %arg3[%add3A, %run_scoped3A_24, %dma_start3A_89, %dma_start3A_90] : memref<32x90x2x112xi32, #tpu.memory_space<hbm>> -> memref<1x1x2x112xi32, #tpu.memory_space<hbm>>
      %dma_start3A_92 = tpu.memref_squeeze %dma_start3A_91 : memref<1x1x2x112xi32, #tpu.memory_space<hbm>> -> memref<2x112xi32, #tpu.memory_space<hbm>>
      tpu.enqueue_dma source(%dma_start3A_92 : memref<2x112xi32, #tpu.memory_space<hbm>>) target(%arg7 : memref<2x112xi32, #tpu.memory_space<vmem>>) target_semaphore(%run_scoped3A_84 : memref<!tpu.dma_semaphore, #tpu.memory_space<semaphore_mem>>)
      %dma_wait3A = arith.constant 0 : i32
      %dma_wait3A_93 = arith.constant 0 : i32
      %dma_wait3A_94 = tpu.memref_slice %arg3[%add3A, %run_scoped3A_24, %dma_wait3A, %dma_wait3A_93] : memref<32x90x2x112xi32, #tpu.memory_space<hbm>> -> memref<1x1x2x112xi32, #tpu.memory_space<hbm>>
      %dma_wait3A_95 = tpu.memref_squeeze %dma_wait3A_94 : memref<1x1x2x112xi32, #tpu.memory_space<hbm>> -> memref<2x112xi32, #tpu.memory_space<hbm>>
      %dma_wait3A_96 = arith.constant 0 : i32
      %dma_wait3A_97 = arith.constant 0 : i32
      %dma_wait3A_98 = tpu.memref_slice %arg3[%add3A, %run_scoped3A_24, %dma_wait3A_96, %dma_wait3A_97] : memref<32x90x2x112xi32, #tpu.memory_space<hbm>> -> memref<1x1x2x112xi32, #tpu.memory_space<hbm>>
      %dma_wait3A_99 = tpu.memref_squeeze %dma_wait3A_98 : memref<1x1x2x112xi32, #tpu.memory_space<hbm>> -> memref<2x112xi32, #tpu.memory_space<hbm>>
      tpu.wait_dma2 semaphore(%run_scoped3A_84 : memref<!tpu.dma_semaphore, #tpu.memory_space<semaphore_mem>>) src(%dma_wait3A_99 : memref<2x112xi32, #tpu.memory_space<hbm>>) dst(%arg7 : memref<2x112xi32, #tpu.memory_space<vmem>>)
      tpu.yield
    }) : () -> ()
    %dma_start3A = arith.constant 0 : i32
    %dma_start3A_25 = arith.constant 0 : i32
    %dma_start3A_26 = tpu.memref_slice %arg5[%dma_start3A, %dma_start3A_25] : memref<2x112xi32, #tpu.memory_space<vmem>> -> memref<1x112xi32, #tpu.memory_space<vmem>>
    %dma_start3A_27 = tpu.memref_squeeze %dma_start3A_26 : memref<1x112xi32, #tpu.memory_space<vmem>> -> memref<112xi32, #tpu.memory_space<vmem>>
    %dma_start3A_28 = arith.constant 0 : i32
    %dma_start3A_29 = arith.constant 0 : i32
    %dma_start3A_30 = tpu.memref_slice %arg2[%dma_start3A_28, %dma_start3A_29] : memref<10000x128xf32, #tpu.memory_space<hbm>> -> memref<10000x128xf32, #tpu.memory_space<hbm>>
    tpu.enqueue_indirect_dma source(%dma_start3A_30 : memref<10000x128xf32, #tpu.memory_space<hbm>>) target(%arg11 : memref<112x128xf32, #tpu.memory_space<vmem>>) offsets(%dma_start3A_27 : memref<112xi32, #tpu.memory_space<vmem>>) semaphore(%arg15 : memref<!tpu.dma_semaphore, #tpu.memory_space<semaphore_mem>>)
    %dma_start3A_31 = arith.constant 0 : i32
    %dma_start3A_32 = arith.constant 0 : i32
    %dma_start3A_33 = tpu.memref_slice %arg6[%dma_start3A_31, %dma_start3A_32] : memref<2x112xi32, #tpu.memory_space<vmem>> -> memref<1x112xi32, #tpu.memory_space<vmem>>
    %dma_start3A_34 = tpu.memref_squeeze %dma_start3A_33 : memref<1x112xi32, #tpu.memory_space<vmem>> -> memref<112xi32, #tpu.memory_space<vmem>>
    %dma_start3A_35 = arith.constant 0 : i32
    %dma_start3A_36 = arith.constant 0 : i32
    %dma_start3A_37 = tpu.memref_slice %arg2[%dma_start3A_35, %dma_start3A_36] : memref<10000x128xf32, #tpu.memory_space<hbm>> -> memref<10000x128xf32, #tpu.memory_space<hbm>>
    tpu.enqueue_indirect_dma source(%dma_start3A_37 : memref<10000x128xf32, #tpu.memory_space<hbm>>) target(%arg12 : memref<112x128xf32, #tpu.memory_space<vmem>>) offsets(%dma_start3A_34 : memref<112xi32, #tpu.memory_space<vmem>>) semaphore(%arg16 : memref<!tpu.dma_semaphore, #tpu.memory_space<semaphore_mem>>)
    %dma_start3A_38 = arith.constant 0 : i32
    %dma_start3A_39 = arith.constant 0 : i32
    %dma_start3A_40 = tpu.memref_slice %arg7[%dma_start3A_38, %dma_start3A_39] : memref<2x112xi32, #tpu.memory_space<vmem>> -> memref<1x112xi32, #tpu.memory_space<vmem>>
    %dma_start3A_41 = tpu.memref_squeeze %dma_start3A_40 : memref<1x112xi32, #tpu.memory_space<vmem>> -> memref<112xi32, #tpu.memory_space<vmem>>
    %dma_start3A_42 = arith.constant 0 : i32
    %dma_start3A_43 = arith.constant 0 : i32
    %dma_start3A_44 = tpu.memref_slice %arg2[%dma_start3A_42, %dma_start3A_43] : memref<10000x128xf32, #tpu.memory_space<hbm>> -> memref<10000x128xf32, #tpu.memory_space<hbm>>
    tpu.enqueue_indirect_dma source(%dma_start3A_44 : memref<10000x128xf32, #tpu.memory_space<hbm>>) target(%arg13 : memref<112x128xf32, #tpu.memory_space<vmem>>) offsets(%dma_start3A_41 : memref<112xi32, #tpu.memory_space<vmem>>) semaphore(%arg17 : memref<!tpu.dma_semaphore, #tpu.memory_space<semaphore_mem>>)
    %dma_start3A_45 = arith.constant 3 : i32
    %dma_start3A_46 = arith.constant 0 : i32
    %dma_start3A_47 = arith.constant 0 : i32
    %dma_start3A_48 = tpu.memref_slice %arg3[%add3A, %dma_start3A_45, %dma_start3A_46, %dma_start3A_47] : memref<32x90x2x112xi32, #tpu.memory_space<hbm>> -> memref<1x1x2x112xi32, #tpu.memory_space<hbm>>
    %dma_start3A_49 = tpu.memref_squeeze %dma_start3A_48 : memref<1x1x2x112xi32, #tpu.memory_space<hbm>> -> memref<2x112xi32, #tpu.memory_space<hbm>>
    %dma_start3A_50 = arith.constant 0 : i32
    %dma_start3A_51 = arith.constant 0 : i32
    %dma_start3A_52 = tpu.memref_slice %arg3[%add3A, %dma_start3A_45, %dma_start3A_50, %dma_start3A_51] : memref<32x90x2x112xi32, #tpu.memory_space<hbm>> -> memref<1x1x2x112xi32, #tpu.memory_space<hbm>>
    %dma_start3A_53 = tpu.memref_squeeze %dma_start3A_52 : memref<1x1x2x112xi32, #tpu.memory_space<hbm>> -> memref<2x112xi32, #tpu.memory_space<hbm>>
    tpu.enqueue_dma source(%dma_start3A_53 : memref<2x112xi32, #tpu.memory_space<hbm>>) target(%arg8 : memref<2x112xi32, #tpu.memory_space<vmem>>) target_semaphore(%arg21 : memref<!tpu.dma_semaphore, #tpu.memory_space<semaphore_mem>>)
    %dma_start3A_54 = arith.constant 4 : i32
    %dma_start3A_55 = arith.constant 0 : i32
    %dma_start3A_56 = arith.constant 0 : i32
    %dma_start3A_57 = tpu.memref_slice %arg3[%add3A, %dma_start3A_54, %dma_start3A_55, %dma_start3A_56] : memref<32x90x2x112xi32, #tpu.memory_space<hbm>> -> memref<1x1x2x112xi32, #tpu.memory_space<hbm>>
    %dma_start3A_58 = tpu.memref_squeeze %dma_start3A_57 : memref<1x1x2x112xi32, #tpu.memory_space<hbm>> -> memref<2x112xi32, #tpu.memory_space<hbm>>
    %dma_start3A_59 = arith.constant 0 : i32
    %dma_start3A_60 = arith.constant 0 : i32
    %dma_start3A_61 = tpu.memref_slice %arg3[%add3A, %dma_start3A_54, %dma_start3A_59, %dma_start3A_60] : memref<32x90x2x112xi32, #tpu.memory_space<hbm>> -> memref<1x1x2x112xi32, #tpu.memory_space<hbm>>
    %dma_start3A_62 = tpu.memref_squeeze %dma_start3A_61 : memref<1x1x2x112xi32, #tpu.memory_space<hbm>> -> memref<2x112xi32, #tpu.memory_space<hbm>>
    tpu.enqueue_dma source(%dma_start3A_62 : memref<2x112xi32, #tpu.memory_space<hbm>>) target(%arg9 : memref<2x112xi32, #tpu.memory_space<vmem>>) target_semaphore(%arg22 : memref<!tpu.dma_semaphore, #tpu.memory_space<semaphore_mem>>)
    %dma_start3A_63 = arith.constant 5 : i32
    %dma_start3A_64 = arith.constant 0 : i32
    %dma_start3A_65 = arith.constant 0 : i32
    %dma_start3A_66 = tpu.memref_slice %arg3[%add3A, %dma_start3A_63, %dma_start3A_64, %dma_start3A_65] : memref<32x90x2x112xi32, #tpu.memory_space<hbm>> -> memref<1x1x2x112xi32, #tpu.memory_space<hbm>>
    %dma_start3A_67 = tpu.memref_squeeze %dma_start3A_66 : memref<1x1x2x112xi32, #tpu.memory_space<hbm>> -> memref<2x112xi32, #tpu.memory_space<hbm>>
    %dma_start3A_68 = arith.constant 0 : i32
    %dma_start3A_69 = arith.constant 0 : i32
    %dma_start3A_70 = tpu.memref_slice %arg3[%add3A, %dma_start3A_63, %dma_start3A_68, %dma_start3A_69] : memref<32x90x2x112xi32, #tpu.memory_space<hbm>> -> memref<1x1x2x112xi32, #tpu.memory_space<hbm>>
    %dma_start3A_71 = tpu.memref_squeeze %dma_start3A_70 : memref<1x1x2x112xi32, #tpu.memory_space<hbm>> -> memref<2x112xi32, #tpu.memory_space<hbm>>
    tpu.enqueue_dma source(%dma_start3A_71 : memref<2x112xi32, #tpu.memory_space<hbm>>) target(%arg10 : memref<2x112xi32, #tpu.memory_space<vmem>>) target_semaphore(%arg23 : memref<!tpu.dma_semaphore, #tpu.memory_space<semaphore_mem>>)
    %scan3A_72 = arith.constant 0 : i32
    %scan3A_73 = arith.constant 0 : i32
    %scan3A_74 = arith.constant 15 : i32
    %scan3A_75 = arith.addi %scan3A_73, %scan3A_74 : i32
    %scan3A_76 = arith.constant 1 : i32
    scf.for %scan3A_84 = %scan3A_73 to %scan3A_75 step %scan3A_76  : i32 {
      %mul3A_85 = arith.constant 6 : i32
      %mul3A_86 = arith.muli %scan3A_84, %mul3A_85 : i32
      %add3A_87 = arith.constant 0 : i32
      %add3A_88 = arith.addi %mul3A_86, %add3A_87 : i32
      %dma_wait3A = arith.constant 0 : i32
      %dma_wait3A_89 = arith.constant 0 : i32
      %dma_wait3A_90 = tpu.memref_slice %arg5[%dma_wait3A, %dma_wait3A_89] : memref<2x112xi32, #tpu.memory_space<vmem>> -> memref<1x112xi32, #tpu.memory_space<vmem>>
      %dma_wait3A_91 = tpu.memref_squeeze %dma_wait3A_90 : memref<1x112xi32, #tpu.memory_space<vmem>> -> memref<112xi32, #tpu.memory_space<vmem>>
      %dma_wait3A_92 = arith.constant 0 : i32
      %dma_wait3A_93 = arith.constant 0 : i32
      %dma_wait3A_94 = tpu.memref_slice %arg2[%dma_wait3A_92, %dma_wait3A_93] : memref<10000x128xf32, #tpu.memory_space<hbm>> -> memref<10000x128xf32, #tpu.memory_space<hbm>>
      tpu.wait_indirect_dma semaphore(%arg15 : memref<!tpu.dma_semaphore, #tpu.memory_space<semaphore_mem>>) src(%dma_wait3A_94 : memref<10000x128xf32, #tpu.memory_space<hbm>>) dst(%arg11 : memref<112x128xf32, #tpu.memory_space<vmem>>)
      %run_scoped3A_95 = arith.constant 1 : i32
      "tpu.region"() ({
        %run_scoped3A_215 = tpu.sem_alloc : memref<!tpu.dma_semaphore, #tpu.memory_space<semaphore_mem>>
        %dma_start3A_216 = arith.constant 0 : i32
        %dma_start3A_217 = tpu.memref_slice %arg5[%run_scoped3A_95, %dma_start3A_216] : memref<2x112xi32, #tpu.memory_space<vmem>> -> memref<1x112xi32, #tpu.memory_space<vmem>>
        %dma_start3A_218 = tpu.memref_squeeze %dma_start3A_217 : memref<1x112xi32, #tpu.memory_space<vmem>> -> memref<112xi32, #tpu.memory_space<vmem>>
        %dma_start3A_219 = arith.constant 0 : i32
        %dma_start3A_220 = arith.constant 0 : i32
        %dma_start3A_221 = tpu.memref_slice %arg14[%dma_start3A_219, %dma_start3A_220] : memref<10008x128xf32, #tpu.memory_space<vmem_shared>> -> memref<10008x128xf32, #tpu.memory_space<vmem_shared>>
        tpu.enqueue_indirect_dma source(%arg11 : memref<112x128xf32, #tpu.memory_space<vmem>>) target(%dma_start3A_221 : memref<10008x128xf32, #tpu.memory_space<vmem_shared>>) offsets(%dma_start3A_218 : memref<112xi32, #tpu.memory_space<vmem>>) semaphore(%run_scoped3A_215 : memref<!tpu.dma_semaphore, #tpu.memory_space<semaphore_mem>>) {add = true}
        %dma_wait3A_222 = arith.constant 0 : i32
        %dma_wait3A_223 = tpu.memref_slice %arg5[%run_scoped3A_95, %dma_wait3A_222] : memref<2x112xi32, #tpu.memory_space<vmem>> -> memref<1x112xi32, #tpu.memory_space<vmem>>
        %dma_wait3A_224 = tpu.memref_squeeze %dma_wait3A_223 : memref<1x112xi32, #tpu.memory_space<vmem>> -> memref<112xi32, #tpu.memory_space<vmem>>
        %dma_wait3A_225 = arith.constant 0 : i32
        %dma_wait3A_226 = arith.constant 0 : i32
        %dma_wait3A_227 = tpu.memref_slice %arg14[%dma_wait3A_225, %dma_wait3A_226] : memref<10008x128xf32, #tpu.memory_space<vmem_shared>> -> memref<10008x128xf32, #tpu.memory_space<vmem_shared>>
        tpu.wait_indirect_dma semaphore(%run_scoped3A_215 : memref<!tpu.dma_semaphore, #tpu.memory_space<semaphore_mem>>) src(%arg11 : memref<112x128xf32, #tpu.memory_space<vmem>>) dst(%dma_wait3A_227 : memref<10008x128xf32, #tpu.memory_space<vmem_shared>>)
        tpu.yield
      }) : () -> ()
      %lt3A = arith.constant 84 : i32
      %lt3A_96 = arith.cmpi slt, %add3A_88, %lt3A : i32
      %convert_element_type3A_97 = arith.extui %lt3A_96 : i1 to i32
      %cond3A_98 = arith.constant 0 : i32
      %cond3A_99 = arith.cmpi ne, %convert_element_type3A_97, %cond3A_98 : i32
      scf.if %cond3A_99 {
        %add3A_215 = arith.constant 6 : i32
        %add3A_216 = arith.addi %add3A_88, %add3A_215 : i32
        %dma_start3A_217 = arith.constant 0 : i32
        %dma_start3A_218 = arith.constant 0 : i32
        %dma_start3A_219 = tpu.memref_slice %arg3[%add3A, %add3A_216, %dma_start3A_217, %dma_start3A_218] : memref<32x90x2x112xi32, #tpu.memory_space<hbm>> -> memref<1x1x2x112xi32, #tpu.memory_space<hbm>>
        %dma_start3A_220 = tpu.memref_squeeze %dma_start3A_219 : memref<1x1x2x112xi32, #tpu.memory_space<hbm>> -> memref<2x112xi32, #tpu.memory_space<hbm>>
        %dma_start3A_221 = arith.constant 0 : i32
        %dma_start3A_222 = arith.constant 0 : i32
        %dma_start3A_223 = tpu.memref_slice %arg3[%add3A, %add3A_216, %dma_start3A_221, %dma_start3A_222] : memref<32x90x2x112xi32, #tpu.memory_space<hbm>> -> memref<1x1x2x112xi32, #tpu.memory_space<hbm>>
        %dma_start3A_224 = tpu.memref_squeeze %dma_start3A_223 : memref<1x1x2x112xi32, #tpu.memory_space<hbm>> -> memref<2x112xi32, #tpu.memory_space<hbm>>
        tpu.enqueue_dma source(%dma_start3A_224 : memref<2x112xi32, #tpu.memory_space<hbm>>) target(%arg5 : memref<2x112xi32, #tpu.memory_space<vmem>>) target_semaphore(%arg18 : memref<!tpu.dma_semaphore, #tpu.memory_space<semaphore_mem>>)
      } else {
      }
      %lt3A_100 = arith.constant 87 : i32
      %lt3A_101 = arith.cmpi slt, %add3A_88, %lt3A_100 : i32
      %convert_element_type3A_102 = arith.extui %lt3A_101 : i1 to i32
      %cond3A_103 = arith.constant 0 : i32
      %cond3A_104 = arith.cmpi ne, %convert_element_type3A_102, %cond3A_103 : i32
      scf.if %cond3A_104 {
        %dma_wait3A_215 = arith.constant 0 : i32
        %dma_wait3A_216 = arith.constant 0 : i32
        %dma_wait3A_217 = arith.constant 0 : i32
        %dma_wait3A_218 = tpu.memref_slice %arg3[%add3A, %dma_wait3A_215, %dma_wait3A_216, %dma_wait3A_217] : memref<32x90x2x112xi32, #tpu.memory_space<hbm>> -> memref<1x1x2x112xi32, #tpu.memory_space<hbm>>
        %dma_wait3A_219 = tpu.memref_squeeze %dma_wait3A_218 : memref<1x1x2x112xi32, #tpu.memory_space<hbm>> -> memref<2x112xi32, #tpu.memory_space<hbm>>
        %dma_wait3A_220 = arith.constant 0 : i32
        %dma_wait3A_221 = arith.constant 0 : i32
        %dma_wait3A_222 = tpu.memref_slice %arg3[%add3A, %dma_wait3A_215, %dma_wait3A_220, %dma_wait3A_221] : memref<32x90x2x112xi32, #tpu.memory_space<hbm>> -> memref<1x1x2x112xi32, #tpu.memory_space<hbm>>
        %dma_wait3A_223 = tpu.memref_squeeze %dma_wait3A_222 : memref<1x1x2x112xi32, #tpu.memory_space<hbm>> -> memref<2x112xi32, #tpu.memory_space<hbm>>
        tpu.wait_dma2 semaphore(%arg21 : memref<!tpu.dma_semaphore, #tpu.memory_space<semaphore_mem>>) src(%dma_wait3A_223 : memref<2x112xi32, #tpu.memory_space<hbm>>) dst(%arg8 : memref<2x112xi32, #tpu.memory_space<vmem>>)
        %dma_start3A_224 = arith.constant 0 : i32
        %dma_start3A_225 = arith.constant 0 : i32
        %dma_start3A_226 = tpu.memref_slice %arg8[%dma_start3A_224, %dma_start3A_225] : memref<2x112xi32, #tpu.memory_space<vmem>> -> memref<1x112xi32, #tpu.memory_space<vmem>>
        %dma_start3A_227 = tpu.memref_squeeze %dma_start3A_226 : memref<1x112xi32, #tpu.memory_space<vmem>> -> memref<112xi32, #tpu.memory_space<vmem>>
        %dma_start3A_228 = arith.constant 0 : i32
        %dma_start3A_229 = arith.constant 0 : i32
        %dma_start3A_230 = tpu.memref_slice %arg2[%dma_start3A_228, %dma_start3A_229] : memref<10000x128xf32, #tpu.memory_space<hbm>> -> memref<10000x128xf32, #tpu.memory_space<hbm>>
        tpu.enqueue_indirect_dma source(%dma_start3A_230 : memref<10000x128xf32, #tpu.memory_space<hbm>>) target(%arg11 : memref<112x128xf32, #tpu.memory_space<vmem>>) offsets(%dma_start3A_227 : memref<112xi32, #tpu.memory_space<vmem>>) semaphore(%arg15 : memref<!tpu.dma_semaphore, #tpu.memory_space<semaphore_mem>>)
      } else {
      }
      %mul3A_105 = arith.constant 6 : i32
      %mul3A_106 = arith.muli %scan3A_84, %mul3A_105 : i32
      %add3A_107 = arith.constant 1 : i32
      %add3A_108 = arith.addi %mul3A_106, %add3A_107 : i32
      %dma_wait3A_109 = arith.constant 0 : i32
      %dma_wait3A_110 = arith.constant 0 : i32
      %dma_wait3A_111 = tpu.memref_slice %arg6[%dma_wait3A_109, %dma_wait3A_110] : memref<2x112xi32, #tpu.memory_space<vmem>> -> memref<1x112xi32, #tpu.memory_space<vmem>>
      %dma_wait3A_112 = tpu.memref_squeeze %dma_wait3A_111 : memref<1x112xi32, #tpu.memory_space<vmem>> -> memref<112xi32, #tpu.memory_space<vmem>>
      %dma_wait3A_113 = arith.constant 0 : i32
      %dma_wait3A_114 = arith.constant 0 : i32
      %dma_wait3A_115 = tpu.memref_slice %arg2[%dma_wait3A_113, %dma_wait3A_114] : memref<10000x128xf32, #tpu.memory_space<hbm>> -> memref<10000x128xf32, #tpu.memory_space<hbm>>
      tpu.wait_indirect_dma semaphore(%arg16 : memref<!tpu.dma_semaphore, #tpu.memory_space<semaphore_mem>>) src(%dma_wait3A_115 : memref<10000x128xf32, #tpu.memory_space<hbm>>) dst(%arg12 : memref<112x128xf32, #tpu.memory_space<vmem>>)
      %run_scoped3A_116 = arith.constant 1 : i32
      "tpu.region"() ({
        %run_scoped3A_215 = tpu.sem_alloc : memref<!tpu.dma_semaphore, #tpu.memory_space<semaphore_mem>>
        %dma_start3A_216 = arith.constant 0 : i32
        %dma_start3A_217 = tpu.memref_slice %arg6[%run_scoped3A_116, %dma_start3A_216] : memref<2x112xi32, #tpu.memory_space<vmem>> -> memref<1x112xi32, #tpu.memory_space<vmem>>
        %dma_start3A_218 = tpu.memref_squeeze %dma_start3A_217 : memref<1x112xi32, #tpu.memory_space<vmem>> -> memref<112xi32, #tpu.memory_space<vmem>>
        %dma_start3A_219 = arith.constant 0 : i32
        %dma_start3A_220 = arith.constant 0 : i32
        %dma_start3A_221 = tpu.memref_slice %arg14[%dma_start3A_219, %dma_start3A_220] : memref<10008x128xf32, #tpu.memory_space<vmem_shared>> -> memref<10008x128xf32, #tpu.memory_space<vmem_shared>>
        tpu.enqueue_indirect_dma source(%arg12 : memref<112x128xf32, #tpu.memory_space<vmem>>) target(%dma_start3A_221 : memref<10008x128xf32, #tpu.memory_space<vmem_shared>>) offsets(%dma_start3A_218 : memref<112xi32, #tpu.memory_space<vmem>>) semaphore(%run_scoped3A_215 : memref<!tpu.dma_semaphore, #tpu.memory_space<semaphore_mem>>) {add = true}
        %dma_wait3A_222 = arith.constant 0 : i32
        %dma_wait3A_223 = tpu.memref_slice %arg6[%run_scoped3A_116, %dma_wait3A_222] : memref<2x112xi32, #tpu.memory_space<vmem>> -> memref<1x112xi32, #tpu.memory_space<vmem>>
        %dma_wait3A_224 = tpu.memref_squeeze %dma_wait3A_223 : memref<1x112xi32, #tpu.memory_space<vmem>> -> memref<112xi32, #tpu.memory_space<vmem>>
        %dma_wait3A_225 = arith.constant 0 : i32
        %dma_wait3A_226 = arith.constant 0 : i32
        %dma_wait3A_227 = tpu.memref_slice %arg14[%dma_wait3A_225, %dma_wait3A_226] : memref<10008x128xf32, #tpu.memory_space<vmem_shared>> -> memref<10008x128xf32, #tpu.memory_space<vmem_shared>>
        tpu.wait_indirect_dma semaphore(%run_scoped3A_215 : memref<!tpu.dma_semaphore, #tpu.memory_space<semaphore_mem>>) src(%arg12 : memref<112x128xf32, #tpu.memory_space<vmem>>) dst(%dma_wait3A_227 : memref<10008x128xf32, #tpu.memory_space<vmem_shared>>)
        tpu.yield
      }) : () -> ()
      %lt3A_117 = arith.constant 84 : i32
      %lt3A_118 = arith.cmpi slt, %add3A_108, %lt3A_117 : i32
      %convert_element_type3A_119 = arith.extui %lt3A_118 : i1 to i32
      %cond3A_120 = arith.constant 0 : i32
      %cond3A_121 = arith.cmpi ne, %convert_element_type3A_119, %cond3A_120 : i32
      scf.if %cond3A_121 {
        %add3A_215 = arith.constant 6 : i32
        %add3A_216 = arith.addi %add3A_108, %add3A_215 : i32
        %dma_start3A_217 = arith.constant 0 : i32
        %dma_start3A_218 = arith.constant 0 : i32
        %dma_start3A_219 = tpu.memref_slice %arg3[%add3A, %add3A_216, %dma_start3A_217, %dma_start3A_218] : memref<32x90x2x112xi32, #tpu.memory_space<hbm>> -> memref<1x1x2x112xi32, #tpu.memory_space<hbm>>
        %dma_start3A_220 = tpu.memref_squeeze %dma_start3A_219 : memref<1x1x2x112xi32, #tpu.memory_space<hbm>> -> memref<2x112xi32, #tpu.memory_space<hbm>>
        %dma_start3A_221 = arith.constant 0 : i32
        %dma_start3A_222 = arith.constant 0 : i32
        %dma_start3A_223 = tpu.memref_slice %arg3[%add3A, %add3A_216, %dma_start3A_221, %dma_start3A_222] : memref<32x90x2x112xi32, #tpu.memory_space<hbm>> -> memref<1x1x2x112xi32, #tpu.memory_space<hbm>>
        %dma_start3A_224 = tpu.memref_squeeze %dma_start3A_223 : memref<1x1x2x112xi32, #tpu.memory_space<hbm>> -> memref<2x112xi32, #tpu.memory_space<hbm>>
        tpu.enqueue_dma source(%dma_start3A_224 : memref<2x112xi32, #tpu.memory_space<hbm>>) target(%arg6 : memref<2x112xi32, #tpu.memory_space<vmem>>) target_semaphore(%arg19 : memref<!tpu.dma_semaphore, #tpu.memory_space<semaphore_mem>>)
      } else {
      }
      %lt3A_122 = arith.constant 87 : i32
      %lt3A_123 = arith.cmpi slt, %add3A_108, %lt3A_122 : i32
      %convert_element_type3A_124 = arith.extui %lt3A_123 : i1 to i32
      %cond3A_125 = arith.constant 0 : i32
      %cond3A_126 = arith.cmpi ne, %convert_element_type3A_124, %cond3A_125 : i32
      scf.if %cond3A_126 {
        %dma_wait3A_215 = arith.constant 0 : i32
        %dma_wait3A_216 = arith.constant 0 : i32
        %dma_wait3A_217 = arith.constant 0 : i32
        %dma_wait3A_218 = tpu.memref_slice %arg3[%add3A, %dma_wait3A_215, %dma_wait3A_216, %dma_wait3A_217] : memref<32x90x2x112xi32, #tpu.memory_space<hbm>> -> memref<1x1x2x112xi32, #tpu.memory_space<hbm>>
        %dma_wait3A_219 = tpu.memref_squeeze %dma_wait3A_218 : memref<1x1x2x112xi32, #tpu.memory_space<hbm>> -> memref<2x112xi32, #tpu.memory_space<hbm>>
        %dma_wait3A_220 = arith.constant 0 : i32
        %dma_wait3A_221 = arith.constant 0 : i32
        %dma_wait3A_222 = tpu.memref_slice %arg3[%add3A, %dma_wait3A_215, %dma_wait3A_220, %dma_wait3A_221] : memref<32x90x2x112xi32, #tpu.memory_space<hbm>> -> memref<1x1x2x112xi32, #tpu.memory_space<hbm>>
        %dma_wait3A_223 = tpu.memref_squeeze %dma_wait3A_222 : memref<1x1x2x112xi32, #tpu.memory_space<hbm>> -> memref<2x112xi32, #tpu.memory_space<hbm>>
        tpu.wait_dma2 semaphore(%arg22 : memref<!tpu.dma_semaphore, #tpu.memory_space<semaphore_mem>>) src(%dma_wait3A_223 : memref<2x112xi32, #tpu.memory_space<hbm>>) dst(%arg9 : memref<2x112xi32, #tpu.memory_space<vmem>>)
        %dma_start3A_224 = arith.constant 0 : i32
        %dma_start3A_225 = arith.constant 0 : i32
        %dma_start3A_226 = tpu.memref_slice %arg9[%dma_start3A_224, %dma_start3A_225] : memref<2x112xi32, #tpu.memory_space<vmem>> -> memref<1x112xi32, #tpu.memory_space<vmem>>
        %dma_start3A_227 = tpu.memref_squeeze %dma_start3A_226 : memref<1x112xi32, #tpu.memory_space<vmem>> -> memref<112xi32, #tpu.memory_space<vmem>>
        %dma_start3A_228 = arith.constant 0 : i32
        %dma_start3A_229 = arith.constant 0 : i32
        %dma_start3A_230 = tpu.memref_slice %arg2[%dma_start3A_228, %dma_start3A_229] : memref<10000x128xf32, #tpu.memory_space<hbm>> -> memref<10000x128xf32, #tpu.memory_space<hbm>>
        tpu.enqueue_indirect_dma source(%dma_start3A_230 : memref<10000x128xf32, #tpu.memory_space<hbm>>) target(%arg12 : memref<112x128xf32, #tpu.memory_space<vmem>>) offsets(%dma_start3A_227 : memref<112xi32, #tpu.memory_space<vmem>>) semaphore(%arg16 : memref<!tpu.dma_semaphore, #tpu.memory_space<semaphore_mem>>)
      } else {
      }
      %mul3A_127 = arith.constant 6 : i32
      %mul3A_128 = arith.muli %scan3A_84, %mul3A_127 : i32
      %add3A_129 = arith.constant 2 : i32
      %add3A_130 = arith.addi %mul3A_128, %add3A_129 : i32
      %dma_wait3A_131 = arith.constant 0 : i32
      %dma_wait3A_132 = arith.constant 0 : i32
      %dma_wait3A_133 = tpu.memref_slice %arg7[%dma_wait3A_131, %dma_wait3A_132] : memref<2x112xi32, #tpu.memory_space<vmem>> -> memref<1x112xi32, #tpu.memory_space<vmem>>
      %dma_wait3A_134 = tpu.memref_squeeze %dma_wait3A_133 : memref<1x112xi32, #tpu.memory_space<vmem>> -> memref<112xi32, #tpu.memory_space<vmem>>
      %dma_wait3A_135 = arith.constant 0 : i32
      %dma_wait3A_136 = arith.constant 0 : i32
      %dma_wait3A_137 = tpu.memref_slice %arg2[%dma_wait3A_135, %dma_wait3A_136] : memref<10000x128xf32, #tpu.memory_space<hbm>> -> memref<10000x128xf32, #tpu.memory_space<hbm>>
      tpu.wait_indirect_dma semaphore(%arg17 : memref<!tpu.dma_semaphore, #tpu.memory_space<semaphore_mem>>) src(%dma_wait3A_137 : memref<10000x128xf32, #tpu.memory_space<hbm>>) dst(%arg13 : memref<112x128xf32, #tpu.memory_space<vmem>>)
      %run_scoped3A_138 = arith.constant 1 : i32
      "tpu.region"() ({
        %run_scoped3A_215 = tpu.sem_alloc : memref<!tpu.dma_semaphore, #tpu.memory_space<semaphore_mem>>
        %dma_start3A_216 = arith.constant 0 : i32
        %dma_start3A_217 = tpu.memref_slice %arg7[%run_scoped3A_138, %dma_start3A_216] : memref<2x112xi32, #tpu.memory_space<vmem>> -> memref<1x112xi32, #tpu.memory_space<vmem>>
        %dma_start3A_218 = tpu.memref_squeeze %dma_start3A_217 : memref<1x112xi32, #tpu.memory_space<vmem>> -> memref<112xi32, #tpu.memory_space<vmem>>
        %dma_start3A_219 = arith.constant 0 : i32
        %dma_start3A_220 = arith.constant 0 : i32
        %dma_start3A_221 = tpu.memref_slice %arg14[%dma_start3A_219, %dma_start3A_220] : memref<10008x128xf32, #tpu.memory_space<vmem_shared>> -> memref<10008x128xf32, #tpu.memory_space<vmem_shared>>
        tpu.enqueue_indirect_dma source(%arg13 : memref<112x128xf32, #tpu.memory_space<vmem>>) target(%dma_start3A_221 : memref<10008x128xf32, #tpu.memory_space<vmem_shared>>) offsets(%dma_start3A_218 : memref<112xi32, #tpu.memory_space<vmem>>) semaphore(%run_scoped3A_215 : memref<!tpu.dma_semaphore, #tpu.memory_space<semaphore_mem>>) {add = true}
        %dma_wait3A_222 = arith.constant 0 : i32
        %dma_wait3A_223 = tpu.memref_slice %arg7[%run_scoped3A_138, %dma_wait3A_222] : memref<2x112xi32, #tpu.memory_space<vmem>> -> memref<1x112xi32, #tpu.memory_space<vmem>>
        %dma_wait3A_224 = tpu.memref_squeeze %dma_wait3A_223 : memref<1x112xi32, #tpu.memory_space<vmem>> -> memref<112xi32, #tpu.memory_space<vmem>>
        %dma_wait3A_225 = arith.constant 0 : i32
        %dma_wait3A_226 = arith.constant 0 : i32
        %dma_wait3A_227 = tpu.memref_slice %arg14[%dma_wait3A_225, %dma_wait3A_226] : memref<10008x128xf32, #tpu.memory_space<vmem_shared>> -> memref<10008x128xf32, #tpu.memory_space<vmem_shared>>
        tpu.wait_indirect_dma semaphore(%run_scoped3A_215 : memref<!tpu.dma_semaphore, #tpu.memory_space<semaphore_mem>>) src(%arg13 : memref<112x128xf32, #tpu.memory_space<vmem>>) dst(%dma_wait3A_227 : memref<10008x128xf32, #tpu.memory_space<vmem_shared>>)
        tpu.yield
      }) : () -> ()
      %lt3A_139 = arith.constant 84 : i32
      %lt3A_140 = arith.cmpi slt, %add3A_130, %lt3A_139 : i32
      %convert_element_type3A_141 = arith.extui %lt3A_140 : i1 to i32
      %cond3A_142 = arith.constant 0 : i32
      %cond3A_143 = arith.cmpi ne, %convert_element_type3A_141, %cond3A_142 : i32
      scf.if %cond3A_143 {
        %add3A_215 = arith.constant 6 : i32
        %add3A_216 = arith.addi %add3A_130, %add3A_215 : i32
        %dma_start3A_217 = arith.constant 0 : i32
        %dma_start3A_218 = arith.constant 0 : i32
        %dma_start3A_219 = tpu.memref_slice %arg3[%add3A, %add3A_216, %dma_start3A_217, %dma_start3A_218] : memref<32x90x2x112xi32, #tpu.memory_space<hbm>> -> memref<1x1x2x112xi32, #tpu.memory_space<hbm>>
        %dma_start3A_220 = tpu.memref_squeeze %dma_start3A_219 : memref<1x1x2x112xi32, #tpu.memory_space<hbm>> -> memref<2x112xi32, #tpu.memory_space<hbm>>
        %dma_start3A_221 = arith.constant 0 : i32
        %dma_start3A_222 = arith.constant 0 : i32
        %dma_start3A_223 = tpu.memref_slice %arg3[%add3A, %add3A_216, %dma_start3A_221, %dma_start3A_222] : memref<32x90x2x112xi32, #tpu.memory_space<hbm>> -> memref<1x1x2x112xi32, #tpu.memory_space<hbm>>
        %dma_start3A_224 = tpu.memref_squeeze %dma_start3A_223 : memref<1x1x2x112xi32, #tpu.memory_space<hbm>> -> memref<2x112xi32, #tpu.memory_space<hbm>>
        tpu.enqueue_dma source(%dma_start3A_224 : memref<2x112xi32, #tpu.memory_space<hbm>>) target(%arg7 : memref<2x112xi32, #tpu.memory_space<vmem>>) target_semaphore(%arg20 : memref<!tpu.dma_semaphore, #tpu.memory_space<semaphore_mem>>)
      } else {
      }
      %lt3A_144 = arith.constant 87 : i32
      %lt3A_145 = arith.cmpi slt, %add3A_130, %lt3A_144 : i32
      %convert_element_type3A_146 = arith.extui %lt3A_145 : i1 to i32
      %cond3A_147 = arith.constant 0 : i32
      %cond3A_148 = arith.cmpi ne, %convert_element_type3A_146, %cond3A_147 : i32
      scf.if %cond3A_148 {
        %dma_wait3A_215 = arith.constant 0 : i32
        %dma_wait3A_216 = arith.constant 0 : i32
        %dma_wait3A_217 = arith.constant 0 : i32
        %dma_wait3A_218 = tpu.memref_slice %arg3[%add3A, %dma_wait3A_215, %dma_wait3A_216, %dma_wait3A_217] : memref<32x90x2x112xi32, #tpu.memory_space<hbm>> -> memref<1x1x2x112xi32, #tpu.memory_space<hbm>>
        %dma_wait3A_219 = tpu.memref_squeeze %dma_wait3A_218 : memref<1x1x2x112xi32, #tpu.memory_space<hbm>> -> memref<2x112xi32, #tpu.memory_space<hbm>>
        %dma_wait3A_220 = arith.constant 0 : i32
        %dma_wait3A_221 = arith.constant 0 : i32
        %dma_wait3A_222 = tpu.memref_slice %arg3[%add3A, %dma_wait3A_215, %dma_wait3A_220, %dma_wait3A_221] : memref<32x90x2x112xi32, #tpu.memory_space<hbm>> -> memref<1x1x2x112xi32, #tpu.memory_space<hbm>>
        %dma_wait3A_223 = tpu.memref_squeeze %dma_wait3A_222 : memref<1x1x2x112xi32, #tpu.memory_space<hbm>> -> memref<2x112xi32, #tpu.memory_space<hbm>>
        tpu.wait_dma2 semaphore(%arg23 : memref<!tpu.dma_semaphore, #tpu.memory_space<semaphore_mem>>) src(%dma_wait3A_223 : memref<2x112xi32, #tpu.memory_space<hbm>>) dst(%arg10 : memref<2x112xi32, #tpu.memory_space<vmem>>)
        %dma_start3A_224 = arith.constant 0 : i32
        %dma_start3A_225 = arith.constant 0 : i32
        %dma_start3A_226 = tpu.memref_slice %arg10[%dma_start3A_224, %dma_start3A_225] : memref<2x112xi32, #tpu.memory_space<vmem>> -> memref<1x112xi32, #tpu.memory_space<vmem>>
        %dma_start3A_227 = tpu.memref_squeeze %dma_start3A_226 : memref<1x112xi32, #tpu.memory_space<vmem>> -> memref<112xi32, #tpu.memory_space<vmem>>
        %dma_start3A_228 = arith.constant 0 : i32
        %dma_start3A_229 = arith.constant 0 : i32
        %dma_start3A_230 = tpu.memref_slice %arg2[%dma_start3A_228, %dma_start3A_229] : memref<10000x128xf32, #tpu.memory_space<hbm>> -> memref<10000x128xf32, #tpu.memory_space<hbm>>
        tpu.enqueue_indirect_dma source(%dma_start3A_230 : memref<10000x128xf32, #tpu.memory_space<hbm>>) target(%arg13 : memref<112x128xf32, #tpu.memory_space<vmem>>) offsets(%dma_start3A_227 : memref<112xi32, #tpu.memory_space<vmem>>) semaphore(%arg17 : memref<!tpu.dma_semaphore, #tpu.memory_space<semaphore_mem>>)
      } else {
      }
      %mul3A_149 = arith.constant 6 : i32
      %mul3A_150 = arith.muli %scan3A_84, %mul3A_149 : i32
      %add3A_151 = arith.constant 3 : i32
      %add3A_152 = arith.addi %mul3A_150, %add3A_151 : i32
      %dma_wait3A_153 = arith.constant 0 : i32
      %dma_wait3A_154 = arith.constant 0 : i32
      %dma_wait3A_155 = tpu.memref_slice %arg8[%dma_wait3A_153, %dma_wait3A_154] : memref<2x112xi32, #tpu.memory_space<vmem>> -> memref<1x112xi32, #tpu.memory_space<vmem>>
      %dma_wait3A_156 = tpu.memref_squeeze %dma_wait3A_155 : memref<1x112xi32, #tpu.memory_space<vmem>> -> memref<112xi32, #tpu.memory_space<vmem>>
      %dma_wait3A_157 = arith.constant 0 : i32
      %dma_wait3A_158 = arith.constant 0 : i32
      %dma_wait3A_159 = tpu.memref_slice %arg2[%dma_wait3A_157, %dma_wait3A_158] : memref<10000x128xf32, #tpu.memory_space<hbm>> -> memref<10000x128xf32, #tpu.memory_space<hbm>>
      tpu.wait_indirect_dma semaphore(%arg15 : memref<!tpu.dma_semaphore, #tpu.memory_space<semaphore_mem>>) src(%dma_wait3A_159 : memref<10000x128xf32, #tpu.memory_space<hbm>>) dst(%arg11 : memref<112x128xf32, #tpu.memory_space<vmem>>)
      %run_scoped3A_160 = arith.constant 1 : i32
      "tpu.region"() ({
        %run_scoped3A_215 = tpu.sem_alloc : memref<!tpu.dma_semaphore, #tpu.memory_space<semaphore_mem>>
        %dma_start3A_216 = arith.constant 0 : i32
        %dma_start3A_217 = tpu.memref_slice %arg8[%run_scoped3A_160, %dma_start3A_216] : memref<2x112xi32, #tpu.memory_space<vmem>> -> memref<1x112xi32, #tpu.memory_space<vmem>>
        %dma_start3A_218 = tpu.memref_squeeze %dma_start3A_217 : memref<1x112xi32, #tpu.memory_space<vmem>> -> memref<112xi32, #tpu.memory_space<vmem>>
        %dma_start3A_219 = arith.constant 0 : i32
        %dma_start3A_220 = arith.constant 0 : i32
        %dma_start3A_221 = tpu.memref_slice %arg14[%dma_start3A_219, %dma_start3A_220] : memref<10008x128xf32, #tpu.memory_space<vmem_shared>> -> memref<10008x128xf32, #tpu.memory_space<vmem_shared>>
        tpu.enqueue_indirect_dma source(%arg11 : memref<112x128xf32, #tpu.memory_space<vmem>>) target(%dma_start3A_221 : memref<10008x128xf32, #tpu.memory_space<vmem_shared>>) offsets(%dma_start3A_218 : memref<112xi32, #tpu.memory_space<vmem>>) semaphore(%run_scoped3A_215 : memref<!tpu.dma_semaphore, #tpu.memory_space<semaphore_mem>>) {add = true}
        %dma_wait3A_222 = arith.constant 0 : i32
        %dma_wait3A_223 = tpu.memref_slice %arg8[%run_scoped3A_160, %dma_wait3A_222] : memref<2x112xi32, #tpu.memory_space<vmem>> -> memref<1x112xi32, #tpu.memory_space<vmem>>
        %dma_wait3A_224 = tpu.memref_squeeze %dma_wait3A_223 : memref<1x112xi32, #tpu.memory_space<vmem>> -> memref<112xi32, #tpu.memory_space<vmem>>
        %dma_wait3A_225 = arith.constant 0 : i32
        %dma_wait3A_226 = arith.constant 0 : i32
        %dma_wait3A_227 = tpu.memref_slice %arg14[%dma_wait3A_225, %dma_wait3A_226] : memref<10008x128xf32, #tpu.memory_space<vmem_shared>> -> memref<10008x128xf32, #tpu.memory_space<vmem_shared>>
        tpu.wait_indirect_dma semaphore(%run_scoped3A_215 : memref<!tpu.dma_semaphore, #tpu.memory_space<semaphore_mem>>) src(%arg11 : memref<112x128xf32, #tpu.memory_space<vmem>>) dst(%dma_wait3A_227 : memref<10008x128xf32, #tpu.memory_space<vmem_shared>>)
        tpu.yield
      }) : () -> ()
      %lt3A_161 = arith.constant 84 : i32
      %lt3A_162 = arith.cmpi slt, %add3A_152, %lt3A_161 : i32
      %convert_element_type3A_163 = arith.extui %lt3A_162 : i1 to i32
      %cond3A_164 = arith.constant 0 : i32
      %cond3A_165 = arith.cmpi ne, %convert_element_type3A_163, %cond3A_164 : i32
      scf.if %cond3A_165 {
        %add3A_215 = arith.constant 6 : i32
        %add3A_216 = arith.addi %add3A_152, %add3A_215 : i32
        %dma_start3A_217 = arith.constant 0 : i32
        %dma_start3A_218 = arith.constant 0 : i32
        %dma_start3A_219 = tpu.memref_slice %arg3[%add3A, %add3A_216, %dma_start3A_217, %dma_start3A_218] : memref<32x90x2x112xi32, #tpu.memory_space<hbm>> -> memref<1x1x2x112xi32, #tpu.memory_space<hbm>>
        %dma_start3A_220 = tpu.memref_squeeze %dma_start3A_219 : memref<1x1x2x112xi32, #tpu.memory_space<hbm>> -> memref<2x112xi32, #tpu.memory_space<hbm>>
        %dma_start3A_221 = arith.constant 0 : i32
        %dma_start3A_222 = arith.constant 0 : i32
        %dma_start3A_223 = tpu.memref_slice %arg3[%add3A, %add3A_216, %dma_start3A_221, %dma_start3A_222] : memref<32x90x2x112xi32, #tpu.memory_space<hbm>> -> memref<1x1x2x112xi32, #tpu.memory_space<hbm>>
        %dma_start3A_224 = tpu.memref_squeeze %dma_start3A_223 : memref<1x1x2x112xi32, #tpu.memory_space<hbm>> -> memref<2x112xi32, #tpu.memory_space<hbm>>
        tpu.enqueue_dma source(%dma_start3A_224 : memref<2x112xi32, #tpu.memory_space<hbm>>) target(%arg8 : memref<2x112xi32, #tpu.memory_space<vmem>>) target_semaphore(%arg21 : memref<!tpu.dma_semaphore, #tpu.memory_space<semaphore_mem>>)
      } else {
      }
      %lt3A_166 = arith.constant 87 : i32
      %lt3A_167 = arith.cmpi slt, %add3A_152, %lt3A_166 : i32
      %convert_element_type3A_168 = arith.extui %lt3A_167 : i1 to i32
      %cond3A_169 = arith.constant 0 : i32
      %cond3A_170 = arith.cmpi ne, %convert_element_type3A_168, %cond3A_169 : i32
      scf.if %cond3A_170 {
        %dma_wait3A_215 = arith.constant 0 : i32
        %dma_wait3A_216 = arith.constant 0 : i32
        %dma_wait3A_217 = arith.constant 0 : i32
        %dma_wait3A_218 = tpu.memref_slice %arg3[%add3A, %dma_wait3A_215, %dma_wait3A_216, %dma_wait3A_217] : memref<32x90x2x112xi32, #tpu.memory_space<hbm>> -> memref<1x1x2x112xi32, #tpu.memory_space<hbm>>
        %dma_wait3A_219 = tpu.memref_squeeze %dma_wait3A_218 : memref<1x1x2x112xi32, #tpu.memory_space<hbm>> -> memref<2x112xi32, #tpu.memory_space<hbm>>
        %dma_wait3A_220 = arith.constant 0 : i32
        %dma_wait3A_221 = arith.constant 0 : i32
        %dma_wait3A_222 = tpu.memref_slice %arg3[%add3A, %dma_wait3A_215, %dma_wait3A_220, %dma_wait3A_221] : memref<32x90x2x112xi32, #tpu.memory_space<hbm>> -> memref<1x1x2x112xi32, #tpu.memory_space<hbm>>
        %dma_wait3A_223 = tpu.memref_squeeze %dma_wait3A_222 : memref<1x1x2x112xi32, #tpu.memory_space<hbm>> -> memref<2x112xi32, #tpu.memory_space<hbm>>
        tpu.wait_dma2 semaphore(%arg18 : memref<!tpu.dma_semaphore, #tpu.memory_space<semaphore_mem>>) src(%dma_wait3A_223 : memref<2x112xi32, #tpu.memory_space<hbm>>) dst(%arg5 : memref<2x112xi32, #tpu.memory_space<vmem>>)
        %dma_start3A_224 = arith.constant 0 : i32
        %dma_start3A_225 = arith.constant 0 : i32
        %dma_start3A_226 = tpu.memref_slice %arg5[%dma_start3A_224, %dma_start3A_225] : memref<2x112xi32, #tpu.memory_space<vmem>> -> memref<1x112xi32, #tpu.memory_space<vmem>>
        %dma_start3A_227 = tpu.memref_squeeze %dma_start3A_226 : memref<1x112xi32, #tpu.memory_space<vmem>> -> memref<112xi32, #tpu.memory_space<vmem>>
        %dma_start3A_228 = arith.constant 0 : i32
        %dma_start3A_229 = arith.constant 0 : i32
        %dma_start3A_230 = tpu.memref_slice %arg2[%dma_start3A_228, %dma_start3A_229] : memref<10000x128xf32, #tpu.memory_space<hbm>> -> memref<10000x128xf32, #tpu.memory_space<hbm>>
        tpu.enqueue_indirect_dma source(%dma_start3A_230 : memref<10000x128xf32, #tpu.memory_space<hbm>>) target(%arg11 : memref<112x128xf32, #tpu.memory_space<vmem>>) offsets(%dma_start3A_227 : memref<112xi32, #tpu.memory_space<vmem>>) semaphore(%arg15 : memref<!tpu.dma_semaphore, #tpu.memory_space<semaphore_mem>>)
      } else {
      }
      %mul3A_171 = arith.constant 6 : i32
      %mul3A_172 = arith.muli %scan3A_84, %mul3A_171 : i32
      %add3A_173 = arith.constant 4 : i32
      %add3A_174 = arith.addi %mul3A_172, %add3A_173 : i32
      %dma_wait3A_175 = arith.constant 0 : i32
      %dma_wait3A_176 = arith.constant 0 : i32
      %dma_wait3A_177 = tpu.memref_slice %arg9[%dma_wait3A_175, %dma_wait3A_176] : memref<2x112xi32, #tpu.memory_space<vmem>> -> memref<1x112xi32, #tpu.memory_space<vmem>>
      %dma_wait3A_178 = tpu.memref_squeeze %dma_wait3A_177 : memref<1x112xi32, #tpu.memory_space<vmem>> -> memref<112xi32, #tpu.memory_space<vmem>>
      %dma_wait3A_179 = arith.constant 0 : i32
      %dma_wait3A_180 = arith.constant 0 : i32
      %dma_wait3A_181 = tpu.memref_slice %arg2[%dma_wait3A_179, %dma_wait3A_180] : memref<10000x128xf32, #tpu.memory_space<hbm>> -> memref<10000x128xf32, #tpu.memory_space<hbm>>
      tpu.wait_indirect_dma semaphore(%arg16 : memref<!tpu.dma_semaphore, #tpu.memory_space<semaphore_mem>>) src(%dma_wait3A_181 : memref<10000x128xf32, #tpu.memory_space<hbm>>) dst(%arg12 : memref<112x128xf32, #tpu.memory_space<vmem>>)
      %run_scoped3A_182 = arith.constant 1 : i32
      "tpu.region"() ({
        %run_scoped3A_215 = tpu.sem_alloc : memref<!tpu.dma_semaphore, #tpu.memory_space<semaphore_mem>>
        %dma_start3A_216 = arith.constant 0 : i32
        %dma_start3A_217 = tpu.memref_slice %arg9[%run_scoped3A_182, %dma_start3A_216] : memref<2x112xi32, #tpu.memory_space<vmem>> -> memref<1x112xi32, #tpu.memory_space<vmem>>
        %dma_start3A_218 = tpu.memref_squeeze %dma_start3A_217 : memref<1x112xi32, #tpu.memory_space<vmem>> -> memref<112xi32, #tpu.memory_space<vmem>>
        %dma_start3A_219 = arith.constant 0 : i32
        %dma_start3A_220 = arith.constant 0 : i32
        %dma_start3A_221 = tpu.memref_slice %arg14[%dma_start3A_219, %dma_start3A_220] : memref<10008x128xf32, #tpu.memory_space<vmem_shared>> -> memref<10008x128xf32, #tpu.memory_space<vmem_shared>>
        tpu.enqueue_indirect_dma source(%arg12 : memref<112x128xf32, #tpu.memory_space<vmem>>) target(%dma_start3A_221 : memref<10008x128xf32, #tpu.memory_space<vmem_shared>>) offsets(%dma_start3A_218 : memref<112xi32, #tpu.memory_space<vmem>>) semaphore(%run_scoped3A_215 : memref<!tpu.dma_semaphore, #tpu.memory_space<semaphore_mem>>) {add = true}
        %dma_wait3A_222 = arith.constant 0 : i32
        %dma_wait3A_223 = tpu.memref_slice %arg9[%run_scoped3A_182, %dma_wait3A_222] : memref<2x112xi32, #tpu.memory_space<vmem>> -> memref<1x112xi32, #tpu.memory_space<vmem>>
        %dma_wait3A_224 = tpu.memref_squeeze %dma_wait3A_223 : memref<1x112xi32, #tpu.memory_space<vmem>> -> memref<112xi32, #tpu.memory_space<vmem>>
        %dma_wait3A_225 = arith.constant 0 : i32
        %dma_wait3A_226 = arith.constant 0 : i32
        %dma_wait3A_227 = tpu.memref_slice %arg14[%dma_wait3A_225, %dma_wait3A_226] : memref<10008x128xf32, #tpu.memory_space<vmem_shared>> -> memref<10008x128xf32, #tpu.memory_space<vmem_shared>>
        tpu.wait_indirect_dma semaphore(%run_scoped3A_215 : memref<!tpu.dma_semaphore, #tpu.memory_space<semaphore_mem>>) src(%arg12 : memref<112x128xf32, #tpu.memory_space<vmem>>) dst(%dma_wait3A_227 : memref<10008x128xf32, #tpu.memory_space<vmem_shared>>)
        tpu.yield
      }) : () -> ()
      %lt3A_183 = arith.constant 84 : i32
      %lt3A_184 = arith.cmpi slt, %add3A_174, %lt3A_183 : i32
      %convert_element_type3A_185 = arith.extui %lt3A_184 : i1 to i32
      %cond3A_186 = arith.constant 0 : i32
      %cond3A_187 = arith.cmpi ne, %convert_element_type3A_185, %cond3A_186 : i32
      scf.if %cond3A_187 {
        %add3A_215 = arith.constant 6 : i32
        %add3A_216 = arith.addi %add3A_174, %add3A_215 : i32
        %dma_start3A_217 = arith.constant 0 : i32
        %dma_start3A_218 = arith.constant 0 : i32
        %dma_start3A_219 = tpu.memref_slice %arg3[%add3A, %add3A_216, %dma_start3A_217, %dma_start3A_218] : memref<32x90x2x112xi32, #tpu.memory_space<hbm>> -> memref<1x1x2x112xi32, #tpu.memory_space<hbm>>
        %dma_start3A_220 = tpu.memref_squeeze %dma_start3A_219 : memref<1x1x2x112xi32, #tpu.memory_space<hbm>> -> memref<2x112xi32, #tpu.memory_space<hbm>>
        %dma_start3A_221 = arith.constant 0 : i32
        %dma_start3A_222 = arith.constant 0 : i32
        %dma_start3A_223 = tpu.memref_slice %arg3[%add3A, %add3A_216, %dma_start3A_221, %dma_start3A_222] : memref<32x90x2x112xi32, #tpu.memory_space<hbm>> -> memref<1x1x2x112xi32, #tpu.memory_space<hbm>>
        %dma_start3A_224 = tpu.memref_squeeze %dma_start3A_223 : memref<1x1x2x112xi32, #tpu.memory_space<hbm>> -> memref<2x112xi32, #tpu.memory_space<hbm>>
        tpu.enqueue_dma source(%dma_start3A_224 : memref<2x112xi32, #tpu.memory_space<hbm>>) target(%arg9 : memref<2x112xi32, #tpu.memory_space<vmem>>) target_semaphore(%arg22 : memref<!tpu.dma_semaphore, #tpu.memory_space<semaphore_mem>>)
      } else {
      }
      %lt3A_188 = arith.constant 87 : i32
      %lt3A_189 = arith.cmpi slt, %add3A_174, %lt3A_188 : i32
      %convert_element_type3A_190 = arith.extui %lt3A_189 : i1 to i32
      %cond3A_191 = arith.constant 0 : i32
      %cond3A_192 = arith.cmpi ne, %convert_element_type3A_190, %cond3A_191 : i32
      scf.if %cond3A_192 {
        %dma_wait3A_215 = arith.constant 0 : i32
        %dma_wait3A_216 = arith.constant 0 : i32
        %dma_wait3A_217 = arith.constant 0 : i32
        %dma_wait3A_218 = tpu.memref_slice %arg3[%add3A, %dma_wait3A_215, %dma_wait3A_216, %dma_wait3A_217] : memref<32x90x2x112xi32, #tpu.memory_space<hbm>> -> memref<1x1x2x112xi32, #tpu.memory_space<hbm>>
        %dma_wait3A_219 = tpu.memref_squeeze %dma_wait3A_218 : memref<1x1x2x112xi32, #tpu.memory_space<hbm>> -> memref<2x112xi32, #tpu.memory_space<hbm>>
        %dma_wait3A_220 = arith.constant 0 : i32
        %dma_wait3A_221 = arith.constant 0 : i32
        %dma_wait3A_222 = tpu.memref_slice %arg3[%add3A, %dma_wait3A_215, %dma_wait3A_220, %dma_wait3A_221] : memref<32x90x2x112xi32, #tpu.memory_space<hbm>> -> memref<1x1x2x112xi32, #tpu.memory_space<hbm>>
        %dma_wait3A_223 = tpu.memref_squeeze %dma_wait3A_222 : memref<1x1x2x112xi32, #tpu.memory_space<hbm>> -> memref<2x112xi32, #tpu.memory_space<hbm>>
        tpu.wait_dma2 semaphore(%arg19 : memref<!tpu.dma_semaphore, #tpu.memory_space<semaphore_mem>>) src(%dma_wait3A_223 : memref<2x112xi32, #tpu.memory_space<hbm>>) dst(%arg6 : memref<2x112xi32, #tpu.memory_space<vmem>>)
        %dma_start3A_224 = arith.constant 0 : i32
        %dma_start3A_225 = arith.constant 0 : i32
        %dma_start3A_226 = tpu.memref_slice %arg6[%dma_start3A_224, %dma_start3A_225] : memref<2x112xi32, #tpu.memory_space<vmem>> -> memref<1x112xi32, #tpu.memory_space<vmem>>
        %dma_start3A_227 = tpu.memref_squeeze %dma_start3A_226 : memref<1x112xi32, #tpu.memory_space<vmem>> -> memref<112xi32, #tpu.memory_space<vmem>>
        %dma_start3A_228 = arith.constant 0 : i32
        %dma_start3A_229 = arith.constant 0 : i32
        %dma_start3A_230 = tpu.memref_slice %arg2[%dma_start3A_228, %dma_start3A_229] : memref<10000x128xf32, #tpu.memory_space<hbm>> -> memref<10000x128xf32, #tpu.memory_space<hbm>>
        tpu.enqueue_indirect_dma source(%dma_start3A_230 : memref<10000x128xf32, #tpu.memory_space<hbm>>) target(%arg12 : memref<112x128xf32, #tpu.memory_space<vmem>>) offsets(%dma_start3A_227 : memref<112xi32, #tpu.memory_space<vmem>>) semaphore(%arg16 : memref<!tpu.dma_semaphore, #tpu.memory_space<semaphore_mem>>)
      } else {
      }
      %mul3A_193 = arith.constant 6 : i32
      %mul3A_194 = arith.muli %scan3A_84, %mul3A_193 : i32
      %add3A_195 = arith.constant 5 : i32
      %add3A_196 = arith.addi %mul3A_194, %add3A_195 : i32
      %dma_wait3A_197 = arith.constant 0 : i32
      %dma_wait3A_198 = arith.constant 0 : i32
      %dma_wait3A_199 = tpu.memref_slice %arg10[%dma_wait3A_197, %dma_wait3A_198] : memref<2x112xi32, #tpu.memory_space<vmem>> -> memref<1x112xi32, #tpu.memory_space<vmem>>
      %dma_wait3A_200 = tpu.memref_squeeze %dma_wait3A_199 : memref<1x112xi32, #tpu.memory_space<vmem>> -> memref<112xi32, #tpu.memory_space<vmem>>
      %dma_wait3A_201 = arith.constant 0 : i32
      %dma_wait3A_202 = arith.constant 0 : i32
      %dma_wait3A_203 = tpu.memref_slice %arg2[%dma_wait3A_201, %dma_wait3A_202] : memref<10000x128xf32, #tpu.memory_space<hbm>> -> memref<10000x128xf32, #tpu.memory_space<hbm>>
      tpu.wait_indirect_dma semaphore(%arg17 : memref<!tpu.dma_semaphore, #tpu.memory_space<semaphore_mem>>) src(%dma_wait3A_203 : memref<10000x128xf32, #tpu.memory_space<hbm>>) dst(%arg13 : memref<112x128xf32, #tpu.memory_space<vmem>>)
      %run_scoped3A_204 = arith.constant 1 : i32
      "tpu.region"() ({
        %run_scoped3A_215 = tpu.sem_alloc : memref<!tpu.dma_semaphore, #tpu.memory_space<semaphore_mem>>
        %dma_start3A_216 = arith.constant 0 : i32
        %dma_start3A_217 = tpu.memref_slice %arg10[%run_scoped3A_204, %dma_start3A_216] : memref<2x112xi32, #tpu.memory_space<vmem>> -> memref<1x112xi32, #tpu.memory_space<vmem>>
        %dma_start3A_218 = tpu.memref_squeeze %dma_start3A_217 : memref<1x112xi32, #tpu.memory_space<vmem>> -> memref<112xi32, #tpu.memory_space<vmem>>
        %dma_start3A_219 = arith.constant 0 : i32
        %dma_start3A_220 = arith.constant 0 : i32
        %dma_start3A_221 = tpu.memref_slice %arg14[%dma_start3A_219, %dma_start3A_220] : memref<10008x128xf32, #tpu.memory_space<vmem_shared>> -> memref<10008x128xf32, #tpu.memory_space<vmem_shared>>
        tpu.enqueue_indirect_dma source(%arg13 : memref<112x128xf32, #tpu.memory_space<vmem>>) target(%dma_start3A_221 : memref<10008x128xf32, #tpu.memory_space<vmem_shared>>) offsets(%dma_start3A_218 : memref<112xi32, #tpu.memory_space<vmem>>) semaphore(%run_scoped3A_215 : memref<!tpu.dma_semaphore, #tpu.memory_space<semaphore_mem>>) {add = true}
        %dma_wait3A_222 = arith.constant 0 : i32
        %dma_wait3A_223 = tpu.memref_slice %arg10[%run_scoped3A_204, %dma_wait3A_222] : memref<2x112xi32, #tpu.memory_space<vmem>> -> memref<1x112xi32, #tpu.memory_space<vmem>>
        %dma_wait3A_224 = tpu.memref_squeeze %dma_wait3A_223 : memref<1x112xi32, #tpu.memory_space<vmem>> -> memref<112xi32, #tpu.memory_space<vmem>>
        %dma_wait3A_225 = arith.constant 0 : i32
        %dma_wait3A_226 = arith.constant 0 : i32
        %dma_wait3A_227 = tpu.memref_slice %arg14[%dma_wait3A_225, %dma_wait3A_226] : memref<10008x128xf32, #tpu.memory_space<vmem_shared>> -> memref<10008x128xf32, #tpu.memory_space<vmem_shared>>
        tpu.wait_indirect_dma semaphore(%run_scoped3A_215 : memref<!tpu.dma_semaphore, #tpu.memory_space<semaphore_mem>>) src(%arg13 : memref<112x128xf32, #tpu.memory_space<vmem>>) dst(%dma_wait3A_227 : memref<10008x128xf32, #tpu.memory_space<vmem_shared>>)
        tpu.yield
      }) : () -> ()
      %lt3A_205 = arith.constant 84 : i32
      %lt3A_206 = arith.cmpi slt, %add3A_196, %lt3A_205 : i32
      %convert_element_type3A_207 = arith.extui %lt3A_206 : i1 to i32
      %cond3A_208 = arith.constant 0 : i32
      %cond3A_209 = arith.cmpi ne, %convert_element_type3A_207, %cond3A_208 : i32
      scf.if %cond3A_209 {
        %add3A_215 = arith.constant 6 : i32
        %add3A_216 = arith.addi %add3A_196, %add3A_215 : i32
        %dma_start3A_217 = arith.constant 0 : i32
        %dma_start3A_218 = arith.constant 0 : i32
        %dma_start3A_219 = tpu.memref_slice %arg3[%add3A, %add3A_216, %dma_start3A_217, %dma_start3A_218] : memref<32x90x2x112xi32, #tpu.memory_space<hbm>> -> memref<1x1x2x112xi32, #tpu.memory_space<hbm>>
        %dma_start3A_220 = tpu.memref_squeeze %dma_start3A_219 : memref<1x1x2x112xi32, #tpu.memory_space<hbm>> -> memref<2x112xi32, #tpu.memory_space<hbm>>
        %dma_start3A_221 = arith.constant 0 : i32
        %dma_start3A_222 = arith.constant 0 : i32
        %dma_start3A_223 = tpu.memref_slice %arg3[%add3A, %add3A_216, %dma_start3A_221, %dma_start3A_222] : memref<32x90x2x112xi32, #tpu.memory_space<hbm>> -> memref<1x1x2x112xi32, #tpu.memory_space<hbm>>
        %dma_start3A_224 = tpu.memref_squeeze %dma_start3A_223 : memref<1x1x2x112xi32, #tpu.memory_space<hbm>> -> memref<2x112xi32, #tpu.memory_space<hbm>>
        tpu.enqueue_dma source(%dma_start3A_224 : memref<2x112xi32, #tpu.memory_space<hbm>>) target(%arg10 : memref<2x112xi32, #tpu.memory_space<vmem>>) target_semaphore(%arg23 : memref<!tpu.dma_semaphore, #tpu.memory_space<semaphore_mem>>)
      } else {
      }
      %lt3A_210 = arith.constant 87 : i32
      %lt3A_211 = arith.cmpi slt, %add3A_196, %lt3A_210 : i32
      %convert_element_type3A_212 = arith.extui %lt3A_211 : i1 to i32
      %cond3A_213 = arith.constant 0 : i32
      %cond3A_214 = arith.cmpi ne, %convert_element_type3A_212, %cond3A_213 : i32
      scf.if %cond3A_214 {
        %dma_wait3A_215 = arith.constant 0 : i32
        %dma_wait3A_216 = arith.constant 0 : i32
        %dma_wait3A_217 = arith.constant 0 : i32
        %dma_wait3A_218 = tpu.memref_slice %arg3[%add3A, %dma_wait3A_215, %dma_wait3A_216, %dma_wait3A_217] : memref<32x90x2x112xi32, #tpu.memory_space<hbm>> -> memref<1x1x2x112xi32, #tpu.memory_space<hbm>>
        %dma_wait3A_219 = tpu.memref_squeeze %dma_wait3A_218 : memref<1x1x2x112xi32, #tpu.memory_space<hbm>> -> memref<2x112xi32, #tpu.memory_space<hbm>>
        %dma_wait3A_220 = arith.constant 0 : i32
        %dma_wait3A_221 = arith.constant 0 : i32
        %dma_wait3A_222 = tpu.memref_slice %arg3[%add3A, %dma_wait3A_215, %dma_wait3A_220, %dma_wait3A_221] : memref<32x90x2x112xi32, #tpu.memory_space<hbm>> -> memref<1x1x2x112xi32, #tpu.memory_space<hbm>>
        %dma_wait3A_223 = tpu.memref_squeeze %dma_wait3A_222 : memref<1x1x2x112xi32, #tpu.memory_space<hbm>> -> memref<2x112xi32, #tpu.memory_space<hbm>>
        tpu.wait_dma2 semaphore(%arg20 : memref<!tpu.dma_semaphore, #tpu.memory_space<semaphore_mem>>) src(%dma_wait3A_223 : memref<2x112xi32, #tpu.memory_space<hbm>>) dst(%arg7 : memref<2x112xi32, #tpu.memory_space<vmem>>)
        %dma_start3A_224 = arith.constant 0 : i32
        %dma_start3A_225 = arith.constant 0 : i32
        %dma_start3A_226 = tpu.memref_slice %arg7[%dma_start3A_224, %dma_start3A_225] : memref<2x112xi32, #tpu.memory_space<vmem>> -> memref<1x112xi32, #tpu.memory_space<vmem>>
        %dma_start3A_227 = tpu.memref_squeeze %dma_start3A_226 : memref<1x112xi32, #tpu.memory_space<vmem>> -> memref<112xi32, #tpu.memory_space<vmem>>
        %dma_start3A_228 = arith.constant 0 : i32
        %dma_start3A_229 = arith.constant 0 : i32
        %dma_start3A_230 = tpu.memref_slice %arg2[%dma_start3A_228, %dma_start3A_229] : memref<10000x128xf32, #tpu.memory_space<hbm>> -> memref<10000x128xf32, #tpu.memory_space<hbm>>
        tpu.enqueue_indirect_dma source(%dma_start3A_230 : memref<10000x128xf32, #tpu.memory_space<hbm>>) target(%arg13 : memref<112x128xf32, #tpu.memory_space<vmem>>) offsets(%dma_start3A_227 : memref<112xi32, #tpu.memory_space<vmem>>) semaphore(%arg17 : memref<!tpu.dma_semaphore, #tpu.memory_space<semaphore_mem>>)
      } else {
      }
    }
    %scan3A_77 = arith.constant 15 : i32
    %barrier3A_78 = arith.constant 0 : index
    tpu.barrier barrier_id(%barrier3A_78)
    "tpu.region"() ({
      %run_scoped3A_84 = tpu.sem_alloc : memref<!tpu.dma_semaphore, #tpu.memory_space<semaphore_mem>>
      %dma_start3A_85 = arith.constant 0 : i32
      %dma_start3A_86 = tpu.memref_slice %arg4[%arg0, %mul3A_2, %dma_start3A_85] : memref<2x10000x128xf32, #tpu.memory_space<hbm>> -> memref<1x624x128xf32, #tpu.memory_space<hbm>>
      %dma_start3A_87 = tpu.memref_squeeze %dma_start3A_86 : memref<1x624x128xf32, #tpu.memory_space<hbm>> -> memref<624x128xf32, #tpu.memory_space<hbm>>
      %dma_start3A_88 = arith.constant 0 : i32
      %dma_start3A_89 = tpu.memref_slice %arg14[%mul3A_2, %dma_start3A_88] : memref<10008x128xf32, #tpu.memory_space<vmem_shared>> -> memref<624x128xf32, #tpu.memory_space<vmem_shared>>
      tpu.enqueue_dma source(%dma_start3A_89 : memref<624x128xf32, #tpu.memory_space<vmem_shared>>) target(%dma_start3A_87 : memref<624x128xf32, #tpu.memory_space<hbm>>) target_semaphore(%run_scoped3A_84 : memref<!tpu.dma_semaphore, #tpu.memory_space<semaphore_mem>>)
      %dma_wait3A = arith.constant 0 : i32
      %dma_wait3A_90 = tpu.memref_slice %arg4[%arg0, %mul3A_2, %dma_wait3A] : memref<2x10000x128xf32, #tpu.memory_space<hbm>> -> memref<1x624x128xf32, #tpu.memory_space<hbm>>
      %dma_wait3A_91 = tpu.memref_squeeze %dma_wait3A_90 : memref<1x624x128xf32, #tpu.memory_space<hbm>> -> memref<624x128xf32, #tpu.memory_space<hbm>>
      %dma_wait3A_92 = arith.constant 0 : i32
      %dma_wait3A_93 = tpu.memref_slice %arg14[%mul3A_2, %dma_wait3A_92] : memref<10008x128xf32, #tpu.memory_space<vmem_shared>> -> memref<624x128xf32, #tpu.memory_space<vmem_shared>>
      tpu.wait_dma2 semaphore(%run_scoped3A_84 : memref<!tpu.dma_semaphore, #tpu.memory_space<semaphore_mem>>) src(%dma_wait3A_93 : memref<624x128xf32, #tpu.memory_space<vmem_shared>>) dst(%dma_wait3A_91 : memref<624x128xf32, #tpu.memory_space<hbm>>)
      tpu.yield
    }) : () -> ()
    %eq3A_79 = arith.constant 15 : i32
    %eq3A_80 = arith.cmpi eq, %arg1, %eq3A_79 : i32
    %convert_element_type3A_81 = arith.extui %eq3A_80 : i1 to i32
    %cond3A_82 = arith.constant 0 : i32
    %cond3A_83 = arith.cmpi ne, %convert_element_type3A_81, %cond3A_82 : i32
    scf.if %cond3A_83 {
      "tpu.region"() ({
        %run_scoped3A_84 = tpu.sem_alloc : memref<!tpu.dma_semaphore, #tpu.memory_space<semaphore_mem>>
        %dma_start3A_85 = arith.constant 9984 : i32
        %dma_start3A_86 = arith.constant 0 : i32
        %dma_start3A_87 = tpu.memref_slice %arg4[%arg0, %dma_start3A_85, %dma_start3A_86] : memref<2x10000x128xf32, #tpu.memory_space<hbm>> -> memref<1x16x128xf32, #tpu.memory_space<hbm>>
        %dma_start3A_88 = tpu.memref_squeeze %dma_start3A_87 : memref<1x16x128xf32, #tpu.memory_space<hbm>> -> memref<16x128xf32, #tpu.memory_space<hbm>>
        %dma_start3A_89 = arith.constant 9984 : i32
        %dma_start3A_90 = arith.constant 0 : i32
        %dma_start3A_91 = tpu.memref_slice %arg14[%dma_start3A_89, %dma_start3A_90] : memref<10008x128xf32, #tpu.memory_space<vmem_shared>> -> memref<16x128xf32, #tpu.memory_space<vmem_shared>>
        tpu.enqueue_dma source(%dma_start3A_91 : memref<16x128xf32, #tpu.memory_space<vmem_shared>>) target(%dma_start3A_88 : memref<16x128xf32, #tpu.memory_space<hbm>>) target_semaphore(%run_scoped3A_84 : memref<!tpu.dma_semaphore, #tpu.memory_space<semaphore_mem>>)
        %dma_wait3A = arith.constant 9984 : i32
        %dma_wait3A_92 = arith.constant 0 : i32
        %dma_wait3A_93 = tpu.memref_slice %arg4[%arg0, %dma_wait3A, %dma_wait3A_92] : memref<2x10000x128xf32, #tpu.memory_space<hbm>> -> memref<1x16x128xf32, #tpu.memory_space<hbm>>
        %dma_wait3A_94 = tpu.memref_squeeze %dma_wait3A_93 : memref<1x16x128xf32, #tpu.memory_space<hbm>> -> memref<16x128xf32, #tpu.memory_space<hbm>>
        %dma_wait3A_95 = arith.constant 9984 : i32
        %dma_wait3A_96 = arith.constant 0 : i32
        %dma_wait3A_97 = tpu.memref_slice %arg14[%dma_wait3A_95, %dma_wait3A_96] : memref<10008x128xf32, #tpu.memory_space<vmem_shared>> -> memref<16x128xf32, #tpu.memory_space<vmem_shared>>
        tpu.wait_dma2 semaphore(%run_scoped3A_84 : memref<!tpu.dma_semaphore, #tpu.memory_space<semaphore_mem>>) src(%dma_wait3A_97 : memref<16x128xf32, #tpu.memory_space<vmem_shared>>) dst(%dma_wait3A_94 : memref<16x128xf32, #tpu.memory_space<hbm>>)
        tpu.yield
      }) : () -> ()
    } else {
    }
    return
  }
}

#map = affine_map<(d0, d1) -> (0, 0, 0, 0)>
#map1 = affine_map<(d0, d1) -> (0, 0, 0)>
module attributes {stable_mosaic.version = 14 : i64} {
  func.func @_sc_deg_body(%arg0: i32, %arg1: i32, %arg2: memref<32x90x2x112xi32, #tpu.memory_space<hbm>>, %arg3: memref<2x10000x128xf32, #tpu.memory_space<hbm>>, %arg4: memref<2x112xi32, #tpu.memory_space<vmem>>, %arg5: memref<2x112xi32, #tpu.memory_space<vmem>>, %arg6: memref<2x112xi32, #tpu.memory_space<vmem>>, %arg7: memref<2x112xi32, #tpu.memory_space<vmem>>, %arg8: memref<2x112xi32, #tpu.memory_space<vmem>>, %arg9: memref<2x112xi32, #tpu.memory_space<vmem>>, %arg10: memref<112x128xf32, #tpu.memory_space<vmem>>, %arg11: memref<10008x128xf32, #tpu.memory_space<vmem_shared>>, %arg12: memref<!tpu.dma_semaphore, #tpu.memory_space<semaphore_mem>>, %arg13: memref<!tpu.dma_semaphore, #tpu.memory_space<semaphore_mem>>, %arg14: memref<!tpu.dma_semaphore, #tpu.memory_space<semaphore_mem>>, %arg15: memref<!tpu.dma_semaphore, #tpu.memory_space<semaphore_mem>>, %arg16: memref<!tpu.dma_semaphore, #tpu.memory_space<semaphore_mem>>, %arg17: memref<!tpu.dma_semaphore, #tpu.memory_space<semaphore_mem>>) attributes {dimension_semantics = [#tpu.dimension_semantics<core_parallel>, #tpu.dimension_semantics<subcore_parallel>], iteration_bounds = array<i64: 2, 16>, scalar_prefetch = 0 : i64, scratch_operands = 14 : i64, tpu.core_type = #tpu.core_type<sc_vector_subcore>, window_params = [{transform_indices = #map}, {transform_indices = #map1}]} {
    %mul3A = arith.constant 16 : i32
    %mul3A_0 = arith.muli %arg0, %mul3A : i32
    %add3A = arith.addi %mul3A_0, %arg1 : i32
    %mul3A_1 = arith.constant 624 : i32
    %mul3A_2 = arith.muli %arg1, %mul3A_1 : i32
    %scan3A = arith.constant 0 : i32
    %scan3A_3 = arith.constant 0 : i32
    %scan3A_4 = arith.constant 112 : i32
    %scan3A_5 = arith.addi %scan3A_3, %scan3A_4 : i32
    %scan3A_6 = arith.constant 1 : i32
    scf.for %scan3A_94 = %scan3A_3 to %scan3A_5 step %scan3A_6  : i32 {
      %broadcast_in_dim3A = arith.constant 0.000000e+00 : f32
      %broadcast_in_dim3A_95 = vector.broadcast %broadcast_in_dim3A : f32 to vector<16xf32>
      %swap3A = arith.index_cast %scan3A_94 : i32 to index
      %swap3A_96 = arith.constant 0 : index
      %swap3A_97 = tpu.vector_load %arg10[%swap3A, %swap3A_96] {strides = array<i32>} : memref<112x128xf32, #tpu.memory_space<vmem>>, vector<1x16xf32>,
      %swap3A_98 = vector.shape_cast %swap3A_97 : vector<1x16xf32> to vector<16xf32>
      %swap3A_99 = vector.shape_cast %broadcast_in_dim3A_95 : vector<16xf32> to vector<1x16xf32>
      tpu.vector_store %arg10[%swap3A, %swap3A_96], %swap3A_99 {strides = array<i32>} : memref<112x128xf32, #tpu.memory_space<vmem>>, vector<1x16xf32>,
      %broadcast_in_dim3A_100 = arith.constant 0.000000e+00 : f32
      %broadcast_in_dim3A_101 = vector.broadcast %broadcast_in_dim3A_100 : f32 to vector<16xf32>
      %swap3A_102 = arith.index_cast %scan3A_94 : i32 to index
      %swap3A_103 = arith.constant 16 : index
      %swap3A_104 = tpu.vector_load %arg10[%swap3A_102, %swap3A_103] {strides = array<i32>} : memref<112x128xf32, #tpu.memory_space<vmem>>, vector<1x16xf32>,
      %swap3A_105 = vector.shape_cast %swap3A_104 : vector<1x16xf32> to vector<16xf32>
      %swap3A_106 = vector.shape_cast %broadcast_in_dim3A_101 : vector<16xf32> to vector<1x16xf32>
      tpu.vector_store %arg10[%swap3A_102, %swap3A_103], %swap3A_106 {strides = array<i32>} : memref<112x128xf32, #tpu.memory_space<vmem>>, vector<1x16xf32>,
      %broadcast_in_dim3A_107 = arith.constant 0.000000e+00 : f32
      %broadcast_in_dim3A_108 = vector.broadcast %broadcast_in_dim3A_107 : f32 to vector<16xf32>
      %swap3A_109 = arith.index_cast %scan3A_94 : i32 to index
      %swap3A_110 = arith.constant 32 : index
      %swap3A_111 = tpu.vector_load %arg10[%swap3A_109, %swap3A_110] {strides = array<i32>} : memref<112x128xf32, #tpu.memory_space<vmem>>, vector<1x16xf32>,
      %swap3A_112 = vector.shape_cast %swap3A_111 : vector<1x16xf32> to vector<16xf32>
      %swap3A_113 = vector.shape_cast %broadcast_in_dim3A_108 : vector<16xf32> to vector<1x16xf32>
      tpu.vector_store %arg10[%swap3A_109, %swap3A_110], %swap3A_113 {strides = array<i32>} : memref<112x128xf32, #tpu.memory_space<vmem>>, vector<1x16xf32>,
      %broadcast_in_dim3A_114 = arith.constant 0.000000e+00 : f32
      %broadcast_in_dim3A_115 = vector.broadcast %broadcast_in_dim3A_114 : f32 to vector<16xf32>
      %swap3A_116 = arith.index_cast %scan3A_94 : i32 to index
      %swap3A_117 = arith.constant 48 : index
      %swap3A_118 = tpu.vector_load %arg10[%swap3A_116, %swap3A_117] {strides = array<i32>} : memref<112x128xf32, #tpu.memory_space<vmem>>, vector<1x16xf32>,
      %swap3A_119 = vector.shape_cast %swap3A_118 : vector<1x16xf32> to vector<16xf32>
      %swap3A_120 = vector.shape_cast %broadcast_in_dim3A_115 : vector<16xf32> to vector<1x16xf32>
      tpu.vector_store %arg10[%swap3A_116, %swap3A_117], %swap3A_120 {strides = array<i32>} : memref<112x128xf32, #tpu.memory_space<vmem>>, vector<1x16xf32>,
      %broadcast_in_dim3A_121 = arith.constant 0.000000e+00 : f32
      %broadcast_in_dim3A_122 = vector.broadcast %broadcast_in_dim3A_121 : f32 to vector<16xf32>
      %swap3A_123 = arith.index_cast %scan3A_94 : i32 to index
      %swap3A_124 = arith.constant 64 : index
      %swap3A_125 = tpu.vector_load %arg10[%swap3A_123, %swap3A_124] {strides = array<i32>} : memref<112x128xf32, #tpu.memory_space<vmem>>, vector<1x16xf32>,
      %swap3A_126 = vector.shape_cast %swap3A_125 : vector<1x16xf32> to vector<16xf32>
      %swap3A_127 = vector.shape_cast %broadcast_in_dim3A_122 : vector<16xf32> to vector<1x16xf32>
      tpu.vector_store %arg10[%swap3A_123, %swap3A_124], %swap3A_127 {strides = array<i32>} : memref<112x128xf32, #tpu.memory_space<vmem>>, vector<1x16xf32>,
      %broadcast_in_dim3A_128 = arith.constant 0.000000e+00 : f32
      %broadcast_in_dim3A_129 = vector.broadcast %broadcast_in_dim3A_128 : f32 to vector<16xf32>
      %swap3A_130 = arith.index_cast %scan3A_94 : i32 to index
      %swap3A_131 = arith.constant 80 : index
      %swap3A_132 = tpu.vector_load %arg10[%swap3A_130, %swap3A_131] {strides = array<i32>} : memref<112x128xf32, #tpu.memory_space<vmem>>, vector<1x16xf32>,
      %swap3A_133 = vector.shape_cast %swap3A_132 : vector<1x16xf32> to vector<16xf32>
      %swap3A_134 = vector.shape_cast %broadcast_in_dim3A_129 : vector<16xf32> to vector<1x16xf32>
      tpu.vector_store %arg10[%swap3A_130, %swap3A_131], %swap3A_134 {strides = array<i32>} : memref<112x128xf32, #tpu.memory_space<vmem>>, vector<1x16xf32>,
      %broadcast_in_dim3A_135 = arith.constant 0.000000e+00 : f32
      %broadcast_in_dim3A_136 = vector.broadcast %broadcast_in_dim3A_135 : f32 to vector<16xf32>
      %swap3A_137 = arith.index_cast %scan3A_94 : i32 to index
      %swap3A_138 = arith.constant 96 : index
      %swap3A_139 = tpu.vector_load %arg10[%swap3A_137, %swap3A_138] {strides = array<i32>} : memref<112x128xf32, #tpu.memory_space<vmem>>, vector<1x16xf32>,
      %swap3A_140 = vector.shape_cast %swap3A_139 : vector<1x16xf32> to vector<16xf32>
      %swap3A_141 = vector.shape_cast %broadcast_in_dim3A_136 : vector<16xf32> to vector<1x16xf32>
      tpu.vector_store %arg10[%swap3A_137, %swap3A_138], %swap3A_141 {strides = array<i32>} : memref<112x128xf32, #tpu.memory_space<vmem>>, vector<1x16xf32>,
      %broadcast_in_dim3A_142 = arith.constant 0.000000e+00 : f32
      %broadcast_in_dim3A_143 = vector.broadcast %broadcast_in_dim3A_142 : f32 to vector<16xf32>
      %swap3A_144 = arith.index_cast %scan3A_94 : i32 to index
      %swap3A_145 = arith.constant 112 : index
      %swap3A_146 = tpu.vector_load %arg10[%swap3A_144, %swap3A_145] {strides = array<i32>} : memref<112x128xf32, #tpu.memory_space<vmem>>, vector<1x16xf32>,
      %swap3A_147 = vector.shape_cast %swap3A_146 : vector<1x16xf32> to vector<16xf32>
      %swap3A_148 = vector.shape_cast %broadcast_in_dim3A_143 : vector<16xf32> to vector<1x16xf32>
      tpu.vector_store %arg10[%swap3A_144, %swap3A_145], %swap3A_148 {strides = array<i32>} : memref<112x128xf32, #tpu.memory_space<vmem>>, vector<1x16xf32>,
    }
    %scan3A_7 = arith.constant 112 : i32
    %add3A_8 = arith.constant 0 : i32
    %add3A_9 = arith.addi %mul3A_2, %add3A_8 : i32
    "tpu.region"() ({
      %run_scoped3A = tpu.sem_alloc : memref<!tpu.dma_semaphore, #tpu.memory_space<semaphore_mem>>
      %dma_start3A_94 = arith.constant 0 : i32
      %dma_start3A_95 = tpu.memref_slice %arg11[%add3A_9, %dma_start3A_94] : memref<10008x128xf32, #tpu.memory_space<vmem_shared>> -> memref<112x128xf32, #tpu.memory_space<vmem_shared>>
      %dma_start3A_96 = arith.constant 0 : i32
      %dma_start3A_97 = tpu.memref_slice %arg11[%add3A_9, %dma_start3A_96] : memref<10008x128xf32, #tpu.memory_space<vmem_shared>> -> memref<112x128xf32, #tpu.memory_space<vmem_shared>>
      tpu.enqueue_dma source(%arg10 : memref<112x128xf32, #tpu.memory_space<vmem>>) target(%dma_start3A_97 : memref<112x128xf32, #tpu.memory_space<vmem_shared>>) target_semaphore(%run_scoped3A : memref<!tpu.dma_semaphore, #tpu.memory_space<semaphore_mem>>)
      %dma_wait3A = arith.constant 0 : i32
      %dma_wait3A_98 = tpu.memref_slice %arg11[%add3A_9, %dma_wait3A] : memref<10008x128xf32, #tpu.memory_space<vmem_shared>> -> memref<112x128xf32, #tpu.memory_space<vmem_shared>>
      %dma_wait3A_99 = arith.constant 0 : i32
      %dma_wait3A_100 = tpu.memref_slice %arg11[%add3A_9, %dma_wait3A_99] : memref<10008x128xf32, #tpu.memory_space<vmem_shared>> -> memref<112x128xf32, #tpu.memory_space<vmem_shared>>
      tpu.wait_dma2 semaphore(%run_scoped3A : memref<!tpu.dma_semaphore, #tpu.memory_space<semaphore_mem>>) src(%arg10 : memref<112x128xf32, #tpu.memory_space<vmem>>) dst(%dma_wait3A_100 : memref<112x128xf32, #tpu.memory_space<vmem_shared>>)
      tpu.yield
    }) : () -> ()
    %add3A_10 = arith.constant 112 : i32
    %add3A_11 = arith.addi %mul3A_2, %add3A_10 : i32
    "tpu.region"() ({
      %run_scoped3A = tpu.sem_alloc : memref<!tpu.dma_semaphore, #tpu.memory_space<semaphore_mem>>
      %dma_start3A_94 = arith.constant 0 : i32
      %dma_start3A_95 = tpu.memref_slice %arg11[%add3A_11, %dma_start3A_94] : memref<10008x128xf32, #tpu.memory_space<vmem_shared>> -> memref<112x128xf32, #tpu.memory_space<vmem_shared>>
      %dma_start3A_96 = arith.constant 0 : i32
      %dma_start3A_97 = tpu.memref_slice %arg11[%add3A_11, %dma_start3A_96] : memref<10008x128xf32, #tpu.memory_space<vmem_shared>> -> memref<112x128xf32, #tpu.memory_space<vmem_shared>>
      tpu.enqueue_dma source(%arg10 : memref<112x128xf32, #tpu.memory_space<vmem>>) target(%dma_start3A_97 : memref<112x128xf32, #tpu.memory_space<vmem_shared>>) target_semaphore(%run_scoped3A : memref<!tpu.dma_semaphore, #tpu.memory_space<semaphore_mem>>)
      %dma_wait3A = arith.constant 0 : i32
      %dma_wait3A_98 = tpu.memref_slice %arg11[%add3A_11, %dma_wait3A] : memref<10008x128xf32, #tpu.memory_space<vmem_shared>> -> memref<112x128xf32, #tpu.memory_space<vmem_shared>>
      %dma_wait3A_99 = arith.constant 0 : i32
      %dma_wait3A_100 = tpu.memref_slice %arg11[%add3A_11, %dma_wait3A_99] : memref<10008x128xf32, #tpu.memory_space<vmem_shared>> -> memref<112x128xf32, #tpu.memory_space<vmem_shared>>
      tpu.wait_dma2 semaphore(%run_scoped3A : memref<!tpu.dma_semaphore, #tpu.memory_space<semaphore_mem>>) src(%arg10 : memref<112x128xf32, #tpu.memory_space<vmem>>) dst(%dma_wait3A_100 : memref<112x128xf32, #tpu.memory_space<vmem_shared>>)
      tpu.yield
    }) : () -> ()
    %add3A_12 = arith.constant 224 : i32
    %add3A_13 = arith.addi %mul3A_2, %add3A_12 : i32
    "tpu.region"() ({
      %run_scoped3A = tpu.sem_alloc : memref<!tpu.dma_semaphore, #tpu.memory_space<semaphore_mem>>
      %dma_start3A_94 = arith.constant 0 : i32
      %dma_start3A_95 = tpu.memref_slice %arg11[%add3A_13, %dma_start3A_94] : memref<10008x128xf32, #tpu.memory_space<vmem_shared>> -> memref<112x128xf32, #tpu.memory_space<vmem_shared>>
      %dma_start3A_96 = arith.constant 0 : i32
      %dma_start3A_97 = tpu.memref_slice %arg11[%add3A_13, %dma_start3A_96] : memref<10008x128xf32, #tpu.memory_space<vmem_shared>> -> memref<112x128xf32, #tpu.memory_space<vmem_shared>>
      tpu.enqueue_dma source(%arg10 : memref<112x128xf32, #tpu.memory_space<vmem>>) target(%dma_start3A_97 : memref<112x128xf32, #tpu.memory_space<vmem_shared>>) target_semaphore(%run_scoped3A : memref<!tpu.dma_semaphore, #tpu.memory_space<semaphore_mem>>)
      %dma_wait3A = arith.constant 0 : i32
      %dma_wait3A_98 = tpu.memref_slice %arg11[%add3A_13, %dma_wait3A] : memref<10008x128xf32, #tpu.memory_space<vmem_shared>> -> memref<112x128xf32, #tpu.memory_space<vmem_shared>>
      %dma_wait3A_99 = arith.constant 0 : i32
      %dma_wait3A_100 = tpu.memref_slice %arg11[%add3A_13, %dma_wait3A_99] : memref<10008x128xf32, #tpu.memory_space<vmem_shared>> -> memref<112x128xf32, #tpu.memory_space<vmem_shared>>
      tpu.wait_dma2 semaphore(%run_scoped3A : memref<!tpu.dma_semaphore, #tpu.memory_space<semaphore_mem>>) src(%arg10 : memref<112x128xf32, #tpu.memory_space<vmem>>) dst(%dma_wait3A_100 : memref<112x128xf32, #tpu.memory_space<vmem_shared>>)
      tpu.yield
    }) : () -> ()
    %add3A_14 = arith.constant 336 : i32
    %add3A_15 = arith.addi %mul3A_2, %add3A_14 : i32
    "tpu.region"() ({
      %run_scoped3A = tpu.sem_alloc : memref<!tpu.dma_semaphore, #tpu.memory_space<semaphore_mem>>
      %dma_start3A_94 = arith.constant 0 : i32
      %dma_start3A_95 = tpu.memref_slice %arg11[%add3A_15, %dma_start3A_94] : memref<10008x128xf32, #tpu.memory_space<vmem_shared>> -> memref<112x128xf32, #tpu.memory_space<vmem_shared>>
      %dma_start3A_96 = arith.constant 0 : i32
      %dma_start3A_97 = tpu.memref_slice %arg11[%add3A_15, %dma_start3A_96] : memref<10008x128xf32, #tpu.memory_space<vmem_shared>> -> memref<112x128xf32, #tpu.memory_space<vmem_shared>>
      tpu.enqueue_dma source(%arg10 : memref<112x128xf32, #tpu.memory_space<vmem>>) target(%dma_start3A_97 : memref<112x128xf32, #tpu.memory_space<vmem_shared>>) target_semaphore(%run_scoped3A : memref<!tpu.dma_semaphore, #tpu.memory_space<semaphore_mem>>)
      %dma_wait3A = arith.constant 0 : i32
      %dma_wait3A_98 = tpu.memref_slice %arg11[%add3A_15, %dma_wait3A] : memref<10008x128xf32, #tpu.memory_space<vmem_shared>> -> memref<112x128xf32, #tpu.memory_space<vmem_shared>>
      %dma_wait3A_99 = arith.constant 0 : i32
      %dma_wait3A_100 = tpu.memref_slice %arg11[%add3A_15, %dma_wait3A_99] : memref<10008x128xf32, #tpu.memory_space<vmem_shared>> -> memref<112x128xf32, #tpu.memory_space<vmem_shared>>
      tpu.wait_dma2 semaphore(%run_scoped3A : memref<!tpu.dma_semaphore, #tpu.memory_space<semaphore_mem>>) src(%arg10 : memref<112x128xf32, #tpu.memory_space<vmem>>) dst(%dma_wait3A_100 : memref<112x128xf32, #tpu.memory_space<vmem_shared>>)
      tpu.yield
    }) : () -> ()
    %add3A_16 = arith.constant 448 : i32
    %add3A_17 = arith.addi %mul3A_2, %add3A_16 : i32
    "tpu.region"() ({
      %run_scoped3A = tpu.sem_alloc : memref<!tpu.dma_semaphore, #tpu.memory_space<semaphore_mem>>
      %dma_start3A_94 = arith.constant 0 : i32
      %dma_start3A_95 = tpu.memref_slice %arg11[%add3A_17, %dma_start3A_94] : memref<10008x128xf32, #tpu.memory_space<vmem_shared>> -> memref<112x128xf32, #tpu.memory_space<vmem_shared>>
      %dma_start3A_96 = arith.constant 0 : i32
      %dma_start3A_97 = tpu.memref_slice %arg11[%add3A_17, %dma_start3A_96] : memref<10008x128xf32, #tpu.memory_space<vmem_shared>> -> memref<112x128xf32, #tpu.memory_space<vmem_shared>>
      tpu.enqueue_dma source(%arg10 : memref<112x128xf32, #tpu.memory_space<vmem>>) target(%dma_start3A_97 : memref<112x128xf32, #tpu.memory_space<vmem_shared>>) target_semaphore(%run_scoped3A : memref<!tpu.dma_semaphore, #tpu.memory_space<semaphore_mem>>)
      %dma_wait3A = arith.constant 0 : i32
      %dma_wait3A_98 = tpu.memref_slice %arg11[%add3A_17, %dma_wait3A] : memref<10008x128xf32, #tpu.memory_space<vmem_shared>> -> memref<112x128xf32, #tpu.memory_space<vmem_shared>>
      %dma_wait3A_99 = arith.constant 0 : i32
      %dma_wait3A_100 = tpu.memref_slice %arg11[%add3A_17, %dma_wait3A_99] : memref<10008x128xf32, #tpu.memory_space<vmem_shared>> -> memref<112x128xf32, #tpu.memory_space<vmem_shared>>
      tpu.wait_dma2 semaphore(%run_scoped3A : memref<!tpu.dma_semaphore, #tpu.memory_space<semaphore_mem>>) src(%arg10 : memref<112x128xf32, #tpu.memory_space<vmem>>) dst(%dma_wait3A_100 : memref<112x128xf32, #tpu.memory_space<vmem_shared>>)
      tpu.yield
    }) : () -> ()
    %add3A_18 = arith.constant 624 : i32
    %add3A_19 = arith.addi %mul3A_2, %add3A_18 : i32
    %sub3A = arith.constant 64 : i32
    %sub3A_20 = arith.subi %add3A_19, %sub3A : i32
    "tpu.region"() ({
      %run_scoped3A = tpu.sem_alloc : memref<!tpu.dma_semaphore, #tpu.memory_space<semaphore_mem>>
      %dma_start3A_94 = arith.constant 0 : i32
      %dma_start3A_95 = arith.constant 0 : i32
      %dma_start3A_96 = tpu.memref_slice %arg10[%dma_start3A_94, %dma_start3A_95] : memref<112x128xf32, #tpu.memory_space<vmem>> -> memref<64x128xf32, #tpu.memory_space<vmem>>
      %dma_start3A_97 = arith.constant 0 : i32
      %dma_start3A_98 = tpu.memref_slice %arg11[%sub3A_20, %dma_start3A_97] : memref<10008x128xf32, #tpu.memory_space<vmem_shared>> -> memref<64x128xf32, #tpu.memory_space<vmem_shared>>
      %dma_start3A_99 = arith.constant 0 : i32
      %dma_start3A_100 = tpu.memref_slice %arg11[%sub3A_20, %dma_start3A_99] : memref<10008x128xf32, #tpu.memory_space<vmem_shared>> -> memref<64x128xf32, #tpu.memory_space<vmem_shared>>
      %dma_start3A_101 = arith.constant 0 : i32
      %dma_start3A_102 = arith.constant 0 : i32
      %dma_start3A_103 = tpu.memref_slice %arg10[%dma_start3A_101, %dma_start3A_102] : memref<112x128xf32, #tpu.memory_space<vmem>> -> memref<64x128xf32, #tpu.memory_space<vmem>>
      tpu.enqueue_dma source(%dma_start3A_103 : memref<64x128xf32, #tpu.memory_space<vmem>>) target(%dma_start3A_100 : memref<64x128xf32, #tpu.memory_space<vmem_shared>>) target_semaphore(%run_scoped3A : memref<!tpu.dma_semaphore, #tpu.memory_space<semaphore_mem>>)
      %dma_wait3A = arith.constant 0 : i32
      %dma_wait3A_104 = arith.constant 0 : i32
      %dma_wait3A_105 = tpu.memref_slice %arg10[%dma_wait3A, %dma_wait3A_104] : memref<112x128xf32, #tpu.memory_space<vmem>> -> memref<64x128xf32, #tpu.memory_space<vmem>>
      %dma_wait3A_106 = arith.constant 0 : i32
      %dma_wait3A_107 = tpu.memref_slice %arg11[%sub3A_20, %dma_wait3A_106] : memref<10008x128xf32, #tpu.memory_space<vmem_shared>> -> memref<64x128xf32, #tpu.memory_space<vmem_shared>>
      %dma_wait3A_108 = arith.constant 0 : i32
      %dma_wait3A_109 = tpu.memref_slice %arg11[%sub3A_20, %dma_wait3A_108] : memref<10008x128xf32, #tpu.memory_space<vmem_shared>> -> memref<64x128xf32, #tpu.memory_space<vmem_shared>>
      %dma_wait3A_110 = arith.constant 0 : i32
      %dma_wait3A_111 = arith.constant 0 : i32
      %dma_wait3A_112 = tpu.memref_slice %arg10[%dma_wait3A_110, %dma_wait3A_111] : memref<112x128xf32, #tpu.memory_space<vmem>> -> memref<64x128xf32, #tpu.memory_space<vmem>>
      tpu.wait_dma2 semaphore(%run_scoped3A : memref<!tpu.dma_semaphore, #tpu.memory_space<semaphore_mem>>) src(%dma_wait3A_112 : memref<64x128xf32, #tpu.memory_space<vmem>>) dst(%dma_wait3A_109 : memref<64x128xf32, #tpu.memory_space<vmem_shared>>)
      tpu.yield
    }) : () -> ()
    %eq3A = arith.constant 15 : i32
    %eq3A_21 = arith.cmpi eq, %arg1, %eq3A : i32
    %convert_element_type3A = arith.extui %eq3A_21 : i1 to i32
    %cond3A = arith.constant 0 : i32
    %cond3A_22 = arith.cmpi ne, %convert_element_type3A, %cond3A : i32
    scf.if %cond3A_22 {
      "tpu.region"() ({
        %run_scoped3A = tpu.sem_alloc : memref<!tpu.dma_semaphore, #tpu.memory_space<semaphore_mem>>
        %dma_start3A_94 = arith.constant 0 : i32
        %dma_start3A_95 = arith.constant 0 : i32
        %dma_start3A_96 = tpu.memref_slice %arg10[%dma_start3A_94, %dma_start3A_95] : memref<112x128xf32, #tpu.memory_space<vmem>> -> memref<16x128xf32, #tpu.memory_space<vmem>>
        %dma_start3A_97 = arith.constant 9984 : i32
        %dma_start3A_98 = arith.constant 0 : i32
        %dma_start3A_99 = tpu.memref_slice %arg11[%dma_start3A_97, %dma_start3A_98] : memref<10008x128xf32, #tpu.memory_space<vmem_shared>> -> memref<16x128xf32, #tpu.memory_space<vmem_shared>>
        %dma_start3A_100 = arith.constant 9984 : i32
        %dma_start3A_101 = arith.constant 0 : i32
        %dma_start3A_102 = tpu.memref_slice %arg11[%dma_start3A_100, %dma_start3A_101] : memref<10008x128xf32, #tpu.memory_space<vmem_shared>> -> memref<16x128xf32, #tpu.memory_space<vmem_shared>>
        %dma_start3A_103 = arith.constant 0 : i32
        %dma_start3A_104 = arith.constant 0 : i32
        %dma_start3A_105 = tpu.memref_slice %arg10[%dma_start3A_103, %dma_start3A_104] : memref<112x128xf32, #tpu.memory_space<vmem>> -> memref<16x128xf32, #tpu.memory_space<vmem>>
        tpu.enqueue_dma source(%dma_start3A_105 : memref<16x128xf32, #tpu.memory_space<vmem>>) target(%dma_start3A_102 : memref<16x128xf32, #tpu.memory_space<vmem_shared>>) target_semaphore(%run_scoped3A : memref<!tpu.dma_semaphore, #tpu.memory_space<semaphore_mem>>)
        %dma_wait3A = arith.constant 0 : i32
        %dma_wait3A_106 = arith.constant 0 : i32
        %dma_wait3A_107 = tpu.memref_slice %arg10[%dma_wait3A, %dma_wait3A_106] : memref<112x128xf32, #tpu.memory_space<vmem>> -> memref<16x128xf32, #tpu.memory_space<vmem>>
        %dma_wait3A_108 = arith.constant 9984 : i32
        %dma_wait3A_109 = arith.constant 0 : i32
        %dma_wait3A_110 = tpu.memref_slice %arg11[%dma_wait3A_108, %dma_wait3A_109] : memref<10008x128xf32, #tpu.memory_space<vmem_shared>> -> memref<16x128xf32, #tpu.memory_space<vmem_shared>>
        %dma_wait3A_111 = arith.constant 9984 : i32
        %dma_wait3A_112 = arith.constant 0 : i32
        %dma_wait3A_113 = tpu.memref_slice %arg11[%dma_wait3A_111, %dma_wait3A_112] : memref<10008x128xf32, #tpu.memory_space<vmem_shared>> -> memref<16x128xf32, #tpu.memory_space<vmem_shared>>
        %dma_wait3A_114 = arith.constant 0 : i32
        %dma_wait3A_115 = arith.constant 0 : i32
        %dma_wait3A_116 = tpu.memref_slice %arg10[%dma_wait3A_114, %dma_wait3A_115] : memref<112x128xf32, #tpu.memory_space<vmem>> -> memref<16x128xf32, #tpu.memory_space<vmem>>
        tpu.wait_dma2 semaphore(%run_scoped3A : memref<!tpu.dma_semaphore, #tpu.memory_space<semaphore_mem>>) src(%dma_wait3A_116 : memref<16x128xf32, #tpu.memory_space<vmem>>) dst(%dma_wait3A_113 : memref<16x128xf32, #tpu.memory_space<vmem_shared>>)
        tpu.yield
      }) : () -> ()
    } else {
    }
    %scan3A_23 = arith.constant 0 : i32
    %scan3A_24 = arith.constant 0 : i32
    %scan3A_25 = arith.constant 112 : i32
    %scan3A_26 = arith.addi %scan3A_24, %scan3A_25 : i32
    %scan3A_27 = arith.constant 1 : i32
    scf.for %scan3A_94 = %scan3A_24 to %scan3A_26 step %scan3A_27  : i32 {
      %broadcast_in_dim3A = arith.constant 1.000000e+00 : f32
      %broadcast_in_dim3A_95 = vector.broadcast %broadcast_in_dim3A : f32 to vector<16xf32>
      %swap3A = arith.index_cast %scan3A_94 : i32 to index
      %swap3A_96 = arith.constant 0 : index
      %swap3A_97 = tpu.vector_load %arg10[%swap3A, %swap3A_96] {strides = array<i32>} : memref<112x128xf32, #tpu.memory_space<vmem>>, vector<1x16xf32>,
      %swap3A_98 = vector.shape_cast %swap3A_97 : vector<1x16xf32> to vector<16xf32>
      %swap3A_99 = vector.shape_cast %broadcast_in_dim3A_95 : vector<16xf32> to vector<1x16xf32>
      tpu.vector_store %arg10[%swap3A, %swap3A_96], %swap3A_99 {strides = array<i32>} : memref<112x128xf32, #tpu.memory_space<vmem>>, vector<1x16xf32>,
      %broadcast_in_dim3A_100 = arith.constant 1.000000e+00 : f32
      %broadcast_in_dim3A_101 = vector.broadcast %broadcast_in_dim3A_100 : f32 to vector<16xf32>
      %swap3A_102 = arith.index_cast %scan3A_94 : i32 to index
      %swap3A_103 = arith.constant 16 : index
      %swap3A_104 = tpu.vector_load %arg10[%swap3A_102, %swap3A_103] {strides = array<i32>} : memref<112x128xf32, #tpu.memory_space<vmem>>, vector<1x16xf32>,
      %swap3A_105 = vector.shape_cast %swap3A_104 : vector<1x16xf32> to vector<16xf32>
      %swap3A_106 = vector.shape_cast %broadcast_in_dim3A_101 : vector<16xf32> to vector<1x16xf32>
      tpu.vector_store %arg10[%swap3A_102, %swap3A_103], %swap3A_106 {strides = array<i32>} : memref<112x128xf32, #tpu.memory_space<vmem>>, vector<1x16xf32>,
      %broadcast_in_dim3A_107 = arith.constant 1.000000e+00 : f32
      %broadcast_in_dim3A_108 = vector.broadcast %broadcast_in_dim3A_107 : f32 to vector<16xf32>
      %swap3A_109 = arith.index_cast %scan3A_94 : i32 to index
      %swap3A_110 = arith.constant 32 : index
      %swap3A_111 = tpu.vector_load %arg10[%swap3A_109, %swap3A_110] {strides = array<i32>} : memref<112x128xf32, #tpu.memory_space<vmem>>, vector<1x16xf32>,
      %swap3A_112 = vector.shape_cast %swap3A_111 : vector<1x16xf32> to vector<16xf32>
      %swap3A_113 = vector.shape_cast %broadcast_in_dim3A_108 : vector<16xf32> to vector<1x16xf32>
      tpu.vector_store %arg10[%swap3A_109, %swap3A_110], %swap3A_113 {strides = array<i32>} : memref<112x128xf32, #tpu.memory_space<vmem>>, vector<1x16xf32>,
      %broadcast_in_dim3A_114 = arith.constant 1.000000e+00 : f32
      %broadcast_in_dim3A_115 = vector.broadcast %broadcast_in_dim3A_114 : f32 to vector<16xf32>
      %swap3A_116 = arith.index_cast %scan3A_94 : i32 to index
      %swap3A_117 = arith.constant 48 : index
      %swap3A_118 = tpu.vector_load %arg10[%swap3A_116, %swap3A_117] {strides = array<i32>} : memref<112x128xf32, #tpu.memory_space<vmem>>, vector<1x16xf32>,
      %swap3A_119 = vector.shape_cast %swap3A_118 : vector<1x16xf32> to vector<16xf32>
      %swap3A_120 = vector.shape_cast %broadcast_in_dim3A_115 : vector<16xf32> to vector<1x16xf32>
      tpu.vector_store %arg10[%swap3A_116, %swap3A_117], %swap3A_120 {strides = array<i32>} : memref<112x128xf32, #tpu.memory_space<vmem>>, vector<1x16xf32>,
      %broadcast_in_dim3A_121 = arith.constant 1.000000e+00 : f32
      %broadcast_in_dim3A_122 = vector.broadcast %broadcast_in_dim3A_121 : f32 to vector<16xf32>
      %swap3A_123 = arith.index_cast %scan3A_94 : i32 to index
      %swap3A_124 = arith.constant 64 : index
      %swap3A_125 = tpu.vector_load %arg10[%swap3A_123, %swap3A_124] {strides = array<i32>} : memref<112x128xf32, #tpu.memory_space<vmem>>, vector<1x16xf32>,
      %swap3A_126 = vector.shape_cast %swap3A_125 : vector<1x16xf32> to vector<16xf32>
      %swap3A_127 = vector.shape_cast %broadcast_in_dim3A_122 : vector<16xf32> to vector<1x16xf32>
      tpu.vector_store %arg10[%swap3A_123, %swap3A_124], %swap3A_127 {strides = array<i32>} : memref<112x128xf32, #tpu.memory_space<vmem>>, vector<1x16xf32>,
      %broadcast_in_dim3A_128 = arith.constant 1.000000e+00 : f32
      %broadcast_in_dim3A_129 = vector.broadcast %broadcast_in_dim3A_128 : f32 to vector<16xf32>
      %swap3A_130 = arith.index_cast %scan3A_94 : i32 to index
      %swap3A_131 = arith.constant 80 : index
      %swap3A_132 = tpu.vector_load %arg10[%swap3A_130, %swap3A_131] {strides = array<i32>} : memref<112x128xf32, #tpu.memory_space<vmem>>, vector<1x16xf32>,
      %swap3A_133 = vector.shape_cast %swap3A_132 : vector<1x16xf32> to vector<16xf32>
      %swap3A_134 = vector.shape_cast %broadcast_in_dim3A_129 : vector<16xf32> to vector<1x16xf32>
      tpu.vector_store %arg10[%swap3A_130, %swap3A_131], %swap3A_134 {strides = array<i32>} : memref<112x128xf32, #tpu.memory_space<vmem>>, vector<1x16xf32>,
      %broadcast_in_dim3A_135 = arith.constant 1.000000e+00 : f32
      %broadcast_in_dim3A_136 = vector.broadcast %broadcast_in_dim3A_135 : f32 to vector<16xf32>
      %swap3A_137 = arith.index_cast %scan3A_94 : i32 to index
      %swap3A_138 = arith.constant 96 : index
      %swap3A_139 = tpu.vector_load %arg10[%swap3A_137, %swap3A_138] {strides = array<i32>} : memref<112x128xf32, #tpu.memory_space<vmem>>, vector<1x16xf32>,
      %swap3A_140 = vector.shape_cast %swap3A_139 : vector<1x16xf32> to vector<16xf32>
      %swap3A_141 = vector.shape_cast %broadcast_in_dim3A_136 : vector<16xf32> to vector<1x16xf32>
      tpu.vector_store %arg10[%swap3A_137, %swap3A_138], %swap3A_141 {strides = array<i32>} : memref<112x128xf32, #tpu.memory_space<vmem>>, vector<1x16xf32>,
      %broadcast_in_dim3A_142 = arith.constant 1.000000e+00 : f32
      %broadcast_in_dim3A_143 = vector.broadcast %broadcast_in_dim3A_142 : f32 to vector<16xf32>
      %swap3A_144 = arith.index_cast %scan3A_94 : i32 to index
      %swap3A_145 = arith.constant 112 : index
      %swap3A_146 = tpu.vector_load %arg10[%swap3A_144, %swap3A_145] {strides = array<i32>} : memref<112x128xf32, #tpu.memory_space<vmem>>, vector<1x16xf32>,
      %swap3A_147 = vector.shape_cast %swap3A_146 : vector<1x16xf32> to vector<16xf32>
      %swap3A_148 = vector.shape_cast %broadcast_in_dim3A_143 : vector<16xf32> to vector<1x16xf32>
      tpu.vector_store %arg10[%swap3A_144, %swap3A_145], %swap3A_148 {strides = array<i32>} : memref<112x128xf32, #tpu.memory_space<vmem>>, vector<1x16xf32>,
    }
    %scan3A_28 = arith.constant 112 : i32
    %barrier3A = arith.constant 0 : index
    tpu.barrier barrier_id(%barrier3A)
    %dma_start3A = arith.constant 0 : i32
    %dma_start3A_29 = arith.constant 0 : i32
    %dma_start3A_30 = arith.constant 0 : i32
    %dma_start3A_31 = tpu.memref_slice %arg2[%add3A, %dma_start3A, %dma_start3A_29, %dma_start3A_30] : memref<32x90x2x112xi32, #tpu.memory_space<hbm>> -> memref<1x1x2x112xi32, #tpu.memory_space<hbm>>
    %dma_start3A_32 = tpu.memref_squeeze %dma_start3A_31 : memref<1x1x2x112xi32, #tpu.memory_space<hbm>> -> memref<2x112xi32, #tpu.memory_space<hbm>>
    %dma_start3A_33 = arith.constant 0 : i32
    %dma_start3A_34 = arith.constant 0 : i32
    %dma_start3A_35 = tpu.memref_slice %arg2[%add3A, %dma_start3A, %dma_start3A_33, %dma_start3A_34] : memref<32x90x2x112xi32, #tpu.memory_space<hbm>> -> memref<1x1x2x112xi32, #tpu.memory_space<hbm>>
    %dma_start3A_36 = tpu.memref_squeeze %dma_start3A_35 : memref<1x1x2x112xi32, #tpu.memory_space<hbm>> -> memref<2x112xi32, #tpu.memory_space<hbm>>
    tpu.enqueue_dma source(%dma_start3A_36 : memref<2x112xi32, #tpu.memory_space<hbm>>) target(%arg4 : memref<2x112xi32, #tpu.memory_space<vmem>>) target_semaphore(%arg12 : memref<!tpu.dma_semaphore, #tpu.memory_space<semaphore_mem>>)
    %dma_start3A_37 = arith.constant 1 : i32
    %dma_start3A_38 = arith.constant 0 : i32
    %dma_start3A_39 = arith.constant 0 : i32
    %dma_start3A_40 = tpu.memref_slice %arg2[%add3A, %dma_start3A_37, %dma_start3A_38, %dma_start3A_39] : memref<32x90x2x112xi32, #tpu.memory_space<hbm>> -> memref<1x1x2x112xi32, #tpu.memory_space<hbm>>
    %dma_start3A_41 = tpu.memref_squeeze %dma_start3A_40 : memref<1x1x2x112xi32, #tpu.memory_space<hbm>> -> memref<2x112xi32, #tpu.memory_space<hbm>>
    %dma_start3A_42 = arith.constant 0 : i32
    %dma_start3A_43 = arith.constant 0 : i32
    %dma_start3A_44 = tpu.memref_slice %arg2[%add3A, %dma_start3A_37, %dma_start3A_42, %dma_start3A_43] : memref<32x90x2x112xi32, #tpu.memory_space<hbm>> -> memref<1x1x2x112xi32, #tpu.memory_space<hbm>>
    %dma_start3A_45 = tpu.memref_squeeze %dma_start3A_44 : memref<1x1x2x112xi32, #tpu.memory_space<hbm>> -> memref<2x112xi32, #tpu.memory_space<hbm>>
    tpu.enqueue_dma source(%dma_start3A_45 : memref<2x112xi32, #tpu.memory_space<hbm>>) target(%arg5 : memref<2x112xi32, #tpu.memory_space<vmem>>) target_semaphore(%arg13 : memref<!tpu.dma_semaphore, #tpu.memory_space<semaphore_mem>>)
    %dma_start3A_46 = arith.constant 2 : i32
    %dma_start3A_47 = arith.constant 0 : i32
    %dma_start3A_48 = arith.constant 0 : i32
    %dma_start3A_49 = tpu.memref_slice %arg2[%add3A, %dma_start3A_46, %dma_start3A_47, %dma_start3A_48] : memref<32x90x2x112xi32, #tpu.memory_space<hbm>> -> memref<1x1x2x112xi32, #tpu.memory_space<hbm>>
    %dma_start3A_50 = tpu.memref_squeeze %dma_start3A_49 : memref<1x1x2x112xi32, #tpu.memory_space<hbm>> -> memref<2x112xi32, #tpu.memory_space<hbm>>
    %dma_start3A_51 = arith.constant 0 : i32
    %dma_start3A_52 = arith.constant 0 : i32
    %dma_start3A_53 = tpu.memref_slice %arg2[%add3A, %dma_start3A_46, %dma_start3A_51, %dma_start3A_52] : memref<32x90x2x112xi32, #tpu.memory_space<hbm>> -> memref<1x1x2x112xi32, #tpu.memory_space<hbm>>
    %dma_start3A_54 = tpu.memref_squeeze %dma_start3A_53 : memref<1x1x2x112xi32, #tpu.memory_space<hbm>> -> memref<2x112xi32, #tpu.memory_space<hbm>>
    tpu.enqueue_dma source(%dma_start3A_54 : memref<2x112xi32, #tpu.memory_space<hbm>>) target(%arg6 : memref<2x112xi32, #tpu.memory_space<vmem>>) target_semaphore(%arg14 : memref<!tpu.dma_semaphore, #tpu.memory_space<semaphore_mem>>)
    %dma_start3A_55 = arith.constant 3 : i32
    %dma_start3A_56 = arith.constant 0 : i32
    %dma_start3A_57 = arith.constant 0 : i32
    %dma_start3A_58 = tpu.memref_slice %arg2[%add3A, %dma_start3A_55, %dma_start3A_56, %dma_start3A_57] : memref<32x90x2x112xi32, #tpu.memory_space<hbm>> -> memref<1x1x2x112xi32, #tpu.memory_space<hbm>>
    %dma_start3A_59 = tpu.memref_squeeze %dma_start3A_58 : memref<1x1x2x112xi32, #tpu.memory_space<hbm>> -> memref<2x112xi32, #tpu.memory_space<hbm>>
    %dma_start3A_60 = arith.constant 0 : i32
    %dma_start3A_61 = arith.constant 0 : i32
    %dma_start3A_62 = tpu.memref_slice %arg2[%add3A, %dma_start3A_55, %dma_start3A_60, %dma_start3A_61] : memref<32x90x2x112xi32, #tpu.memory_space<hbm>> -> memref<1x1x2x112xi32, #tpu.memory_space<hbm>>
    %dma_start3A_63 = tpu.memref_squeeze %dma_start3A_62 : memref<1x1x2x112xi32, #tpu.memory_space<hbm>> -> memref<2x112xi32, #tpu.memory_space<hbm>>
    tpu.enqueue_dma source(%dma_start3A_63 : memref<2x112xi32, #tpu.memory_space<hbm>>) target(%arg7 : memref<2x112xi32, #tpu.memory_space<vmem>>) target_semaphore(%arg15 : memref<!tpu.dma_semaphore, #tpu.memory_space<semaphore_mem>>)
    %dma_start3A_64 = arith.constant 4 : i32
    %dma_start3A_65 = arith.constant 0 : i32
    %dma_start3A_66 = arith.constant 0 : i32
    %dma_start3A_67 = tpu.memref_slice %arg2[%add3A, %dma_start3A_64, %dma_start3A_65, %dma_start3A_66] : memref<32x90x2x112xi32, #tpu.memory_space<hbm>> -> memref<1x1x2x112xi32, #tpu.memory_space<hbm>>
    %dma_start3A_68 = tpu.memref_squeeze %dma_start3A_67 : memref<1x1x2x112xi32, #tpu.memory_space<hbm>> -> memref<2x112xi32, #tpu.memory_space<hbm>>
    %dma_start3A_69 = arith.constant 0 : i32
    %dma_start3A_70 = arith.constant 0 : i32
    %dma_start3A_71 = tpu.memref_slice %arg2[%add3A, %dma_start3A_64, %dma_start3A_69, %dma_start3A_70] : memref<32x90x2x112xi32, #tpu.memory_space<hbm>> -> memref<1x1x2x112xi32, #tpu.memory_space<hbm>>
    %dma_start3A_72 = tpu.memref_squeeze %dma_start3A_71 : memref<1x1x2x112xi32, #tpu.memory_space<hbm>> -> memref<2x112xi32, #tpu.memory_space<hbm>>
    tpu.enqueue_dma source(%dma_start3A_72 : memref<2x112xi32, #tpu.memory_space<hbm>>) target(%arg8 : memref<2x112xi32, #tpu.memory_space<vmem>>) target_semaphore(%arg16 : memref<!tpu.dma_semaphore, #tpu.memory_space<semaphore_mem>>)
    %dma_start3A_73 = arith.constant 5 : i32
    %dma_start3A_74 = arith.constant 0 : i32
    %dma_start3A_75 = arith.constant 0 : i32
    %dma_start3A_76 = tpu.memref_slice %arg2[%add3A, %dma_start3A_73, %dma_start3A_74, %dma_start3A_75] : memref<32x90x2x112xi32, #tpu.memory_space<hbm>> -> memref<1x1x2x112xi32, #tpu.memory_space<hbm>>
    %dma_start3A_77 = tpu.memref_squeeze %dma_start3A_76 : memref<1x1x2x112xi32, #tpu.memory_space<hbm>> -> memref<2x112xi32, #tpu.memory_space<hbm>>
    %dma_start3A_78 = arith.constant 0 : i32
    %dma_start3A_79 = arith.constant 0 : i32
    %dma_start3A_80 = tpu.memref_slice %arg2[%add3A, %dma_start3A_73, %dma_start3A_78, %dma_start3A_79] : memref<32x90x2x112xi32, #tpu.memory_space<hbm>> -> memref<1x1x2x112xi32, #tpu.memory_space<hbm>>
    %dma_start3A_81 = tpu.memref_squeeze %dma_start3A_80 : memref<1x1x2x112xi32, #tpu.memory_space<hbm>> -> memref<2x112xi32, #tpu.memory_space<hbm>>
    tpu.enqueue_dma source(%dma_start3A_81 : memref<2x112xi32, #tpu.memory_space<hbm>>) target(%arg9 : memref<2x112xi32, #tpu.memory_space<vmem>>) target_semaphore(%arg17 : memref<!tpu.dma_semaphore, #tpu.memory_space<semaphore_mem>>)
    %scan3A_82 = arith.constant 0 : i32
    %scan3A_83 = arith.constant 0 : i32
    %scan3A_84 = arith.constant 15 : i32
    %scan3A_85 = arith.addi %scan3A_83, %scan3A_84 : i32
    %scan3A_86 = arith.constant 1 : i32
    scf.for %scan3A_94 = %scan3A_83 to %scan3A_85 step %scan3A_86  : i32 {
      %mul3A_95 = arith.constant 6 : i32
      %mul3A_96 = arith.muli %scan3A_94, %mul3A_95 : i32
      %add3A_97 = arith.constant 0 : i32
      %add3A_98 = arith.addi %mul3A_96, %add3A_97 : i32
      %dma_wait3A = arith.constant 0 : i32
      %dma_wait3A_99 = arith.constant 0 : i32
      %dma_wait3A_100 = arith.constant 0 : i32
      %dma_wait3A_101 = tpu.memref_slice %arg2[%add3A, %dma_wait3A, %dma_wait3A_99, %dma_wait3A_100] : memref<32x90x2x112xi32, #tpu.memory_space<hbm>> -> memref<1x1x2x112xi32, #tpu.memory_space<hbm>>
      %dma_wait3A_102 = tpu.memref_squeeze %dma_wait3A_101 : memref<1x1x2x112xi32, #tpu.memory_space<hbm>> -> memref<2x112xi32, #tpu.memory_space<hbm>>
      %dma_wait3A_103 = arith.constant 0 : i32
      %dma_wait3A_104 = arith.constant 0 : i32
      %dma_wait3A_105 = tpu.memref_slice %arg2[%add3A, %dma_wait3A, %dma_wait3A_103, %dma_wait3A_104] : memref<32x90x2x112xi32, #tpu.memory_space<hbm>> -> memref<1x1x2x112xi32, #tpu.memory_space<hbm>>
      %dma_wait3A_106 = tpu.memref_squeeze %dma_wait3A_105 : memref<1x1x2x112xi32, #tpu.memory_space<hbm>> -> memref<2x112xi32, #tpu.memory_space<hbm>>
      tpu.wait_dma2 semaphore(%arg12 : memref<!tpu.dma_semaphore, #tpu.memory_space<semaphore_mem>>) src(%dma_wait3A_106 : memref<2x112xi32, #tpu.memory_space<hbm>>) dst(%arg4 : memref<2x112xi32, #tpu.memory_space<vmem>>)
      %run_scoped3A = arith.constant 1 : i32
      "tpu.region"() ({
        %run_scoped3A_206 = tpu.sem_alloc : memref<!tpu.dma_semaphore, #tpu.memory_space<semaphore_mem>>
        %dma_start3A_207 = arith.constant 0 : i32
        %dma_start3A_208 = tpu.memref_slice %arg4[%run_scoped3A, %dma_start3A_207] : memref<2x112xi32, #tpu.memory_space<vmem>> -> memref<1x112xi32, #tpu.memory_space<vmem>>
        %dma_start3A_209 = tpu.memref_squeeze %dma_start3A_208 : memref<1x112xi32, #tpu.memory_space<vmem>> -> memref<112xi32, #tpu.memory_space<vmem>>
        %dma_start3A_210 = arith.constant 0 : i32
        %dma_start3A_211 = arith.constant 0 : i32
        %dma_start3A_212 = tpu.memref_slice %arg11[%dma_start3A_210, %dma_start3A_211] : memref<10008x128xf32, #tpu.memory_space<vmem_shared>> -> memref<10008x128xf32, #tpu.memory_space<vmem_shared>>
        tpu.enqueue_indirect_dma source(%arg10 : memref<112x128xf32, #tpu.memory_space<vmem>>) target(%dma_start3A_212 : memref<10008x128xf32, #tpu.memory_space<vmem_shared>>) offsets(%dma_start3A_209 : memref<112xi32, #tpu.memory_space<vmem>>) semaphore(%run_scoped3A_206 : memref<!tpu.dma_semaphore, #tpu.memory_space<semaphore_mem>>) {add = true}
        %dma_wait3A_213 = arith.constant 0 : i32
        %dma_wait3A_214 = tpu.memref_slice %arg4[%run_scoped3A, %dma_wait3A_213] : memref<2x112xi32, #tpu.memory_space<vmem>> -> memref<1x112xi32, #tpu.memory_space<vmem>>
        %dma_wait3A_215 = tpu.memref_squeeze %dma_wait3A_214 : memref<1x112xi32, #tpu.memory_space<vmem>> -> memref<112xi32, #tpu.memory_space<vmem>>
        %dma_wait3A_216 = arith.constant 0 : i32
        %dma_wait3A_217 = arith.constant 0 : i32
        %dma_wait3A_218 = tpu.memref_slice %arg11[%dma_wait3A_216, %dma_wait3A_217] : memref<10008x128xf32, #tpu.memory_space<vmem_shared>> -> memref<10008x128xf32, #tpu.memory_space<vmem_shared>>
        tpu.wait_indirect_dma semaphore(%run_scoped3A_206 : memref<!tpu.dma_semaphore, #tpu.memory_space<semaphore_mem>>) src(%arg10 : memref<112x128xf32, #tpu.memory_space<vmem>>) dst(%dma_wait3A_218 : memref<10008x128xf32, #tpu.memory_space<vmem_shared>>)
        tpu.yield
      }) : () -> ()
      %lt3A = arith.constant 84 : i32
      %lt3A_107 = arith.cmpi slt, %add3A_98, %lt3A : i32
      %convert_element_type3A_108 = arith.extui %lt3A_107 : i1 to i32
      %cond3A_109 = arith.constant 0 : i32
      %cond3A_110 = arith.cmpi ne, %convert_element_type3A_108, %cond3A_109 : i32
      scf.if %cond3A_110 {
        %add3A_206 = arith.constant 6 : i32
        %add3A_207 = arith.addi %add3A_98, %add3A_206 : i32
        %dma_start3A_208 = arith.constant 0 : i32
        %dma_start3A_209 = arith.constant 0 : i32
        %dma_start3A_210 = tpu.memref_slice %arg2[%add3A, %add3A_207, %dma_start3A_208, %dma_start3A_209] : memref<32x90x2x112xi32, #tpu.memory_space<hbm>> -> memref<1x1x2x112xi32, #tpu.memory_space<hbm>>
        %dma_start3A_211 = tpu.memref_squeeze %dma_start3A_210 : memref<1x1x2x112xi32, #tpu.memory_space<hbm>> -> memref<2x112xi32, #tpu.memory_space<hbm>>
        %dma_start3A_212 = arith.constant 0 : i32
        %dma_start3A_213 = arith.constant 0 : i32
        %dma_start3A_214 = tpu.memref_slice %arg2[%add3A, %add3A_207, %dma_start3A_212, %dma_start3A_213] : memref<32x90x2x112xi32, #tpu.memory_space<hbm>> -> memref<1x1x2x112xi32, #tpu.memory_space<hbm>>
        %dma_start3A_215 = tpu.memref_squeeze %dma_start3A_214 : memref<1x1x2x112xi32, #tpu.memory_space<hbm>> -> memref<2x112xi32, #tpu.memory_space<hbm>>
        tpu.enqueue_dma source(%dma_start3A_215 : memref<2x112xi32, #tpu.memory_space<hbm>>) target(%arg4 : memref<2x112xi32, #tpu.memory_space<vmem>>) target_semaphore(%arg12 : memref<!tpu.dma_semaphore, #tpu.memory_space<semaphore_mem>>)
      } else {
      }
      %mul3A_111 = arith.constant 6 : i32
      %mul3A_112 = arith.muli %scan3A_94, %mul3A_111 : i32
      %add3A_113 = arith.constant 1 : i32
      %add3A_114 = arith.addi %mul3A_112, %add3A_113 : i32
      %dma_wait3A_115 = arith.constant 0 : i32
      %dma_wait3A_116 = arith.constant 0 : i32
      %dma_wait3A_117 = arith.constant 0 : i32
      %dma_wait3A_118 = tpu.memref_slice %arg2[%add3A, %dma_wait3A_115, %dma_wait3A_116, %dma_wait3A_117] : memref<32x90x2x112xi32, #tpu.memory_space<hbm>> -> memref<1x1x2x112xi32, #tpu.memory_space<hbm>>
      %dma_wait3A_119 = tpu.memref_squeeze %dma_wait3A_118 : memref<1x1x2x112xi32, #tpu.memory_space<hbm>> -> memref<2x112xi32, #tpu.memory_space<hbm>>
      %dma_wait3A_120 = arith.constant 0 : i32
      %dma_wait3A_121 = arith.constant 0 : i32
      %dma_wait3A_122 = tpu.memref_slice %arg2[%add3A, %dma_wait3A_115, %dma_wait3A_120, %dma_wait3A_121] : memref<32x90x2x112xi32, #tpu.memory_space<hbm>> -> memref<1x1x2x112xi32, #tpu.memory_space<hbm>>
      %dma_wait3A_123 = tpu.memref_squeeze %dma_wait3A_122 : memref<1x1x2x112xi32, #tpu.memory_space<hbm>> -> memref<2x112xi32, #tpu.memory_space<hbm>>
      tpu.wait_dma2 semaphore(%arg13 : memref<!tpu.dma_semaphore, #tpu.memory_space<semaphore_mem>>) src(%dma_wait3A_123 : memref<2x112xi32, #tpu.memory_space<hbm>>) dst(%arg5 : memref<2x112xi32, #tpu.memory_space<vmem>>)
      %run_scoped3A_124 = arith.constant 1 : i32
      "tpu.region"() ({
        %run_scoped3A_206 = tpu.sem_alloc : memref<!tpu.dma_semaphore, #tpu.memory_space<semaphore_mem>>
        %dma_start3A_207 = arith.constant 0 : i32
        %dma_start3A_208 = tpu.memref_slice %arg5[%run_scoped3A_124, %dma_start3A_207] : memref<2x112xi32, #tpu.memory_space<vmem>> -> memref<1x112xi32, #tpu.memory_space<vmem>>
        %dma_start3A_209 = tpu.memref_squeeze %dma_start3A_208 : memref<1x112xi32, #tpu.memory_space<vmem>> -> memref<112xi32, #tpu.memory_space<vmem>>
        %dma_start3A_210 = arith.constant 0 : i32
        %dma_start3A_211 = arith.constant 0 : i32
        %dma_start3A_212 = tpu.memref_slice %arg11[%dma_start3A_210, %dma_start3A_211] : memref<10008x128xf32, #tpu.memory_space<vmem_shared>> -> memref<10008x128xf32, #tpu.memory_space<vmem_shared>>
        tpu.enqueue_indirect_dma source(%arg10 : memref<112x128xf32, #tpu.memory_space<vmem>>) target(%dma_start3A_212 : memref<10008x128xf32, #tpu.memory_space<vmem_shared>>) offsets(%dma_start3A_209 : memref<112xi32, #tpu.memory_space<vmem>>) semaphore(%run_scoped3A_206 : memref<!tpu.dma_semaphore, #tpu.memory_space<semaphore_mem>>) {add = true}
        %dma_wait3A_213 = arith.constant 0 : i32
        %dma_wait3A_214 = tpu.memref_slice %arg5[%run_scoped3A_124, %dma_wait3A_213] : memref<2x112xi32, #tpu.memory_space<vmem>> -> memref<1x112xi32, #tpu.memory_space<vmem>>
        %dma_wait3A_215 = tpu.memref_squeeze %dma_wait3A_214 : memref<1x112xi32, #tpu.memory_space<vmem>> -> memref<112xi32, #tpu.memory_space<vmem>>
        %dma_wait3A_216 = arith.constant 0 : i32
        %dma_wait3A_217 = arith.constant 0 : i32
        %dma_wait3A_218 = tpu.memref_slice %arg11[%dma_wait3A_216, %dma_wait3A_217] : memref<10008x128xf32, #tpu.memory_space<vmem_shared>> -> memref<10008x128xf32, #tpu.memory_space<vmem_shared>>
        tpu.wait_indirect_dma semaphore(%run_scoped3A_206 : memref<!tpu.dma_semaphore, #tpu.memory_space<semaphore_mem>>) src(%arg10 : memref<112x128xf32, #tpu.memory_space<vmem>>) dst(%dma_wait3A_218 : memref<10008x128xf32, #tpu.memory_space<vmem_shared>>)
        tpu.yield
      }) : () -> ()
      %lt3A_125 = arith.constant 84 : i32
      %lt3A_126 = arith.cmpi slt, %add3A_114, %lt3A_125 : i32
      %convert_element_type3A_127 = arith.extui %lt3A_126 : i1 to i32
      %cond3A_128 = arith.constant 0 : i32
      %cond3A_129 = arith.cmpi ne, %convert_element_type3A_127, %cond3A_128 : i32
      scf.if %cond3A_129 {
        %add3A_206 = arith.constant 6 : i32
        %add3A_207 = arith.addi %add3A_114, %add3A_206 : i32
        %dma_start3A_208 = arith.constant 0 : i32
        %dma_start3A_209 = arith.constant 0 : i32
        %dma_start3A_210 = tpu.memref_slice %arg2[%add3A, %add3A_207, %dma_start3A_208, %dma_start3A_209] : memref<32x90x2x112xi32, #tpu.memory_space<hbm>> -> memref<1x1x2x112xi32, #tpu.memory_space<hbm>>
        %dma_start3A_211 = tpu.memref_squeeze %dma_start3A_210 : memref<1x1x2x112xi32, #tpu.memory_space<hbm>> -> memref<2x112xi32, #tpu.memory_space<hbm>>
        %dma_start3A_212 = arith.constant 0 : i32
        %dma_start3A_213 = arith.constant 0 : i32
        %dma_start3A_214 = tpu.memref_slice %arg2[%add3A, %add3A_207, %dma_start3A_212, %dma_start3A_213] : memref<32x90x2x112xi32, #tpu.memory_space<hbm>> -> memref<1x1x2x112xi32, #tpu.memory_space<hbm>>
        %dma_start3A_215 = tpu.memref_squeeze %dma_start3A_214 : memref<1x1x2x112xi32, #tpu.memory_space<hbm>> -> memref<2x112xi32, #tpu.memory_space<hbm>>
        tpu.enqueue_dma source(%dma_start3A_215 : memref<2x112xi32, #tpu.memory_space<hbm>>) target(%arg5 : memref<2x112xi32, #tpu.memory_space<vmem>>) target_semaphore(%arg13 : memref<!tpu.dma_semaphore, #tpu.memory_space<semaphore_mem>>)
      } else {
      }
      %mul3A_130 = arith.constant 6 : i32
      %mul3A_131 = arith.muli %scan3A_94, %mul3A_130 : i32
      %add3A_132 = arith.constant 2 : i32
      %add3A_133 = arith.addi %mul3A_131, %add3A_132 : i32
      %dma_wait3A_134 = arith.constant 0 : i32
      %dma_wait3A_135 = arith.constant 0 : i32
      %dma_wait3A_136 = arith.constant 0 : i32
      %dma_wait3A_137 = tpu.memref_slice %arg2[%add3A, %dma_wait3A_134, %dma_wait3A_135, %dma_wait3A_136] : memref<32x90x2x112xi32, #tpu.memory_space<hbm>> -> memref<1x1x2x112xi32, #tpu.memory_space<hbm>>
      %dma_wait3A_138 = tpu.memref_squeeze %dma_wait3A_137 : memref<1x1x2x112xi32, #tpu.memory_space<hbm>> -> memref<2x112xi32, #tpu.memory_space<hbm>>
      %dma_wait3A_139 = arith.constant 0 : i32
      %dma_wait3A_140 = arith.constant 0 : i32
      %dma_wait3A_141 = tpu.memref_slice %arg2[%add3A, %dma_wait3A_134, %dma_wait3A_139, %dma_wait3A_140] : memref<32x90x2x112xi32, #tpu.memory_space<hbm>> -> memref<1x1x2x112xi32, #tpu.memory_space<hbm>>
      %dma_wait3A_142 = tpu.memref_squeeze %dma_wait3A_141 : memref<1x1x2x112xi32, #tpu.memory_space<hbm>> -> memref<2x112xi32, #tpu.memory_space<hbm>>
      tpu.wait_dma2 semaphore(%arg14 : memref<!tpu.dma_semaphore, #tpu.memory_space<semaphore_mem>>) src(%dma_wait3A_142 : memref<2x112xi32, #tpu.memory_space<hbm>>) dst(%arg6 : memref<2x112xi32, #tpu.memory_space<vmem>>)
      %run_scoped3A_143 = arith.constant 1 : i32
      "tpu.region"() ({
        %run_scoped3A_206 = tpu.sem_alloc : memref<!tpu.dma_semaphore, #tpu.memory_space<semaphore_mem>>
        %dma_start3A_207 = arith.constant 0 : i32
        %dma_start3A_208 = tpu.memref_slice %arg6[%run_scoped3A_143, %dma_start3A_207] : memref<2x112xi32, #tpu.memory_space<vmem>> -> memref<1x112xi32, #tpu.memory_space<vmem>>
        %dma_start3A_209 = tpu.memref_squeeze %dma_start3A_208 : memref<1x112xi32, #tpu.memory_space<vmem>> -> memref<112xi32, #tpu.memory_space<vmem>>
        %dma_start3A_210 = arith.constant 0 : i32
        %dma_start3A_211 = arith.constant 0 : i32
        %dma_start3A_212 = tpu.memref_slice %arg11[%dma_start3A_210, %dma_start3A_211] : memref<10008x128xf32, #tpu.memory_space<vmem_shared>> -> memref<10008x128xf32, #tpu.memory_space<vmem_shared>>
        tpu.enqueue_indirect_dma source(%arg10 : memref<112x128xf32, #tpu.memory_space<vmem>>) target(%dma_start3A_212 : memref<10008x128xf32, #tpu.memory_space<vmem_shared>>) offsets(%dma_start3A_209 : memref<112xi32, #tpu.memory_space<vmem>>) semaphore(%run_scoped3A_206 : memref<!tpu.dma_semaphore, #tpu.memory_space<semaphore_mem>>) {add = true}
        %dma_wait3A_213 = arith.constant 0 : i32
        %dma_wait3A_214 = tpu.memref_slice %arg6[%run_scoped3A_143, %dma_wait3A_213] : memref<2x112xi32, #tpu.memory_space<vmem>> -> memref<1x112xi32, #tpu.memory_space<vmem>>
        %dma_wait3A_215 = tpu.memref_squeeze %dma_wait3A_214 : memref<1x112xi32, #tpu.memory_space<vmem>> -> memref<112xi32, #tpu.memory_space<vmem>>
        %dma_wait3A_216 = arith.constant 0 : i32
        %dma_wait3A_217 = arith.constant 0 : i32
        %dma_wait3A_218 = tpu.memref_slice %arg11[%dma_wait3A_216, %dma_wait3A_217] : memref<10008x128xf32, #tpu.memory_space<vmem_shared>> -> memref<10008x128xf32, #tpu.memory_space<vmem_shared>>
        tpu.wait_indirect_dma semaphore(%run_scoped3A_206 : memref<!tpu.dma_semaphore, #tpu.memory_space<semaphore_mem>>) src(%arg10 : memref<112x128xf32, #tpu.memory_space<vmem>>) dst(%dma_wait3A_218 : memref<10008x128xf32, #tpu.memory_space<vmem_shared>>)
        tpu.yield
      }) : () -> ()
      %lt3A_144 = arith.constant 84 : i32
      %lt3A_145 = arith.cmpi slt, %add3A_133, %lt3A_144 : i32
      %convert_element_type3A_146 = arith.extui %lt3A_145 : i1 to i32
      %cond3A_147 = arith.constant 0 : i32
      %cond3A_148 = arith.cmpi ne, %convert_element_type3A_146, %cond3A_147 : i32
      scf.if %cond3A_148 {
        %add3A_206 = arith.constant 6 : i32
        %add3A_207 = arith.addi %add3A_133, %add3A_206 : i32
        %dma_start3A_208 = arith.constant 0 : i32
        %dma_start3A_209 = arith.constant 0 : i32
        %dma_start3A_210 = tpu.memref_slice %arg2[%add3A, %add3A_207, %dma_start3A_208, %dma_start3A_209] : memref<32x90x2x112xi32, #tpu.memory_space<hbm>> -> memref<1x1x2x112xi32, #tpu.memory_space<hbm>>
        %dma_start3A_211 = tpu.memref_squeeze %dma_start3A_210 : memref<1x1x2x112xi32, #tpu.memory_space<hbm>> -> memref<2x112xi32, #tpu.memory_space<hbm>>
        %dma_start3A_212 = arith.constant 0 : i32
        %dma_start3A_213 = arith.constant 0 : i32
        %dma_start3A_214 = tpu.memref_slice %arg2[%add3A, %add3A_207, %dma_start3A_212, %dma_start3A_213] : memref<32x90x2x112xi32, #tpu.memory_space<hbm>> -> memref<1x1x2x112xi32, #tpu.memory_space<hbm>>
        %dma_start3A_215 = tpu.memref_squeeze %dma_start3A_214 : memref<1x1x2x112xi32, #tpu.memory_space<hbm>> -> memref<2x112xi32, #tpu.memory_space<hbm>>
        tpu.enqueue_dma source(%dma_start3A_215 : memref<2x112xi32, #tpu.memory_space<hbm>>) target(%arg6 : memref<2x112xi32, #tpu.memory_space<vmem>>) target_semaphore(%arg14 : memref<!tpu.dma_semaphore, #tpu.memory_space<semaphore_mem>>)
      } else {
      }
      %mul3A_149 = arith.constant 6 : i32
      %mul3A_150 = arith.muli %scan3A_94, %mul3A_149 : i32
      %add3A_151 = arith.constant 3 : i32
      %add3A_152 = arith.addi %mul3A_150, %add3A_151 : i32
      %dma_wait3A_153 = arith.constant 0 : i32
      %dma_wait3A_154 = arith.constant 0 : i32
      %dma_wait3A_155 = arith.constant 0 : i32
      %dma_wait3A_156 = tpu.memref_slice %arg2[%add3A, %dma_wait3A_153, %dma_wait3A_154, %dma_wait3A_155] : memref<32x90x2x112xi32, #tpu.memory_space<hbm>> -> memref<1x1x2x112xi32, #tpu.memory_space<hbm>>
      %dma_wait3A_157 = tpu.memref_squeeze %dma_wait3A_156 : memref<1x1x2x112xi32, #tpu.memory_space<hbm>> -> memref<2x112xi32, #tpu.memory_space<hbm>>
      %dma_wait3A_158 = arith.constant 0 : i32
      %dma_wait3A_159 = arith.constant 0 : i32
      %dma_wait3A_160 = tpu.memref_slice %arg2[%add3A, %dma_wait3A_153, %dma_wait3A_158, %dma_wait3A_159] : memref<32x90x2x112xi32, #tpu.memory_space<hbm>> -> memref<1x1x2x112xi32, #tpu.memory_space<hbm>>
      %dma_wait3A_161 = tpu.memref_squeeze %dma_wait3A_160 : memref<1x1x2x112xi32, #tpu.memory_space<hbm>> -> memref<2x112xi32, #tpu.memory_space<hbm>>
      tpu.wait_dma2 semaphore(%arg15 : memref<!tpu.dma_semaphore, #tpu.memory_space<semaphore_mem>>) src(%dma_wait3A_161 : memref<2x112xi32, #tpu.memory_space<hbm>>) dst(%arg7 : memref<2x112xi32, #tpu.memory_space<vmem>>)
      %run_scoped3A_162 = arith.constant 1 : i32
      "tpu.region"() ({
        %run_scoped3A_206 = tpu.sem_alloc : memref<!tpu.dma_semaphore, #tpu.memory_space<semaphore_mem>>
        %dma_start3A_207 = arith.constant 0 : i32
        %dma_start3A_208 = tpu.memref_slice %arg7[%run_scoped3A_162, %dma_start3A_207] : memref<2x112xi32, #tpu.memory_space<vmem>> -> memref<1x112xi32, #tpu.memory_space<vmem>>
        %dma_start3A_209 = tpu.memref_squeeze %dma_start3A_208 : memref<1x112xi32, #tpu.memory_space<vmem>> -> memref<112xi32, #tpu.memory_space<vmem>>
        %dma_start3A_210 = arith.constant 0 : i32
        %dma_start3A_211 = arith.constant 0 : i32
        %dma_start3A_212 = tpu.memref_slice %arg11[%dma_start3A_210, %dma_start3A_211] : memref<10008x128xf32, #tpu.memory_space<vmem_shared>> -> memref<10008x128xf32, #tpu.memory_space<vmem_shared>>
        tpu.enqueue_indirect_dma source(%arg10 : memref<112x128xf32, #tpu.memory_space<vmem>>) target(%dma_start3A_212 : memref<10008x128xf32, #tpu.memory_space<vmem_shared>>) offsets(%dma_start3A_209 : memref<112xi32, #tpu.memory_space<vmem>>) semaphore(%run_scoped3A_206 : memref<!tpu.dma_semaphore, #tpu.memory_space<semaphore_mem>>) {add = true}
        %dma_wait3A_213 = arith.constant 0 : i32
        %dma_wait3A_214 = tpu.memref_slice %arg7[%run_scoped3A_162, %dma_wait3A_213] : memref<2x112xi32, #tpu.memory_space<vmem>> -> memref<1x112xi32, #tpu.memory_space<vmem>>
        %dma_wait3A_215 = tpu.memref_squeeze %dma_wait3A_214 : memref<1x112xi32, #tpu.memory_space<vmem>> -> memref<112xi32, #tpu.memory_space<vmem>>
        %dma_wait3A_216 = arith.constant 0 : i32
        %dma_wait3A_217 = arith.constant 0 : i32
        %dma_wait3A_218 = tpu.memref_slice %arg11[%dma_wait3A_216, %dma_wait3A_217] : memref<10008x128xf32, #tpu.memory_space<vmem_shared>> -> memref<10008x128xf32, #tpu.memory_space<vmem_shared>>
        tpu.wait_indirect_dma semaphore(%run_scoped3A_206 : memref<!tpu.dma_semaphore, #tpu.memory_space<semaphore_mem>>) src(%arg10 : memref<112x128xf32, #tpu.memory_space<vmem>>) dst(%dma_wait3A_218 : memref<10008x128xf32, #tpu.memory_space<vmem_shared>>)
        tpu.yield
      }) : () -> ()
      %lt3A_163 = arith.constant 84 : i32
      %lt3A_164 = arith.cmpi slt, %add3A_152, %lt3A_163 : i32
      %convert_element_type3A_165 = arith.extui %lt3A_164 : i1 to i32
      %cond3A_166 = arith.constant 0 : i32
      %cond3A_167 = arith.cmpi ne, %convert_element_type3A_165, %cond3A_166 : i32
      scf.if %cond3A_167 {
        %add3A_206 = arith.constant 6 : i32
        %add3A_207 = arith.addi %add3A_152, %add3A_206 : i32
        %dma_start3A_208 = arith.constant 0 : i32
        %dma_start3A_209 = arith.constant 0 : i32
        %dma_start3A_210 = tpu.memref_slice %arg2[%add3A, %add3A_207, %dma_start3A_208, %dma_start3A_209] : memref<32x90x2x112xi32, #tpu.memory_space<hbm>> -> memref<1x1x2x112xi32, #tpu.memory_space<hbm>>
        %dma_start3A_211 = tpu.memref_squeeze %dma_start3A_210 : memref<1x1x2x112xi32, #tpu.memory_space<hbm>> -> memref<2x112xi32, #tpu.memory_space<hbm>>
        %dma_start3A_212 = arith.constant 0 : i32
        %dma_start3A_213 = arith.constant 0 : i32
        %dma_start3A_214 = tpu.memref_slice %arg2[%add3A, %add3A_207, %dma_start3A_212, %dma_start3A_213] : memref<32x90x2x112xi32, #tpu.memory_space<hbm>> -> memref<1x1x2x112xi32, #tpu.memory_space<hbm>>
        %dma_start3A_215 = tpu.memref_squeeze %dma_start3A_214 : memref<1x1x2x112xi32, #tpu.memory_space<hbm>> -> memref<2x112xi32, #tpu.memory_space<hbm>>
        tpu.enqueue_dma source(%dma_start3A_215 : memref<2x112xi32, #tpu.memory_space<hbm>>) target(%arg7 : memref<2x112xi32, #tpu.memory_space<vmem>>) target_semaphore(%arg15 : memref<!tpu.dma_semaphore, #tpu.memory_space<semaphore_mem>>)
      } else {
      }
      %mul3A_168 = arith.constant 6 : i32
      %mul3A_169 = arith.muli %scan3A_94, %mul3A_168 : i32
      %add3A_170 = arith.constant 4 : i32
      %add3A_171 = arith.addi %mul3A_169, %add3A_170 : i32
      %dma_wait3A_172 = arith.constant 0 : i32
      %dma_wait3A_173 = arith.constant 0 : i32
      %dma_wait3A_174 = arith.constant 0 : i32
      %dma_wait3A_175 = tpu.memref_slice %arg2[%add3A, %dma_wait3A_172, %dma_wait3A_173, %dma_wait3A_174] : memref<32x90x2x112xi32, #tpu.memory_space<hbm>> -> memref<1x1x2x112xi32, #tpu.memory_space<hbm>>
      %dma_wait3A_176 = tpu.memref_squeeze %dma_wait3A_175 : memref<1x1x2x112xi32, #tpu.memory_space<hbm>> -> memref<2x112xi32, #tpu.memory_space<hbm>>
      %dma_wait3A_177 = arith.constant 0 : i32
      %dma_wait3A_178 = arith.constant 0 : i32
      %dma_wait3A_179 = tpu.memref_slice %arg2[%add3A, %dma_wait3A_172, %dma_wait3A_177, %dma_wait3A_178] : memref<32x90x2x112xi32, #tpu.memory_space<hbm>> -> memref<1x1x2x112xi32, #tpu.memory_space<hbm>>
      %dma_wait3A_180 = tpu.memref_squeeze %dma_wait3A_179 : memref<1x1x2x112xi32, #tpu.memory_space<hbm>> -> memref<2x112xi32, #tpu.memory_space<hbm>>
      tpu.wait_dma2 semaphore(%arg16 : memref<!tpu.dma_semaphore, #tpu.memory_space<semaphore_mem>>) src(%dma_wait3A_180 : memref<2x112xi32, #tpu.memory_space<hbm>>) dst(%arg8 : memref<2x112xi32, #tpu.memory_space<vmem>>)
      %run_scoped3A_181 = arith.constant 1 : i32
      "tpu.region"() ({
        %run_scoped3A_206 = tpu.sem_alloc : memref<!tpu.dma_semaphore, #tpu.memory_space<semaphore_mem>>
        %dma_start3A_207 = arith.constant 0 : i32
        %dma_start3A_208 = tpu.memref_slice %arg8[%run_scoped3A_181, %dma_start3A_207] : memref<2x112xi32, #tpu.memory_space<vmem>> -> memref<1x112xi32, #tpu.memory_space<vmem>>
        %dma_start3A_209 = tpu.memref_squeeze %dma_start3A_208 : memref<1x112xi32, #tpu.memory_space<vmem>> -> memref<112xi32, #tpu.memory_space<vmem>>
        %dma_start3A_210 = arith.constant 0 : i32
        %dma_start3A_211 = arith.constant 0 : i32
        %dma_start3A_212 = tpu.memref_slice %arg11[%dma_start3A_210, %dma_start3A_211] : memref<10008x128xf32, #tpu.memory_space<vmem_shared>> -> memref<10008x128xf32, #tpu.memory_space<vmem_shared>>
        tpu.enqueue_indirect_dma source(%arg10 : memref<112x128xf32, #tpu.memory_space<vmem>>) target(%dma_start3A_212 : memref<10008x128xf32, #tpu.memory_space<vmem_shared>>) offsets(%dma_start3A_209 : memref<112xi32, #tpu.memory_space<vmem>>) semaphore(%run_scoped3A_206 : memref<!tpu.dma_semaphore, #tpu.memory_space<semaphore_mem>>) {add = true}
        %dma_wait3A_213 = arith.constant 0 : i32
        %dma_wait3A_214 = tpu.memref_slice %arg8[%run_scoped3A_181, %dma_wait3A_213] : memref<2x112xi32, #tpu.memory_space<vmem>> -> memref<1x112xi32, #tpu.memory_space<vmem>>
        %dma_wait3A_215 = tpu.memref_squeeze %dma_wait3A_214 : memref<1x112xi32, #tpu.memory_space<vmem>> -> memref<112xi32, #tpu.memory_space<vmem>>
        %dma_wait3A_216 = arith.constant 0 : i32
        %dma_wait3A_217 = arith.constant 0 : i32
        %dma_wait3A_218 = tpu.memref_slice %arg11[%dma_wait3A_216, %dma_wait3A_217] : memref<10008x128xf32, #tpu.memory_space<vmem_shared>> -> memref<10008x128xf32, #tpu.memory_space<vmem_shared>>
        tpu.wait_indirect_dma semaphore(%run_scoped3A_206 : memref<!tpu.dma_semaphore, #tpu.memory_space<semaphore_mem>>) src(%arg10 : memref<112x128xf32, #tpu.memory_space<vmem>>) dst(%dma_wait3A_218 : memref<10008x128xf32, #tpu.memory_space<vmem_shared>>)
        tpu.yield
      }) : () -> ()
      %lt3A_182 = arith.constant 84 : i32
      %lt3A_183 = arith.cmpi slt, %add3A_171, %lt3A_182 : i32
      %convert_element_type3A_184 = arith.extui %lt3A_183 : i1 to i32
      %cond3A_185 = arith.constant 0 : i32
      %cond3A_186 = arith.cmpi ne, %convert_element_type3A_184, %cond3A_185 : i32
      scf.if %cond3A_186 {
        %add3A_206 = arith.constant 6 : i32
        %add3A_207 = arith.addi %add3A_171, %add3A_206 : i32
        %dma_start3A_208 = arith.constant 0 : i32
        %dma_start3A_209 = arith.constant 0 : i32
        %dma_start3A_210 = tpu.memref_slice %arg2[%add3A, %add3A_207, %dma_start3A_208, %dma_start3A_209] : memref<32x90x2x112xi32, #tpu.memory_space<hbm>> -> memref<1x1x2x112xi32, #tpu.memory_space<hbm>>
        %dma_start3A_211 = tpu.memref_squeeze %dma_start3A_210 : memref<1x1x2x112xi32, #tpu.memory_space<hbm>> -> memref<2x112xi32, #tpu.memory_space<hbm>>
        %dma_start3A_212 = arith.constant 0 : i32
        %dma_start3A_213 = arith.constant 0 : i32
        %dma_start3A_214 = tpu.memref_slice %arg2[%add3A, %add3A_207, %dma_start3A_212, %dma_start3A_213] : memref<32x90x2x112xi32, #tpu.memory_space<hbm>> -> memref<1x1x2x112xi32, #tpu.memory_space<hbm>>
        %dma_start3A_215 = tpu.memref_squeeze %dma_start3A_214 : memref<1x1x2x112xi32, #tpu.memory_space<hbm>> -> memref<2x112xi32, #tpu.memory_space<hbm>>
        tpu.enqueue_dma source(%dma_start3A_215 : memref<2x112xi32, #tpu.memory_space<hbm>>) target(%arg8 : memref<2x112xi32, #tpu.memory_space<vmem>>) target_semaphore(%arg16 : memref<!tpu.dma_semaphore, #tpu.memory_space<semaphore_mem>>)
      } else {
      }
      %mul3A_187 = arith.constant 6 : i32
      %mul3A_188 = arith.muli %scan3A_94, %mul3A_187 : i32
      %add3A_189 = arith.constant 5 : i32
      %add3A_190 = arith.addi %mul3A_188, %add3A_189 : i32
      %dma_wait3A_191 = arith.constant 0 : i32
      %dma_wait3A_192 = arith.constant 0 : i32
      %dma_wait3A_193 = arith.constant 0 : i32
      %dma_wait3A_194 = tpu.memref_slice %arg2[%add3A, %dma_wait3A_191, %dma_wait3A_192, %dma_wait3A_193] : memref<32x90x2x112xi32, #tpu.memory_space<hbm>> -> memref<1x1x2x112xi32, #tpu.memory_space<hbm>>
      %dma_wait3A_195 = tpu.memref_squeeze %dma_wait3A_194 : memref<1x1x2x112xi32, #tpu.memory_space<hbm>> -> memref<2x112xi32, #tpu.memory_space<hbm>>
      %dma_wait3A_196 = arith.constant 0 : i32
      %dma_wait3A_197 = arith.constant 0 : i32
      %dma_wait3A_198 = tpu.memref_slice %arg2[%add3A, %dma_wait3A_191, %dma_wait3A_196, %dma_wait3A_197] : memref<32x90x2x112xi32, #tpu.memory_space<hbm>> -> memref<1x1x2x112xi32, #tpu.memory_space<hbm>>
      %dma_wait3A_199 = tpu.memref_squeeze %dma_wait3A_198 : memref<1x1x2x112xi32, #tpu.memory_space<hbm>> -> memref<2x112xi32, #tpu.memory_space<hbm>>
      tpu.wait_dma2 semaphore(%arg17 : memref<!tpu.dma_semaphore, #tpu.memory_space<semaphore_mem>>) src(%dma_wait3A_199 : memref<2x112xi32, #tpu.memory_space<hbm>>) dst(%arg9 : memref<2x112xi32, #tpu.memory_space<vmem>>)
      %run_scoped3A_200 = arith.constant 1 : i32
      "tpu.region"() ({
        %run_scoped3A_206 = tpu.sem_alloc : memref<!tpu.dma_semaphore, #tpu.memory_space<semaphore_mem>>
        %dma_start3A_207 = arith.constant 0 : i32
        %dma_start3A_208 = tpu.memref_slice %arg9[%run_scoped3A_200, %dma_start3A_207] : memref<2x112xi32, #tpu.memory_space<vmem>> -> memref<1x112xi32, #tpu.memory_space<vmem>>
        %dma_start3A_209 = tpu.memref_squeeze %dma_start3A_208 : memref<1x112xi32, #tpu.memory_space<vmem>> -> memref<112xi32, #tpu.memory_space<vmem>>
        %dma_start3A_210 = arith.constant 0 : i32
        %dma_start3A_211 = arith.constant 0 : i32
        %dma_start3A_212 = tpu.memref_slice %arg11[%dma_start3A_210, %dma_start3A_211] : memref<10008x128xf32, #tpu.memory_space<vmem_shared>> -> memref<10008x128xf32, #tpu.memory_space<vmem_shared>>
        tpu.enqueue_indirect_dma source(%arg10 : memref<112x128xf32, #tpu.memory_space<vmem>>) target(%dma_start3A_212 : memref<10008x128xf32, #tpu.memory_space<vmem_shared>>) offsets(%dma_start3A_209 : memref<112xi32, #tpu.memory_space<vmem>>) semaphore(%run_scoped3A_206 : memref<!tpu.dma_semaphore, #tpu.memory_space<semaphore_mem>>) {add = true}
        %dma_wait3A_213 = arith.constant 0 : i32
        %dma_wait3A_214 = tpu.memref_slice %arg9[%run_scoped3A_200, %dma_wait3A_213] : memref<2x112xi32, #tpu.memory_space<vmem>> -> memref<1x112xi32, #tpu.memory_space<vmem>>
        %dma_wait3A_215 = tpu.memref_squeeze %dma_wait3A_214 : memref<1x112xi32, #tpu.memory_space<vmem>> -> memref<112xi32, #tpu.memory_space<vmem>>
        %dma_wait3A_216 = arith.constant 0 : i32
        %dma_wait3A_217 = arith.constant 0 : i32
        %dma_wait3A_218 = tpu.memref_slice %arg11[%dma_wait3A_216, %dma_wait3A_217] : memref<10008x128xf32, #tpu.memory_space<vmem_shared>> -> memref<10008x128xf32, #tpu.memory_space<vmem_shared>>
        tpu.wait_indirect_dma semaphore(%run_scoped3A_206 : memref<!tpu.dma_semaphore, #tpu.memory_space<semaphore_mem>>) src(%arg10 : memref<112x128xf32, #tpu.memory_space<vmem>>) dst(%dma_wait3A_218 : memref<10008x128xf32, #tpu.memory_space<vmem_shared>>)
        tpu.yield
      }) : () -> ()
      %lt3A_201 = arith.constant 84 : i32
      %lt3A_202 = arith.cmpi slt, %add3A_190, %lt3A_201 : i32
      %convert_element_type3A_203 = arith.extui %lt3A_202 : i1 to i32
      %cond3A_204 = arith.constant 0 : i32
      %cond3A_205 = arith.cmpi ne, %convert_element_type3A_203, %cond3A_204 : i32
      scf.if %cond3A_205 {
        %add3A_206 = arith.constant 6 : i32
        %add3A_207 = arith.addi %add3A_190, %add3A_206 : i32
        %dma_start3A_208 = arith.constant 0 : i32
        %dma_start3A_209 = arith.constant 0 : i32
        %dma_start3A_210 = tpu.memref_slice %arg2[%add3A, %add3A_207, %dma_start3A_208, %dma_start3A_209] : memref<32x90x2x112xi32, #tpu.memory_space<hbm>> -> memref<1x1x2x112xi32, #tpu.memory_space<hbm>>
        %dma_start3A_211 = tpu.memref_squeeze %dma_start3A_210 : memref<1x1x2x112xi32, #tpu.memory_space<hbm>> -> memref<2x112xi32, #tpu.memory_space<hbm>>
        %dma_start3A_212 = arith.constant 0 : i32
        %dma_start3A_213 = arith.constant 0 : i32
        %dma_start3A_214 = tpu.memref_slice %arg2[%add3A, %add3A_207, %dma_start3A_212, %dma_start3A_213] : memref<32x90x2x112xi32, #tpu.memory_space<hbm>> -> memref<1x1x2x112xi32, #tpu.memory_space<hbm>>
        %dma_start3A_215 = tpu.memref_squeeze %dma_start3A_214 : memref<1x1x2x112xi32, #tpu.memory_space<hbm>> -> memref<2x112xi32, #tpu.memory_space<hbm>>
        tpu.enqueue_dma source(%dma_start3A_215 : memref<2x112xi32, #tpu.memory_space<hbm>>) target(%arg9 : memref<2x112xi32, #tpu.memory_space<vmem>>) target_semaphore(%arg17 : memref<!tpu.dma_semaphore, #tpu.memory_space<semaphore_mem>>)
      } else {
      }
    }
    %scan3A_87 = arith.constant 15 : i32
    %barrier3A_88 = arith.constant 0 : index
    tpu.barrier barrier_id(%barrier3A_88)
    "tpu.region"() ({
      %run_scoped3A = tpu.sem_alloc : memref<!tpu.dma_semaphore, #tpu.memory_space<semaphore_mem>>
      %dma_start3A_94 = arith.constant 0 : i32
      %dma_start3A_95 = tpu.memref_slice %arg3[%arg0, %mul3A_2, %dma_start3A_94] : memref<2x10000x128xf32, #tpu.memory_space<hbm>> -> memref<1x624x128xf32, #tpu.memory_space<hbm>>
      %dma_start3A_96 = tpu.memref_squeeze %dma_start3A_95 : memref<1x624x128xf32, #tpu.memory_space<hbm>> -> memref<624x128xf32, #tpu.memory_space<hbm>>
      %dma_start3A_97 = arith.constant 0 : i32
      %dma_start3A_98 = tpu.memref_slice %arg11[%mul3A_2, %dma_start3A_97] : memref<10008x128xf32, #tpu.memory_space<vmem_shared>> -> memref<624x128xf32, #tpu.memory_space<vmem_shared>>
      tpu.enqueue_dma source(%dma_start3A_98 : memref<624x128xf32, #tpu.memory_space<vmem_shared>>) target(%dma_start3A_96 : memref<624x128xf32, #tpu.memory_space<hbm>>) target_semaphore(%run_scoped3A : memref<!tpu.dma_semaphore, #tpu.memory_space<semaphore_mem>>)
      %dma_wait3A = arith.constant 0 : i32
      %dma_wait3A_99 = tpu.memref_slice %arg3[%arg0, %mul3A_2, %dma_wait3A] : memref<2x10000x128xf32, #tpu.memory_space<hbm>> -> memref<1x624x128xf32, #tpu.memory_space<hbm>>
      %dma_wait3A_100 = tpu.memref_squeeze %dma_wait3A_99 : memref<1x624x128xf32, #tpu.memory_space<hbm>> -> memref<624x128xf32, #tpu.memory_space<hbm>>
      %dma_wait3A_101 = arith.constant 0 : i32
      %dma_wait3A_102 = tpu.memref_slice %arg11[%mul3A_2, %dma_wait3A_101] : memref<10008x128xf32, #tpu.memory_space<vmem_shared>> -> memref<624x128xf32, #tpu.memory_space<vmem_shared>>
      tpu.wait_dma2 semaphore(%run_scoped3A : memref<!tpu.dma_semaphore, #tpu.memory_space<semaphore_mem>>) src(%dma_wait3A_102 : memref<624x128xf32, #tpu.memory_space<vmem_shared>>) dst(%dma_wait3A_100 : memref<624x128xf32, #tpu.memory_space<hbm>>)
      tpu.yield
    }) : () -> ()
    %eq3A_89 = arith.constant 15 : i32
    %eq3A_90 = arith.cmpi eq, %arg1, %eq3A_89 : i32
    %convert_element_type3A_91 = arith.extui %eq3A_90 : i1 to i32
    %cond3A_92 = arith.constant 0 : i32
    %cond3A_93 = arith.cmpi ne, %convert_element_type3A_91, %cond3A_92 : i32
    scf.if %cond3A_93 {
      "tpu.region"() ({
        %run_scoped3A = tpu.sem_alloc : memref<!tpu.dma_semaphore, #tpu.memory_space<semaphore_mem>>
        %dma_start3A_94 = arith.constant 9984 : i32
        %dma_start3A_95 = arith.constant 0 : i32
        %dma_start3A_96 = tpu.memref_slice %arg3[%arg0, %dma_start3A_94, %dma_start3A_95] : memref<2x10000x128xf32, #tpu.memory_space<hbm>> -> memref<1x16x128xf32, #tpu.memory_space<hbm>>
        %dma_start3A_97 = tpu.memref_squeeze %dma_start3A_96 : memref<1x16x128xf32, #tpu.memory_space<hbm>> -> memref<16x128xf32, #tpu.memory_space<hbm>>
        %dma_start3A_98 = arith.constant 9984 : i32
        %dma_start3A_99 = arith.constant 0 : i32
        %dma_start3A_100 = tpu.memref_slice %arg11[%dma_start3A_98, %dma_start3A_99] : memref<10008x128xf32, #tpu.memory_space<vmem_shared>> -> memref<16x128xf32, #tpu.memory_space<vmem_shared>>
        tpu.enqueue_dma source(%dma_start3A_100 : memref<16x128xf32, #tpu.memory_space<vmem_shared>>) target(%dma_start3A_97 : memref<16x128xf32, #tpu.memory_space<hbm>>) target_semaphore(%run_scoped3A : memref<!tpu.dma_semaphore, #tpu.memory_space<semaphore_mem>>)
        %dma_wait3A = arith.constant 9984 : i32
        %dma_wait3A_101 = arith.constant 0 : i32
        %dma_wait3A_102 = tpu.memref_slice %arg3[%arg0, %dma_wait3A, %dma_wait3A_101] : memref<2x10000x128xf32, #tpu.memory_space<hbm>> -> memref<1x16x128xf32, #tpu.memory_space<hbm>>
        %dma_wait3A_103 = tpu.memref_squeeze %dma_wait3A_102 : memref<1x16x128xf32, #tpu.memory_space<hbm>> -> memref<16x128xf32, #tpu.memory_space<hbm>>
        %dma_wait3A_104 = arith.constant 9984 : i32
        %dma_wait3A_105 = arith.constant 0 : i32
        %dma_wait3A_106 = tpu.memref_slice %arg11[%dma_wait3A_104, %dma_wait3A_105] : memref<10008x128xf32, #tpu.memory_space<vmem_shared>> -> memref<16x128xf32, #tpu.memory_space<vmem_shared>>
        tpu.wait_dma2 semaphore(%run_scoped3A : memref<!tpu.dma_semaphore, #tpu.memory_space<semaphore_mem>>) src(%dma_wait3A_106 : memref<16x128xf32, #tpu.memory_space<vmem_shared>>) dst(%dma_wait3A_103 : memref<16x128xf32, #tpu.memory_space<hbm>>)
        tpu.yield
      }) : () -> ()
    } else {
    }
    return
  }
}

#map = affine_map<(d0, d1) -> (0, 0)>
#map1 = affine_map<(d0, d1) -> (0, 0, 0, 0)>
#map2 = affine_map<(d0, d1) -> (0, 0, 0)>
module attributes {stable_mosaic.version = 14 : i64} {
  func.func @_sc_agg_body(%arg0: i32, %arg1: i32, %arg2: memref<10000x128xf32, #tpu.memory_space<hbm>>, %arg3: memref<32x90x2x112xi32, #tpu.memory_space<hbm>>, %arg4: memref<2x10000x128xf32, #tpu.memory_space<hbm>>, %arg5: memref<2x112xi32, #tpu.memory_space<vmem>>, %arg6: memref<2x112xi32, #tpu.memory_space<vmem>>, %arg7: memref<2x112xi32, #tpu.memory_space<vmem>>, %arg8: memref<2x112xi32, #tpu.memory_space<vmem>>, %arg9: memref<2x112xi32, #tpu.memory_space<vmem>>, %arg10: memref<2x112xi32, #tpu.memory_space<vmem>>, %arg11: memref<112x128xf32, #tpu.memory_space<vmem>>, %arg12: memref<112x128xf32, #tpu.memory_space<vmem>>, %arg13: memref<112x128xf32, #tpu.memory_space<vmem>>, %arg14: memref<10008x128xf32, #tpu.memory_space<vmem_shared>>, %arg15: memref<!tpu.dma_semaphore, #tpu.memory_space<semaphore_mem>>, %arg16: memref<!tpu.dma_semaphore, #tpu.memory_space<semaphore_mem>>, %arg17: memref<!tpu.dma_semaphore, #tpu.memory_space<semaphore_mem>>, %arg18: memref<!tpu.dma_semaphore, #tpu.memory_space<semaphore_mem>>, %arg19: memref<!tpu.dma_semaphore, #tpu.memory_space<semaphore_mem>>, %arg20: memref<!tpu.dma_semaphore, #tpu.memory_space<semaphore_mem>>, %arg21: memref<!tpu.dma_semaphore, #tpu.memory_space<semaphore_mem>>, %arg22: memref<!tpu.dma_semaphore, #tpu.memory_space<semaphore_mem>>, %arg23: memref<!tpu.dma_semaphore, #tpu.memory_space<semaphore_mem>>) attributes {dimension_semantics = [#tpu.dimension_semantics<core_parallel>, #tpu.dimension_semantics<subcore_parallel>], iteration_bounds = array<i64: 2, 16>, scalar_prefetch = 0 : i64, scratch_operands = 19 : i64, tpu.core_type = #tpu.core_type<sc_vector_subcore>, window_params = [{transform_indices = #map}, {transform_indices = #map1}, {transform_indices = #map2}]} {
    %mul3A = arith.constant 16 : i32
    %mul3A_0 = arith.muli %arg0, %mul3A : i32
    %add3A = arith.addi %mul3A_0, %arg1 : i32
    %mul3A_1 = arith.constant 624 : i32
    %mul3A_2 = arith.muli %arg1, %mul3A_1 : i32
    %scan3A = arith.constant 0 : i32
    %scan3A_3 = arith.constant 0 : i32
    %scan3A_4 = arith.constant 112 : i32
    %scan3A_5 = arith.addi %scan3A_3, %scan3A_4 : i32
    %scan3A_6 = arith.constant 1 : i32
    scf.for %scan3A_84 = %scan3A_3 to %scan3A_5 step %scan3A_6  : i32 {
      %broadcast_in_dim3A = arith.constant 0.000000e+00 : f32
      %broadcast_in_dim3A_85 = vector.broadcast %broadcast_in_dim3A : f32 to vector<16xf32>
      %swap3A = arith.index_cast %scan3A_84 : i32 to index
      %swap3A_86 = arith.constant 0 : index
      %swap3A_87 = tpu.vector_load %arg11[%swap3A, %swap3A_86] {strides = array<i32>} : memref<112x128xf32, #tpu.memory_space<vmem>>, vector<1x16xf32>,
      %swap3A_88 = vector.shape_cast %swap3A_87 : vector<1x16xf32> to vector<16xf32>
      %swap3A_89 = vector.shape_cast %broadcast_in_dim3A_85 : vector<16xf32> to vector<1x16xf32>
      tpu.vector_store %arg11[%swap3A, %swap3A_86], %swap3A_89 {strides = array<i32>} : memref<112x128xf32, #tpu.memory_space<vmem>>, vector<1x16xf32>,
      %broadcast_in_dim3A_90 = arith.constant 0.000000e+00 : f32
      %broadcast_in_dim3A_91 = vector.broadcast %broadcast_in_dim3A_90 : f32 to vector<16xf32>
      %swap3A_92 = arith.index_cast %scan3A_84 : i32 to index
      %swap3A_93 = arith.constant 16 : index
      %swap3A_94 = tpu.vector_load %arg11[%swap3A_92, %swap3A_93] {strides = array<i32>} : memref<112x128xf32, #tpu.memory_space<vmem>>, vector<1x16xf32>,
      %swap3A_95 = vector.shape_cast %swap3A_94 : vector<1x16xf32> to vector<16xf32>
      %swap3A_96 = vector.shape_cast %broadcast_in_dim3A_91 : vector<16xf32> to vector<1x16xf32>
      tpu.vector_store %arg11[%swap3A_92, %swap3A_93], %swap3A_96 {strides = array<i32>} : memref<112x128xf32, #tpu.memory_space<vmem>>, vector<1x16xf32>,
      %broadcast_in_dim3A_97 = arith.constant 0.000000e+00 : f32
      %broadcast_in_dim3A_98 = vector.broadcast %broadcast_in_dim3A_97 : f32 to vector<16xf32>
      %swap3A_99 = arith.index_cast %scan3A_84 : i32 to index
      %swap3A_100 = arith.constant 32 : index
      %swap3A_101 = tpu.vector_load %arg11[%swap3A_99, %swap3A_100] {strides = array<i32>} : memref<112x128xf32, #tpu.memory_space<vmem>>, vector<1x16xf32>,
      %swap3A_102 = vector.shape_cast %swap3A_101 : vector<1x16xf32> to vector<16xf32>
      %swap3A_103 = vector.shape_cast %broadcast_in_dim3A_98 : vector<16xf32> to vector<1x16xf32>
      tpu.vector_store %arg11[%swap3A_99, %swap3A_100], %swap3A_103 {strides = array<i32>} : memref<112x128xf32, #tpu.memory_space<vmem>>, vector<1x16xf32>,
      %broadcast_in_dim3A_104 = arith.constant 0.000000e+00 : f32
      %broadcast_in_dim3A_105 = vector.broadcast %broadcast_in_dim3A_104 : f32 to vector<16xf32>
      %swap3A_106 = arith.index_cast %scan3A_84 : i32 to index
      %swap3A_107 = arith.constant 48 : index
      %swap3A_108 = tpu.vector_load %arg11[%swap3A_106, %swap3A_107] {strides = array<i32>} : memref<112x128xf32, #tpu.memory_space<vmem>>, vector<1x16xf32>,
      %swap3A_109 = vector.shape_cast %swap3A_108 : vector<1x16xf32> to vector<16xf32>
      %swap3A_110 = vector.shape_cast %broadcast_in_dim3A_105 : vector<16xf32> to vector<1x16xf32>
      tpu.vector_store %arg11[%swap3A_106, %swap3A_107], %swap3A_110 {strides = array<i32>} : memref<112x128xf32, #tpu.memory_space<vmem>>, vector<1x16xf32>,
      %broadcast_in_dim3A_111 = arith.constant 0.000000e+00 : f32
      %broadcast_in_dim3A_112 = vector.broadcast %broadcast_in_dim3A_111 : f32 to vector<16xf32>
      %swap3A_113 = arith.index_cast %scan3A_84 : i32 to index
      %swap3A_114 = arith.constant 64 : index
      %swap3A_115 = tpu.vector_load %arg11[%swap3A_113, %swap3A_114] {strides = array<i32>} : memref<112x128xf32, #tpu.memory_space<vmem>>, vector<1x16xf32>,
      %swap3A_116 = vector.shape_cast %swap3A_115 : vector<1x16xf32> to vector<16xf32>
      %swap3A_117 = vector.shape_cast %broadcast_in_dim3A_112 : vector<16xf32> to vector<1x16xf32>
      tpu.vector_store %arg11[%swap3A_113, %swap3A_114], %swap3A_117 {strides = array<i32>} : memref<112x128xf32, #tpu.memory_space<vmem>>, vector<1x16xf32>,
      %broadcast_in_dim3A_118 = arith.constant 0.000000e+00 : f32
      %broadcast_in_dim3A_119 = vector.broadcast %broadcast_in_dim3A_118 : f32 to vector<16xf32>
      %swap3A_120 = arith.index_cast %scan3A_84 : i32 to index
      %swap3A_121 = arith.constant 80 : index
      %swap3A_122 = tpu.vector_load %arg11[%swap3A_120, %swap3A_121] {strides = array<i32>} : memref<112x128xf32, #tpu.memory_space<vmem>>, vector<1x16xf32>,
      %swap3A_123 = vector.shape_cast %swap3A_122 : vector<1x16xf32> to vector<16xf32>
      %swap3A_124 = vector.shape_cast %broadcast_in_dim3A_119 : vector<16xf32> to vector<1x16xf32>
      tpu.vector_store %arg11[%swap3A_120, %swap3A_121], %swap3A_124 {strides = array<i32>} : memref<112x128xf32, #tpu.memory_space<vmem>>, vector<1x16xf32>,
      %broadcast_in_dim3A_125 = arith.constant 0.000000e+00 : f32
      %broadcast_in_dim3A_126 = vector.broadcast %broadcast_in_dim3A_125 : f32 to vector<16xf32>
      %swap3A_127 = arith.index_cast %scan3A_84 : i32 to index
      %swap3A_128 = arith.constant 96 : index
      %swap3A_129 = tpu.vector_load %arg11[%swap3A_127, %swap3A_128] {strides = array<i32>} : memref<112x128xf32, #tpu.memory_space<vmem>>, vector<1x16xf32>,
      %swap3A_130 = vector.shape_cast %swap3A_129 : vector<1x16xf32> to vector<16xf32>
      %swap3A_131 = vector.shape_cast %broadcast_in_dim3A_126 : vector<16xf32> to vector<1x16xf32>
      tpu.vector_store %arg11[%swap3A_127, %swap3A_128], %swap3A_131 {strides = array<i32>} : memref<112x128xf32, #tpu.memory_space<vmem>>, vector<1x16xf32>,
      %broadcast_in_dim3A_132 = arith.constant 0.000000e+00 : f32
      %broadcast_in_dim3A_133 = vector.broadcast %broadcast_in_dim3A_132 : f32 to vector<16xf32>
      %swap3A_134 = arith.index_cast %scan3A_84 : i32 to index
      %swap3A_135 = arith.constant 112 : index
      %swap3A_136 = tpu.vector_load %arg11[%swap3A_134, %swap3A_135] {strides = array<i32>} : memref<112x128xf32, #tpu.memory_space<vmem>>, vector<1x16xf32>,
      %swap3A_137 = vector.shape_cast %swap3A_136 : vector<1x16xf32> to vector<16xf32>
      %swap3A_138 = vector.shape_cast %broadcast_in_dim3A_133 : vector<16xf32> to vector<1x16xf32>
      tpu.vector_store %arg11[%swap3A_134, %swap3A_135], %swap3A_138 {strides = array<i32>} : memref<112x128xf32, #tpu.memory_space<vmem>>, vector<1x16xf32>,
    }
    %scan3A_7 = arith.constant 112 : i32
    %add3A_8 = arith.constant 0 : i32
    %add3A_9 = arith.addi %mul3A_2, %add3A_8 : i32
    "tpu.region"() ({
      %run_scoped3A_84 = tpu.sem_alloc : memref<!tpu.dma_semaphore, #tpu.memory_space<semaphore_mem>>
      %dma_start3A_85 = arith.constant 0 : i32
      %dma_start3A_86 = tpu.memref_slice %arg14[%add3A_9, %dma_start3A_85] : memref<10008x128xf32, #tpu.memory_space<vmem_shared>> -> memref<112x128xf32, #tpu.memory_space<vmem_shared>>
      %dma_start3A_87 = arith.constant 0 : i32
      %dma_start3A_88 = tpu.memref_slice %arg14[%add3A_9, %dma_start3A_87] : memref<10008x128xf32, #tpu.memory_space<vmem_shared>> -> memref<112x128xf32, #tpu.memory_space<vmem_shared>>
      tpu.enqueue_dma source(%arg11 : memref<112x128xf32, #tpu.memory_space<vmem>>) target(%dma_start3A_88 : memref<112x128xf32, #tpu.memory_space<vmem_shared>>) target_semaphore(%run_scoped3A_84 : memref<!tpu.dma_semaphore, #tpu.memory_space<semaphore_mem>>)
      %dma_wait3A = arith.constant 0 : i32
      %dma_wait3A_89 = tpu.memref_slice %arg14[%add3A_9, %dma_wait3A] : memref<10008x128xf32, #tpu.memory_space<vmem_shared>> -> memref<112x128xf32, #tpu.memory_space<vmem_shared>>
      %dma_wait3A_90 = arith.constant 0 : i32
      %dma_wait3A_91 = tpu.memref_slice %arg14[%add3A_9, %dma_wait3A_90] : memref<10008x128xf32, #tpu.memory_space<vmem_shared>> -> memref<112x128xf32, #tpu.memory_space<vmem_shared>>
      tpu.wait_dma2 semaphore(%run_scoped3A_84 : memref<!tpu.dma_semaphore, #tpu.memory_space<semaphore_mem>>) src(%arg11 : memref<112x128xf32, #tpu.memory_space<vmem>>) dst(%dma_wait3A_91 : memref<112x128xf32, #tpu.memory_space<vmem_shared>>)
      tpu.yield
    }) : () -> ()
    %add3A_10 = arith.constant 112 : i32
    %add3A_11 = arith.addi %mul3A_2, %add3A_10 : i32
    "tpu.region"() ({
      %run_scoped3A_84 = tpu.sem_alloc : memref<!tpu.dma_semaphore, #tpu.memory_space<semaphore_mem>>
      %dma_start3A_85 = arith.constant 0 : i32
      %dma_start3A_86 = tpu.memref_slice %arg14[%add3A_11, %dma_start3A_85] : memref<10008x128xf32, #tpu.memory_space<vmem_shared>> -> memref<112x128xf32, #tpu.memory_space<vmem_shared>>
      %dma_start3A_87 = arith.constant 0 : i32
      %dma_start3A_88 = tpu.memref_slice %arg14[%add3A_11, %dma_start3A_87] : memref<10008x128xf32, #tpu.memory_space<vmem_shared>> -> memref<112x128xf32, #tpu.memory_space<vmem_shared>>
      tpu.enqueue_dma source(%arg11 : memref<112x128xf32, #tpu.memory_space<vmem>>) target(%dma_start3A_88 : memref<112x128xf32, #tpu.memory_space<vmem_shared>>) target_semaphore(%run_scoped3A_84 : memref<!tpu.dma_semaphore, #tpu.memory_space<semaphore_mem>>)
      %dma_wait3A = arith.constant 0 : i32
      %dma_wait3A_89 = tpu.memref_slice %arg14[%add3A_11, %dma_wait3A] : memref<10008x128xf32, #tpu.memory_space<vmem_shared>> -> memref<112x128xf32, #tpu.memory_space<vmem_shared>>
      %dma_wait3A_90 = arith.constant 0 : i32
      %dma_wait3A_91 = tpu.memref_slice %arg14[%add3A_11, %dma_wait3A_90] : memref<10008x128xf32, #tpu.memory_space<vmem_shared>> -> memref<112x128xf32, #tpu.memory_space<vmem_shared>>
      tpu.wait_dma2 semaphore(%run_scoped3A_84 : memref<!tpu.dma_semaphore, #tpu.memory_space<semaphore_mem>>) src(%arg11 : memref<112x128xf32, #tpu.memory_space<vmem>>) dst(%dma_wait3A_91 : memref<112x128xf32, #tpu.memory_space<vmem_shared>>)
      tpu.yield
    }) : () -> ()
    %add3A_12 = arith.constant 224 : i32
    %add3A_13 = arith.addi %mul3A_2, %add3A_12 : i32
    "tpu.region"() ({
      %run_scoped3A_84 = tpu.sem_alloc : memref<!tpu.dma_semaphore, #tpu.memory_space<semaphore_mem>>
      %dma_start3A_85 = arith.constant 0 : i32
      %dma_start3A_86 = tpu.memref_slice %arg14[%add3A_13, %dma_start3A_85] : memref<10008x128xf32, #tpu.memory_space<vmem_shared>> -> memref<112x128xf32, #tpu.memory_space<vmem_shared>>
      %dma_start3A_87 = arith.constant 0 : i32
      %dma_start3A_88 = tpu.memref_slice %arg14[%add3A_13, %dma_start3A_87] : memref<10008x128xf32, #tpu.memory_space<vmem_shared>> -> memref<112x128xf32, #tpu.memory_space<vmem_shared>>
      tpu.enqueue_dma source(%arg11 : memref<112x128xf32, #tpu.memory_space<vmem>>) target(%dma_start3A_88 : memref<112x128xf32, #tpu.memory_space<vmem_shared>>) target_semaphore(%run_scoped3A_84 : memref<!tpu.dma_semaphore, #tpu.memory_space<semaphore_mem>>)
      %dma_wait3A = arith.constant 0 : i32
      %dma_wait3A_89 = tpu.memref_slice %arg14[%add3A_13, %dma_wait3A] : memref<10008x128xf32, #tpu.memory_space<vmem_shared>> -> memref<112x128xf32, #tpu.memory_space<vmem_shared>>
      %dma_wait3A_90 = arith.constant 0 : i32
      %dma_wait3A_91 = tpu.memref_slice %arg14[%add3A_13, %dma_wait3A_90] : memref<10008x128xf32, #tpu.memory_space<vmem_shared>> -> memref<112x128xf32, #tpu.memory_space<vmem_shared>>
      tpu.wait_dma2 semaphore(%run_scoped3A_84 : memref<!tpu.dma_semaphore, #tpu.memory_space<semaphore_mem>>) src(%arg11 : memref<112x128xf32, #tpu.memory_space<vmem>>) dst(%dma_wait3A_91 : memref<112x128xf32, #tpu.memory_space<vmem_shared>>)
      tpu.yield
    }) : () -> ()
    %add3A_14 = arith.constant 336 : i32
    %add3A_15 = arith.addi %mul3A_2, %add3A_14 : i32
    "tpu.region"() ({
      %run_scoped3A_84 = tpu.sem_alloc : memref<!tpu.dma_semaphore, #tpu.memory_space<semaphore_mem>>
      %dma_start3A_85 = arith.constant 0 : i32
      %dma_start3A_86 = tpu.memref_slice %arg14[%add3A_15, %dma_start3A_85] : memref<10008x128xf32, #tpu.memory_space<vmem_shared>> -> memref<112x128xf32, #tpu.memory_space<vmem_shared>>
      %dma_start3A_87 = arith.constant 0 : i32
      %dma_start3A_88 = tpu.memref_slice %arg14[%add3A_15, %dma_start3A_87] : memref<10008x128xf32, #tpu.memory_space<vmem_shared>> -> memref<112x128xf32, #tpu.memory_space<vmem_shared>>
      tpu.enqueue_dma source(%arg11 : memref<112x128xf32, #tpu.memory_space<vmem>>) target(%dma_start3A_88 : memref<112x128xf32, #tpu.memory_space<vmem_shared>>) target_semaphore(%run_scoped3A_84 : memref<!tpu.dma_semaphore, #tpu.memory_space<semaphore_mem>>)
      %dma_wait3A = arith.constant 0 : i32
      %dma_wait3A_89 = tpu.memref_slice %arg14[%add3A_15, %dma_wait3A] : memref<10008x128xf32, #tpu.memory_space<vmem_shared>> -> memref<112x128xf32, #tpu.memory_space<vmem_shared>>
      %dma_wait3A_90 = arith.constant 0 : i32
      %dma_wait3A_91 = tpu.memref_slice %arg14[%add3A_15, %dma_wait3A_90] : memref<10008x128xf32, #tpu.memory_space<vmem_shared>> -> memref<112x128xf32, #tpu.memory_space<vmem_shared>>
      tpu.wait_dma2 semaphore(%run_scoped3A_84 : memref<!tpu.dma_semaphore, #tpu.memory_space<semaphore_mem>>) src(%arg11 : memref<112x128xf32, #tpu.memory_space<vmem>>) dst(%dma_wait3A_91 : memref<112x128xf32, #tpu.memory_space<vmem_shared>>)
      tpu.yield
    }) : () -> ()
    %add3A_16 = arith.constant 448 : i32
    %add3A_17 = arith.addi %mul3A_2, %add3A_16 : i32
    "tpu.region"() ({
      %run_scoped3A_84 = tpu.sem_alloc : memref<!tpu.dma_semaphore, #tpu.memory_space<semaphore_mem>>
      %dma_start3A_85 = arith.constant 0 : i32
      %dma_start3A_86 = tpu.memref_slice %arg14[%add3A_17, %dma_start3A_85] : memref<10008x128xf32, #tpu.memory_space<vmem_shared>> -> memref<112x128xf32, #tpu.memory_space<vmem_shared>>
      %dma_start3A_87 = arith.constant 0 : i32
      %dma_start3A_88 = tpu.memref_slice %arg14[%add3A_17, %dma_start3A_87] : memref<10008x128xf32, #tpu.memory_space<vmem_shared>> -> memref<112x128xf32, #tpu.memory_space<vmem_shared>>
      tpu.enqueue_dma source(%arg11 : memref<112x128xf32, #tpu.memory_space<vmem>>) target(%dma_start3A_88 : memref<112x128xf32, #tpu.memory_space<vmem_shared>>) target_semaphore(%run_scoped3A_84 : memref<!tpu.dma_semaphore, #tpu.memory_space<semaphore_mem>>)
      %dma_wait3A = arith.constant 0 : i32
      %dma_wait3A_89 = tpu.memref_slice %arg14[%add3A_17, %dma_wait3A] : memref<10008x128xf32, #tpu.memory_space<vmem_shared>> -> memref<112x128xf32, #tpu.memory_space<vmem_shared>>
      %dma_wait3A_90 = arith.constant 0 : i32
      %dma_wait3A_91 = tpu.memref_slice %arg14[%add3A_17, %dma_wait3A_90] : memref<10008x128xf32, #tpu.memory_space<vmem_shared>> -> memref<112x128xf32, #tpu.memory_space<vmem_shared>>
      tpu.wait_dma2 semaphore(%run_scoped3A_84 : memref<!tpu.dma_semaphore, #tpu.memory_space<semaphore_mem>>) src(%arg11 : memref<112x128xf32, #tpu.memory_space<vmem>>) dst(%dma_wait3A_91 : memref<112x128xf32, #tpu.memory_space<vmem_shared>>)
      tpu.yield
    }) : () -> ()
    %add3A_18 = arith.constant 624 : i32
    %add3A_19 = arith.addi %mul3A_2, %add3A_18 : i32
    %sub3A = arith.constant 64 : i32
    %sub3A_20 = arith.subi %add3A_19, %sub3A : i32
    "tpu.region"() ({
      %run_scoped3A_84 = tpu.sem_alloc : memref<!tpu.dma_semaphore, #tpu.memory_space<semaphore_mem>>
      %dma_start3A_85 = arith.constant 0 : i32
      %dma_start3A_86 = arith.constant 0 : i32
      %dma_start3A_87 = tpu.memref_slice %arg11[%dma_start3A_85, %dma_start3A_86] : memref<112x128xf32, #tpu.memory_space<vmem>> -> memref<64x128xf32, #tpu.memory_space<vmem>>
      %dma_start3A_88 = arith.constant 0 : i32
      %dma_start3A_89 = tpu.memref_slice %arg14[%sub3A_20, %dma_start3A_88] : memref<10008x128xf32, #tpu.memory_space<vmem_shared>> -> memref<64x128xf32, #tpu.memory_space<vmem_shared>>
      %dma_start3A_90 = arith.constant 0 : i32
      %dma_start3A_91 = tpu.memref_slice %arg14[%sub3A_20, %dma_start3A_90] : memref<10008x128xf32, #tpu.memory_space<vmem_shared>> -> memref<64x128xf32, #tpu.memory_space<vmem_shared>>
      %dma_start3A_92 = arith.constant 0 : i32
      %dma_start3A_93 = arith.constant 0 : i32
      %dma_start3A_94 = tpu.memref_slice %arg11[%dma_start3A_92, %dma_start3A_93] : memref<112x128xf32, #tpu.memory_space<vmem>> -> memref<64x128xf32, #tpu.memory_space<vmem>>
      tpu.enqueue_dma source(%dma_start3A_94 : memref<64x128xf32, #tpu.memory_space<vmem>>) target(%dma_start3A_91 : memref<64x128xf32, #tpu.memory_space<vmem_shared>>) target_semaphore(%run_scoped3A_84 : memref<!tpu.dma_semaphore, #tpu.memory_space<semaphore_mem>>)
      %dma_wait3A = arith.constant 0 : i32
      %dma_wait3A_95 = arith.constant 0 : i32
      %dma_wait3A_96 = tpu.memref_slice %arg11[%dma_wait3A, %dma_wait3A_95] : memref<112x128xf32, #tpu.memory_space<vmem>> -> memref<64x128xf32, #tpu.memory_space<vmem>>
      %dma_wait3A_97 = arith.constant 0 : i32
      %dma_wait3A_98 = tpu.memref_slice %arg14[%sub3A_20, %dma_wait3A_97] : memref<10008x128xf32, #tpu.memory_space<vmem_shared>> -> memref<64x128xf32, #tpu.memory_space<vmem_shared>>
      %dma_wait3A_99 = arith.constant 0 : i32
      %dma_wait3A_100 = tpu.memref_slice %arg14[%sub3A_20, %dma_wait3A_99] : memref<10008x128xf32, #tpu.memory_space<vmem_shared>> -> memref<64x128xf32, #tpu.memory_space<vmem_shared>>
      %dma_wait3A_101 = arith.constant 0 : i32
      %dma_wait3A_102 = arith.constant 0 : i32
      %dma_wait3A_103 = tpu.memref_slice %arg11[%dma_wait3A_101, %dma_wait3A_102] : memref<112x128xf32, #tpu.memory_space<vmem>> -> memref<64x128xf32, #tpu.memory_space<vmem>>
      tpu.wait_dma2 semaphore(%run_scoped3A_84 : memref<!tpu.dma_semaphore, #tpu.memory_space<semaphore_mem>>) src(%dma_wait3A_103 : memref<64x128xf32, #tpu.memory_space<vmem>>) dst(%dma_wait3A_100 : memref<64x128xf32, #tpu.memory_space<vmem_shared>>)
      tpu.yield
    }) : () -> ()
    %eq3A = arith.constant 15 : i32
    %eq3A_21 = arith.cmpi eq, %arg1, %eq3A : i32
    %convert_element_type3A = arith.extui %eq3A_21 : i1 to i32
    %cond3A = arith.constant 0 : i32
    %cond3A_22 = arith.cmpi ne, %convert_element_type3A, %cond3A : i32
    scf.if %cond3A_22 {
      "tpu.region"() ({
        %run_scoped3A_84 = tpu.sem_alloc : memref<!tpu.dma_semaphore, #tpu.memory_space<semaphore_mem>>
        %dma_start3A_85 = arith.constant 0 : i32
        %dma_start3A_86 = arith.constant 0 : i32
        %dma_start3A_87 = tpu.memref_slice %arg11[%dma_start3A_85, %dma_start3A_86] : memref<112x128xf32, #tpu.memory_space<vmem>> -> memref<16x128xf32, #tpu.memory_space<vmem>>
        %dma_start3A_88 = arith.constant 9984 : i32
        %dma_start3A_89 = arith.constant 0 : i32
        %dma_start3A_90 = tpu.memref_slice %arg14[%dma_start3A_88, %dma_start3A_89] : memref<10008x128xf32, #tpu.memory_space<vmem_shared>> -> memref<16x128xf32, #tpu.memory_space<vmem_shared>>
        %dma_start3A_91 = arith.constant 9984 : i32
        %dma_start3A_92 = arith.constant 0 : i32
        %dma_start3A_93 = tpu.memref_slice %arg14[%dma_start3A_91, %dma_start3A_92] : memref<10008x128xf32, #tpu.memory_space<vmem_shared>> -> memref<16x128xf32, #tpu.memory_space<vmem_shared>>
        %dma_start3A_94 = arith.constant 0 : i32
        %dma_start3A_95 = arith.constant 0 : i32
        %dma_start3A_96 = tpu.memref_slice %arg11[%dma_start3A_94, %dma_start3A_95] : memref<112x128xf32, #tpu.memory_space<vmem>> -> memref<16x128xf32, #tpu.memory_space<vmem>>
        tpu.enqueue_dma source(%dma_start3A_96 : memref<16x128xf32, #tpu.memory_space<vmem>>) target(%dma_start3A_93 : memref<16x128xf32, #tpu.memory_space<vmem_shared>>) target_semaphore(%run_scoped3A_84 : memref<!tpu.dma_semaphore, #tpu.memory_space<semaphore_mem>>)
        %dma_wait3A = arith.constant 0 : i32
        %dma_wait3A_97 = arith.constant 0 : i32
        %dma_wait3A_98 = tpu.memref_slice %arg11[%dma_wait3A, %dma_wait3A_97] : memref<112x128xf32, #tpu.memory_space<vmem>> -> memref<16x128xf32, #tpu.memory_space<vmem>>
        %dma_wait3A_99 = arith.constant 9984 : i32
        %dma_wait3A_100 = arith.constant 0 : i32
        %dma_wait3A_101 = tpu.memref_slice %arg14[%dma_wait3A_99, %dma_wait3A_100] : memref<10008x128xf32, #tpu.memory_space<vmem_shared>> -> memref<16x128xf32, #tpu.memory_space<vmem_shared>>
        %dma_wait3A_102 = arith.constant 9984 : i32
        %dma_wait3A_103 = arith.constant 0 : i32
        %dma_wait3A_104 = tpu.memref_slice %arg14[%dma_wait3A_102, %dma_wait3A_103] : memref<10008x128xf32, #tpu.memory_space<vmem_shared>> -> memref<16x128xf32, #tpu.memory_space<vmem_shared>>
        %dma_wait3A_105 = arith.constant 0 : i32
        %dma_wait3A_106 = arith.constant 0 : i32
        %dma_wait3A_107 = tpu.memref_slice %arg11[%dma_wait3A_105, %dma_wait3A_106] : memref<112x128xf32, #tpu.memory_space<vmem>> -> memref<16x128xf32, #tpu.memory_space<vmem>>
        tpu.wait_dma2 semaphore(%run_scoped3A_84 : memref<!tpu.dma_semaphore, #tpu.memory_space<semaphore_mem>>) src(%dma_wait3A_107 : memref<16x128xf32, #tpu.memory_space<vmem>>) dst(%dma_wait3A_104 : memref<16x128xf32, #tpu.memory_space<vmem_shared>>)
        tpu.yield
      }) : () -> ()
    } else {
    }
    %barrier3A = arith.constant 0 : index
    tpu.barrier barrier_id(%barrier3A)
    %run_scoped3A = arith.constant 0 : i32
    "tpu.region"() ({
      %run_scoped3A_84 = tpu.sem_alloc : memref<!tpu.dma_semaphore, #tpu.memory_space<semaphore_mem>>
      %dma_start3A_85 = arith.constant 0 : i32
      %dma_start3A_86 = arith.constant 0 : i32
      %dma_start3A_87 = tpu.memref_slice %arg3[%add3A, %run_scoped3A, %dma_start3A_85, %dma_start3A_86] : memref<32x90x2x112xi32, #tpu.memory_space<hbm>> -> memref<1x1x2x112xi32, #tpu.memory_space<hbm>>
      %dma_start3A_88 = tpu.memref_squeeze %dma_start3A_87 : memref<1x1x2x112xi32, #tpu.memory_space<hbm>> -> memref<2x112xi32, #tpu.memory_space<hbm>>
      %dma_start3A_89 = arith.constant 0 : i32
      %dma_start3A_90 = arith.constant 0 : i32
      %dma_start3A_91 = tpu.memref_slice %arg3[%add3A, %run_scoped3A, %dma_start3A_89, %dma_start3A_90] : memref<32x90x2x112xi32, #tpu.memory_space<hbm>> -> memref<1x1x2x112xi32, #tpu.memory_space<hbm>>
      %dma_start3A_92 = tpu.memref_squeeze %dma_start3A_91 : memref<1x1x2x112xi32, #tpu.memory_space<hbm>> -> memref<2x112xi32, #tpu.memory_space<hbm>>
      tpu.enqueue_dma source(%dma_start3A_92 : memref<2x112xi32, #tpu.memory_space<hbm>>) target(%arg5 : memref<2x112xi32, #tpu.memory_space<vmem>>) target_semaphore(%run_scoped3A_84 : memref<!tpu.dma_semaphore, #tpu.memory_space<semaphore_mem>>)
      %dma_wait3A = arith.constant 0 : i32
      %dma_wait3A_93 = arith.constant 0 : i32
      %dma_wait3A_94 = tpu.memref_slice %arg3[%add3A, %run_scoped3A, %dma_wait3A, %dma_wait3A_93] : memref<32x90x2x112xi32, #tpu.memory_space<hbm>> -> memref<1x1x2x112xi32, #tpu.memory_space<hbm>>
      %dma_wait3A_95 = tpu.memref_squeeze %dma_wait3A_94 : memref<1x1x2x112xi32, #tpu.memory_space<hbm>> -> memref<2x112xi32, #tpu.memory_space<hbm>>
      %dma_wait3A_96 = arith.constant 0 : i32
      %dma_wait3A_97 = arith.constant 0 : i32
      %dma_wait3A_98 = tpu.memref_slice %arg3[%add3A, %run_scoped3A, %dma_wait3A_96, %dma_wait3A_97] : memref<32x90x2x112xi32, #tpu.memory_space<hbm>> -> memref<1x1x2x112xi32, #tpu.memory_space<hbm>>
      %dma_wait3A_99 = tpu.memref_squeeze %dma_wait3A_98 : memref<1x1x2x112xi32, #tpu.memory_space<hbm>> -> memref<2x112xi32, #tpu.memory_space<hbm>>
      tpu.wait_dma2 semaphore(%run_scoped3A_84 : memref<!tpu.dma_semaphore, #tpu.memory_space<semaphore_mem>>) src(%dma_wait3A_99 : memref<2x112xi32, #tpu.memory_space<hbm>>) dst(%arg5 : memref<2x112xi32, #tpu.memory_space<vmem>>)
      tpu.yield
    }) : () -> ()
    %run_scoped3A_23 = arith.constant 1 : i32
    "tpu.region"() ({
      %run_scoped3A_84 = tpu.sem_alloc : memref<!tpu.dma_semaphore, #tpu.memory_space<semaphore_mem>>
      %dma_start3A_85 = arith.constant 0 : i32
      %dma_start3A_86 = arith.constant 0 : i32
      %dma_start3A_87 = tpu.memref_slice %arg3[%add3A, %run_scoped3A_23, %dma_start3A_85, %dma_start3A_86] : memref<32x90x2x112xi32, #tpu.memory_space<hbm>> -> memref<1x1x2x112xi32, #tpu.memory_space<hbm>>
      %dma_start3A_88 = tpu.memref_squeeze %dma_start3A_87 : memref<1x1x2x112xi32, #tpu.memory_space<hbm>> -> memref<2x112xi32, #tpu.memory_space<hbm>>
      %dma_start3A_89 = arith.constant 0 : i32
      %dma_start3A_90 = arith.constant 0 : i32
      %dma_start3A_91 = tpu.memref_slice %arg3[%add3A, %run_scoped3A_23, %dma_start3A_89, %dma_start3A_90] : memref<32x90x2x112xi32, #tpu.memory_space<hbm>> -> memref<1x1x2x112xi32, #tpu.memory_space<hbm>>
      %dma_start3A_92 = tpu.memref_squeeze %dma_start3A_91 : memref<1x1x2x112xi32, #tpu.memory_space<hbm>> -> memref<2x112xi32, #tpu.memory_space<hbm>>
      tpu.enqueue_dma source(%dma_start3A_92 : memref<2x112xi32, #tpu.memory_space<hbm>>) target(%arg6 : memref<2x112xi32, #tpu.memory_space<vmem>>) target_semaphore(%run_scoped3A_84 : memref<!tpu.dma_semaphore, #tpu.memory_space<semaphore_mem>>)
      %dma_wait3A = arith.constant 0 : i32
      %dma_wait3A_93 = arith.constant 0 : i32
      %dma_wait3A_94 = tpu.memref_slice %arg3[%add3A, %run_scoped3A_23, %dma_wait3A, %dma_wait3A_93] : memref<32x90x2x112xi32, #tpu.memory_space<hbm>> -> memref<1x1x2x112xi32, #tpu.memory_space<hbm>>
      %dma_wait3A_95 = tpu.memref_squeeze %dma_wait3A_94 : memref<1x1x2x112xi32, #tpu.memory_space<hbm>> -> memref<2x112xi32, #tpu.memory_space<hbm>>
      %dma_wait3A_96 = arith.constant 0 : i32
      %dma_wait3A_97 = arith.constant 0 : i32
      %dma_wait3A_98 = tpu.memref_slice %arg3[%add3A, %run_scoped3A_23, %dma_wait3A_96, %dma_wait3A_97] : memref<32x90x2x112xi32, #tpu.memory_space<hbm>> -> memref<1x1x2x112xi32, #tpu.memory_space<hbm>>
      %dma_wait3A_99 = tpu.memref_squeeze %dma_wait3A_98 : memref<1x1x2x112xi32, #tpu.memory_space<hbm>> -> memref<2x112xi32, #tpu.memory_space<hbm>>
      tpu.wait_dma2 semaphore(%run_scoped3A_84 : memref<!tpu.dma_semaphore, #tpu.memory_space<semaphore_mem>>) src(%dma_wait3A_99 : memref<2x112xi32, #tpu.memory_space<hbm>>) dst(%arg6 : memref<2x112xi32, #tpu.memory_space<vmem>>)
      tpu.yield
    }) : () -> ()
    %run_scoped3A_24 = arith.constant 2 : i32
    "tpu.region"() ({
      %run_scoped3A_84 = tpu.sem_alloc : memref<!tpu.dma_semaphore, #tpu.memory_space<semaphore_mem>>
      %dma_start3A_85 = arith.constant 0 : i32
      %dma_start3A_86 = arith.constant 0 : i32
      %dma_start3A_87 = tpu.memref_slice %arg3[%add3A, %run_scoped3A_24, %dma_start3A_85, %dma_start3A_86] : memref<32x90x2x112xi32, #tpu.memory_space<hbm>> -> memref<1x1x2x112xi32, #tpu.memory_space<hbm>>
      %dma_start3A_88 = tpu.memref_squeeze %dma_start3A_87 : memref<1x1x2x112xi32, #tpu.memory_space<hbm>> -> memref<2x112xi32, #tpu.memory_space<hbm>>
      %dma_start3A_89 = arith.constant 0 : i32
      %dma_start3A_90 = arith.constant 0 : i32
      %dma_start3A_91 = tpu.memref_slice %arg3[%add3A, %run_scoped3A_24, %dma_start3A_89, %dma_start3A_90] : memref<32x90x2x112xi32, #tpu.memory_space<hbm>> -> memref<1x1x2x112xi32, #tpu.memory_space<hbm>>
      %dma_start3A_92 = tpu.memref_squeeze %dma_start3A_91 : memref<1x1x2x112xi32, #tpu.memory_space<hbm>> -> memref<2x112xi32, #tpu.memory_space<hbm>>
      tpu.enqueue_dma source(%dma_start3A_92 : memref<2x112xi32, #tpu.memory_space<hbm>>) target(%arg7 : memref<2x112xi32, #tpu.memory_space<vmem>>) target_semaphore(%run_scoped3A_84 : memref<!tpu.dma_semaphore, #tpu.memory_space<semaphore_mem>>)
      %dma_wait3A = arith.constant 0 : i32
      %dma_wait3A_93 = arith.constant 0 : i32
      %dma_wait3A_94 = tpu.memref_slice %arg3[%add3A, %run_scoped3A_24, %dma_wait3A, %dma_wait3A_93] : memref<32x90x2x112xi32, #tpu.memory_space<hbm>> -> memref<1x1x2x112xi32, #tpu.memory_space<hbm>>
      %dma_wait3A_95 = tpu.memref_squeeze %dma_wait3A_94 : memref<1x1x2x112xi32, #tpu.memory_space<hbm>> -> memref<2x112xi32, #tpu.memory_space<hbm>>
      %dma_wait3A_96 = arith.constant 0 : i32
      %dma_wait3A_97 = arith.constant 0 : i32
      %dma_wait3A_98 = tpu.memref_slice %arg3[%add3A, %run_scoped3A_24, %dma_wait3A_96, %dma_wait3A_97] : memref<32x90x2x112xi32, #tpu.memory_space<hbm>> -> memref<1x1x2x112xi32, #tpu.memory_space<hbm>>
      %dma_wait3A_99 = tpu.memref_squeeze %dma_wait3A_98 : memref<1x1x2x112xi32, #tpu.memory_space<hbm>> -> memref<2x112xi32, #tpu.memory_space<hbm>>
      tpu.wait_dma2 semaphore(%run_scoped3A_84 : memref<!tpu.dma_semaphore, #tpu.memory_space<semaphore_mem>>) src(%dma_wait3A_99 : memref<2x112xi32, #tpu.memory_space<hbm>>) dst(%arg7 : memref<2x112xi32, #tpu.memory_space<vmem>>)
      tpu.yield
    }) : () -> ()
    %dma_start3A = arith.constant 0 : i32
    %dma_start3A_25 = arith.constant 0 : i32
    %dma_start3A_26 = tpu.memref_slice %arg5[%dma_start3A, %dma_start3A_25] : memref<2x112xi32, #tpu.memory_space<vmem>> -> memref<1x112xi32, #tpu.memory_space<vmem>>
    %dma_start3A_27 = tpu.memref_squeeze %dma_start3A_26 : memref<1x112xi32, #tpu.memory_space<vmem>> -> memref<112xi32, #tpu.memory_space<vmem>>
    %dma_start3A_28 = arith.constant 0 : i32
    %dma_start3A_29 = arith.constant 0 : i32
    %dma_start3A_30 = tpu.memref_slice %arg2[%dma_start3A_28, %dma_start3A_29] : memref<10000x128xf32, #tpu.memory_space<hbm>> -> memref<10000x128xf32, #tpu.memory_space<hbm>>
    tpu.enqueue_indirect_dma source(%dma_start3A_30 : memref<10000x128xf32, #tpu.memory_space<hbm>>) target(%arg11 : memref<112x128xf32, #tpu.memory_space<vmem>>) offsets(%dma_start3A_27 : memref<112xi32, #tpu.memory_space<vmem>>) semaphore(%arg15 : memref<!tpu.dma_semaphore, #tpu.memory_space<semaphore_mem>>)
    %dma_start3A_31 = arith.constant 0 : i32
    %dma_start3A_32 = arith.constant 0 : i32
    %dma_start3A_33 = tpu.memref_slice %arg6[%dma_start3A_31, %dma_start3A_32] : memref<2x112xi32, #tpu.memory_space<vmem>> -> memref<1x112xi32, #tpu.memory_space<vmem>>
    %dma_start3A_34 = tpu.memref_squeeze %dma_start3A_33 : memref<1x112xi32, #tpu.memory_space<vmem>> -> memref<112xi32, #tpu.memory_space<vmem>>
    %dma_start3A_35 = arith.constant 0 : i32
    %dma_start3A_36 = arith.constant 0 : i32
    %dma_start3A_37 = tpu.memref_slice %arg2[%dma_start3A_35, %dma_start3A_36] : memref<10000x128xf32, #tpu.memory_space<hbm>> -> memref<10000x128xf32, #tpu.memory_space<hbm>>
    tpu.enqueue_indirect_dma source(%dma_start3A_37 : memref<10000x128xf32, #tpu.memory_space<hbm>>) target(%arg12 : memref<112x128xf32, #tpu.memory_space<vmem>>) offsets(%dma_start3A_34 : memref<112xi32, #tpu.memory_space<vmem>>) semaphore(%arg16 : memref<!tpu.dma_semaphore, #tpu.memory_space<semaphore_mem>>)
    %dma_start3A_38 = arith.constant 0 : i32
    %dma_start3A_39 = arith.constant 0 : i32
    %dma_start3A_40 = tpu.memref_slice %arg7[%dma_start3A_38, %dma_start3A_39] : memref<2x112xi32, #tpu.memory_space<vmem>> -> memref<1x112xi32, #tpu.memory_space<vmem>>
    %dma_start3A_41 = tpu.memref_squeeze %dma_start3A_40 : memref<1x112xi32, #tpu.memory_space<vmem>> -> memref<112xi32, #tpu.memory_space<vmem>>
    %dma_start3A_42 = arith.constant 0 : i32
    %dma_start3A_43 = arith.constant 0 : i32
    %dma_start3A_44 = tpu.memref_slice %arg2[%dma_start3A_42, %dma_start3A_43] : memref<10000x128xf32, #tpu.memory_space<hbm>> -> memref<10000x128xf32, #tpu.memory_space<hbm>>
    tpu.enqueue_indirect_dma source(%dma_start3A_44 : memref<10000x128xf32, #tpu.memory_space<hbm>>) target(%arg13 : memref<112x128xf32, #tpu.memory_space<vmem>>) offsets(%dma_start3A_41 : memref<112xi32, #tpu.memory_space<vmem>>) semaphore(%arg17 : memref<!tpu.dma_semaphore, #tpu.memory_space<semaphore_mem>>)
    %dma_start3A_45 = arith.constant 3 : i32
    %dma_start3A_46 = arith.constant 0 : i32
    %dma_start3A_47 = arith.constant 0 : i32
    %dma_start3A_48 = tpu.memref_slice %arg3[%add3A, %dma_start3A_45, %dma_start3A_46, %dma_start3A_47] : memref<32x90x2x112xi32, #tpu.memory_space<hbm>> -> memref<1x1x2x112xi32, #tpu.memory_space<hbm>>
    %dma_start3A_49 = tpu.memref_squeeze %dma_start3A_48 : memref<1x1x2x112xi32, #tpu.memory_space<hbm>> -> memref<2x112xi32, #tpu.memory_space<hbm>>
    %dma_start3A_50 = arith.constant 0 : i32
    %dma_start3A_51 = arith.constant 0 : i32
    %dma_start3A_52 = tpu.memref_slice %arg3[%add3A, %dma_start3A_45, %dma_start3A_50, %dma_start3A_51] : memref<32x90x2x112xi32, #tpu.memory_space<hbm>> -> memref<1x1x2x112xi32, #tpu.memory_space<hbm>>
    %dma_start3A_53 = tpu.memref_squeeze %dma_start3A_52 : memref<1x1x2x112xi32, #tpu.memory_space<hbm>> -> memref<2x112xi32, #tpu.memory_space<hbm>>
    tpu.enqueue_dma source(%dma_start3A_53 : memref<2x112xi32, #tpu.memory_space<hbm>>) target(%arg8 : memref<2x112xi32, #tpu.memory_space<vmem>>) target_semaphore(%arg21 : memref<!tpu.dma_semaphore, #tpu.memory_space<semaphore_mem>>)
    %dma_start3A_54 = arith.constant 4 : i32
    %dma_start3A_55 = arith.constant 0 : i32
    %dma_start3A_56 = arith.constant 0 : i32
    %dma_start3A_57 = tpu.memref_slice %arg3[%add3A, %dma_start3A_54, %dma_start3A_55, %dma_start3A_56] : memref<32x90x2x112xi32, #tpu.memory_space<hbm>> -> memref<1x1x2x112xi32, #tpu.memory_space<hbm>>
    %dma_start3A_58 = tpu.memref_squeeze %dma_start3A_57 : memref<1x1x2x112xi32, #tpu.memory_space<hbm>> -> memref<2x112xi32, #tpu.memory_space<hbm>>
    %dma_start3A_59 = arith.constant 0 : i32
    %dma_start3A_60 = arith.constant 0 : i32
    %dma_start3A_61 = tpu.memref_slice %arg3[%add3A, %dma_start3A_54, %dma_start3A_59, %dma_start3A_60] : memref<32x90x2x112xi32, #tpu.memory_space<hbm>> -> memref<1x1x2x112xi32, #tpu.memory_space<hbm>>
    %dma_start3A_62 = tpu.memref_squeeze %dma_start3A_61 : memref<1x1x2x112xi32, #tpu.memory_space<hbm>> -> memref<2x112xi32, #tpu.memory_space<hbm>>
    tpu.enqueue_dma source(%dma_start3A_62 : memref<2x112xi32, #tpu.memory_space<hbm>>) target(%arg9 : memref<2x112xi32, #tpu.memory_space<vmem>>) target_semaphore(%arg22 : memref<!tpu.dma_semaphore, #tpu.memory_space<semaphore_mem>>)
    %dma_start3A_63 = arith.constant 5 : i32
    %dma_start3A_64 = arith.constant 0 : i32
    %dma_start3A_65 = arith.constant 0 : i32
    %dma_start3A_66 = tpu.memref_slice %arg3[%add3A, %dma_start3A_63, %dma_start3A_64, %dma_start3A_65] : memref<32x90x2x112xi32, #tpu.memory_space<hbm>> -> memref<1x1x2x112xi32, #tpu.memory_space<hbm>>
    %dma_start3A_67 = tpu.memref_squeeze %dma_start3A_66 : memref<1x1x2x112xi32, #tpu.memory_space<hbm>> -> memref<2x112xi32, #tpu.memory_space<hbm>>
    %dma_start3A_68 = arith.constant 0 : i32
    %dma_start3A_69 = arith.constant 0 : i32
    %dma_start3A_70 = tpu.memref_slice %arg3[%add3A, %dma_start3A_63, %dma_start3A_68, %dma_start3A_69] : memref<32x90x2x112xi32, #tpu.memory_space<hbm>> -> memref<1x1x2x112xi32, #tpu.memory_space<hbm>>
    %dma_start3A_71 = tpu.memref_squeeze %dma_start3A_70 : memref<1x1x2x112xi32, #tpu.memory_space<hbm>> -> memref<2x112xi32, #tpu.memory_space<hbm>>
    tpu.enqueue_dma source(%dma_start3A_71 : memref<2x112xi32, #tpu.memory_space<hbm>>) target(%arg10 : memref<2x112xi32, #tpu.memory_space<vmem>>) target_semaphore(%arg23 : memref<!tpu.dma_semaphore, #tpu.memory_space<semaphore_mem>>)
    %scan3A_72 = arith.constant 0 : i32
    %scan3A_73 = arith.constant 0 : i32
    %scan3A_74 = arith.constant 15 : i32
    %scan3A_75 = arith.addi %scan3A_73, %scan3A_74 : i32
    %scan3A_76 = arith.constant 1 : i32
    scf.for %scan3A_84 = %scan3A_73 to %scan3A_75 step %scan3A_76  : i32 {
      %mul3A_85 = arith.constant 6 : i32
      %mul3A_86 = arith.muli %scan3A_84, %mul3A_85 : i32
      %add3A_87 = arith.constant 0 : i32
      %add3A_88 = arith.addi %mul3A_86, %add3A_87 : i32
      %dma_wait3A = arith.constant 0 : i32
      %dma_wait3A_89 = arith.constant 0 : i32
      %dma_wait3A_90 = tpu.memref_slice %arg5[%dma_wait3A, %dma_wait3A_89] : memref<2x112xi32, #tpu.memory_space<vmem>> -> memref<1x112xi32, #tpu.memory_space<vmem>>
      %dma_wait3A_91 = tpu.memref_squeeze %dma_wait3A_90 : memref<1x112xi32, #tpu.memory_space<vmem>> -> memref<112xi32, #tpu.memory_space<vmem>>
      %dma_wait3A_92 = arith.constant 0 : i32
      %dma_wait3A_93 = arith.constant 0 : i32
      %dma_wait3A_94 = tpu.memref_slice %arg2[%dma_wait3A_92, %dma_wait3A_93] : memref<10000x128xf32, #tpu.memory_space<hbm>> -> memref<10000x128xf32, #tpu.memory_space<hbm>>
      tpu.wait_indirect_dma semaphore(%arg15 : memref<!tpu.dma_semaphore, #tpu.memory_space<semaphore_mem>>) src(%dma_wait3A_94 : memref<10000x128xf32, #tpu.memory_space<hbm>>) dst(%arg11 : memref<112x128xf32, #tpu.memory_space<vmem>>)
      %run_scoped3A_95 = arith.constant 1 : i32
      "tpu.region"() ({
        %run_scoped3A_215 = tpu.sem_alloc : memref<!tpu.dma_semaphore, #tpu.memory_space<semaphore_mem>>
        %dma_start3A_216 = arith.constant 0 : i32
        %dma_start3A_217 = tpu.memref_slice %arg5[%run_scoped3A_95, %dma_start3A_216] : memref<2x112xi32, #tpu.memory_space<vmem>> -> memref<1x112xi32, #tpu.memory_space<vmem>>
        %dma_start3A_218 = tpu.memref_squeeze %dma_start3A_217 : memref<1x112xi32, #tpu.memory_space<vmem>> -> memref<112xi32, #tpu.memory_space<vmem>>
        %dma_start3A_219 = arith.constant 0 : i32
        %dma_start3A_220 = arith.constant 0 : i32
        %dma_start3A_221 = tpu.memref_slice %arg14[%dma_start3A_219, %dma_start3A_220] : memref<10008x128xf32, #tpu.memory_space<vmem_shared>> -> memref<10008x128xf32, #tpu.memory_space<vmem_shared>>
        tpu.enqueue_indirect_dma source(%arg11 : memref<112x128xf32, #tpu.memory_space<vmem>>) target(%dma_start3A_221 : memref<10008x128xf32, #tpu.memory_space<vmem_shared>>) offsets(%dma_start3A_218 : memref<112xi32, #tpu.memory_space<vmem>>) semaphore(%run_scoped3A_215 : memref<!tpu.dma_semaphore, #tpu.memory_space<semaphore_mem>>) {add = true}
        %dma_wait3A_222 = arith.constant 0 : i32
        %dma_wait3A_223 = tpu.memref_slice %arg5[%run_scoped3A_95, %dma_wait3A_222] : memref<2x112xi32, #tpu.memory_space<vmem>> -> memref<1x112xi32, #tpu.memory_space<vmem>>
        %dma_wait3A_224 = tpu.memref_squeeze %dma_wait3A_223 : memref<1x112xi32, #tpu.memory_space<vmem>> -> memref<112xi32, #tpu.memory_space<vmem>>
        %dma_wait3A_225 = arith.constant 0 : i32
        %dma_wait3A_226 = arith.constant 0 : i32
        %dma_wait3A_227 = tpu.memref_slice %arg14[%dma_wait3A_225, %dma_wait3A_226] : memref<10008x128xf32, #tpu.memory_space<vmem_shared>> -> memref<10008x128xf32, #tpu.memory_space<vmem_shared>>
        tpu.wait_indirect_dma semaphore(%run_scoped3A_215 : memref<!tpu.dma_semaphore, #tpu.memory_space<semaphore_mem>>) src(%arg11 : memref<112x128xf32, #tpu.memory_space<vmem>>) dst(%dma_wait3A_227 : memref<10008x128xf32, #tpu.memory_space<vmem_shared>>)
        tpu.yield
      }) : () -> ()
      %lt3A = arith.constant 84 : i32
      %lt3A_96 = arith.cmpi slt, %add3A_88, %lt3A : i32
      %convert_element_type3A_97 = arith.extui %lt3A_96 : i1 to i32
      %cond3A_98 = arith.constant 0 : i32
      %cond3A_99 = arith.cmpi ne, %convert_element_type3A_97, %cond3A_98 : i32
      scf.if %cond3A_99 {
        %add3A_215 = arith.constant 6 : i32
        %add3A_216 = arith.addi %add3A_88, %add3A_215 : i32
        %dma_start3A_217 = arith.constant 0 : i32
        %dma_start3A_218 = arith.constant 0 : i32
        %dma_start3A_219 = tpu.memref_slice %arg3[%add3A, %add3A_216, %dma_start3A_217, %dma_start3A_218] : memref<32x90x2x112xi32, #tpu.memory_space<hbm>> -> memref<1x1x2x112xi32, #tpu.memory_space<hbm>>
        %dma_start3A_220 = tpu.memref_squeeze %dma_start3A_219 : memref<1x1x2x112xi32, #tpu.memory_space<hbm>> -> memref<2x112xi32, #tpu.memory_space<hbm>>
        %dma_start3A_221 = arith.constant 0 : i32
        %dma_start3A_222 = arith.constant 0 : i32
        %dma_start3A_223 = tpu.memref_slice %arg3[%add3A, %add3A_216, %dma_start3A_221, %dma_start3A_222] : memref<32x90x2x112xi32, #tpu.memory_space<hbm>> -> memref<1x1x2x112xi32, #tpu.memory_space<hbm>>
        %dma_start3A_224 = tpu.memref_squeeze %dma_start3A_223 : memref<1x1x2x112xi32, #tpu.memory_space<hbm>> -> memref<2x112xi32, #tpu.memory_space<hbm>>
        tpu.enqueue_dma source(%dma_start3A_224 : memref<2x112xi32, #tpu.memory_space<hbm>>) target(%arg5 : memref<2x112xi32, #tpu.memory_space<vmem>>) target_semaphore(%arg18 : memref<!tpu.dma_semaphore, #tpu.memory_space<semaphore_mem>>)
      } else {
      }
      %lt3A_100 = arith.constant 87 : i32
      %lt3A_101 = arith.cmpi slt, %add3A_88, %lt3A_100 : i32
      %convert_element_type3A_102 = arith.extui %lt3A_101 : i1 to i32
      %cond3A_103 = arith.constant 0 : i32
      %cond3A_104 = arith.cmpi ne, %convert_element_type3A_102, %cond3A_103 : i32
      scf.if %cond3A_104 {
        %dma_wait3A_215 = arith.constant 0 : i32
        %dma_wait3A_216 = arith.constant 0 : i32
        %dma_wait3A_217 = arith.constant 0 : i32
        %dma_wait3A_218 = tpu.memref_slice %arg3[%add3A, %dma_wait3A_215, %dma_wait3A_216, %dma_wait3A_217] : memref<32x90x2x112xi32, #tpu.memory_space<hbm>> -> memref<1x1x2x112xi32, #tpu.memory_space<hbm>>
        %dma_wait3A_219 = tpu.memref_squeeze %dma_wait3A_218 : memref<1x1x2x112xi32, #tpu.memory_space<hbm>> -> memref<2x112xi32, #tpu.memory_space<hbm>>
        %dma_wait3A_220 = arith.constant 0 : i32
        %dma_wait3A_221 = arith.constant 0 : i32
        %dma_wait3A_222 = tpu.memref_slice %arg3[%add3A, %dma_wait3A_215, %dma_wait3A_220, %dma_wait3A_221] : memref<32x90x2x112xi32, #tpu.memory_space<hbm>> -> memref<1x1x2x112xi32, #tpu.memory_space<hbm>>
        %dma_wait3A_223 = tpu.memref_squeeze %dma_wait3A_222 : memref<1x1x2x112xi32, #tpu.memory_space<hbm>> -> memref<2x112xi32, #tpu.memory_space<hbm>>
        tpu.wait_dma2 semaphore(%arg21 : memref<!tpu.dma_semaphore, #tpu.memory_space<semaphore_mem>>) src(%dma_wait3A_223 : memref<2x112xi32, #tpu.memory_space<hbm>>) dst(%arg8 : memref<2x112xi32, #tpu.memory_space<vmem>>)
        %dma_start3A_224 = arith.constant 0 : i32
        %dma_start3A_225 = arith.constant 0 : i32
        %dma_start3A_226 = tpu.memref_slice %arg8[%dma_start3A_224, %dma_start3A_225] : memref<2x112xi32, #tpu.memory_space<vmem>> -> memref<1x112xi32, #tpu.memory_space<vmem>>
        %dma_start3A_227 = tpu.memref_squeeze %dma_start3A_226 : memref<1x112xi32, #tpu.memory_space<vmem>> -> memref<112xi32, #tpu.memory_space<vmem>>
        %dma_start3A_228 = arith.constant 0 : i32
        %dma_start3A_229 = arith.constant 0 : i32
        %dma_start3A_230 = tpu.memref_slice %arg2[%dma_start3A_228, %dma_start3A_229] : memref<10000x128xf32, #tpu.memory_space<hbm>> -> memref<10000x128xf32, #tpu.memory_space<hbm>>
        tpu.enqueue_indirect_dma source(%dma_start3A_230 : memref<10000x128xf32, #tpu.memory_space<hbm>>) target(%arg11 : memref<112x128xf32, #tpu.memory_space<vmem>>) offsets(%dma_start3A_227 : memref<112xi32, #tpu.memory_space<vmem>>) semaphore(%arg15 : memref<!tpu.dma_semaphore, #tpu.memory_space<semaphore_mem>>)
      } else {
      }
      %mul3A_105 = arith.constant 6 : i32
      %mul3A_106 = arith.muli %scan3A_84, %mul3A_105 : i32
      %add3A_107 = arith.constant 1 : i32
      %add3A_108 = arith.addi %mul3A_106, %add3A_107 : i32
      %dma_wait3A_109 = arith.constant 0 : i32
      %dma_wait3A_110 = arith.constant 0 : i32
      %dma_wait3A_111 = tpu.memref_slice %arg6[%dma_wait3A_109, %dma_wait3A_110] : memref<2x112xi32, #tpu.memory_space<vmem>> -> memref<1x112xi32, #tpu.memory_space<vmem>>
      %dma_wait3A_112 = tpu.memref_squeeze %dma_wait3A_111 : memref<1x112xi32, #tpu.memory_space<vmem>> -> memref<112xi32, #tpu.memory_space<vmem>>
      %dma_wait3A_113 = arith.constant 0 : i32
      %dma_wait3A_114 = arith.constant 0 : i32
      %dma_wait3A_115 = tpu.memref_slice %arg2[%dma_wait3A_113, %dma_wait3A_114] : memref<10000x128xf32, #tpu.memory_space<hbm>> -> memref<10000x128xf32, #tpu.memory_space<hbm>>
      tpu.wait_indirect_dma semaphore(%arg16 : memref<!tpu.dma_semaphore, #tpu.memory_space<semaphore_mem>>) src(%dma_wait3A_115 : memref<10000x128xf32, #tpu.memory_space<hbm>>) dst(%arg12 : memref<112x128xf32, #tpu.memory_space<vmem>>)
      %run_scoped3A_116 = arith.constant 1 : i32
      "tpu.region"() ({
        %run_scoped3A_215 = tpu.sem_alloc : memref<!tpu.dma_semaphore, #tpu.memory_space<semaphore_mem>>
        %dma_start3A_216 = arith.constant 0 : i32
        %dma_start3A_217 = tpu.memref_slice %arg6[%run_scoped3A_116, %dma_start3A_216] : memref<2x112xi32, #tpu.memory_space<vmem>> -> memref<1x112xi32, #tpu.memory_space<vmem>>
        %dma_start3A_218 = tpu.memref_squeeze %dma_start3A_217 : memref<1x112xi32, #tpu.memory_space<vmem>> -> memref<112xi32, #tpu.memory_space<vmem>>
        %dma_start3A_219 = arith.constant 0 : i32
        %dma_start3A_220 = arith.constant 0 : i32
        %dma_start3A_221 = tpu.memref_slice %arg14[%dma_start3A_219, %dma_start3A_220] : memref<10008x128xf32, #tpu.memory_space<vmem_shared>> -> memref<10008x128xf32, #tpu.memory_space<vmem_shared>>
        tpu.enqueue_indirect_dma source(%arg12 : memref<112x128xf32, #tpu.memory_space<vmem>>) target(%dma_start3A_221 : memref<10008x128xf32, #tpu.memory_space<vmem_shared>>) offsets(%dma_start3A_218 : memref<112xi32, #tpu.memory_space<vmem>>) semaphore(%run_scoped3A_215 : memref<!tpu.dma_semaphore, #tpu.memory_space<semaphore_mem>>) {add = true}
        %dma_wait3A_222 = arith.constant 0 : i32
        %dma_wait3A_223 = tpu.memref_slice %arg6[%run_scoped3A_116, %dma_wait3A_222] : memref<2x112xi32, #tpu.memory_space<vmem>> -> memref<1x112xi32, #tpu.memory_space<vmem>>
        %dma_wait3A_224 = tpu.memref_squeeze %dma_wait3A_223 : memref<1x112xi32, #tpu.memory_space<vmem>> -> memref<112xi32, #tpu.memory_space<vmem>>
        %dma_wait3A_225 = arith.constant 0 : i32
        %dma_wait3A_226 = arith.constant 0 : i32
        %dma_wait3A_227 = tpu.memref_slice %arg14[%dma_wait3A_225, %dma_wait3A_226] : memref<10008x128xf32, #tpu.memory_space<vmem_shared>> -> memref<10008x128xf32, #tpu.memory_space<vmem_shared>>
        tpu.wait_indirect_dma semaphore(%run_scoped3A_215 : memref<!tpu.dma_semaphore, #tpu.memory_space<semaphore_mem>>) src(%arg12 : memref<112x128xf32, #tpu.memory_space<vmem>>) dst(%dma_wait3A_227 : memref<10008x128xf32, #tpu.memory_space<vmem_shared>>)
        tpu.yield
      }) : () -> ()
      %lt3A_117 = arith.constant 84 : i32
      %lt3A_118 = arith.cmpi slt, %add3A_108, %lt3A_117 : i32
      %convert_element_type3A_119 = arith.extui %lt3A_118 : i1 to i32
      %cond3A_120 = arith.constant 0 : i32
      %cond3A_121 = arith.cmpi ne, %convert_element_type3A_119, %cond3A_120 : i32
      scf.if %cond3A_121 {
        %add3A_215 = arith.constant 6 : i32
        %add3A_216 = arith.addi %add3A_108, %add3A_215 : i32
        %dma_start3A_217 = arith.constant 0 : i32
        %dma_start3A_218 = arith.constant 0 : i32
        %dma_start3A_219 = tpu.memref_slice %arg3[%add3A, %add3A_216, %dma_start3A_217, %dma_start3A_218] : memref<32x90x2x112xi32, #tpu.memory_space<hbm>> -> memref<1x1x2x112xi32, #tpu.memory_space<hbm>>
        %dma_start3A_220 = tpu.memref_squeeze %dma_start3A_219 : memref<1x1x2x112xi32, #tpu.memory_space<hbm>> -> memref<2x112xi32, #tpu.memory_space<hbm>>
        %dma_start3A_221 = arith.constant 0 : i32
        %dma_start3A_222 = arith.constant 0 : i32
        %dma_start3A_223 = tpu.memref_slice %arg3[%add3A, %add3A_216, %dma_start3A_221, %dma_start3A_222] : memref<32x90x2x112xi32, #tpu.memory_space<hbm>> -> memref<1x1x2x112xi32, #tpu.memory_space<hbm>>
        %dma_start3A_224 = tpu.memref_squeeze %dma_start3A_223 : memref<1x1x2x112xi32, #tpu.memory_space<hbm>> -> memref<2x112xi32, #tpu.memory_space<hbm>>
        tpu.enqueue_dma source(%dma_start3A_224 : memref<2x112xi32, #tpu.memory_space<hbm>>) target(%arg6 : memref<2x112xi32, #tpu.memory_space<vmem>>) target_semaphore(%arg19 : memref<!tpu.dma_semaphore, #tpu.memory_space<semaphore_mem>>)
      } else {
      }
      %lt3A_122 = arith.constant 87 : i32
      %lt3A_123 = arith.cmpi slt, %add3A_108, %lt3A_122 : i32
      %convert_element_type3A_124 = arith.extui %lt3A_123 : i1 to i32
      %cond3A_125 = arith.constant 0 : i32
      %cond3A_126 = arith.cmpi ne, %convert_element_type3A_124, %cond3A_125 : i32
      scf.if %cond3A_126 {
        %dma_wait3A_215 = arith.constant 0 : i32
        %dma_wait3A_216 = arith.constant 0 : i32
        %dma_wait3A_217 = arith.constant 0 : i32
        %dma_wait3A_218 = tpu.memref_slice %arg3[%add3A, %dma_wait3A_215, %dma_wait3A_216, %dma_wait3A_217] : memref<32x90x2x112xi32, #tpu.memory_space<hbm>> -> memref<1x1x2x112xi32, #tpu.memory_space<hbm>>
        %dma_wait3A_219 = tpu.memref_squeeze %dma_wait3A_218 : memref<1x1x2x112xi32, #tpu.memory_space<hbm>> -> memref<2x112xi32, #tpu.memory_space<hbm>>
        %dma_wait3A_220 = arith.constant 0 : i32
        %dma_wait3A_221 = arith.constant 0 : i32
        %dma_wait3A_222 = tpu.memref_slice %arg3[%add3A, %dma_wait3A_215, %dma_wait3A_220, %dma_wait3A_221] : memref<32x90x2x112xi32, #tpu.memory_space<hbm>> -> memref<1x1x2x112xi32, #tpu.memory_space<hbm>>
        %dma_wait3A_223 = tpu.memref_squeeze %dma_wait3A_222 : memref<1x1x2x112xi32, #tpu.memory_space<hbm>> -> memref<2x112xi32, #tpu.memory_space<hbm>>
        tpu.wait_dma2 semaphore(%arg22 : memref<!tpu.dma_semaphore, #tpu.memory_space<semaphore_mem>>) src(%dma_wait3A_223 : memref<2x112xi32, #tpu.memory_space<hbm>>) dst(%arg9 : memref<2x112xi32, #tpu.memory_space<vmem>>)
        %dma_start3A_224 = arith.constant 0 : i32
        %dma_start3A_225 = arith.constant 0 : i32
        %dma_start3A_226 = tpu.memref_slice %arg9[%dma_start3A_224, %dma_start3A_225] : memref<2x112xi32, #tpu.memory_space<vmem>> -> memref<1x112xi32, #tpu.memory_space<vmem>>
        %dma_start3A_227 = tpu.memref_squeeze %dma_start3A_226 : memref<1x112xi32, #tpu.memory_space<vmem>> -> memref<112xi32, #tpu.memory_space<vmem>>
        %dma_start3A_228 = arith.constant 0 : i32
        %dma_start3A_229 = arith.constant 0 : i32
        %dma_start3A_230 = tpu.memref_slice %arg2[%dma_start3A_228, %dma_start3A_229] : memref<10000x128xf32, #tpu.memory_space<hbm>> -> memref<10000x128xf32, #tpu.memory_space<hbm>>
        tpu.enqueue_indirect_dma source(%dma_start3A_230 : memref<10000x128xf32, #tpu.memory_space<hbm>>) target(%arg12 : memref<112x128xf32, #tpu.memory_space<vmem>>) offsets(%dma_start3A_227 : memref<112xi32, #tpu.memory_space<vmem>>) semaphore(%arg16 : memref<!tpu.dma_semaphore, #tpu.memory_space<semaphore_mem>>)
      } else {
      }
      %mul3A_127 = arith.constant 6 : i32
      %mul3A_128 = arith.muli %scan3A_84, %mul3A_127 : i32
      %add3A_129 = arith.constant 2 : i32
      %add3A_130 = arith.addi %mul3A_128, %add3A_129 : i32
      %dma_wait3A_131 = arith.constant 0 : i32
      %dma_wait3A_132 = arith.constant 0 : i32
      %dma_wait3A_133 = tpu.memref_slice %arg7[%dma_wait3A_131, %dma_wait3A_132] : memref<2x112xi32, #tpu.memory_space<vmem>> -> memref<1x112xi32, #tpu.memory_space<vmem>>
      %dma_wait3A_134 = tpu.memref_squeeze %dma_wait3A_133 : memref<1x112xi32, #tpu.memory_space<vmem>> -> memref<112xi32, #tpu.memory_space<vmem>>
      %dma_wait3A_135 = arith.constant 0 : i32
      %dma_wait3A_136 = arith.constant 0 : i32
      %dma_wait3A_137 = tpu.memref_slice %arg2[%dma_wait3A_135, %dma_wait3A_136] : memref<10000x128xf32, #tpu.memory_space<hbm>> -> memref<10000x128xf32, #tpu.memory_space<hbm>>
      tpu.wait_indirect_dma semaphore(%arg17 : memref<!tpu.dma_semaphore, #tpu.memory_space<semaphore_mem>>) src(%dma_wait3A_137 : memref<10000x128xf32, #tpu.memory_space<hbm>>) dst(%arg13 : memref<112x128xf32, #tpu.memory_space<vmem>>)
      %run_scoped3A_138 = arith.constant 1 : i32
      "tpu.region"() ({
        %run_scoped3A_215 = tpu.sem_alloc : memref<!tpu.dma_semaphore, #tpu.memory_space<semaphore_mem>>
        %dma_start3A_216 = arith.constant 0 : i32
        %dma_start3A_217 = tpu.memref_slice %arg7[%run_scoped3A_138, %dma_start3A_216] : memref<2x112xi32, #tpu.memory_space<vmem>> -> memref<1x112xi32, #tpu.memory_space<vmem>>
        %dma_start3A_218 = tpu.memref_squeeze %dma_start3A_217 : memref<1x112xi32, #tpu.memory_space<vmem>> -> memref<112xi32, #tpu.memory_space<vmem>>
        %dma_start3A_219 = arith.constant 0 : i32
        %dma_start3A_220 = arith.constant 0 : i32
        %dma_start3A_221 = tpu.memref_slice %arg14[%dma_start3A_219, %dma_start3A_220] : memref<10008x128xf32, #tpu.memory_space<vmem_shared>> -> memref<10008x128xf32, #tpu.memory_space<vmem_shared>>
        tpu.enqueue_indirect_dma source(%arg13 : memref<112x128xf32, #tpu.memory_space<vmem>>) target(%dma_start3A_221 : memref<10008x128xf32, #tpu.memory_space<vmem_shared>>) offsets(%dma_start3A_218 : memref<112xi32, #tpu.memory_space<vmem>>) semaphore(%run_scoped3A_215 : memref<!tpu.dma_semaphore, #tpu.memory_space<semaphore_mem>>) {add = true}
        %dma_wait3A_222 = arith.constant 0 : i32
        %dma_wait3A_223 = tpu.memref_slice %arg7[%run_scoped3A_138, %dma_wait3A_222] : memref<2x112xi32, #tpu.memory_space<vmem>> -> memref<1x112xi32, #tpu.memory_space<vmem>>
        %dma_wait3A_224 = tpu.memref_squeeze %dma_wait3A_223 : memref<1x112xi32, #tpu.memory_space<vmem>> -> memref<112xi32, #tpu.memory_space<vmem>>
        %dma_wait3A_225 = arith.constant 0 : i32
        %dma_wait3A_226 = arith.constant 0 : i32
        %dma_wait3A_227 = tpu.memref_slice %arg14[%dma_wait3A_225, %dma_wait3A_226] : memref<10008x128xf32, #tpu.memory_space<vmem_shared>> -> memref<10008x128xf32, #tpu.memory_space<vmem_shared>>
        tpu.wait_indirect_dma semaphore(%run_scoped3A_215 : memref<!tpu.dma_semaphore, #tpu.memory_space<semaphore_mem>>) src(%arg13 : memref<112x128xf32, #tpu.memory_space<vmem>>) dst(%dma_wait3A_227 : memref<10008x128xf32, #tpu.memory_space<vmem_shared>>)
        tpu.yield
      }) : () -> ()
      %lt3A_139 = arith.constant 84 : i32
      %lt3A_140 = arith.cmpi slt, %add3A_130, %lt3A_139 : i32
      %convert_element_type3A_141 = arith.extui %lt3A_140 : i1 to i32
      %cond3A_142 = arith.constant 0 : i32
      %cond3A_143 = arith.cmpi ne, %convert_element_type3A_141, %cond3A_142 : i32
      scf.if %cond3A_143 {
        %add3A_215 = arith.constant 6 : i32
        %add3A_216 = arith.addi %add3A_130, %add3A_215 : i32
        %dma_start3A_217 = arith.constant 0 : i32
        %dma_start3A_218 = arith.constant 0 : i32
        %dma_start3A_219 = tpu.memref_slice %arg3[%add3A, %add3A_216, %dma_start3A_217, %dma_start3A_218] : memref<32x90x2x112xi32, #tpu.memory_space<hbm>> -> memref<1x1x2x112xi32, #tpu.memory_space<hbm>>
        %dma_start3A_220 = tpu.memref_squeeze %dma_start3A_219 : memref<1x1x2x112xi32, #tpu.memory_space<hbm>> -> memref<2x112xi32, #tpu.memory_space<hbm>>
        %dma_start3A_221 = arith.constant 0 : i32
        %dma_start3A_222 = arith.constant 0 : i32
        %dma_start3A_223 = tpu.memref_slice %arg3[%add3A, %add3A_216, %dma_start3A_221, %dma_start3A_222] : memref<32x90x2x112xi32, #tpu.memory_space<hbm>> -> memref<1x1x2x112xi32, #tpu.memory_space<hbm>>
        %dma_start3A_224 = tpu.memref_squeeze %dma_start3A_223 : memref<1x1x2x112xi32, #tpu.memory_space<hbm>> -> memref<2x112xi32, #tpu.memory_space<hbm>>
        tpu.enqueue_dma source(%dma_start3A_224 : memref<2x112xi32, #tpu.memory_space<hbm>>) target(%arg7 : memref<2x112xi32, #tpu.memory_space<vmem>>) target_semaphore(%arg20 : memref<!tpu.dma_semaphore, #tpu.memory_space<semaphore_mem>>)
      } else {
      }
      %lt3A_144 = arith.constant 87 : i32
      %lt3A_145 = arith.cmpi slt, %add3A_130, %lt3A_144 : i32
      %convert_element_type3A_146 = arith.extui %lt3A_145 : i1 to i32
      %cond3A_147 = arith.constant 0 : i32
      %cond3A_148 = arith.cmpi ne, %convert_element_type3A_146, %cond3A_147 : i32
      scf.if %cond3A_148 {
        %dma_wait3A_215 = arith.constant 0 : i32
        %dma_wait3A_216 = arith.constant 0 : i32
        %dma_wait3A_217 = arith.constant 0 : i32
        %dma_wait3A_218 = tpu.memref_slice %arg3[%add3A, %dma_wait3A_215, %dma_wait3A_216, %dma_wait3A_217] : memref<32x90x2x112xi32, #tpu.memory_space<hbm>> -> memref<1x1x2x112xi32, #tpu.memory_space<hbm>>
        %dma_wait3A_219 = tpu.memref_squeeze %dma_wait3A_218 : memref<1x1x2x112xi32, #tpu.memory_space<hbm>> -> memref<2x112xi32, #tpu.memory_space<hbm>>
        %dma_wait3A_220 = arith.constant 0 : i32
        %dma_wait3A_221 = arith.constant 0 : i32
        %dma_wait3A_222 = tpu.memref_slice %arg3[%add3A, %dma_wait3A_215, %dma_wait3A_220, %dma_wait3A_221] : memref<32x90x2x112xi32, #tpu.memory_space<hbm>> -> memref<1x1x2x112xi32, #tpu.memory_space<hbm>>
        %dma_wait3A_223 = tpu.memref_squeeze %dma_wait3A_222 : memref<1x1x2x112xi32, #tpu.memory_space<hbm>> -> memref<2x112xi32, #tpu.memory_space<hbm>>
        tpu.wait_dma2 semaphore(%arg23 : memref<!tpu.dma_semaphore, #tpu.memory_space<semaphore_mem>>) src(%dma_wait3A_223 : memref<2x112xi32, #tpu.memory_space<hbm>>) dst(%arg10 : memref<2x112xi32, #tpu.memory_space<vmem>>)
        %dma_start3A_224 = arith.constant 0 : i32
        %dma_start3A_225 = arith.constant 0 : i32
        %dma_start3A_226 = tpu.memref_slice %arg10[%dma_start3A_224, %dma_start3A_225] : memref<2x112xi32, #tpu.memory_space<vmem>> -> memref<1x112xi32, #tpu.memory_space<vmem>>
        %dma_start3A_227 = tpu.memref_squeeze %dma_start3A_226 : memref<1x112xi32, #tpu.memory_space<vmem>> -> memref<112xi32, #tpu.memory_space<vmem>>
        %dma_start3A_228 = arith.constant 0 : i32
        %dma_start3A_229 = arith.constant 0 : i32
        %dma_start3A_230 = tpu.memref_slice %arg2[%dma_start3A_228, %dma_start3A_229] : memref<10000x128xf32, #tpu.memory_space<hbm>> -> memref<10000x128xf32, #tpu.memory_space<hbm>>
        tpu.enqueue_indirect_dma source(%dma_start3A_230 : memref<10000x128xf32, #tpu.memory_space<hbm>>) target(%arg13 : memref<112x128xf32, #tpu.memory_space<vmem>>) offsets(%dma_start3A_227 : memref<112xi32, #tpu.memory_space<vmem>>) semaphore(%arg17 : memref<!tpu.dma_semaphore, #tpu.memory_space<semaphore_mem>>)
      } else {
      }
      %mul3A_149 = arith.constant 6 : i32
      %mul3A_150 = arith.muli %scan3A_84, %mul3A_149 : i32
      %add3A_151 = arith.constant 3 : i32
      %add3A_152 = arith.addi %mul3A_150, %add3A_151 : i32
      %dma_wait3A_153 = arith.constant 0 : i32
      %dma_wait3A_154 = arith.constant 0 : i32
      %dma_wait3A_155 = tpu.memref_slice %arg8[%dma_wait3A_153, %dma_wait3A_154] : memref<2x112xi32, #tpu.memory_space<vmem>> -> memref<1x112xi32, #tpu.memory_space<vmem>>
      %dma_wait3A_156 = tpu.memref_squeeze %dma_wait3A_155 : memref<1x112xi32, #tpu.memory_space<vmem>> -> memref<112xi32, #tpu.memory_space<vmem>>
      %dma_wait3A_157 = arith.constant 0 : i32
      %dma_wait3A_158 = arith.constant 0 : i32
      %dma_wait3A_159 = tpu.memref_slice %arg2[%dma_wait3A_157, %dma_wait3A_158] : memref<10000x128xf32, #tpu.memory_space<hbm>> -> memref<10000x128xf32, #tpu.memory_space<hbm>>
      tpu.wait_indirect_dma semaphore(%arg15 : memref<!tpu.dma_semaphore, #tpu.memory_space<semaphore_mem>>) src(%dma_wait3A_159 : memref<10000x128xf32, #tpu.memory_space<hbm>>) dst(%arg11 : memref<112x128xf32, #tpu.memory_space<vmem>>)
      %run_scoped3A_160 = arith.constant 1 : i32
      "tpu.region"() ({
        %run_scoped3A_215 = tpu.sem_alloc : memref<!tpu.dma_semaphore, #tpu.memory_space<semaphore_mem>>
        %dma_start3A_216 = arith.constant 0 : i32
        %dma_start3A_217 = tpu.memref_slice %arg8[%run_scoped3A_160, %dma_start3A_216] : memref<2x112xi32, #tpu.memory_space<vmem>> -> memref<1x112xi32, #tpu.memory_space<vmem>>
        %dma_start3A_218 = tpu.memref_squeeze %dma_start3A_217 : memref<1x112xi32, #tpu.memory_space<vmem>> -> memref<112xi32, #tpu.memory_space<vmem>>
        %dma_start3A_219 = arith.constant 0 : i32
        %dma_start3A_220 = arith.constant 0 : i32
        %dma_start3A_221 = tpu.memref_slice %arg14[%dma_start3A_219, %dma_start3A_220] : memref<10008x128xf32, #tpu.memory_space<vmem_shared>> -> memref<10008x128xf32, #tpu.memory_space<vmem_shared>>
        tpu.enqueue_indirect_dma source(%arg11 : memref<112x128xf32, #tpu.memory_space<vmem>>) target(%dma_start3A_221 : memref<10008x128xf32, #tpu.memory_space<vmem_shared>>) offsets(%dma_start3A_218 : memref<112xi32, #tpu.memory_space<vmem>>) semaphore(%run_scoped3A_215 : memref<!tpu.dma_semaphore, #tpu.memory_space<semaphore_mem>>) {add = true}
        %dma_wait3A_222 = arith.constant 0 : i32
        %dma_wait3A_223 = tpu.memref_slice %arg8[%run_scoped3A_160, %dma_wait3A_222] : memref<2x112xi32, #tpu.memory_space<vmem>> -> memref<1x112xi32, #tpu.memory_space<vmem>>
        %dma_wait3A_224 = tpu.memref_squeeze %dma_wait3A_223 : memref<1x112xi32, #tpu.memory_space<vmem>> -> memref<112xi32, #tpu.memory_space<vmem>>
        %dma_wait3A_225 = arith.constant 0 : i32
        %dma_wait3A_226 = arith.constant 0 : i32
        %dma_wait3A_227 = tpu.memref_slice %arg14[%dma_wait3A_225, %dma_wait3A_226] : memref<10008x128xf32, #tpu.memory_space<vmem_shared>> -> memref<10008x128xf32, #tpu.memory_space<vmem_shared>>
        tpu.wait_indirect_dma semaphore(%run_scoped3A_215 : memref<!tpu.dma_semaphore, #tpu.memory_space<semaphore_mem>>) src(%arg11 : memref<112x128xf32, #tpu.memory_space<vmem>>) dst(%dma_wait3A_227 : memref<10008x128xf32, #tpu.memory_space<vmem_shared>>)
        tpu.yield
      }) : () -> ()
      %lt3A_161 = arith.constant 84 : i32
      %lt3A_162 = arith.cmpi slt, %add3A_152, %lt3A_161 : i32
      %convert_element_type3A_163 = arith.extui %lt3A_162 : i1 to i32
      %cond3A_164 = arith.constant 0 : i32
      %cond3A_165 = arith.cmpi ne, %convert_element_type3A_163, %cond3A_164 : i32
      scf.if %cond3A_165 {
        %add3A_215 = arith.constant 6 : i32
        %add3A_216 = arith.addi %add3A_152, %add3A_215 : i32
        %dma_start3A_217 = arith.constant 0 : i32
        %dma_start3A_218 = arith.constant 0 : i32
        %dma_start3A_219 = tpu.memref_slice %arg3[%add3A, %add3A_216, %dma_start3A_217, %dma_start3A_218] : memref<32x90x2x112xi32, #tpu.memory_space<hbm>> -> memref<1x1x2x112xi32, #tpu.memory_space<hbm>>
        %dma_start3A_220 = tpu.memref_squeeze %dma_start3A_219 : memref<1x1x2x112xi32, #tpu.memory_space<hbm>> -> memref<2x112xi32, #tpu.memory_space<hbm>>
        %dma_start3A_221 = arith.constant 0 : i32
        %dma_start3A_222 = arith.constant 0 : i32
        %dma_start3A_223 = tpu.memref_slice %arg3[%add3A, %add3A_216, %dma_start3A_221, %dma_start3A_222] : memref<32x90x2x112xi32, #tpu.memory_space<hbm>> -> memref<1x1x2x112xi32, #tpu.memory_space<hbm>>
        %dma_start3A_224 = tpu.memref_squeeze %dma_start3A_223 : memref<1x1x2x112xi32, #tpu.memory_space<hbm>> -> memref<2x112xi32, #tpu.memory_space<hbm>>
        tpu.enqueue_dma source(%dma_start3A_224 : memref<2x112xi32, #tpu.memory_space<hbm>>) target(%arg8 : memref<2x112xi32, #tpu.memory_space<vmem>>) target_semaphore(%arg21 : memref<!tpu.dma_semaphore, #tpu.memory_space<semaphore_mem>>)
      } else {
      }
      %lt3A_166 = arith.constant 87 : i32
      %lt3A_167 = arith.cmpi slt, %add3A_152, %lt3A_166 : i32
      %convert_element_type3A_168 = arith.extui %lt3A_167 : i1 to i32
      %cond3A_169 = arith.constant 0 : i32
      %cond3A_170 = arith.cmpi ne, %convert_element_type3A_168, %cond3A_169 : i32
      scf.if %cond3A_170 {
        %dma_wait3A_215 = arith.constant 0 : i32
        %dma_wait3A_216 = arith.constant 0 : i32
        %dma_wait3A_217 = arith.constant 0 : i32
        %dma_wait3A_218 = tpu.memref_slice %arg3[%add3A, %dma_wait3A_215, %dma_wait3A_216, %dma_wait3A_217] : memref<32x90x2x112xi32, #tpu.memory_space<hbm>> -> memref<1x1x2x112xi32, #tpu.memory_space<hbm>>
        %dma_wait3A_219 = tpu.memref_squeeze %dma_wait3A_218 : memref<1x1x2x112xi32, #tpu.memory_space<hbm>> -> memref<2x112xi32, #tpu.memory_space<hbm>>
        %dma_wait3A_220 = arith.constant 0 : i32
        %dma_wait3A_221 = arith.constant 0 : i32
        %dma_wait3A_222 = tpu.memref_slice %arg3[%add3A, %dma_wait3A_215, %dma_wait3A_220, %dma_wait3A_221] : memref<32x90x2x112xi32, #tpu.memory_space<hbm>> -> memref<1x1x2x112xi32, #tpu.memory_space<hbm>>
        %dma_wait3A_223 = tpu.memref_squeeze %dma_wait3A_222 : memref<1x1x2x112xi32, #tpu.memory_space<hbm>> -> memref<2x112xi32, #tpu.memory_space<hbm>>
        tpu.wait_dma2 semaphore(%arg18 : memref<!tpu.dma_semaphore, #tpu.memory_space<semaphore_mem>>) src(%dma_wait3A_223 : memref<2x112xi32, #tpu.memory_space<hbm>>) dst(%arg5 : memref<2x112xi32, #tpu.memory_space<vmem>>)
        %dma_start3A_224 = arith.constant 0 : i32
        %dma_start3A_225 = arith.constant 0 : i32
        %dma_start3A_226 = tpu.memref_slice %arg5[%dma_start3A_224, %dma_start3A_225] : memref<2x112xi32, #tpu.memory_space<vmem>> -> memref<1x112xi32, #tpu.memory_space<vmem>>
        %dma_start3A_227 = tpu.memref_squeeze %dma_start3A_226 : memref<1x112xi32, #tpu.memory_space<vmem>> -> memref<112xi32, #tpu.memory_space<vmem>>
        %dma_start3A_228 = arith.constant 0 : i32
        %dma_start3A_229 = arith.constant 0 : i32
        %dma_start3A_230 = tpu.memref_slice %arg2[%dma_start3A_228, %dma_start3A_229] : memref<10000x128xf32, #tpu.memory_space<hbm>> -> memref<10000x128xf32, #tpu.memory_space<hbm>>
        tpu.enqueue_indirect_dma source(%dma_start3A_230 : memref<10000x128xf32, #tpu.memory_space<hbm>>) target(%arg11 : memref<112x128xf32, #tpu.memory_space<vmem>>) offsets(%dma_start3A_227 : memref<112xi32, #tpu.memory_space<vmem>>) semaphore(%arg15 : memref<!tpu.dma_semaphore, #tpu.memory_space<semaphore_mem>>)
      } else {
      }
      %mul3A_171 = arith.constant 6 : i32
      %mul3A_172 = arith.muli %scan3A_84, %mul3A_171 : i32
      %add3A_173 = arith.constant 4 : i32
      %add3A_174 = arith.addi %mul3A_172, %add3A_173 : i32
      %dma_wait3A_175 = arith.constant 0 : i32
      %dma_wait3A_176 = arith.constant 0 : i32
      %dma_wait3A_177 = tpu.memref_slice %arg9[%dma_wait3A_175, %dma_wait3A_176] : memref<2x112xi32, #tpu.memory_space<vmem>> -> memref<1x112xi32, #tpu.memory_space<vmem>>
      %dma_wait3A_178 = tpu.memref_squeeze %dma_wait3A_177 : memref<1x112xi32, #tpu.memory_space<vmem>> -> memref<112xi32, #tpu.memory_space<vmem>>
      %dma_wait3A_179 = arith.constant 0 : i32
      %dma_wait3A_180 = arith.constant 0 : i32
      %dma_wait3A_181 = tpu.memref_slice %arg2[%dma_wait3A_179, %dma_wait3A_180] : memref<10000x128xf32, #tpu.memory_space<hbm>> -> memref<10000x128xf32, #tpu.memory_space<hbm>>
      tpu.wait_indirect_dma semaphore(%arg16 : memref<!tpu.dma_semaphore, #tpu.memory_space<semaphore_mem>>) src(%dma_wait3A_181 : memref<10000x128xf32, #tpu.memory_space<hbm>>) dst(%arg12 : memref<112x128xf32, #tpu.memory_space<vmem>>)
      %run_scoped3A_182 = arith.constant 1 : i32
      "tpu.region"() ({
        %run_scoped3A_215 = tpu.sem_alloc : memref<!tpu.dma_semaphore, #tpu.memory_space<semaphore_mem>>
        %dma_start3A_216 = arith.constant 0 : i32
        %dma_start3A_217 = tpu.memref_slice %arg9[%run_scoped3A_182, %dma_start3A_216] : memref<2x112xi32, #tpu.memory_space<vmem>> -> memref<1x112xi32, #tpu.memory_space<vmem>>
        %dma_start3A_218 = tpu.memref_squeeze %dma_start3A_217 : memref<1x112xi32, #tpu.memory_space<vmem>> -> memref<112xi32, #tpu.memory_space<vmem>>
        %dma_start3A_219 = arith.constant 0 : i32
        %dma_start3A_220 = arith.constant 0 : i32
        %dma_start3A_221 = tpu.memref_slice %arg14[%dma_start3A_219, %dma_start3A_220] : memref<10008x128xf32, #tpu.memory_space<vmem_shared>> -> memref<10008x128xf32, #tpu.memory_space<vmem_shared>>
        tpu.enqueue_indirect_dma source(%arg12 : memref<112x128xf32, #tpu.memory_space<vmem>>) target(%dma_start3A_221 : memref<10008x128xf32, #tpu.memory_space<vmem_shared>>) offsets(%dma_start3A_218 : memref<112xi32, #tpu.memory_space<vmem>>) semaphore(%run_scoped3A_215 : memref<!tpu.dma_semaphore, #tpu.memory_space<semaphore_mem>>) {add = true}
        %dma_wait3A_222 = arith.constant 0 : i32
        %dma_wait3A_223 = tpu.memref_slice %arg9[%run_scoped3A_182, %dma_wait3A_222] : memref<2x112xi32, #tpu.memory_space<vmem>> -> memref<1x112xi32, #tpu.memory_space<vmem>>
        %dma_wait3A_224 = tpu.memref_squeeze %dma_wait3A_223 : memref<1x112xi32, #tpu.memory_space<vmem>> -> memref<112xi32, #tpu.memory_space<vmem>>
        %dma_wait3A_225 = arith.constant 0 : i32
        %dma_wait3A_226 = arith.constant 0 : i32
        %dma_wait3A_227 = tpu.memref_slice %arg14[%dma_wait3A_225, %dma_wait3A_226] : memref<10008x128xf32, #tpu.memory_space<vmem_shared>> -> memref<10008x128xf32, #tpu.memory_space<vmem_shared>>
        tpu.wait_indirect_dma semaphore(%run_scoped3A_215 : memref<!tpu.dma_semaphore, #tpu.memory_space<semaphore_mem>>) src(%arg12 : memref<112x128xf32, #tpu.memory_space<vmem>>) dst(%dma_wait3A_227 : memref<10008x128xf32, #tpu.memory_space<vmem_shared>>)
        tpu.yield
      }) : () -> ()
      %lt3A_183 = arith.constant 84 : i32
      %lt3A_184 = arith.cmpi slt, %add3A_174, %lt3A_183 : i32
      %convert_element_type3A_185 = arith.extui %lt3A_184 : i1 to i32
      %cond3A_186 = arith.constant 0 : i32
      %cond3A_187 = arith.cmpi ne, %convert_element_type3A_185, %cond3A_186 : i32
      scf.if %cond3A_187 {
        %add3A_215 = arith.constant 6 : i32
        %add3A_216 = arith.addi %add3A_174, %add3A_215 : i32
        %dma_start3A_217 = arith.constant 0 : i32
        %dma_start3A_218 = arith.constant 0 : i32
        %dma_start3A_219 = tpu.memref_slice %arg3[%add3A, %add3A_216, %dma_start3A_217, %dma_start3A_218] : memref<32x90x2x112xi32, #tpu.memory_space<hbm>> -> memref<1x1x2x112xi32, #tpu.memory_space<hbm>>
        %dma_start3A_220 = tpu.memref_squeeze %dma_start3A_219 : memref<1x1x2x112xi32, #tpu.memory_space<hbm>> -> memref<2x112xi32, #tpu.memory_space<hbm>>
        %dma_start3A_221 = arith.constant 0 : i32
        %dma_start3A_222 = arith.constant 0 : i32
        %dma_start3A_223 = tpu.memref_slice %arg3[%add3A, %add3A_216, %dma_start3A_221, %dma_start3A_222] : memref<32x90x2x112xi32, #tpu.memory_space<hbm>> -> memref<1x1x2x112xi32, #tpu.memory_space<hbm>>
        %dma_start3A_224 = tpu.memref_squeeze %dma_start3A_223 : memref<1x1x2x112xi32, #tpu.memory_space<hbm>> -> memref<2x112xi32, #tpu.memory_space<hbm>>
        tpu.enqueue_dma source(%dma_start3A_224 : memref<2x112xi32, #tpu.memory_space<hbm>>) target(%arg9 : memref<2x112xi32, #tpu.memory_space<vmem>>) target_semaphore(%arg22 : memref<!tpu.dma_semaphore, #tpu.memory_space<semaphore_mem>>)
      } else {
      }
      %lt3A_188 = arith.constant 87 : i32
      %lt3A_189 = arith.cmpi slt, %add3A_174, %lt3A_188 : i32
      %convert_element_type3A_190 = arith.extui %lt3A_189 : i1 to i32
      %cond3A_191 = arith.constant 0 : i32
      %cond3A_192 = arith.cmpi ne, %convert_element_type3A_190, %cond3A_191 : i32
      scf.if %cond3A_192 {
        %dma_wait3A_215 = arith.constant 0 : i32
        %dma_wait3A_216 = arith.constant 0 : i32
        %dma_wait3A_217 = arith.constant 0 : i32
        %dma_wait3A_218 = tpu.memref_slice %arg3[%add3A, %dma_wait3A_215, %dma_wait3A_216, %dma_wait3A_217] : memref<32x90x2x112xi32, #tpu.memory_space<hbm>> -> memref<1x1x2x112xi32, #tpu.memory_space<hbm>>
        %dma_wait3A_219 = tpu.memref_squeeze %dma_wait3A_218 : memref<1x1x2x112xi32, #tpu.memory_space<hbm>> -> memref<2x112xi32, #tpu.memory_space<hbm>>
        %dma_wait3A_220 = arith.constant 0 : i32
        %dma_wait3A_221 = arith.constant 0 : i32
        %dma_wait3A_222 = tpu.memref_slice %arg3[%add3A, %dma_wait3A_215, %dma_wait3A_220, %dma_wait3A_221] : memref<32x90x2x112xi32, #tpu.memory_space<hbm>> -> memref<1x1x2x112xi32, #tpu.memory_space<hbm>>
        %dma_wait3A_223 = tpu.memref_squeeze %dma_wait3A_222 : memref<1x1x2x112xi32, #tpu.memory_space<hbm>> -> memref<2x112xi32, #tpu.memory_space<hbm>>
        tpu.wait_dma2 semaphore(%arg19 : memref<!tpu.dma_semaphore, #tpu.memory_space<semaphore_mem>>) src(%dma_wait3A_223 : memref<2x112xi32, #tpu.memory_space<hbm>>) dst(%arg6 : memref<2x112xi32, #tpu.memory_space<vmem>>)
        %dma_start3A_224 = arith.constant 0 : i32
        %dma_start3A_225 = arith.constant 0 : i32
        %dma_start3A_226 = tpu.memref_slice %arg6[%dma_start3A_224, %dma_start3A_225] : memref<2x112xi32, #tpu.memory_space<vmem>> -> memref<1x112xi32, #tpu.memory_space<vmem>>
        %dma_start3A_227 = tpu.memref_squeeze %dma_start3A_226 : memref<1x112xi32, #tpu.memory_space<vmem>> -> memref<112xi32, #tpu.memory_space<vmem>>
        %dma_start3A_228 = arith.constant 0 : i32
        %dma_start3A_229 = arith.constant 0 : i32
        %dma_start3A_230 = tpu.memref_slice %arg2[%dma_start3A_228, %dma_start3A_229] : memref<10000x128xf32, #tpu.memory_space<hbm>> -> memref<10000x128xf32, #tpu.memory_space<hbm>>
        tpu.enqueue_indirect_dma source(%dma_start3A_230 : memref<10000x128xf32, #tpu.memory_space<hbm>>) target(%arg12 : memref<112x128xf32, #tpu.memory_space<vmem>>) offsets(%dma_start3A_227 : memref<112xi32, #tpu.memory_space<vmem>>) semaphore(%arg16 : memref<!tpu.dma_semaphore, #tpu.memory_space<semaphore_mem>>)
      } else {
      }
      %mul3A_193 = arith.constant 6 : i32
      %mul3A_194 = arith.muli %scan3A_84, %mul3A_193 : i32
      %add3A_195 = arith.constant 5 : i32
      %add3A_196 = arith.addi %mul3A_194, %add3A_195 : i32
      %dma_wait3A_197 = arith.constant 0 : i32
      %dma_wait3A_198 = arith.constant 0 : i32
      %dma_wait3A_199 = tpu.memref_slice %arg10[%dma_wait3A_197, %dma_wait3A_198] : memref<2x112xi32, #tpu.memory_space<vmem>> -> memref<1x112xi32, #tpu.memory_space<vmem>>
      %dma_wait3A_200 = tpu.memref_squeeze %dma_wait3A_199 : memref<1x112xi32, #tpu.memory_space<vmem>> -> memref<112xi32, #tpu.memory_space<vmem>>
      %dma_wait3A_201 = arith.constant 0 : i32
      %dma_wait3A_202 = arith.constant 0 : i32
      %dma_wait3A_203 = tpu.memref_slice %arg2[%dma_wait3A_201, %dma_wait3A_202] : memref<10000x128xf32, #tpu.memory_space<hbm>> -> memref<10000x128xf32, #tpu.memory_space<hbm>>
      tpu.wait_indirect_dma semaphore(%arg17 : memref<!tpu.dma_semaphore, #tpu.memory_space<semaphore_mem>>) src(%dma_wait3A_203 : memref<10000x128xf32, #tpu.memory_space<hbm>>) dst(%arg13 : memref<112x128xf32, #tpu.memory_space<vmem>>)
      %run_scoped3A_204 = arith.constant 1 : i32
      "tpu.region"() ({
        %run_scoped3A_215 = tpu.sem_alloc : memref<!tpu.dma_semaphore, #tpu.memory_space<semaphore_mem>>
        %dma_start3A_216 = arith.constant 0 : i32
        %dma_start3A_217 = tpu.memref_slice %arg10[%run_scoped3A_204, %dma_start3A_216] : memref<2x112xi32, #tpu.memory_space<vmem>> -> memref<1x112xi32, #tpu.memory_space<vmem>>
        %dma_start3A_218 = tpu.memref_squeeze %dma_start3A_217 : memref<1x112xi32, #tpu.memory_space<vmem>> -> memref<112xi32, #tpu.memory_space<vmem>>
        %dma_start3A_219 = arith.constant 0 : i32
        %dma_start3A_220 = arith.constant 0 : i32
        %dma_start3A_221 = tpu.memref_slice %arg14[%dma_start3A_219, %dma_start3A_220] : memref<10008x128xf32, #tpu.memory_space<vmem_shared>> -> memref<10008x128xf32, #tpu.memory_space<vmem_shared>>
        tpu.enqueue_indirect_dma source(%arg13 : memref<112x128xf32, #tpu.memory_space<vmem>>) target(%dma_start3A_221 : memref<10008x128xf32, #tpu.memory_space<vmem_shared>>) offsets(%dma_start3A_218 : memref<112xi32, #tpu.memory_space<vmem>>) semaphore(%run_scoped3A_215 : memref<!tpu.dma_semaphore, #tpu.memory_space<semaphore_mem>>) {add = true}
        %dma_wait3A_222 = arith.constant 0 : i32
        %dma_wait3A_223 = tpu.memref_slice %arg10[%run_scoped3A_204, %dma_wait3A_222] : memref<2x112xi32, #tpu.memory_space<vmem>> -> memref<1x112xi32, #tpu.memory_space<vmem>>
        %dma_wait3A_224 = tpu.memref_squeeze %dma_wait3A_223 : memref<1x112xi32, #tpu.memory_space<vmem>> -> memref<112xi32, #tpu.memory_space<vmem>>
        %dma_wait3A_225 = arith.constant 0 : i32
        %dma_wait3A_226 = arith.constant 0 : i32
        %dma_wait3A_227 = tpu.memref_slice %arg14[%dma_wait3A_225, %dma_wait3A_226] : memref<10008x128xf32, #tpu.memory_space<vmem_shared>> -> memref<10008x128xf32, #tpu.memory_space<vmem_shared>>
        tpu.wait_indirect_dma semaphore(%run_scoped3A_215 : memref<!tpu.dma_semaphore, #tpu.memory_space<semaphore_mem>>) src(%arg13 : memref<112x128xf32, #tpu.memory_space<vmem>>) dst(%dma_wait3A_227 : memref<10008x128xf32, #tpu.memory_space<vmem_shared>>)
        tpu.yield
      }) : () -> ()
      %lt3A_205 = arith.constant 84 : i32
      %lt3A_206 = arith.cmpi slt, %add3A_196, %lt3A_205 : i32
      %convert_element_type3A_207 = arith.extui %lt3A_206 : i1 to i32
      %cond3A_208 = arith.constant 0 : i32
      %cond3A_209 = arith.cmpi ne, %convert_element_type3A_207, %cond3A_208 : i32
      scf.if %cond3A_209 {
        %add3A_215 = arith.constant 6 : i32
        %add3A_216 = arith.addi %add3A_196, %add3A_215 : i32
        %dma_start3A_217 = arith.constant 0 : i32
        %dma_start3A_218 = arith.constant 0 : i32
        %dma_start3A_219 = tpu.memref_slice %arg3[%add3A, %add3A_216, %dma_start3A_217, %dma_start3A_218] : memref<32x90x2x112xi32, #tpu.memory_space<hbm>> -> memref<1x1x2x112xi32, #tpu.memory_space<hbm>>
        %dma_start3A_220 = tpu.memref_squeeze %dma_start3A_219 : memref<1x1x2x112xi32, #tpu.memory_space<hbm>> -> memref<2x112xi32, #tpu.memory_space<hbm>>
        %dma_start3A_221 = arith.constant 0 : i32
        %dma_start3A_222 = arith.constant 0 : i32
        %dma_start3A_223 = tpu.memref_slice %arg3[%add3A, %add3A_216, %dma_start3A_221, %dma_start3A_222] : memref<32x90x2x112xi32, #tpu.memory_space<hbm>> -> memref<1x1x2x112xi32, #tpu.memory_space<hbm>>
        %dma_start3A_224 = tpu.memref_squeeze %dma_start3A_223 : memref<1x1x2x112xi32, #tpu.memory_space<hbm>> -> memref<2x112xi32, #tpu.memory_space<hbm>>
        tpu.enqueue_dma source(%dma_start3A_224 : memref<2x112xi32, #tpu.memory_space<hbm>>) target(%arg10 : memref<2x112xi32, #tpu.memory_space<vmem>>) target_semaphore(%arg23 : memref<!tpu.dma_semaphore, #tpu.memory_space<semaphore_mem>>)
      } else {
      }
      %lt3A_210 = arith.constant 87 : i32
      %lt3A_211 = arith.cmpi slt, %add3A_196, %lt3A_210 : i32
      %convert_element_type3A_212 = arith.extui %lt3A_211 : i1 to i32
      %cond3A_213 = arith.constant 0 : i32
      %cond3A_214 = arith.cmpi ne, %convert_element_type3A_212, %cond3A_213 : i32
      scf.if %cond3A_214 {
        %dma_wait3A_215 = arith.constant 0 : i32
        %dma_wait3A_216 = arith.constant 0 : i32
        %dma_wait3A_217 = arith.constant 0 : i32
        %dma_wait3A_218 = tpu.memref_slice %arg3[%add3A, %dma_wait3A_215, %dma_wait3A_216, %dma_wait3A_217] : memref<32x90x2x112xi32, #tpu.memory_space<hbm>> -> memref<1x1x2x112xi32, #tpu.memory_space<hbm>>
        %dma_wait3A_219 = tpu.memref_squeeze %dma_wait3A_218 : memref<1x1x2x112xi32, #tpu.memory_space<hbm>> -> memref<2x112xi32, #tpu.memory_space<hbm>>
        %dma_wait3A_220 = arith.constant 0 : i32
        %dma_wait3A_221 = arith.constant 0 : i32
        %dma_wait3A_222 = tpu.memref_slice %arg3[%add3A, %dma_wait3A_215, %dma_wait3A_220, %dma_wait3A_221] : memref<32x90x2x112xi32, #tpu.memory_space<hbm>> -> memref<1x1x2x112xi32, #tpu.memory_space<hbm>>
        %dma_wait3A_223 = tpu.memref_squeeze %dma_wait3A_222 : memref<1x1x2x112xi32, #tpu.memory_space<hbm>> -> memref<2x112xi32, #tpu.memory_space<hbm>>
        tpu.wait_dma2 semaphore(%arg20 : memref<!tpu.dma_semaphore, #tpu.memory_space<semaphore_mem>>) src(%dma_wait3A_223 : memref<2x112xi32, #tpu.memory_space<hbm>>) dst(%arg7 : memref<2x112xi32, #tpu.memory_space<vmem>>)
        %dma_start3A_224 = arith.constant 0 : i32
        %dma_start3A_225 = arith.constant 0 : i32
        %dma_start3A_226 = tpu.memref_slice %arg7[%dma_start3A_224, %dma_start3A_225] : memref<2x112xi32, #tpu.memory_space<vmem>> -> memref<1x112xi32, #tpu.memory_space<vmem>>
        %dma_start3A_227 = tpu.memref_squeeze %dma_start3A_226 : memref<1x112xi32, #tpu.memory_space<vmem>> -> memref<112xi32, #tpu.memory_space<vmem>>
        %dma_start3A_228 = arith.constant 0 : i32
        %dma_start3A_229 = arith.constant 0 : i32
        %dma_start3A_230 = tpu.memref_slice %arg2[%dma_start3A_228, %dma_start3A_229] : memref<10000x128xf32, #tpu.memory_space<hbm>> -> memref<10000x128xf32, #tpu.memory_space<hbm>>
        tpu.enqueue_indirect_dma source(%dma_start3A_230 : memref<10000x128xf32, #tpu.memory_space<hbm>>) target(%arg13 : memref<112x128xf32, #tpu.memory_space<vmem>>) offsets(%dma_start3A_227 : memref<112xi32, #tpu.memory_space<vmem>>) semaphore(%arg17 : memref<!tpu.dma_semaphore, #tpu.memory_space<semaphore_mem>>)
      } else {
      }
    }
    %scan3A_77 = arith.constant 15 : i32
    %barrier3A_78 = arith.constant 0 : index
    tpu.barrier barrier_id(%barrier3A_78)
    "tpu.region"() ({
      %run_scoped3A_84 = tpu.sem_alloc : memref<!tpu.dma_semaphore, #tpu.memory_space<semaphore_mem>>
      %dma_start3A_85 = arith.constant 0 : i32
      %dma_start3A_86 = tpu.memref_slice %arg4[%arg0, %mul3A_2, %dma_start3A_85] : memref<2x10000x128xf32, #tpu.memory_space<hbm>> -> memref<1x624x128xf32, #tpu.memory_space<hbm>>
      %dma_start3A_87 = tpu.memref_squeeze %dma_start3A_86 : memref<1x624x128xf32, #tpu.memory_space<hbm>> -> memref<624x128xf32, #tpu.memory_space<hbm>>
      %dma_start3A_88 = arith.constant 0 : i32
      %dma_start3A_89 = tpu.memref_slice %arg14[%mul3A_2, %dma_start3A_88] : memref<10008x128xf32, #tpu.memory_space<vmem_shared>> -> memref<624x128xf32, #tpu.memory_space<vmem_shared>>
      tpu.enqueue_dma source(%dma_start3A_89 : memref<624x128xf32, #tpu.memory_space<vmem_shared>>) target(%dma_start3A_87 : memref<624x128xf32, #tpu.memory_space<hbm>>) target_semaphore(%run_scoped3A_84 : memref<!tpu.dma_semaphore, #tpu.memory_space<semaphore_mem>>)
      %dma_wait3A = arith.constant 0 : i32
      %dma_wait3A_90 = tpu.memref_slice %arg4[%arg0, %mul3A_2, %dma_wait3A] : memref<2x10000x128xf32, #tpu.memory_space<hbm>> -> memref<1x624x128xf32, #tpu.memory_space<hbm>>
      %dma_wait3A_91 = tpu.memref_squeeze %dma_wait3A_90 : memref<1x624x128xf32, #tpu.memory_space<hbm>> -> memref<624x128xf32, #tpu.memory_space<hbm>>
      %dma_wait3A_92 = arith.constant 0 : i32
      %dma_wait3A_93 = tpu.memref_slice %arg14[%mul3A_2, %dma_wait3A_92] : memref<10008x128xf32, #tpu.memory_space<vmem_shared>> -> memref<624x128xf32, #tpu.memory_space<vmem_shared>>
      tpu.wait_dma2 semaphore(%run_scoped3A_84 : memref<!tpu.dma_semaphore, #tpu.memory_space<semaphore_mem>>) src(%dma_wait3A_93 : memref<624x128xf32, #tpu.memory_space<vmem_shared>>) dst(%dma_wait3A_91 : memref<624x128xf32, #tpu.memory_space<hbm>>)
      tpu.yield
    }) : () -> ()
    %eq3A_79 = arith.constant 15 : i32
    %eq3A_80 = arith.cmpi eq, %arg1, %eq3A_79 : i32
    %convert_element_type3A_81 = arith.extui %eq3A_80 : i1 to i32
    %cond3A_82 = arith.constant 0 : i32
    %cond3A_83 = arith.cmpi ne, %convert_element_type3A_81, %cond3A_82 : i32
    scf.if %cond3A_83 {
      "tpu.region"() ({
        %run_scoped3A_84 = tpu.sem_alloc : memref<!tpu.dma_semaphore, #tpu.memory_space<semaphore_mem>>
        %dma_start3A_85 = arith.constant 9984 : i32
        %dma_start3A_86 = arith.constant 0 : i32
        %dma_start3A_87 = tpu.memref_slice %arg4[%arg0, %dma_start3A_85, %dma_start3A_86] : memref<2x10000x128xf32, #tpu.memory_space<hbm>> -> memref<1x16x128xf32, #tpu.memory_space<hbm>>
        %dma_start3A_88 = tpu.memref_squeeze %dma_start3A_87 : memref<1x16x128xf32, #tpu.memory_space<hbm>> -> memref<16x128xf32, #tpu.memory_space<hbm>>
        %dma_start3A_89 = arith.constant 9984 : i32
        %dma_start3A_90 = arith.constant 0 : i32
        %dma_start3A_91 = tpu.memref_slice %arg14[%dma_start3A_89, %dma_start3A_90] : memref<10008x128xf32, #tpu.memory_space<vmem_shared>> -> memref<16x128xf32, #tpu.memory_space<vmem_shared>>
        tpu.enqueue_dma source(%dma_start3A_91 : memref<16x128xf32, #tpu.memory_space<vmem_shared>>) target(%dma_start3A_88 : memref<16x128xf32, #tpu.memory_space<hbm>>) target_semaphore(%run_scoped3A_84 : memref<!tpu.dma_semaphore, #tpu.memory_space<semaphore_mem>>)
        %dma_wait3A = arith.constant 9984 : i32
        %dma_wait3A_92 = arith.constant 0 : i32
        %dma_wait3A_93 = tpu.memref_slice %arg4[%arg0, %dma_wait3A, %dma_wait3A_92] : memref<2x10000x128xf32, #tpu.memory_space<hbm>> -> memref<1x16x128xf32, #tpu.memory_space<hbm>>
        %dma_wait3A_94 = tpu.memref_squeeze %dma_wait3A_93 : memref<1x16x128xf32, #tpu.memory_space<hbm>> -> memref<16x128xf32, #tpu.memory_space<hbm>>
        %dma_wait3A_95 = arith.constant 9984 : i32
        %dma_wait3A_96 = arith.constant 0 : i32
        %dma_wait3A_97 = tpu.memref_slice %arg14[%dma_wait3A_95, %dma_wait3A_96] : memref<10008x128xf32, #tpu.memory_space<vmem_shared>> -> memref<16x128xf32, #tpu.memory_space<vmem_shared>>
        tpu.wait_dma2 semaphore(%run_scoped3A_84 : memref<!tpu.dma_semaphore, #tpu.memory_space<semaphore_mem>>) src(%dma_wait3A_97 : memref<16x128xf32, #tpu.memory_space<vmem_shared>>) dst(%dma_wait3A_94 : memref<16x128xf32, #tpu.memory_space<hbm>>)
        tpu.yield
      }) : () -> ()
    } else {
    }
    return
  }
}

#map = affine_map<(d0, d1) -> (0, 0)>
#map1 = affine_map<(d0, d1) -> (0, 0, 0, 0)>
#map2 = affine_map<(d0, d1) -> (0, 0, 0)>
module attributes {stable_mosaic.version = 14 : i64} {
  func.func @_sc_agg_body(%arg0: i32, %arg1: i32, %arg2: memref<10000x128xf32, #tpu.memory_space<hbm>>, %arg3: memref<32x90x2x112xi32, #tpu.memory_space<hbm>>, %arg4: memref<2x10000x128xf32, #tpu.memory_space<hbm>>, %arg5: memref<2x112xi32, #tpu.memory_space<vmem>>, %arg6: memref<2x112xi32, #tpu.memory_space<vmem>>, %arg7: memref<2x112xi32, #tpu.memory_space<vmem>>, %arg8: memref<2x112xi32, #tpu.memory_space<vmem>>, %arg9: memref<2x112xi32, #tpu.memory_space<vmem>>, %arg10: memref<2x112xi32, #tpu.memory_space<vmem>>, %arg11: memref<112x128xf32, #tpu.memory_space<vmem>>, %arg12: memref<112x128xf32, #tpu.memory_space<vmem>>, %arg13: memref<112x128xf32, #tpu.memory_space<vmem>>, %arg14: memref<10008x128xf32, #tpu.memory_space<vmem_shared>>, %arg15: memref<!tpu.dma_semaphore, #tpu.memory_space<semaphore_mem>>, %arg16: memref<!tpu.dma_semaphore, #tpu.memory_space<semaphore_mem>>, %arg17: memref<!tpu.dma_semaphore, #tpu.memory_space<semaphore_mem>>, %arg18: memref<!tpu.dma_semaphore, #tpu.memory_space<semaphore_mem>>, %arg19: memref<!tpu.dma_semaphore, #tpu.memory_space<semaphore_mem>>, %arg20: memref<!tpu.dma_semaphore, #tpu.memory_space<semaphore_mem>>, %arg21: memref<!tpu.dma_semaphore, #tpu.memory_space<semaphore_mem>>, %arg22: memref<!tpu.dma_semaphore, #tpu.memory_space<semaphore_mem>>, %arg23: memref<!tpu.dma_semaphore, #tpu.memory_space<semaphore_mem>>) attributes {dimension_semantics = [#tpu.dimension_semantics<core_parallel>, #tpu.dimension_semantics<subcore_parallel>], iteration_bounds = array<i64: 2, 16>, scalar_prefetch = 0 : i64, scratch_operands = 19 : i64, tpu.core_type = #tpu.core_type<sc_vector_subcore>, window_params = [{transform_indices = #map}, {transform_indices = #map1}, {transform_indices = #map2}]} {
    %mul3A = arith.constant 16 : i32
    %mul3A_0 = arith.muli %arg0, %mul3A : i32
    %add3A = arith.addi %mul3A_0, %arg1 : i32
    %mul3A_1 = arith.constant 624 : i32
    %mul3A_2 = arith.muli %arg1, %mul3A_1 : i32
    %scan3A = arith.constant 0 : i32
    %scan3A_3 = arith.constant 0 : i32
    %scan3A_4 = arith.constant 112 : i32
    %scan3A_5 = arith.addi %scan3A_3, %scan3A_4 : i32
    %scan3A_6 = arith.constant 1 : i32
    scf.for %scan3A_84 = %scan3A_3 to %scan3A_5 step %scan3A_6  : i32 {
      %broadcast_in_dim3A = arith.constant 0.000000e+00 : f32
      %broadcast_in_dim3A_85 = vector.broadcast %broadcast_in_dim3A : f32 to vector<16xf32>
      %swap3A = arith.index_cast %scan3A_84 : i32 to index
      %swap3A_86 = arith.constant 0 : index
      %swap3A_87 = tpu.vector_load %arg11[%swap3A, %swap3A_86] {strides = array<i32>} : memref<112x128xf32, #tpu.memory_space<vmem>>, vector<1x16xf32>,
      %swap3A_88 = vector.shape_cast %swap3A_87 : vector<1x16xf32> to vector<16xf32>
      %swap3A_89 = vector.shape_cast %broadcast_in_dim3A_85 : vector<16xf32> to vector<1x16xf32>
      tpu.vector_store %arg11[%swap3A, %swap3A_86], %swap3A_89 {strides = array<i32>} : memref<112x128xf32, #tpu.memory_space<vmem>>, vector<1x16xf32>,
      %broadcast_in_dim3A_90 = arith.constant 0.000000e+00 : f32
      %broadcast_in_dim3A_91 = vector.broadcast %broadcast_in_dim3A_90 : f32 to vector<16xf32>
      %swap3A_92 = arith.index_cast %scan3A_84 : i32 to index
      %swap3A_93 = arith.constant 16 : index
      %swap3A_94 = tpu.vector_load %arg11[%swap3A_92, %swap3A_93] {strides = array<i32>} : memref<112x128xf32, #tpu.memory_space<vmem>>, vector<1x16xf32>,
      %swap3A_95 = vector.shape_cast %swap3A_94 : vector<1x16xf32> to vector<16xf32>
      %swap3A_96 = vector.shape_cast %broadcast_in_dim3A_91 : vector<16xf32> to vector<1x16xf32>
      tpu.vector_store %arg11[%swap3A_92, %swap3A_93], %swap3A_96 {strides = array<i32>} : memref<112x128xf32, #tpu.memory_space<vmem>>, vector<1x16xf32>,
      %broadcast_in_dim3A_97 = arith.constant 0.000000e+00 : f32
      %broadcast_in_dim3A_98 = vector.broadcast %broadcast_in_dim3A_97 : f32 to vector<16xf32>
      %swap3A_99 = arith.index_cast %scan3A_84 : i32 to index
      %swap3A_100 = arith.constant 32 : index
      %swap3A_101 = tpu.vector_load %arg11[%swap3A_99, %swap3A_100] {strides = array<i32>} : memref<112x128xf32, #tpu.memory_space<vmem>>, vector<1x16xf32>,
      %swap3A_102 = vector.shape_cast %swap3A_101 : vector<1x16xf32> to vector<16xf32>
      %swap3A_103 = vector.shape_cast %broadcast_in_dim3A_98 : vector<16xf32> to vector<1x16xf32>
      tpu.vector_store %arg11[%swap3A_99, %swap3A_100], %swap3A_103 {strides = array<i32>} : memref<112x128xf32, #tpu.memory_space<vmem>>, vector<1x16xf32>,
      %broadcast_in_dim3A_104 = arith.constant 0.000000e+00 : f32
      %broadcast_in_dim3A_105 = vector.broadcast %broadcast_in_dim3A_104 : f32 to vector<16xf32>
      %swap3A_106 = arith.index_cast %scan3A_84 : i32 to index
      %swap3A_107 = arith.constant 48 : index
      %swap3A_108 = tpu.vector_load %arg11[%swap3A_106, %swap3A_107] {strides = array<i32>} : memref<112x128xf32, #tpu.memory_space<vmem>>, vector<1x16xf32>,
      %swap3A_109 = vector.shape_cast %swap3A_108 : vector<1x16xf32> to vector<16xf32>
      %swap3A_110 = vector.shape_cast %broadcast_in_dim3A_105 : vector<16xf32> to vector<1x16xf32>
      tpu.vector_store %arg11[%swap3A_106, %swap3A_107], %swap3A_110 {strides = array<i32>} : memref<112x128xf32, #tpu.memory_space<vmem>>, vector<1x16xf32>,
      %broadcast_in_dim3A_111 = arith.constant 0.000000e+00 : f32
      %broadcast_in_dim3A_112 = vector.broadcast %broadcast_in_dim3A_111 : f32 to vector<16xf32>
      %swap3A_113 = arith.index_cast %scan3A_84 : i32 to index
      %swap3A_114 = arith.constant 64 : index
      %swap3A_115 = tpu.vector_load %arg11[%swap3A_113, %swap3A_114] {strides = array<i32>} : memref<112x128xf32, #tpu.memory_space<vmem>>, vector<1x16xf32>,
      %swap3A_116 = vector.shape_cast %swap3A_115 : vector<1x16xf32> to vector<16xf32>
      %swap3A_117 = vector.shape_cast %broadcast_in_dim3A_112 : vector<16xf32> to vector<1x16xf32>
      tpu.vector_store %arg11[%swap3A_113, %swap3A_114], %swap3A_117 {strides = array<i32>} : memref<112x128xf32, #tpu.memory_space<vmem>>, vector<1x16xf32>,
      %broadcast_in_dim3A_118 = arith.constant 0.000000e+00 : f32
      %broadcast_in_dim3A_119 = vector.broadcast %broadcast_in_dim3A_118 : f32 to vector<16xf32>
      %swap3A_120 = arith.index_cast %scan3A_84 : i32 to index
      %swap3A_121 = arith.constant 80 : index
      %swap3A_122 = tpu.vector_load %arg11[%swap3A_120, %swap3A_121] {strides = array<i32>} : memref<112x128xf32, #tpu.memory_space<vmem>>, vector<1x16xf32>,
      %swap3A_123 = vector.shape_cast %swap3A_122 : vector<1x16xf32> to vector<16xf32>
      %swap3A_124 = vector.shape_cast %broadcast_in_dim3A_119 : vector<16xf32> to vector<1x16xf32>
      tpu.vector_store %arg11[%swap3A_120, %swap3A_121], %swap3A_124 {strides = array<i32>} : memref<112x128xf32, #tpu.memory_space<vmem>>, vector<1x16xf32>,
      %broadcast_in_dim3A_125 = arith.constant 0.000000e+00 : f32
      %broadcast_in_dim3A_126 = vector.broadcast %broadcast_in_dim3A_125 : f32 to vector<16xf32>
      %swap3A_127 = arith.index_cast %scan3A_84 : i32 to index
      %swap3A_128 = arith.constant 96 : index
      %swap3A_129 = tpu.vector_load %arg11[%swap3A_127, %swap3A_128] {strides = array<i32>} : memref<112x128xf32, #tpu.memory_space<vmem>>, vector<1x16xf32>,
      %swap3A_130 = vector.shape_cast %swap3A_129 : vector<1x16xf32> to vector<16xf32>
      %swap3A_131 = vector.shape_cast %broadcast_in_dim3A_126 : vector<16xf32> to vector<1x16xf32>
      tpu.vector_store %arg11[%swap3A_127, %swap3A_128], %swap3A_131 {strides = array<i32>} : memref<112x128xf32, #tpu.memory_space<vmem>>, vector<1x16xf32>,
      %broadcast_in_dim3A_132 = arith.constant 0.000000e+00 : f32
      %broadcast_in_dim3A_133 = vector.broadcast %broadcast_in_dim3A_132 : f32 to vector<16xf32>
      %swap3A_134 = arith.index_cast %scan3A_84 : i32 to index
      %swap3A_135 = arith.constant 112 : index
      %swap3A_136 = tpu.vector_load %arg11[%swap3A_134, %swap3A_135] {strides = array<i32>} : memref<112x128xf32, #tpu.memory_space<vmem>>, vector<1x16xf32>,
      %swap3A_137 = vector.shape_cast %swap3A_136 : vector<1x16xf32> to vector<16xf32>
      %swap3A_138 = vector.shape_cast %broadcast_in_dim3A_133 : vector<16xf32> to vector<1x16xf32>
      tpu.vector_store %arg11[%swap3A_134, %swap3A_135], %swap3A_138 {strides = array<i32>} : memref<112x128xf32, #tpu.memory_space<vmem>>, vector<1x16xf32>,
    }
    %scan3A_7 = arith.constant 112 : i32
    %add3A_8 = arith.constant 0 : i32
    %add3A_9 = arith.addi %mul3A_2, %add3A_8 : i32
    "tpu.region"() ({
      %run_scoped3A_84 = tpu.sem_alloc : memref<!tpu.dma_semaphore, #tpu.memory_space<semaphore_mem>>
      %dma_start3A_85 = arith.constant 0 : i32
      %dma_start3A_86 = tpu.memref_slice %arg14[%add3A_9, %dma_start3A_85] : memref<10008x128xf32, #tpu.memory_space<vmem_shared>> -> memref<112x128xf32, #tpu.memory_space<vmem_shared>>
      %dma_start3A_87 = arith.constant 0 : i32
      %dma_start3A_88 = tpu.memref_slice %arg14[%add3A_9, %dma_start3A_87] : memref<10008x128xf32, #tpu.memory_space<vmem_shared>> -> memref<112x128xf32, #tpu.memory_space<vmem_shared>>
      tpu.enqueue_dma source(%arg11 : memref<112x128xf32, #tpu.memory_space<vmem>>) target(%dma_start3A_88 : memref<112x128xf32, #tpu.memory_space<vmem_shared>>) target_semaphore(%run_scoped3A_84 : memref<!tpu.dma_semaphore, #tpu.memory_space<semaphore_mem>>)
      %dma_wait3A = arith.constant 0 : i32
      %dma_wait3A_89 = tpu.memref_slice %arg14[%add3A_9, %dma_wait3A] : memref<10008x128xf32, #tpu.memory_space<vmem_shared>> -> memref<112x128xf32, #tpu.memory_space<vmem_shared>>
      %dma_wait3A_90 = arith.constant 0 : i32
      %dma_wait3A_91 = tpu.memref_slice %arg14[%add3A_9, %dma_wait3A_90] : memref<10008x128xf32, #tpu.memory_space<vmem_shared>> -> memref<112x128xf32, #tpu.memory_space<vmem_shared>>
      tpu.wait_dma2 semaphore(%run_scoped3A_84 : memref<!tpu.dma_semaphore, #tpu.memory_space<semaphore_mem>>) src(%arg11 : memref<112x128xf32, #tpu.memory_space<vmem>>) dst(%dma_wait3A_91 : memref<112x128xf32, #tpu.memory_space<vmem_shared>>)
      tpu.yield
    }) : () -> ()
    %add3A_10 = arith.constant 112 : i32
    %add3A_11 = arith.addi %mul3A_2, %add3A_10 : i32
    "tpu.region"() ({
      %run_scoped3A_84 = tpu.sem_alloc : memref<!tpu.dma_semaphore, #tpu.memory_space<semaphore_mem>>
      %dma_start3A_85 = arith.constant 0 : i32
      %dma_start3A_86 = tpu.memref_slice %arg14[%add3A_11, %dma_start3A_85] : memref<10008x128xf32, #tpu.memory_space<vmem_shared>> -> memref<112x128xf32, #tpu.memory_space<vmem_shared>>
      %dma_start3A_87 = arith.constant 0 : i32
      %dma_start3A_88 = tpu.memref_slice %arg14[%add3A_11, %dma_start3A_87] : memref<10008x128xf32, #tpu.memory_space<vmem_shared>> -> memref<112x128xf32, #tpu.memory_space<vmem_shared>>
      tpu.enqueue_dma source(%arg11 : memref<112x128xf32, #tpu.memory_space<vmem>>) target(%dma_start3A_88 : memref<112x128xf32, #tpu.memory_space<vmem_shared>>) target_semaphore(%run_scoped3A_84 : memref<!tpu.dma_semaphore, #tpu.memory_space<semaphore_mem>>)
      %dma_wait3A = arith.constant 0 : i32
      %dma_wait3A_89 = tpu.memref_slice %arg14[%add3A_11, %dma_wait3A] : memref<10008x128xf32, #tpu.memory_space<vmem_shared>> -> memref<112x128xf32, #tpu.memory_space<vmem_shared>>
      %dma_wait3A_90 = arith.constant 0 : i32
      %dma_wait3A_91 = tpu.memref_slice %arg14[%add3A_11, %dma_wait3A_90] : memref<10008x128xf32, #tpu.memory_space<vmem_shared>> -> memref<112x128xf32, #tpu.memory_space<vmem_shared>>
      tpu.wait_dma2 semaphore(%run_scoped3A_84 : memref<!tpu.dma_semaphore, #tpu.memory_space<semaphore_mem>>) src(%arg11 : memref<112x128xf32, #tpu.memory_space<vmem>>) dst(%dma_wait3A_91 : memref<112x128xf32, #tpu.memory_space<vmem_shared>>)
      tpu.yield
    }) : () -> ()
    %add3A_12 = arith.constant 224 : i32
    %add3A_13 = arith.addi %mul3A_2, %add3A_12 : i32
    "tpu.region"() ({
      %run_scoped3A_84 = tpu.sem_alloc : memref<!tpu.dma_semaphore, #tpu.memory_space<semaphore_mem>>
      %dma_start3A_85 = arith.constant 0 : i32
      %dma_start3A_86 = tpu.memref_slice %arg14[%add3A_13, %dma_start3A_85] : memref<10008x128xf32, #tpu.memory_space<vmem_shared>> -> memref<112x128xf32, #tpu.memory_space<vmem_shared>>
      %dma_start3A_87 = arith.constant 0 : i32
      %dma_start3A_88 = tpu.memref_slice %arg14[%add3A_13, %dma_start3A_87] : memref<10008x128xf32, #tpu.memory_space<vmem_shared>> -> memref<112x128xf32, #tpu.memory_space<vmem_shared>>
      tpu.enqueue_dma source(%arg11 : memref<112x128xf32, #tpu.memory_space<vmem>>) target(%dma_start3A_88 : memref<112x128xf32, #tpu.memory_space<vmem_shared>>) target_semaphore(%run_scoped3A_84 : memref<!tpu.dma_semaphore, #tpu.memory_space<semaphore_mem>>)
      %dma_wait3A = arith.constant 0 : i32
      %dma_wait3A_89 = tpu.memref_slice %arg14[%add3A_13, %dma_wait3A] : memref<10008x128xf32, #tpu.memory_space<vmem_shared>> -> memref<112x128xf32, #tpu.memory_space<vmem_shared>>
      %dma_wait3A_90 = arith.constant 0 : i32
      %dma_wait3A_91 = tpu.memref_slice %arg14[%add3A_13, %dma_wait3A_90] : memref<10008x128xf32, #tpu.memory_space<vmem_shared>> -> memref<112x128xf32, #tpu.memory_space<vmem_shared>>
      tpu.wait_dma2 semaphore(%run_scoped3A_84 : memref<!tpu.dma_semaphore, #tpu.memory_space<semaphore_mem>>) src(%arg11 : memref<112x128xf32, #tpu.memory_space<vmem>>) dst(%dma_wait3A_91 : memref<112x128xf32, #tpu.memory_space<vmem_shared>>)
      tpu.yield
    }) : () -> ()
    %add3A_14 = arith.constant 336 : i32
    %add3A_15 = arith.addi %mul3A_2, %add3A_14 : i32
    "tpu.region"() ({
      %run_scoped3A_84 = tpu.sem_alloc : memref<!tpu.dma_semaphore, #tpu.memory_space<semaphore_mem>>
      %dma_start3A_85 = arith.constant 0 : i32
      %dma_start3A_86 = tpu.memref_slice %arg14[%add3A_15, %dma_start3A_85] : memref<10008x128xf32, #tpu.memory_space<vmem_shared>> -> memref<112x128xf32, #tpu.memory_space<vmem_shared>>
      %dma_start3A_87 = arith.constant 0 : i32
      %dma_start3A_88 = tpu.memref_slice %arg14[%add3A_15, %dma_start3A_87] : memref<10008x128xf32, #tpu.memory_space<vmem_shared>> -> memref<112x128xf32, #tpu.memory_space<vmem_shared>>
      tpu.enqueue_dma source(%arg11 : memref<112x128xf32, #tpu.memory_space<vmem>>) target(%dma_start3A_88 : memref<112x128xf32, #tpu.memory_space<vmem_shared>>) target_semaphore(%run_scoped3A_84 : memref<!tpu.dma_semaphore, #tpu.memory_space<semaphore_mem>>)
      %dma_wait3A = arith.constant 0 : i32
      %dma_wait3A_89 = tpu.memref_slice %arg14[%add3A_15, %dma_wait3A] : memref<10008x128xf32, #tpu.memory_space<vmem_shared>> -> memref<112x128xf32, #tpu.memory_space<vmem_shared>>
      %dma_wait3A_90 = arith.constant 0 : i32
      %dma_wait3A_91 = tpu.memref_slice %arg14[%add3A_15, %dma_wait3A_90] : memref<10008x128xf32, #tpu.memory_space<vmem_shared>> -> memref<112x128xf32, #tpu.memory_space<vmem_shared>>
      tpu.wait_dma2 semaphore(%run_scoped3A_84 : memref<!tpu.dma_semaphore, #tpu.memory_space<semaphore_mem>>) src(%arg11 : memref<112x128xf32, #tpu.memory_space<vmem>>) dst(%dma_wait3A_91 : memref<112x128xf32, #tpu.memory_space<vmem_shared>>)
      tpu.yield
    }) : () -> ()
    %add3A_16 = arith.constant 448 : i32
    %add3A_17 = arith.addi %mul3A_2, %add3A_16 : i32
    "tpu.region"() ({
      %run_scoped3A_84 = tpu.sem_alloc : memref<!tpu.dma_semaphore, #tpu.memory_space<semaphore_mem>>
      %dma_start3A_85 = arith.constant 0 : i32
      %dma_start3A_86 = tpu.memref_slice %arg14[%add3A_17, %dma_start3A_85] : memref<10008x128xf32, #tpu.memory_space<vmem_shared>> -> memref<112x128xf32, #tpu.memory_space<vmem_shared>>
      %dma_start3A_87 = arith.constant 0 : i32
      %dma_start3A_88 = tpu.memref_slice %arg14[%add3A_17, %dma_start3A_87] : memref<10008x128xf32, #tpu.memory_space<vmem_shared>> -> memref<112x128xf32, #tpu.memory_space<vmem_shared>>
      tpu.enqueue_dma source(%arg11 : memref<112x128xf32, #tpu.memory_space<vmem>>) target(%dma_start3A_88 : memref<112x128xf32, #tpu.memory_space<vmem_shared>>) target_semaphore(%run_scoped3A_84 : memref<!tpu.dma_semaphore, #tpu.memory_space<semaphore_mem>>)
      %dma_wait3A = arith.constant 0 : i32
      %dma_wait3A_89 = tpu.memref_slice %arg14[%add3A_17, %dma_wait3A] : memref<10008x128xf32, #tpu.memory_space<vmem_shared>> -> memref<112x128xf32, #tpu.memory_space<vmem_shared>>
      %dma_wait3A_90 = arith.constant 0 : i32
      %dma_wait3A_91 = tpu.memref_slice %arg14[%add3A_17, %dma_wait3A_90] : memref<10008x128xf32, #tpu.memory_space<vmem_shared>> -> memref<112x128xf32, #tpu.memory_space<vmem_shared>>
      tpu.wait_dma2 semaphore(%run_scoped3A_84 : memref<!tpu.dma_semaphore, #tpu.memory_space<semaphore_mem>>) src(%arg11 : memref<112x128xf32, #tpu.memory_space<vmem>>) dst(%dma_wait3A_91 : memref<112x128xf32, #tpu.memory_space<vmem_shared>>)
      tpu.yield
    }) : () -> ()
    %add3A_18 = arith.constant 624 : i32
    %add3A_19 = arith.addi %mul3A_2, %add3A_18 : i32
    %sub3A = arith.constant 64 : i32
    %sub3A_20 = arith.subi %add3A_19, %sub3A : i32
    "tpu.region"() ({
      %run_scoped3A_84 = tpu.sem_alloc : memref<!tpu.dma_semaphore, #tpu.memory_space<semaphore_mem>>
      %dma_start3A_85 = arith.constant 0 : i32
      %dma_start3A_86 = arith.constant 0 : i32
      %dma_start3A_87 = tpu.memref_slice %arg11[%dma_start3A_85, %dma_start3A_86] : memref<112x128xf32, #tpu.memory_space<vmem>> -> memref<64x128xf32, #tpu.memory_space<vmem>>
      %dma_start3A_88 = arith.constant 0 : i32
      %dma_start3A_89 = tpu.memref_slice %arg14[%sub3A_20, %dma_start3A_88] : memref<10008x128xf32, #tpu.memory_space<vmem_shared>> -> memref<64x128xf32, #tpu.memory_space<vmem_shared>>
      %dma_start3A_90 = arith.constant 0 : i32
      %dma_start3A_91 = tpu.memref_slice %arg14[%sub3A_20, %dma_start3A_90] : memref<10008x128xf32, #tpu.memory_space<vmem_shared>> -> memref<64x128xf32, #tpu.memory_space<vmem_shared>>
      %dma_start3A_92 = arith.constant 0 : i32
      %dma_start3A_93 = arith.constant 0 : i32
      %dma_start3A_94 = tpu.memref_slice %arg11[%dma_start3A_92, %dma_start3A_93] : memref<112x128xf32, #tpu.memory_space<vmem>> -> memref<64x128xf32, #tpu.memory_space<vmem>>
      tpu.enqueue_dma source(%dma_start3A_94 : memref<64x128xf32, #tpu.memory_space<vmem>>) target(%dma_start3A_91 : memref<64x128xf32, #tpu.memory_space<vmem_shared>>) target_semaphore(%run_scoped3A_84 : memref<!tpu.dma_semaphore, #tpu.memory_space<semaphore_mem>>)
      %dma_wait3A = arith.constant 0 : i32
      %dma_wait3A_95 = arith.constant 0 : i32
      %dma_wait3A_96 = tpu.memref_slice %arg11[%dma_wait3A, %dma_wait3A_95] : memref<112x128xf32, #tpu.memory_space<vmem>> -> memref<64x128xf32, #tpu.memory_space<vmem>>
      %dma_wait3A_97 = arith.constant 0 : i32
      %dma_wait3A_98 = tpu.memref_slice %arg14[%sub3A_20, %dma_wait3A_97] : memref<10008x128xf32, #tpu.memory_space<vmem_shared>> -> memref<64x128xf32, #tpu.memory_space<vmem_shared>>
      %dma_wait3A_99 = arith.constant 0 : i32
      %dma_wait3A_100 = tpu.memref_slice %arg14[%sub3A_20, %dma_wait3A_99] : memref<10008x128xf32, #tpu.memory_space<vmem_shared>> -> memref<64x128xf32, #tpu.memory_space<vmem_shared>>
      %dma_wait3A_101 = arith.constant 0 : i32
      %dma_wait3A_102 = arith.constant 0 : i32
      %dma_wait3A_103 = tpu.memref_slice %arg11[%dma_wait3A_101, %dma_wait3A_102] : memref<112x128xf32, #tpu.memory_space<vmem>> -> memref<64x128xf32, #tpu.memory_space<vmem>>
      tpu.wait_dma2 semaphore(%run_scoped3A_84 : memref<!tpu.dma_semaphore, #tpu.memory_space<semaphore_mem>>) src(%dma_wait3A_103 : memref<64x128xf32, #tpu.memory_space<vmem>>) dst(%dma_wait3A_100 : memref<64x128xf32, #tpu.memory_space<vmem_shared>>)
      tpu.yield
    }) : () -> ()
    %eq3A = arith.constant 15 : i32
    %eq3A_21 = arith.cmpi eq, %arg1, %eq3A : i32
    %convert_element_type3A = arith.extui %eq3A_21 : i1 to i32
    %cond3A = arith.constant 0 : i32
    %cond3A_22 = arith.cmpi ne, %convert_element_type3A, %cond3A : i32
    scf.if %cond3A_22 {
      "tpu.region"() ({
        %run_scoped3A_84 = tpu.sem_alloc : memref<!tpu.dma_semaphore, #tpu.memory_space<semaphore_mem>>
        %dma_start3A_85 = arith.constant 0 : i32
        %dma_start3A_86 = arith.constant 0 : i32
        %dma_start3A_87 = tpu.memref_slice %arg11[%dma_start3A_85, %dma_start3A_86] : memref<112x128xf32, #tpu.memory_space<vmem>> -> memref<16x128xf32, #tpu.memory_space<vmem>>
        %dma_start3A_88 = arith.constant 9984 : i32
        %dma_start3A_89 = arith.constant 0 : i32
        %dma_start3A_90 = tpu.memref_slice %arg14[%dma_start3A_88, %dma_start3A_89] : memref<10008x128xf32, #tpu.memory_space<vmem_shared>> -> memref<16x128xf32, #tpu.memory_space<vmem_shared>>
        %dma_start3A_91 = arith.constant 9984 : i32
        %dma_start3A_92 = arith.constant 0 : i32
        %dma_start3A_93 = tpu.memref_slice %arg14[%dma_start3A_91, %dma_start3A_92] : memref<10008x128xf32, #tpu.memory_space<vmem_shared>> -> memref<16x128xf32, #tpu.memory_space<vmem_shared>>
        %dma_start3A_94 = arith.constant 0 : i32
        %dma_start3A_95 = arith.constant 0 : i32
        %dma_start3A_96 = tpu.memref_slice %arg11[%dma_start3A_94, %dma_start3A_95] : memref<112x128xf32, #tpu.memory_space<vmem>> -> memref<16x128xf32, #tpu.memory_space<vmem>>
        tpu.enqueue_dma source(%dma_start3A_96 : memref<16x128xf32, #tpu.memory_space<vmem>>) target(%dma_start3A_93 : memref<16x128xf32, #tpu.memory_space<vmem_shared>>) target_semaphore(%run_scoped3A_84 : memref<!tpu.dma_semaphore, #tpu.memory_space<semaphore_mem>>)
        %dma_wait3A = arith.constant 0 : i32
        %dma_wait3A_97 = arith.constant 0 : i32
        %dma_wait3A_98 = tpu.memref_slice %arg11[%dma_wait3A, %dma_wait3A_97] : memref<112x128xf32, #tpu.memory_space<vmem>> -> memref<16x128xf32, #tpu.memory_space<vmem>>
        %dma_wait3A_99 = arith.constant 9984 : i32
        %dma_wait3A_100 = arith.constant 0 : i32
        %dma_wait3A_101 = tpu.memref_slice %arg14[%dma_wait3A_99, %dma_wait3A_100] : memref<10008x128xf32, #tpu.memory_space<vmem_shared>> -> memref<16x128xf32, #tpu.memory_space<vmem_shared>>
        %dma_wait3A_102 = arith.constant 9984 : i32
        %dma_wait3A_103 = arith.constant 0 : i32
        %dma_wait3A_104 = tpu.memref_slice %arg14[%dma_wait3A_102, %dma_wait3A_103] : memref<10008x128xf32, #tpu.memory_space<vmem_shared>> -> memref<16x128xf32, #tpu.memory_space<vmem_shared>>
        %dma_wait3A_105 = arith.constant 0 : i32
        %dma_wait3A_106 = arith.constant 0 : i32
        %dma_wait3A_107 = tpu.memref_slice %arg11[%dma_wait3A_105, %dma_wait3A_106] : memref<112x128xf32, #tpu.memory_space<vmem>> -> memref<16x128xf32, #tpu.memory_space<vmem>>
        tpu.wait_dma2 semaphore(%run_scoped3A_84 : memref<!tpu.dma_semaphore, #tpu.memory_space<semaphore_mem>>) src(%dma_wait3A_107 : memref<16x128xf32, #tpu.memory_space<vmem>>) dst(%dma_wait3A_104 : memref<16x128xf32, #tpu.memory_space<vmem_shared>>)
        tpu.yield
      }) : () -> ()
    } else {
    }
    %barrier3A = arith.constant 0 : index
    tpu.barrier barrier_id(%barrier3A)
    %run_scoped3A = arith.constant 0 : i32
    "tpu.region"() ({
      %run_scoped3A_84 = tpu.sem_alloc : memref<!tpu.dma_semaphore, #tpu.memory_space<semaphore_mem>>
      %dma_start3A_85 = arith.constant 0 : i32
      %dma_start3A_86 = arith.constant 0 : i32
      %dma_start3A_87 = tpu.memref_slice %arg3[%add3A, %run_scoped3A, %dma_start3A_85, %dma_start3A_86] : memref<32x90x2x112xi32, #tpu.memory_space<hbm>> -> memref<1x1x2x112xi32, #tpu.memory_space<hbm>>
      %dma_start3A_88 = tpu.memref_squeeze %dma_start3A_87 : memref<1x1x2x112xi32, #tpu.memory_space<hbm>> -> memref<2x112xi32, #tpu.memory_space<hbm>>
      %dma_start3A_89 = arith.constant 0 : i32
      %dma_start3A_90 = arith.constant 0 : i32
      %dma_start3A_91 = tpu.memref_slice %arg3[%add3A, %run_scoped3A, %dma_start3A_89, %dma_start3A_90] : memref<32x90x2x112xi32, #tpu.memory_space<hbm>> -> memref<1x1x2x112xi32, #tpu.memory_space<hbm>>
      %dma_start3A_92 = tpu.memref_squeeze %dma_start3A_91 : memref<1x1x2x112xi32, #tpu.memory_space<hbm>> -> memref<2x112xi32, #tpu.memory_space<hbm>>
      tpu.enqueue_dma source(%dma_start3A_92 : memref<2x112xi32, #tpu.memory_space<hbm>>) target(%arg5 : memref<2x112xi32, #tpu.memory_space<vmem>>) target_semaphore(%run_scoped3A_84 : memref<!tpu.dma_semaphore, #tpu.memory_space<semaphore_mem>>)
      %dma_wait3A = arith.constant 0 : i32
      %dma_wait3A_93 = arith.constant 0 : i32
      %dma_wait3A_94 = tpu.memref_slice %arg3[%add3A, %run_scoped3A, %dma_wait3A, %dma_wait3A_93] : memref<32x90x2x112xi32, #tpu.memory_space<hbm>> -> memref<1x1x2x112xi32, #tpu.memory_space<hbm>>
      %dma_wait3A_95 = tpu.memref_squeeze %dma_wait3A_94 : memref<1x1x2x112xi32, #tpu.memory_space<hbm>> -> memref<2x112xi32, #tpu.memory_space<hbm>>
      %dma_wait3A_96 = arith.constant 0 : i32
      %dma_wait3A_97 = arith.constant 0 : i32
      %dma_wait3A_98 = tpu.memref_slice %arg3[%add3A, %run_scoped3A, %dma_wait3A_96, %dma_wait3A_97] : memref<32x90x2x112xi32, #tpu.memory_space<hbm>> -> memref<1x1x2x112xi32, #tpu.memory_space<hbm>>
      %dma_wait3A_99 = tpu.memref_squeeze %dma_wait3A_98 : memref<1x1x2x112xi32, #tpu.memory_space<hbm>> -> memref<2x112xi32, #tpu.memory_space<hbm>>
      tpu.wait_dma2 semaphore(%run_scoped3A_84 : memref<!tpu.dma_semaphore, #tpu.memory_space<semaphore_mem>>) src(%dma_wait3A_99 : memref<2x112xi32, #tpu.memory_space<hbm>>) dst(%arg5 : memref<2x112xi32, #tpu.memory_space<vmem>>)
      tpu.yield
    }) : () -> ()
    %run_scoped3A_23 = arith.constant 1 : i32
    "tpu.region"() ({
      %run_scoped3A_84 = tpu.sem_alloc : memref<!tpu.dma_semaphore, #tpu.memory_space<semaphore_mem>>
      %dma_start3A_85 = arith.constant 0 : i32
      %dma_start3A_86 = arith.constant 0 : i32
      %dma_start3A_87 = tpu.memref_slice %arg3[%add3A, %run_scoped3A_23, %dma_start3A_85, %dma_start3A_86] : memref<32x90x2x112xi32, #tpu.memory_space<hbm>> -> memref<1x1x2x112xi32, #tpu.memory_space<hbm>>
      %dma_start3A_88 = tpu.memref_squeeze %dma_start3A_87 : memref<1x1x2x112xi32, #tpu.memory_space<hbm>> -> memref<2x112xi32, #tpu.memory_space<hbm>>
      %dma_start3A_89 = arith.constant 0 : i32
      %dma_start3A_90 = arith.constant 0 : i32
      %dma_start3A_91 = tpu.memref_slice %arg3[%add3A, %run_scoped3A_23, %dma_start3A_89, %dma_start3A_90] : memref<32x90x2x112xi32, #tpu.memory_space<hbm>> -> memref<1x1x2x112xi32, #tpu.memory_space<hbm>>
      %dma_start3A_92 = tpu.memref_squeeze %dma_start3A_91 : memref<1x1x2x112xi32, #tpu.memory_space<hbm>> -> memref<2x112xi32, #tpu.memory_space<hbm>>
      tpu.enqueue_dma source(%dma_start3A_92 : memref<2x112xi32, #tpu.memory_space<hbm>>) target(%arg6 : memref<2x112xi32, #tpu.memory_space<vmem>>) target_semaphore(%run_scoped3A_84 : memref<!tpu.dma_semaphore, #tpu.memory_space<semaphore_mem>>)
      %dma_wait3A = arith.constant 0 : i32
      %dma_wait3A_93 = arith.constant 0 : i32
      %dma_wait3A_94 = tpu.memref_slice %arg3[%add3A, %run_scoped3A_23, %dma_wait3A, %dma_wait3A_93] : memref<32x90x2x112xi32, #tpu.memory_space<hbm>> -> memref<1x1x2x112xi32, #tpu.memory_space<hbm>>
      %dma_wait3A_95 = tpu.memref_squeeze %dma_wait3A_94 : memref<1x1x2x112xi32, #tpu.memory_space<hbm>> -> memref<2x112xi32, #tpu.memory_space<hbm>>
      %dma_wait3A_96 = arith.constant 0 : i32
      %dma_wait3A_97 = arith.constant 0 : i32
      %dma_wait3A_98 = tpu.memref_slice %arg3[%add3A, %run_scoped3A_23, %dma_wait3A_96, %dma_wait3A_97] : memref<32x90x2x112xi32, #tpu.memory_space<hbm>> -> memref<1x1x2x112xi32, #tpu.memory_space<hbm>>
      %dma_wait3A_99 = tpu.memref_squeeze %dma_wait3A_98 : memref<1x1x2x112xi32, #tpu.memory_space<hbm>> -> memref<2x112xi32, #tpu.memory_space<hbm>>
      tpu.wait_dma2 semaphore(%run_scoped3A_84 : memref<!tpu.dma_semaphore, #tpu.memory_space<semaphore_mem>>) src(%dma_wait3A_99 : memref<2x112xi32, #tpu.memory_space<hbm>>) dst(%arg6 : memref<2x112xi32, #tpu.memory_space<vmem>>)
      tpu.yield
    }) : () -> ()
    %run_scoped3A_24 = arith.constant 2 : i32
    "tpu.region"() ({
      %run_scoped3A_84 = tpu.sem_alloc : memref<!tpu.dma_semaphore, #tpu.memory_space<semaphore_mem>>
      %dma_start3A_85 = arith.constant 0 : i32
      %dma_start3A_86 = arith.constant 0 : i32
      %dma_start3A_87 = tpu.memref_slice %arg3[%add3A, %run_scoped3A_24, %dma_start3A_85, %dma_start3A_86] : memref<32x90x2x112xi32, #tpu.memory_space<hbm>> -> memref<1x1x2x112xi32, #tpu.memory_space<hbm>>
      %dma_start3A_88 = tpu.memref_squeeze %dma_start3A_87 : memref<1x1x2x112xi32, #tpu.memory_space<hbm>> -> memref<2x112xi32, #tpu.memory_space<hbm>>
      %dma_start3A_89 = arith.constant 0 : i32
      %dma_start3A_90 = arith.constant 0 : i32
      %dma_start3A_91 = tpu.memref_slice %arg3[%add3A, %run_scoped3A_24, %dma_start3A_89, %dma_start3A_90] : memref<32x90x2x112xi32, #tpu.memory_space<hbm>> -> memref<1x1x2x112xi32, #tpu.memory_space<hbm>>
      %dma_start3A_92 = tpu.memref_squeeze %dma_start3A_91 : memref<1x1x2x112xi32, #tpu.memory_space<hbm>> -> memref<2x112xi32, #tpu.memory_space<hbm>>
      tpu.enqueue_dma source(%dma_start3A_92 : memref<2x112xi32, #tpu.memory_space<hbm>>) target(%arg7 : memref<2x112xi32, #tpu.memory_space<vmem>>) target_semaphore(%run_scoped3A_84 : memref<!tpu.dma_semaphore, #tpu.memory_space<semaphore_mem>>)
      %dma_wait3A = arith.constant 0 : i32
      %dma_wait3A_93 = arith.constant 0 : i32
      %dma_wait3A_94 = tpu.memref_slice %arg3[%add3A, %run_scoped3A_24, %dma_wait3A, %dma_wait3A_93] : memref<32x90x2x112xi32, #tpu.memory_space<hbm>> -> memref<1x1x2x112xi32, #tpu.memory_space<hbm>>
      %dma_wait3A_95 = tpu.memref_squeeze %dma_wait3A_94 : memref<1x1x2x112xi32, #tpu.memory_space<hbm>> -> memref<2x112xi32, #tpu.memory_space<hbm>>
      %dma_wait3A_96 = arith.constant 0 : i32
      %dma_wait3A_97 = arith.constant 0 : i32
      %dma_wait3A_98 = tpu.memref_slice %arg3[%add3A, %run_scoped3A_24, %dma_wait3A_96, %dma_wait3A_97] : memref<32x90x2x112xi32, #tpu.memory_space<hbm>> -> memref<1x1x2x112xi32, #tpu.memory_space<hbm>>
      %dma_wait3A_99 = tpu.memref_squeeze %dma_wait3A_98 : memref<1x1x2x112xi32, #tpu.memory_space<hbm>> -> memref<2x112xi32, #tpu.memory_space<hbm>>
      tpu.wait_dma2 semaphore(%run_scoped3A_84 : memref<!tpu.dma_semaphore, #tpu.memory_space<semaphore_mem>>) src(%dma_wait3A_99 : memref<2x112xi32, #tpu.memory_space<hbm>>) dst(%arg7 : memref<2x112xi32, #tpu.memory_space<vmem>>)
      tpu.yield
    }) : () -> ()
    %dma_start3A = arith.constant 0 : i32
    %dma_start3A_25 = arith.constant 0 : i32
    %dma_start3A_26 = tpu.memref_slice %arg5[%dma_start3A, %dma_start3A_25] : memref<2x112xi32, #tpu.memory_space<vmem>> -> memref<1x112xi32, #tpu.memory_space<vmem>>
    %dma_start3A_27 = tpu.memref_squeeze %dma_start3A_26 : memref<1x112xi32, #tpu.memory_space<vmem>> -> memref<112xi32, #tpu.memory_space<vmem>>
    %dma_start3A_28 = arith.constant 0 : i32
    %dma_start3A_29 = arith.constant 0 : i32
    %dma_start3A_30 = tpu.memref_slice %arg2[%dma_start3A_28, %dma_start3A_29] : memref<10000x128xf32, #tpu.memory_space<hbm>> -> memref<10000x128xf32, #tpu.memory_space<hbm>>
    tpu.enqueue_indirect_dma source(%dma_start3A_30 : memref<10000x128xf32, #tpu.memory_space<hbm>>) target(%arg11 : memref<112x128xf32, #tpu.memory_space<vmem>>) offsets(%dma_start3A_27 : memref<112xi32, #tpu.memory_space<vmem>>) semaphore(%arg15 : memref<!tpu.dma_semaphore, #tpu.memory_space<semaphore_mem>>)
    %dma_start3A_31 = arith.constant 0 : i32
    %dma_start3A_32 = arith.constant 0 : i32
    %dma_start3A_33 = tpu.memref_slice %arg6[%dma_start3A_31, %dma_start3A_32] : memref<2x112xi32, #tpu.memory_space<vmem>> -> memref<1x112xi32, #tpu.memory_space<vmem>>
    %dma_start3A_34 = tpu.memref_squeeze %dma_start3A_33 : memref<1x112xi32, #tpu.memory_space<vmem>> -> memref<112xi32, #tpu.memory_space<vmem>>
    %dma_start3A_35 = arith.constant 0 : i32
    %dma_start3A_36 = arith.constant 0 : i32
    %dma_start3A_37 = tpu.memref_slice %arg2[%dma_start3A_35, %dma_start3A_36] : memref<10000x128xf32, #tpu.memory_space<hbm>> -> memref<10000x128xf32, #tpu.memory_space<hbm>>
    tpu.enqueue_indirect_dma source(%dma_start3A_37 : memref<10000x128xf32, #tpu.memory_space<hbm>>) target(%arg12 : memref<112x128xf32, #tpu.memory_space<vmem>>) offsets(%dma_start3A_34 : memref<112xi32, #tpu.memory_space<vmem>>) semaphore(%arg16 : memref<!tpu.dma_semaphore, #tpu.memory_space<semaphore_mem>>)
    %dma_start3A_38 = arith.constant 0 : i32
    %dma_start3A_39 = arith.constant 0 : i32
    %dma_start3A_40 = tpu.memref_slice %arg7[%dma_start3A_38, %dma_start3A_39] : memref<2x112xi32, #tpu.memory_space<vmem>> -> memref<1x112xi32, #tpu.memory_space<vmem>>
    %dma_start3A_41 = tpu.memref_squeeze %dma_start3A_40 : memref<1x112xi32, #tpu.memory_space<vmem>> -> memref<112xi32, #tpu.memory_space<vmem>>
    %dma_start3A_42 = arith.constant 0 : i32
    %dma_start3A_43 = arith.constant 0 : i32
    %dma_start3A_44 = tpu.memref_slice %arg2[%dma_start3A_42, %dma_start3A_43] : memref<10000x128xf32, #tpu.memory_space<hbm>> -> memref<10000x128xf32, #tpu.memory_space<hbm>>
    tpu.enqueue_indirect_dma source(%dma_start3A_44 : memref<10000x128xf32, #tpu.memory_space<hbm>>) target(%arg13 : memref<112x128xf32, #tpu.memory_space<vmem>>) offsets(%dma_start3A_41 : memref<112xi32, #tpu.memory_space<vmem>>) semaphore(%arg17 : memref<!tpu.dma_semaphore, #tpu.memory_space<semaphore_mem>>)
    %dma_start3A_45 = arith.constant 3 : i32
    %dma_start3A_46 = arith.constant 0 : i32
    %dma_start3A_47 = arith.constant 0 : i32
    %dma_start3A_48 = tpu.memref_slice %arg3[%add3A, %dma_start3A_45, %dma_start3A_46, %dma_start3A_47] : memref<32x90x2x112xi32, #tpu.memory_space<hbm>> -> memref<1x1x2x112xi32, #tpu.memory_space<hbm>>
    %dma_start3A_49 = tpu.memref_squeeze %dma_start3A_48 : memref<1x1x2x112xi32, #tpu.memory_space<hbm>> -> memref<2x112xi32, #tpu.memory_space<hbm>>
    %dma_start3A_50 = arith.constant 0 : i32
    %dma_start3A_51 = arith.constant 0 : i32
    %dma_start3A_52 = tpu.memref_slice %arg3[%add3A, %dma_start3A_45, %dma_start3A_50, %dma_start3A_51] : memref<32x90x2x112xi32, #tpu.memory_space<hbm>> -> memref<1x1x2x112xi32, #tpu.memory_space<hbm>>
    %dma_start3A_53 = tpu.memref_squeeze %dma_start3A_52 : memref<1x1x2x112xi32, #tpu.memory_space<hbm>> -> memref<2x112xi32, #tpu.memory_space<hbm>>
    tpu.enqueue_dma source(%dma_start3A_53 : memref<2x112xi32, #tpu.memory_space<hbm>>) target(%arg8 : memref<2x112xi32, #tpu.memory_space<vmem>>) target_semaphore(%arg21 : memref<!tpu.dma_semaphore, #tpu.memory_space<semaphore_mem>>)
    %dma_start3A_54 = arith.constant 4 : i32
    %dma_start3A_55 = arith.constant 0 : i32
    %dma_start3A_56 = arith.constant 0 : i32
    %dma_start3A_57 = tpu.memref_slice %arg3[%add3A, %dma_start3A_54, %dma_start3A_55, %dma_start3A_56] : memref<32x90x2x112xi32, #tpu.memory_space<hbm>> -> memref<1x1x2x112xi32, #tpu.memory_space<hbm>>
    %dma_start3A_58 = tpu.memref_squeeze %dma_start3A_57 : memref<1x1x2x112xi32, #tpu.memory_space<hbm>> -> memref<2x112xi32, #tpu.memory_space<hbm>>
    %dma_start3A_59 = arith.constant 0 : i32
    %dma_start3A_60 = arith.constant 0 : i32
    %dma_start3A_61 = tpu.memref_slice %arg3[%add3A, %dma_start3A_54, %dma_start3A_59, %dma_start3A_60] : memref<32x90x2x112xi32, #tpu.memory_space<hbm>> -> memref<1x1x2x112xi32, #tpu.memory_space<hbm>>
    %dma_start3A_62 = tpu.memref_squeeze %dma_start3A_61 : memref<1x1x2x112xi32, #tpu.memory_space<hbm>> -> memref<2x112xi32, #tpu.memory_space<hbm>>
    tpu.enqueue_dma source(%dma_start3A_62 : memref<2x112xi32, #tpu.memory_space<hbm>>) target(%arg9 : memref<2x112xi32, #tpu.memory_space<vmem>>) target_semaphore(%arg22 : memref<!tpu.dma_semaphore, #tpu.memory_space<semaphore_mem>>)
    %dma_start3A_63 = arith.constant 5 : i32
    %dma_start3A_64 = arith.constant 0 : i32
    %dma_start3A_65 = arith.constant 0 : i32
    %dma_start3A_66 = tpu.memref_slice %arg3[%add3A, %dma_start3A_63, %dma_start3A_64, %dma_start3A_65] : memref<32x90x2x112xi32, #tpu.memory_space<hbm>> -> memref<1x1x2x112xi32, #tpu.memory_space<hbm>>
    %dma_start3A_67 = tpu.memref_squeeze %dma_start3A_66 : memref<1x1x2x112xi32, #tpu.memory_space<hbm>> -> memref<2x112xi32, #tpu.memory_space<hbm>>
    %dma_start3A_68 = arith.constant 0 : i32
    %dma_start3A_69 = arith.constant 0 : i32
    %dma_start3A_70 = tpu.memref_slice %arg3[%add3A, %dma_start3A_63, %dma_start3A_68, %dma_start3A_69] : memref<32x90x2x112xi32, #tpu.memory_space<hbm>> -> memref<1x1x2x112xi32, #tpu.memory_space<hbm>>
    %dma_start3A_71 = tpu.memref_squeeze %dma_start3A_70 : memref<1x1x2x112xi32, #tpu.memory_space<hbm>> -> memref<2x112xi32, #tpu.memory_space<hbm>>
    tpu.enqueue_dma source(%dma_start3A_71 : memref<2x112xi32, #tpu.memory_space<hbm>>) target(%arg10 : memref<2x112xi32, #tpu.memory_space<vmem>>) target_semaphore(%arg23 : memref<!tpu.dma_semaphore, #tpu.memory_space<semaphore_mem>>)
    %scan3A_72 = arith.constant 0 : i32
    %scan3A_73 = arith.constant 0 : i32
    %scan3A_74 = arith.constant 15 : i32
    %scan3A_75 = arith.addi %scan3A_73, %scan3A_74 : i32
    %scan3A_76 = arith.constant 1 : i32
    scf.for %scan3A_84 = %scan3A_73 to %scan3A_75 step %scan3A_76  : i32 {
      %mul3A_85 = arith.constant 6 : i32
      %mul3A_86 = arith.muli %scan3A_84, %mul3A_85 : i32
      %add3A_87 = arith.constant 0 : i32
      %add3A_88 = arith.addi %mul3A_86, %add3A_87 : i32
      %dma_wait3A = arith.constant 0 : i32
      %dma_wait3A_89 = arith.constant 0 : i32
      %dma_wait3A_90 = tpu.memref_slice %arg5[%dma_wait3A, %dma_wait3A_89] : memref<2x112xi32, #tpu.memory_space<vmem>> -> memref<1x112xi32, #tpu.memory_space<vmem>>
      %dma_wait3A_91 = tpu.memref_squeeze %dma_wait3A_90 : memref<1x112xi32, #tpu.memory_space<vmem>> -> memref<112xi32, #tpu.memory_space<vmem>>
      %dma_wait3A_92 = arith.constant 0 : i32
      %dma_wait3A_93 = arith.constant 0 : i32
      %dma_wait3A_94 = tpu.memref_slice %arg2[%dma_wait3A_92, %dma_wait3A_93] : memref<10000x128xf32, #tpu.memory_space<hbm>> -> memref<10000x128xf32, #tpu.memory_space<hbm>>
      tpu.wait_indirect_dma semaphore(%arg15 : memref<!tpu.dma_semaphore, #tpu.memory_space<semaphore_mem>>) src(%dma_wait3A_94 : memref<10000x128xf32, #tpu.memory_space<hbm>>) dst(%arg11 : memref<112x128xf32, #tpu.memory_space<vmem>>)
      %run_scoped3A_95 = arith.constant 1 : i32
      "tpu.region"() ({
        %run_scoped3A_215 = tpu.sem_alloc : memref<!tpu.dma_semaphore, #tpu.memory_space<semaphore_mem>>
        %dma_start3A_216 = arith.constant 0 : i32
        %dma_start3A_217 = tpu.memref_slice %arg5[%run_scoped3A_95, %dma_start3A_216] : memref<2x112xi32, #tpu.memory_space<vmem>> -> memref<1x112xi32, #tpu.memory_space<vmem>>
        %dma_start3A_218 = tpu.memref_squeeze %dma_start3A_217 : memref<1x112xi32, #tpu.memory_space<vmem>> -> memref<112xi32, #tpu.memory_space<vmem>>
        %dma_start3A_219 = arith.constant 0 : i32
        %dma_start3A_220 = arith.constant 0 : i32
        %dma_start3A_221 = tpu.memref_slice %arg14[%dma_start3A_219, %dma_start3A_220] : memref<10008x128xf32, #tpu.memory_space<vmem_shared>> -> memref<10008x128xf32, #tpu.memory_space<vmem_shared>>
        tpu.enqueue_indirect_dma source(%arg11 : memref<112x128xf32, #tpu.memory_space<vmem>>) target(%dma_start3A_221 : memref<10008x128xf32, #tpu.memory_space<vmem_shared>>) offsets(%dma_start3A_218 : memref<112xi32, #tpu.memory_space<vmem>>) semaphore(%run_scoped3A_215 : memref<!tpu.dma_semaphore, #tpu.memory_space<semaphore_mem>>) {add = true}
        %dma_wait3A_222 = arith.constant 0 : i32
        %dma_wait3A_223 = tpu.memref_slice %arg5[%run_scoped3A_95, %dma_wait3A_222] : memref<2x112xi32, #tpu.memory_space<vmem>> -> memref<1x112xi32, #tpu.memory_space<vmem>>
        %dma_wait3A_224 = tpu.memref_squeeze %dma_wait3A_223 : memref<1x112xi32, #tpu.memory_space<vmem>> -> memref<112xi32, #tpu.memory_space<vmem>>
        %dma_wait3A_225 = arith.constant 0 : i32
        %dma_wait3A_226 = arith.constant 0 : i32
        %dma_wait3A_227 = tpu.memref_slice %arg14[%dma_wait3A_225, %dma_wait3A_226] : memref<10008x128xf32, #tpu.memory_space<vmem_shared>> -> memref<10008x128xf32, #tpu.memory_space<vmem_shared>>
        tpu.wait_indirect_dma semaphore(%run_scoped3A_215 : memref<!tpu.dma_semaphore, #tpu.memory_space<semaphore_mem>>) src(%arg11 : memref<112x128xf32, #tpu.memory_space<vmem>>) dst(%dma_wait3A_227 : memref<10008x128xf32, #tpu.memory_space<vmem_shared>>)
        tpu.yield
      }) : () -> ()
      %lt3A = arith.constant 84 : i32
      %lt3A_96 = arith.cmpi slt, %add3A_88, %lt3A : i32
      %convert_element_type3A_97 = arith.extui %lt3A_96 : i1 to i32
      %cond3A_98 = arith.constant 0 : i32
      %cond3A_99 = arith.cmpi ne, %convert_element_type3A_97, %cond3A_98 : i32
      scf.if %cond3A_99 {
        %add3A_215 = arith.constant 6 : i32
        %add3A_216 = arith.addi %add3A_88, %add3A_215 : i32
        %dma_start3A_217 = arith.constant 0 : i32
        %dma_start3A_218 = arith.constant 0 : i32
        %dma_start3A_219 = tpu.memref_slice %arg3[%add3A, %add3A_216, %dma_start3A_217, %dma_start3A_218] : memref<32x90x2x112xi32, #tpu.memory_space<hbm>> -> memref<1x1x2x112xi32, #tpu.memory_space<hbm>>
        %dma_start3A_220 = tpu.memref_squeeze %dma_start3A_219 : memref<1x1x2x112xi32, #tpu.memory_space<hbm>> -> memref<2x112xi32, #tpu.memory_space<hbm>>
        %dma_start3A_221 = arith.constant 0 : i32
        %dma_start3A_222 = arith.constant 0 : i32
        %dma_start3A_223 = tpu.memref_slice %arg3[%add3A, %add3A_216, %dma_start3A_221, %dma_start3A_222] : memref<32x90x2x112xi32, #tpu.memory_space<hbm>> -> memref<1x1x2x112xi32, #tpu.memory_space<hbm>>
        %dma_start3A_224 = tpu.memref_squeeze %dma_start3A_223 : memref<1x1x2x112xi32, #tpu.memory_space<hbm>> -> memref<2x112xi32, #tpu.memory_space<hbm>>
        tpu.enqueue_dma source(%dma_start3A_224 : memref<2x112xi32, #tpu.memory_space<hbm>>) target(%arg5 : memref<2x112xi32, #tpu.memory_space<vmem>>) target_semaphore(%arg18 : memref<!tpu.dma_semaphore, #tpu.memory_space<semaphore_mem>>)
      } else {
      }
      %lt3A_100 = arith.constant 87 : i32
      %lt3A_101 = arith.cmpi slt, %add3A_88, %lt3A_100 : i32
      %convert_element_type3A_102 = arith.extui %lt3A_101 : i1 to i32
      %cond3A_103 = arith.constant 0 : i32
      %cond3A_104 = arith.cmpi ne, %convert_element_type3A_102, %cond3A_103 : i32
      scf.if %cond3A_104 {
        %dma_wait3A_215 = arith.constant 0 : i32
        %dma_wait3A_216 = arith.constant 0 : i32
        %dma_wait3A_217 = arith.constant 0 : i32
        %dma_wait3A_218 = tpu.memref_slice %arg3[%add3A, %dma_wait3A_215, %dma_wait3A_216, %dma_wait3A_217] : memref<32x90x2x112xi32, #tpu.memory_space<hbm>> -> memref<1x1x2x112xi32, #tpu.memory_space<hbm>>
        %dma_wait3A_219 = tpu.memref_squeeze %dma_wait3A_218 : memref<1x1x2x112xi32, #tpu.memory_space<hbm>> -> memref<2x112xi32, #tpu.memory_space<hbm>>
        %dma_wait3A_220 = arith.constant 0 : i32
        %dma_wait3A_221 = arith.constant 0 : i32
        %dma_wait3A_222 = tpu.memref_slice %arg3[%add3A, %dma_wait3A_215, %dma_wait3A_220, %dma_wait3A_221] : memref<32x90x2x112xi32, #tpu.memory_space<hbm>> -> memref<1x1x2x112xi32, #tpu.memory_space<hbm>>
        %dma_wait3A_223 = tpu.memref_squeeze %dma_wait3A_222 : memref<1x1x2x112xi32, #tpu.memory_space<hbm>> -> memref<2x112xi32, #tpu.memory_space<hbm>>
        tpu.wait_dma2 semaphore(%arg21 : memref<!tpu.dma_semaphore, #tpu.memory_space<semaphore_mem>>) src(%dma_wait3A_223 : memref<2x112xi32, #tpu.memory_space<hbm>>) dst(%arg8 : memref<2x112xi32, #tpu.memory_space<vmem>>)
        %dma_start3A_224 = arith.constant 0 : i32
        %dma_start3A_225 = arith.constant 0 : i32
        %dma_start3A_226 = tpu.memref_slice %arg8[%dma_start3A_224, %dma_start3A_225] : memref<2x112xi32, #tpu.memory_space<vmem>> -> memref<1x112xi32, #tpu.memory_space<vmem>>
        %dma_start3A_227 = tpu.memref_squeeze %dma_start3A_226 : memref<1x112xi32, #tpu.memory_space<vmem>> -> memref<112xi32, #tpu.memory_space<vmem>>
        %dma_start3A_228 = arith.constant 0 : i32
        %dma_start3A_229 = arith.constant 0 : i32
        %dma_start3A_230 = tpu.memref_slice %arg2[%dma_start3A_228, %dma_start3A_229] : memref<10000x128xf32, #tpu.memory_space<hbm>> -> memref<10000x128xf32, #tpu.memory_space<hbm>>
        tpu.enqueue_indirect_dma source(%dma_start3A_230 : memref<10000x128xf32, #tpu.memory_space<hbm>>) target(%arg11 : memref<112x128xf32, #tpu.memory_space<vmem>>) offsets(%dma_start3A_227 : memref<112xi32, #tpu.memory_space<vmem>>) semaphore(%arg15 : memref<!tpu.dma_semaphore, #tpu.memory_space<semaphore_mem>>)
      } else {
      }
      %mul3A_105 = arith.constant 6 : i32
      %mul3A_106 = arith.muli %scan3A_84, %mul3A_105 : i32
      %add3A_107 = arith.constant 1 : i32
      %add3A_108 = arith.addi %mul3A_106, %add3A_107 : i32
      %dma_wait3A_109 = arith.constant 0 : i32
      %dma_wait3A_110 = arith.constant 0 : i32
      %dma_wait3A_111 = tpu.memref_slice %arg6[%dma_wait3A_109, %dma_wait3A_110] : memref<2x112xi32, #tpu.memory_space<vmem>> -> memref<1x112xi32, #tpu.memory_space<vmem>>
      %dma_wait3A_112 = tpu.memref_squeeze %dma_wait3A_111 : memref<1x112xi32, #tpu.memory_space<vmem>> -> memref<112xi32, #tpu.memory_space<vmem>>
      %dma_wait3A_113 = arith.constant 0 : i32
      %dma_wait3A_114 = arith.constant 0 : i32
      %dma_wait3A_115 = tpu.memref_slice %arg2[%dma_wait3A_113, %dma_wait3A_114] : memref<10000x128xf32, #tpu.memory_space<hbm>> -> memref<10000x128xf32, #tpu.memory_space<hbm>>
      tpu.wait_indirect_dma semaphore(%arg16 : memref<!tpu.dma_semaphore, #tpu.memory_space<semaphore_mem>>) src(%dma_wait3A_115 : memref<10000x128xf32, #tpu.memory_space<hbm>>) dst(%arg12 : memref<112x128xf32, #tpu.memory_space<vmem>>)
      %run_scoped3A_116 = arith.constant 1 : i32
      "tpu.region"() ({
        %run_scoped3A_215 = tpu.sem_alloc : memref<!tpu.dma_semaphore, #tpu.memory_space<semaphore_mem>>
        %dma_start3A_216 = arith.constant 0 : i32
        %dma_start3A_217 = tpu.memref_slice %arg6[%run_scoped3A_116, %dma_start3A_216] : memref<2x112xi32, #tpu.memory_space<vmem>> -> memref<1x112xi32, #tpu.memory_space<vmem>>
        %dma_start3A_218 = tpu.memref_squeeze %dma_start3A_217 : memref<1x112xi32, #tpu.memory_space<vmem>> -> memref<112xi32, #tpu.memory_space<vmem>>
        %dma_start3A_219 = arith.constant 0 : i32
        %dma_start3A_220 = arith.constant 0 : i32
        %dma_start3A_221 = tpu.memref_slice %arg14[%dma_start3A_219, %dma_start3A_220] : memref<10008x128xf32, #tpu.memory_space<vmem_shared>> -> memref<10008x128xf32, #tpu.memory_space<vmem_shared>>
        tpu.enqueue_indirect_dma source(%arg12 : memref<112x128xf32, #tpu.memory_space<vmem>>) target(%dma_start3A_221 : memref<10008x128xf32, #tpu.memory_space<vmem_shared>>) offsets(%dma_start3A_218 : memref<112xi32, #tpu.memory_space<vmem>>) semaphore(%run_scoped3A_215 : memref<!tpu.dma_semaphore, #tpu.memory_space<semaphore_mem>>) {add = true}
        %dma_wait3A_222 = arith.constant 0 : i32
        %dma_wait3A_223 = tpu.memref_slice %arg6[%run_scoped3A_116, %dma_wait3A_222] : memref<2x112xi32, #tpu.memory_space<vmem>> -> memref<1x112xi32, #tpu.memory_space<vmem>>
        %dma_wait3A_224 = tpu.memref_squeeze %dma_wait3A_223 : memref<1x112xi32, #tpu.memory_space<vmem>> -> memref<112xi32, #tpu.memory_space<vmem>>
        %dma_wait3A_225 = arith.constant 0 : i32
        %dma_wait3A_226 = arith.constant 0 : i32
        %dma_wait3A_227 = tpu.memref_slice %arg14[%dma_wait3A_225, %dma_wait3A_226] : memref<10008x128xf32, #tpu.memory_space<vmem_shared>> -> memref<10008x128xf32, #tpu.memory_space<vmem_shared>>
        tpu.wait_indirect_dma semaphore(%run_scoped3A_215 : memref<!tpu.dma_semaphore, #tpu.memory_space<semaphore_mem>>) src(%arg12 : memref<112x128xf32, #tpu.memory_space<vmem>>) dst(%dma_wait3A_227 : memref<10008x128xf32, #tpu.memory_space<vmem_shared>>)
        tpu.yield
      }) : () -> ()
      %lt3A_117 = arith.constant 84 : i32
      %lt3A_118 = arith.cmpi slt, %add3A_108, %lt3A_117 : i32
      %convert_element_type3A_119 = arith.extui %lt3A_118 : i1 to i32
      %cond3A_120 = arith.constant 0 : i32
      %cond3A_121 = arith.cmpi ne, %convert_element_type3A_119, %cond3A_120 : i32
      scf.if %cond3A_121 {
        %add3A_215 = arith.constant 6 : i32
        %add3A_216 = arith.addi %add3A_108, %add3A_215 : i32
        %dma_start3A_217 = arith.constant 0 : i32
        %dma_start3A_218 = arith.constant 0 : i32
        %dma_start3A_219 = tpu.memref_slice %arg3[%add3A, %add3A_216, %dma_start3A_217, %dma_start3A_218] : memref<32x90x2x112xi32, #tpu.memory_space<hbm>> -> memref<1x1x2x112xi32, #tpu.memory_space<hbm>>
        %dma_start3A_220 = tpu.memref_squeeze %dma_start3A_219 : memref<1x1x2x112xi32, #tpu.memory_space<hbm>> -> memref<2x112xi32, #tpu.memory_space<hbm>>
        %dma_start3A_221 = arith.constant 0 : i32
        %dma_start3A_222 = arith.constant 0 : i32
        %dma_start3A_223 = tpu.memref_slice %arg3[%add3A, %add3A_216, %dma_start3A_221, %dma_start3A_222] : memref<32x90x2x112xi32, #tpu.memory_space<hbm>> -> memref<1x1x2x112xi32, #tpu.memory_space<hbm>>
        %dma_start3A_224 = tpu.memref_squeeze %dma_start3A_223 : memref<1x1x2x112xi32, #tpu.memory_space<hbm>> -> memref<2x112xi32, #tpu.memory_space<hbm>>
        tpu.enqueue_dma source(%dma_start3A_224 : memref<2x112xi32, #tpu.memory_space<hbm>>) target(%arg6 : memref<2x112xi32, #tpu.memory_space<vmem>>) target_semaphore(%arg19 : memref<!tpu.dma_semaphore, #tpu.memory_space<semaphore_mem>>)
      } else {
      }
      %lt3A_122 = arith.constant 87 : i32
      %lt3A_123 = arith.cmpi slt, %add3A_108, %lt3A_122 : i32
      %convert_element_type3A_124 = arith.extui %lt3A_123 : i1 to i32
      %cond3A_125 = arith.constant 0 : i32
      %cond3A_126 = arith.cmpi ne, %convert_element_type3A_124, %cond3A_125 : i32
      scf.if %cond3A_126 {
        %dma_wait3A_215 = arith.constant 0 : i32
        %dma_wait3A_216 = arith.constant 0 : i32
        %dma_wait3A_217 = arith.constant 0 : i32
        %dma_wait3A_218 = tpu.memref_slice %arg3[%add3A, %dma_wait3A_215, %dma_wait3A_216, %dma_wait3A_217] : memref<32x90x2x112xi32, #tpu.memory_space<hbm>> -> memref<1x1x2x112xi32, #tpu.memory_space<hbm>>
        %dma_wait3A_219 = tpu.memref_squeeze %dma_wait3A_218 : memref<1x1x2x112xi32, #tpu.memory_space<hbm>> -> memref<2x112xi32, #tpu.memory_space<hbm>>
        %dma_wait3A_220 = arith.constant 0 : i32
        %dma_wait3A_221 = arith.constant 0 : i32
        %dma_wait3A_222 = tpu.memref_slice %arg3[%add3A, %dma_wait3A_215, %dma_wait3A_220, %dma_wait3A_221] : memref<32x90x2x112xi32, #tpu.memory_space<hbm>> -> memref<1x1x2x112xi32, #tpu.memory_space<hbm>>
        %dma_wait3A_223 = tpu.memref_squeeze %dma_wait3A_222 : memref<1x1x2x112xi32, #tpu.memory_space<hbm>> -> memref<2x112xi32, #tpu.memory_space<hbm>>
        tpu.wait_dma2 semaphore(%arg22 : memref<!tpu.dma_semaphore, #tpu.memory_space<semaphore_mem>>) src(%dma_wait3A_223 : memref<2x112xi32, #tpu.memory_space<hbm>>) dst(%arg9 : memref<2x112xi32, #tpu.memory_space<vmem>>)
        %dma_start3A_224 = arith.constant 0 : i32
        %dma_start3A_225 = arith.constant 0 : i32
        %dma_start3A_226 = tpu.memref_slice %arg9[%dma_start3A_224, %dma_start3A_225] : memref<2x112xi32, #tpu.memory_space<vmem>> -> memref<1x112xi32, #tpu.memory_space<vmem>>
        %dma_start3A_227 = tpu.memref_squeeze %dma_start3A_226 : memref<1x112xi32, #tpu.memory_space<vmem>> -> memref<112xi32, #tpu.memory_space<vmem>>
        %dma_start3A_228 = arith.constant 0 : i32
        %dma_start3A_229 = arith.constant 0 : i32
        %dma_start3A_230 = tpu.memref_slice %arg2[%dma_start3A_228, %dma_start3A_229] : memref<10000x128xf32, #tpu.memory_space<hbm>> -> memref<10000x128xf32, #tpu.memory_space<hbm>>
        tpu.enqueue_indirect_dma source(%dma_start3A_230 : memref<10000x128xf32, #tpu.memory_space<hbm>>) target(%arg12 : memref<112x128xf32, #tpu.memory_space<vmem>>) offsets(%dma_start3A_227 : memref<112xi32, #tpu.memory_space<vmem>>) semaphore(%arg16 : memref<!tpu.dma_semaphore, #tpu.memory_space<semaphore_mem>>)
      } else {
      }
      %mul3A_127 = arith.constant 6 : i32
      %mul3A_128 = arith.muli %scan3A_84, %mul3A_127 : i32
      %add3A_129 = arith.constant 2 : i32
      %add3A_130 = arith.addi %mul3A_128, %add3A_129 : i32
      %dma_wait3A_131 = arith.constant 0 : i32
      %dma_wait3A_132 = arith.constant 0 : i32
      %dma_wait3A_133 = tpu.memref_slice %arg7[%dma_wait3A_131, %dma_wait3A_132] : memref<2x112xi32, #tpu.memory_space<vmem>> -> memref<1x112xi32, #tpu.memory_space<vmem>>
      %dma_wait3A_134 = tpu.memref_squeeze %dma_wait3A_133 : memref<1x112xi32, #tpu.memory_space<vmem>> -> memref<112xi32, #tpu.memory_space<vmem>>
      %dma_wait3A_135 = arith.constant 0 : i32
      %dma_wait3A_136 = arith.constant 0 : i32
      %dma_wait3A_137 = tpu.memref_slice %arg2[%dma_wait3A_135, %dma_wait3A_136] : memref<10000x128xf32, #tpu.memory_space<hbm>> -> memref<10000x128xf32, #tpu.memory_space<hbm>>
      tpu.wait_indirect_dma semaphore(%arg17 : memref<!tpu.dma_semaphore, #tpu.memory_space<semaphore_mem>>) src(%dma_wait3A_137 : memref<10000x128xf32, #tpu.memory_space<hbm>>) dst(%arg13 : memref<112x128xf32, #tpu.memory_space<vmem>>)
      %run_scoped3A_138 = arith.constant 1 : i32
      "tpu.region"() ({
        %run_scoped3A_215 = tpu.sem_alloc : memref<!tpu.dma_semaphore, #tpu.memory_space<semaphore_mem>>
        %dma_start3A_216 = arith.constant 0 : i32
        %dma_start3A_217 = tpu.memref_slice %arg7[%run_scoped3A_138, %dma_start3A_216] : memref<2x112xi32, #tpu.memory_space<vmem>> -> memref<1x112xi32, #tpu.memory_space<vmem>>
        %dma_start3A_218 = tpu.memref_squeeze %dma_start3A_217 : memref<1x112xi32, #tpu.memory_space<vmem>> -> memref<112xi32, #tpu.memory_space<vmem>>
        %dma_start3A_219 = arith.constant 0 : i32
        %dma_start3A_220 = arith.constant 0 : i32
        %dma_start3A_221 = tpu.memref_slice %arg14[%dma_start3A_219, %dma_start3A_220] : memref<10008x128xf32, #tpu.memory_space<vmem_shared>> -> memref<10008x128xf32, #tpu.memory_space<vmem_shared>>
        tpu.enqueue_indirect_dma source(%arg13 : memref<112x128xf32, #tpu.memory_space<vmem>>) target(%dma_start3A_221 : memref<10008x128xf32, #tpu.memory_space<vmem_shared>>) offsets(%dma_start3A_218 : memref<112xi32, #tpu.memory_space<vmem>>) semaphore(%run_scoped3A_215 : memref<!tpu.dma_semaphore, #tpu.memory_space<semaphore_mem>>) {add = true}
        %dma_wait3A_222 = arith.constant 0 : i32
        %dma_wait3A_223 = tpu.memref_slice %arg7[%run_scoped3A_138, %dma_wait3A_222] : memref<2x112xi32, #tpu.memory_space<vmem>> -> memref<1x112xi32, #tpu.memory_space<vmem>>
        %dma_wait3A_224 = tpu.memref_squeeze %dma_wait3A_223 : memref<1x112xi32, #tpu.memory_space<vmem>> -> memref<112xi32, #tpu.memory_space<vmem>>
        %dma_wait3A_225 = arith.constant 0 : i32
        %dma_wait3A_226 = arith.constant 0 : i32
        %dma_wait3A_227 = tpu.memref_slice %arg14[%dma_wait3A_225, %dma_wait3A_226] : memref<10008x128xf32, #tpu.memory_space<vmem_shared>> -> memref<10008x128xf32, #tpu.memory_space<vmem_shared>>
        tpu.wait_indirect_dma semaphore(%run_scoped3A_215 : memref<!tpu.dma_semaphore, #tpu.memory_space<semaphore_mem>>) src(%arg13 : memref<112x128xf32, #tpu.memory_space<vmem>>) dst(%dma_wait3A_227 : memref<10008x128xf32, #tpu.memory_space<vmem_shared>>)
        tpu.yield
      }) : () -> ()
      %lt3A_139 = arith.constant 84 : i32
      %lt3A_140 = arith.cmpi slt, %add3A_130, %lt3A_139 : i32
      %convert_element_type3A_141 = arith.extui %lt3A_140 : i1 to i32
      %cond3A_142 = arith.constant 0 : i32
      %cond3A_143 = arith.cmpi ne, %convert_element_type3A_141, %cond3A_142 : i32
      scf.if %cond3A_143 {
        %add3A_215 = arith.constant 6 : i32
        %add3A_216 = arith.addi %add3A_130, %add3A_215 : i32
        %dma_start3A_217 = arith.constant 0 : i32
        %dma_start3A_218 = arith.constant 0 : i32
        %dma_start3A_219 = tpu.memref_slice %arg3[%add3A, %add3A_216, %dma_start3A_217, %dma_start3A_218] : memref<32x90x2x112xi32, #tpu.memory_space<hbm>> -> memref<1x1x2x112xi32, #tpu.memory_space<hbm>>
        %dma_start3A_220 = tpu.memref_squeeze %dma_start3A_219 : memref<1x1x2x112xi32, #tpu.memory_space<hbm>> -> memref<2x112xi32, #tpu.memory_space<hbm>>
        %dma_start3A_221 = arith.constant 0 : i32
        %dma_start3A_222 = arith.constant 0 : i32
        %dma_start3A_223 = tpu.memref_slice %arg3[%add3A, %add3A_216, %dma_start3A_221, %dma_start3A_222] : memref<32x90x2x112xi32, #tpu.memory_space<hbm>> -> memref<1x1x2x112xi32, #tpu.memory_space<hbm>>
        %dma_start3A_224 = tpu.memref_squeeze %dma_start3A_223 : memref<1x1x2x112xi32, #tpu.memory_space<hbm>> -> memref<2x112xi32, #tpu.memory_space<hbm>>
        tpu.enqueue_dma source(%dma_start3A_224 : memref<2x112xi32, #tpu.memory_space<hbm>>) target(%arg7 : memref<2x112xi32, #tpu.memory_space<vmem>>) target_semaphore(%arg20 : memref<!tpu.dma_semaphore, #tpu.memory_space<semaphore_mem>>)
      } else {
      }
      %lt3A_144 = arith.constant 87 : i32
      %lt3A_145 = arith.cmpi slt, %add3A_130, %lt3A_144 : i32
      %convert_element_type3A_146 = arith.extui %lt3A_145 : i1 to i32
      %cond3A_147 = arith.constant 0 : i32
      %cond3A_148 = arith.cmpi ne, %convert_element_type3A_146, %cond3A_147 : i32
      scf.if %cond3A_148 {
        %dma_wait3A_215 = arith.constant 0 : i32
        %dma_wait3A_216 = arith.constant 0 : i32
        %dma_wait3A_217 = arith.constant 0 : i32
        %dma_wait3A_218 = tpu.memref_slice %arg3[%add3A, %dma_wait3A_215, %dma_wait3A_216, %dma_wait3A_217] : memref<32x90x2x112xi32, #tpu.memory_space<hbm>> -> memref<1x1x2x112xi32, #tpu.memory_space<hbm>>
        %dma_wait3A_219 = tpu.memref_squeeze %dma_wait3A_218 : memref<1x1x2x112xi32, #tpu.memory_space<hbm>> -> memref<2x112xi32, #tpu.memory_space<hbm>>
        %dma_wait3A_220 = arith.constant 0 : i32
        %dma_wait3A_221 = arith.constant 0 : i32
        %dma_wait3A_222 = tpu.memref_slice %arg3[%add3A, %dma_wait3A_215, %dma_wait3A_220, %dma_wait3A_221] : memref<32x90x2x112xi32, #tpu.memory_space<hbm>> -> memref<1x1x2x112xi32, #tpu.memory_space<hbm>>
        %dma_wait3A_223 = tpu.memref_squeeze %dma_wait3A_222 : memref<1x1x2x112xi32, #tpu.memory_space<hbm>> -> memref<2x112xi32, #tpu.memory_space<hbm>>
        tpu.wait_dma2 semaphore(%arg23 : memref<!tpu.dma_semaphore, #tpu.memory_space<semaphore_mem>>) src(%dma_wait3A_223 : memref<2x112xi32, #tpu.memory_space<hbm>>) dst(%arg10 : memref<2x112xi32, #tpu.memory_space<vmem>>)
        %dma_start3A_224 = arith.constant 0 : i32
        %dma_start3A_225 = arith.constant 0 : i32
        %dma_start3A_226 = tpu.memref_slice %arg10[%dma_start3A_224, %dma_start3A_225] : memref<2x112xi32, #tpu.memory_space<vmem>> -> memref<1x112xi32, #tpu.memory_space<vmem>>
        %dma_start3A_227 = tpu.memref_squeeze %dma_start3A_226 : memref<1x112xi32, #tpu.memory_space<vmem>> -> memref<112xi32, #tpu.memory_space<vmem>>
        %dma_start3A_228 = arith.constant 0 : i32
        %dma_start3A_229 = arith.constant 0 : i32
        %dma_start3A_230 = tpu.memref_slice %arg2[%dma_start3A_228, %dma_start3A_229] : memref<10000x128xf32, #tpu.memory_space<hbm>> -> memref<10000x128xf32, #tpu.memory_space<hbm>>
        tpu.enqueue_indirect_dma source(%dma_start3A_230 : memref<10000x128xf32, #tpu.memory_space<hbm>>) target(%arg13 : memref<112x128xf32, #tpu.memory_space<vmem>>) offsets(%dma_start3A_227 : memref<112xi32, #tpu.memory_space<vmem>>) semaphore(%arg17 : memref<!tpu.dma_semaphore, #tpu.memory_space<semaphore_mem>>)
      } else {
      }
      %mul3A_149 = arith.constant 6 : i32
      %mul3A_150 = arith.muli %scan3A_84, %mul3A_149 : i32
      %add3A_151 = arith.constant 3 : i32
      %add3A_152 = arith.addi %mul3A_150, %add3A_151 : i32
      %dma_wait3A_153 = arith.constant 0 : i32
      %dma_wait3A_154 = arith.constant 0 : i32
      %dma_wait3A_155 = tpu.memref_slice %arg8[%dma_wait3A_153, %dma_wait3A_154] : memref<2x112xi32, #tpu.memory_space<vmem>> -> memref<1x112xi32, #tpu.memory_space<vmem>>
      %dma_wait3A_156 = tpu.memref_squeeze %dma_wait3A_155 : memref<1x112xi32, #tpu.memory_space<vmem>> -> memref<112xi32, #tpu.memory_space<vmem>>
      %dma_wait3A_157 = arith.constant 0 : i32
      %dma_wait3A_158 = arith.constant 0 : i32
      %dma_wait3A_159 = tpu.memref_slice %arg2[%dma_wait3A_157, %dma_wait3A_158] : memref<10000x128xf32, #tpu.memory_space<hbm>> -> memref<10000x128xf32, #tpu.memory_space<hbm>>
      tpu.wait_indirect_dma semaphore(%arg15 : memref<!tpu.dma_semaphore, #tpu.memory_space<semaphore_mem>>) src(%dma_wait3A_159 : memref<10000x128xf32, #tpu.memory_space<hbm>>) dst(%arg11 : memref<112x128xf32, #tpu.memory_space<vmem>>)
      %run_scoped3A_160 = arith.constant 1 : i32
      "tpu.region"() ({
        %run_scoped3A_215 = tpu.sem_alloc : memref<!tpu.dma_semaphore, #tpu.memory_space<semaphore_mem>>
        %dma_start3A_216 = arith.constant 0 : i32
        %dma_start3A_217 = tpu.memref_slice %arg8[%run_scoped3A_160, %dma_start3A_216] : memref<2x112xi32, #tpu.memory_space<vmem>> -> memref<1x112xi32, #tpu.memory_space<vmem>>
        %dma_start3A_218 = tpu.memref_squeeze %dma_start3A_217 : memref<1x112xi32, #tpu.memory_space<vmem>> -> memref<112xi32, #tpu.memory_space<vmem>>
        %dma_start3A_219 = arith.constant 0 : i32
        %dma_start3A_220 = arith.constant 0 : i32
        %dma_start3A_221 = tpu.memref_slice %arg14[%dma_start3A_219, %dma_start3A_220] : memref<10008x128xf32, #tpu.memory_space<vmem_shared>> -> memref<10008x128xf32, #tpu.memory_space<vmem_shared>>
        tpu.enqueue_indirect_dma source(%arg11 : memref<112x128xf32, #tpu.memory_space<vmem>>) target(%dma_start3A_221 : memref<10008x128xf32, #tpu.memory_space<vmem_shared>>) offsets(%dma_start3A_218 : memref<112xi32, #tpu.memory_space<vmem>>) semaphore(%run_scoped3A_215 : memref<!tpu.dma_semaphore, #tpu.memory_space<semaphore_mem>>) {add = true}
        %dma_wait3A_222 = arith.constant 0 : i32
        %dma_wait3A_223 = tpu.memref_slice %arg8[%run_scoped3A_160, %dma_wait3A_222] : memref<2x112xi32, #tpu.memory_space<vmem>> -> memref<1x112xi32, #tpu.memory_space<vmem>>
        %dma_wait3A_224 = tpu.memref_squeeze %dma_wait3A_223 : memref<1x112xi32, #tpu.memory_space<vmem>> -> memref<112xi32, #tpu.memory_space<vmem>>
        %dma_wait3A_225 = arith.constant 0 : i32
        %dma_wait3A_226 = arith.constant 0 : i32
        %dma_wait3A_227 = tpu.memref_slice %arg14[%dma_wait3A_225, %dma_wait3A_226] : memref<10008x128xf32, #tpu.memory_space<vmem_shared>> -> memref<10008x128xf32, #tpu.memory_space<vmem_shared>>
        tpu.wait_indirect_dma semaphore(%run_scoped3A_215 : memref<!tpu.dma_semaphore, #tpu.memory_space<semaphore_mem>>) src(%arg11 : memref<112x128xf32, #tpu.memory_space<vmem>>) dst(%dma_wait3A_227 : memref<10008x128xf32, #tpu.memory_space<vmem_shared>>)
        tpu.yield
      }) : () -> ()
      %lt3A_161 = arith.constant 84 : i32
      %lt3A_162 = arith.cmpi slt, %add3A_152, %lt3A_161 : i32
      %convert_element_type3A_163 = arith.extui %lt3A_162 : i1 to i32
      %cond3A_164 = arith.constant 0 : i32
      %cond3A_165 = arith.cmpi ne, %convert_element_type3A_163, %cond3A_164 : i32
      scf.if %cond3A_165 {
        %add3A_215 = arith.constant 6 : i32
        %add3A_216 = arith.addi %add3A_152, %add3A_215 : i32
        %dma_start3A_217 = arith.constant 0 : i32
        %dma_start3A_218 = arith.constant 0 : i32
        %dma_start3A_219 = tpu.memref_slice %arg3[%add3A, %add3A_216, %dma_start3A_217, %dma_start3A_218] : memref<32x90x2x112xi32, #tpu.memory_space<hbm>> -> memref<1x1x2x112xi32, #tpu.memory_space<hbm>>
        %dma_start3A_220 = tpu.memref_squeeze %dma_start3A_219 : memref<1x1x2x112xi32, #tpu.memory_space<hbm>> -> memref<2x112xi32, #tpu.memory_space<hbm>>
        %dma_start3A_221 = arith.constant 0 : i32
        %dma_start3A_222 = arith.constant 0 : i32
        %dma_start3A_223 = tpu.memref_slice %arg3[%add3A, %add3A_216, %dma_start3A_221, %dma_start3A_222] : memref<32x90x2x112xi32, #tpu.memory_space<hbm>> -> memref<1x1x2x112xi32, #tpu.memory_space<hbm>>
        %dma_start3A_224 = tpu.memref_squeeze %dma_start3A_223 : memref<1x1x2x112xi32, #tpu.memory_space<hbm>> -> memref<2x112xi32, #tpu.memory_space<hbm>>
        tpu.enqueue_dma source(%dma_start3A_224 : memref<2x112xi32, #tpu.memory_space<hbm>>) target(%arg8 : memref<2x112xi32, #tpu.memory_space<vmem>>) target_semaphore(%arg21 : memref<!tpu.dma_semaphore, #tpu.memory_space<semaphore_mem>>)
      } else {
      }
      %lt3A_166 = arith.constant 87 : i32
      %lt3A_167 = arith.cmpi slt, %add3A_152, %lt3A_166 : i32
      %convert_element_type3A_168 = arith.extui %lt3A_167 : i1 to i32
      %cond3A_169 = arith.constant 0 : i32
      %cond3A_170 = arith.cmpi ne, %convert_element_type3A_168, %cond3A_169 : i32
      scf.if %cond3A_170 {
        %dma_wait3A_215 = arith.constant 0 : i32
        %dma_wait3A_216 = arith.constant 0 : i32
        %dma_wait3A_217 = arith.constant 0 : i32
        %dma_wait3A_218 = tpu.memref_slice %arg3[%add3A, %dma_wait3A_215, %dma_wait3A_216, %dma_wait3A_217] : memref<32x90x2x112xi32, #tpu.memory_space<hbm>> -> memref<1x1x2x112xi32, #tpu.memory_space<hbm>>
        %dma_wait3A_219 = tpu.memref_squeeze %dma_wait3A_218 : memref<1x1x2x112xi32, #tpu.memory_space<hbm>> -> memref<2x112xi32, #tpu.memory_space<hbm>>
        %dma_wait3A_220 = arith.constant 0 : i32
        %dma_wait3A_221 = arith.constant 0 : i32
        %dma_wait3A_222 = tpu.memref_slice %arg3[%add3A, %dma_wait3A_215, %dma_wait3A_220, %dma_wait3A_221] : memref<32x90x2x112xi32, #tpu.memory_space<hbm>> -> memref<1x1x2x112xi32, #tpu.memory_space<hbm>>
        %dma_wait3A_223 = tpu.memref_squeeze %dma_wait3A_222 : memref<1x1x2x112xi32, #tpu.memory_space<hbm>> -> memref<2x112xi32, #tpu.memory_space<hbm>>
        tpu.wait_dma2 semaphore(%arg18 : memref<!tpu.dma_semaphore, #tpu.memory_space<semaphore_mem>>) src(%dma_wait3A_223 : memref<2x112xi32, #tpu.memory_space<hbm>>) dst(%arg5 : memref<2x112xi32, #tpu.memory_space<vmem>>)
        %dma_start3A_224 = arith.constant 0 : i32
        %dma_start3A_225 = arith.constant 0 : i32
        %dma_start3A_226 = tpu.memref_slice %arg5[%dma_start3A_224, %dma_start3A_225] : memref<2x112xi32, #tpu.memory_space<vmem>> -> memref<1x112xi32, #tpu.memory_space<vmem>>
        %dma_start3A_227 = tpu.memref_squeeze %dma_start3A_226 : memref<1x112xi32, #tpu.memory_space<vmem>> -> memref<112xi32, #tpu.memory_space<vmem>>
        %dma_start3A_228 = arith.constant 0 : i32
        %dma_start3A_229 = arith.constant 0 : i32
        %dma_start3A_230 = tpu.memref_slice %arg2[%dma_start3A_228, %dma_start3A_229] : memref<10000x128xf32, #tpu.memory_space<hbm>> -> memref<10000x128xf32, #tpu.memory_space<hbm>>
        tpu.enqueue_indirect_dma source(%dma_start3A_230 : memref<10000x128xf32, #tpu.memory_space<hbm>>) target(%arg11 : memref<112x128xf32, #tpu.memory_space<vmem>>) offsets(%dma_start3A_227 : memref<112xi32, #tpu.memory_space<vmem>>) semaphore(%arg15 : memref<!tpu.dma_semaphore, #tpu.memory_space<semaphore_mem>>)
      } else {
      }
      %mul3A_171 = arith.constant 6 : i32
      %mul3A_172 = arith.muli %scan3A_84, %mul3A_171 : i32
      %add3A_173 = arith.constant 4 : i32
      %add3A_174 = arith.addi %mul3A_172, %add3A_173 : i32
      %dma_wait3A_175 = arith.constant 0 : i32
      %dma_wait3A_176 = arith.constant 0 : i32
      %dma_wait3A_177 = tpu.memref_slice %arg9[%dma_wait3A_175, %dma_wait3A_176] : memref<2x112xi32, #tpu.memory_space<vmem>> -> memref<1x112xi32, #tpu.memory_space<vmem>>
      %dma_wait3A_178 = tpu.memref_squeeze %dma_wait3A_177 : memref<1x112xi32, #tpu.memory_space<vmem>> -> memref<112xi32, #tpu.memory_space<vmem>>
      %dma_wait3A_179 = arith.constant 0 : i32
      %dma_wait3A_180 = arith.constant 0 : i32
      %dma_wait3A_181 = tpu.memref_slice %arg2[%dma_wait3A_179, %dma_wait3A_180] : memref<10000x128xf32, #tpu.memory_space<hbm>> -> memref<10000x128xf32, #tpu.memory_space<hbm>>
      tpu.wait_indirect_dma semaphore(%arg16 : memref<!tpu.dma_semaphore, #tpu.memory_space<semaphore_mem>>) src(%dma_wait3A_181 : memref<10000x128xf32, #tpu.memory_space<hbm>>) dst(%arg12 : memref<112x128xf32, #tpu.memory_space<vmem>>)
      %run_scoped3A_182 = arith.constant 1 : i32
      "tpu.region"() ({
        %run_scoped3A_215 = tpu.sem_alloc : memref<!tpu.dma_semaphore, #tpu.memory_space<semaphore_mem>>
        %dma_start3A_216 = arith.constant 0 : i32
        %dma_start3A_217 = tpu.memref_slice %arg9[%run_scoped3A_182, %dma_start3A_216] : memref<2x112xi32, #tpu.memory_space<vmem>> -> memref<1x112xi32, #tpu.memory_space<vmem>>
        %dma_start3A_218 = tpu.memref_squeeze %dma_start3A_217 : memref<1x112xi32, #tpu.memory_space<vmem>> -> memref<112xi32, #tpu.memory_space<vmem>>
        %dma_start3A_219 = arith.constant 0 : i32
        %dma_start3A_220 = arith.constant 0 : i32
        %dma_start3A_221 = tpu.memref_slice %arg14[%dma_start3A_219, %dma_start3A_220] : memref<10008x128xf32, #tpu.memory_space<vmem_shared>> -> memref<10008x128xf32, #tpu.memory_space<vmem_shared>>
        tpu.enqueue_indirect_dma source(%arg12 : memref<112x128xf32, #tpu.memory_space<vmem>>) target(%dma_start3A_221 : memref<10008x128xf32, #tpu.memory_space<vmem_shared>>) offsets(%dma_start3A_218 : memref<112xi32, #tpu.memory_space<vmem>>) semaphore(%run_scoped3A_215 : memref<!tpu.dma_semaphore, #tpu.memory_space<semaphore_mem>>) {add = true}
        %dma_wait3A_222 = arith.constant 0 : i32
        %dma_wait3A_223 = tpu.memref_slice %arg9[%run_scoped3A_182, %dma_wait3A_222] : memref<2x112xi32, #tpu.memory_space<vmem>> -> memref<1x112xi32, #tpu.memory_space<vmem>>
        %dma_wait3A_224 = tpu.memref_squeeze %dma_wait3A_223 : memref<1x112xi32, #tpu.memory_space<vmem>> -> memref<112xi32, #tpu.memory_space<vmem>>
        %dma_wait3A_225 = arith.constant 0 : i32
        %dma_wait3A_226 = arith.constant 0 : i32
        %dma_wait3A_227 = tpu.memref_slice %arg14[%dma_wait3A_225, %dma_wait3A_226] : memref<10008x128xf32, #tpu.memory_space<vmem_shared>> -> memref<10008x128xf32, #tpu.memory_space<vmem_shared>>
        tpu.wait_indirect_dma semaphore(%run_scoped3A_215 : memref<!tpu.dma_semaphore, #tpu.memory_space<semaphore_mem>>) src(%arg12 : memref<112x128xf32, #tpu.memory_space<vmem>>) dst(%dma_wait3A_227 : memref<10008x128xf32, #tpu.memory_space<vmem_shared>>)
        tpu.yield
      }) : () -> ()
      %lt3A_183 = arith.constant 84 : i32
      %lt3A_184 = arith.cmpi slt, %add3A_174, %lt3A_183 : i32
      %convert_element_type3A_185 = arith.extui %lt3A_184 : i1 to i32
      %cond3A_186 = arith.constant 0 : i32
      %cond3A_187 = arith.cmpi ne, %convert_element_type3A_185, %cond3A_186 : i32
      scf.if %cond3A_187 {
        %add3A_215 = arith.constant 6 : i32
        %add3A_216 = arith.addi %add3A_174, %add3A_215 : i32
        %dma_start3A_217 = arith.constant 0 : i32
        %dma_start3A_218 = arith.constant 0 : i32
        %dma_start3A_219 = tpu.memref_slice %arg3[%add3A, %add3A_216, %dma_start3A_217, %dma_start3A_218] : memref<32x90x2x112xi32, #tpu.memory_space<hbm>> -> memref<1x1x2x112xi32, #tpu.memory_space<hbm>>
        %dma_start3A_220 = tpu.memref_squeeze %dma_start3A_219 : memref<1x1x2x112xi32, #tpu.memory_space<hbm>> -> memref<2x112xi32, #tpu.memory_space<hbm>>
        %dma_start3A_221 = arith.constant 0 : i32
        %dma_start3A_222 = arith.constant 0 : i32
        %dma_start3A_223 = tpu.memref_slice %arg3[%add3A, %add3A_216, %dma_start3A_221, %dma_start3A_222] : memref<32x90x2x112xi32, #tpu.memory_space<hbm>> -> memref<1x1x2x112xi32, #tpu.memory_space<hbm>>
        %dma_start3A_224 = tpu.memref_squeeze %dma_start3A_223 : memref<1x1x2x112xi32, #tpu.memory_space<hbm>> -> memref<2x112xi32, #tpu.memory_space<hbm>>
        tpu.enqueue_dma source(%dma_start3A_224 : memref<2x112xi32, #tpu.memory_space<hbm>>) target(%arg9 : memref<2x112xi32, #tpu.memory_space<vmem>>) target_semaphore(%arg22 : memref<!tpu.dma_semaphore, #tpu.memory_space<semaphore_mem>>)
      } else {
      }
      %lt3A_188 = arith.constant 87 : i32
      %lt3A_189 = arith.cmpi slt, %add3A_174, %lt3A_188 : i32
      %convert_element_type3A_190 = arith.extui %lt3A_189 : i1 to i32
      %cond3A_191 = arith.constant 0 : i32
      %cond3A_192 = arith.cmpi ne, %convert_element_type3A_190, %cond3A_191 : i32
      scf.if %cond3A_192 {
        %dma_wait3A_215 = arith.constant 0 : i32
        %dma_wait3A_216 = arith.constant 0 : i32
        %dma_wait3A_217 = arith.constant 0 : i32
        %dma_wait3A_218 = tpu.memref_slice %arg3[%add3A, %dma_wait3A_215, %dma_wait3A_216, %dma_wait3A_217] : memref<32x90x2x112xi32, #tpu.memory_space<hbm>> -> memref<1x1x2x112xi32, #tpu.memory_space<hbm>>
        %dma_wait3A_219 = tpu.memref_squeeze %dma_wait3A_218 : memref<1x1x2x112xi32, #tpu.memory_space<hbm>> -> memref<2x112xi32, #tpu.memory_space<hbm>>
        %dma_wait3A_220 = arith.constant 0 : i32
        %dma_wait3A_221 = arith.constant 0 : i32
        %dma_wait3A_222 = tpu.memref_slice %arg3[%add3A, %dma_wait3A_215, %dma_wait3A_220, %dma_wait3A_221] : memref<32x90x2x112xi32, #tpu.memory_space<hbm>> -> memref<1x1x2x112xi32, #tpu.memory_space<hbm>>
        %dma_wait3A_223 = tpu.memref_squeeze %dma_wait3A_222 : memref<1x1x2x112xi32, #tpu.memory_space<hbm>> -> memref<2x112xi32, #tpu.memory_space<hbm>>
        tpu.wait_dma2 semaphore(%arg19 : memref<!tpu.dma_semaphore, #tpu.memory_space<semaphore_mem>>) src(%dma_wait3A_223 : memref<2x112xi32, #tpu.memory_space<hbm>>) dst(%arg6 : memref<2x112xi32, #tpu.memory_space<vmem>>)
        %dma_start3A_224 = arith.constant 0 : i32
        %dma_start3A_225 = arith.constant 0 : i32
        %dma_start3A_226 = tpu.memref_slice %arg6[%dma_start3A_224, %dma_start3A_225] : memref<2x112xi32, #tpu.memory_space<vmem>> -> memref<1x112xi32, #tpu.memory_space<vmem>>
        %dma_start3A_227 = tpu.memref_squeeze %dma_start3A_226 : memref<1x112xi32, #tpu.memory_space<vmem>> -> memref<112xi32, #tpu.memory_space<vmem>>
        %dma_start3A_228 = arith.constant 0 : i32
        %dma_start3A_229 = arith.constant 0 : i32
        %dma_start3A_230 = tpu.memref_slice %arg2[%dma_start3A_228, %dma_start3A_229] : memref<10000x128xf32, #tpu.memory_space<hbm>> -> memref<10000x128xf32, #tpu.memory_space<hbm>>
        tpu.enqueue_indirect_dma source(%dma_start3A_230 : memref<10000x128xf32, #tpu.memory_space<hbm>>) target(%arg12 : memref<112x128xf32, #tpu.memory_space<vmem>>) offsets(%dma_start3A_227 : memref<112xi32, #tpu.memory_space<vmem>>) semaphore(%arg16 : memref<!tpu.dma_semaphore, #tpu.memory_space<semaphore_mem>>)
      } else {
      }
      %mul3A_193 = arith.constant 6 : i32
      %mul3A_194 = arith.muli %scan3A_84, %mul3A_193 : i32
      %add3A_195 = arith.constant 5 : i32
      %add3A_196 = arith.addi %mul3A_194, %add3A_195 : i32
      %dma_wait3A_197 = arith.constant 0 : i32
      %dma_wait3A_198 = arith.constant 0 : i32
      %dma_wait3A_199 = tpu.memref_slice %arg10[%dma_wait3A_197, %dma_wait3A_198] : memref<2x112xi32, #tpu.memory_space<vmem>> -> memref<1x112xi32, #tpu.memory_space<vmem>>
      %dma_wait3A_200 = tpu.memref_squeeze %dma_wait3A_199 : memref<1x112xi32, #tpu.memory_space<vmem>> -> memref<112xi32, #tpu.memory_space<vmem>>
      %dma_wait3A_201 = arith.constant 0 : i32
      %dma_wait3A_202 = arith.constant 0 : i32
      %dma_wait3A_203 = tpu.memref_slice %arg2[%dma_wait3A_201, %dma_wait3A_202] : memref<10000x128xf32, #tpu.memory_space<hbm>> -> memref<10000x128xf32, #tpu.memory_space<hbm>>
      tpu.wait_indirect_dma semaphore(%arg17 : memref<!tpu.dma_semaphore, #tpu.memory_space<semaphore_mem>>) src(%dma_wait3A_203 : memref<10000x128xf32, #tpu.memory_space<hbm>>) dst(%arg13 : memref<112x128xf32, #tpu.memory_space<vmem>>)
      %run_scoped3A_204 = arith.constant 1 : i32
      "tpu.region"() ({
        %run_scoped3A_215 = tpu.sem_alloc : memref<!tpu.dma_semaphore, #tpu.memory_space<semaphore_mem>>
        %dma_start3A_216 = arith.constant 0 : i32
        %dma_start3A_217 = tpu.memref_slice %arg10[%run_scoped3A_204, %dma_start3A_216] : memref<2x112xi32, #tpu.memory_space<vmem>> -> memref<1x112xi32, #tpu.memory_space<vmem>>
        %dma_start3A_218 = tpu.memref_squeeze %dma_start3A_217 : memref<1x112xi32, #tpu.memory_space<vmem>> -> memref<112xi32, #tpu.memory_space<vmem>>
        %dma_start3A_219 = arith.constant 0 : i32
        %dma_start3A_220 = arith.constant 0 : i32
        %dma_start3A_221 = tpu.memref_slice %arg14[%dma_start3A_219, %dma_start3A_220] : memref<10008x128xf32, #tpu.memory_space<vmem_shared>> -> memref<10008x128xf32, #tpu.memory_space<vmem_shared>>
        tpu.enqueue_indirect_dma source(%arg13 : memref<112x128xf32, #tpu.memory_space<vmem>>) target(%dma_start3A_221 : memref<10008x128xf32, #tpu.memory_space<vmem_shared>>) offsets(%dma_start3A_218 : memref<112xi32, #tpu.memory_space<vmem>>) semaphore(%run_scoped3A_215 : memref<!tpu.dma_semaphore, #tpu.memory_space<semaphore_mem>>) {add = true}
        %dma_wait3A_222 = arith.constant 0 : i32
        %dma_wait3A_223 = tpu.memref_slice %arg10[%run_scoped3A_204, %dma_wait3A_222] : memref<2x112xi32, #tpu.memory_space<vmem>> -> memref<1x112xi32, #tpu.memory_space<vmem>>
        %dma_wait3A_224 = tpu.memref_squeeze %dma_wait3A_223 : memref<1x112xi32, #tpu.memory_space<vmem>> -> memref<112xi32, #tpu.memory_space<vmem>>
        %dma_wait3A_225 = arith.constant 0 : i32
        %dma_wait3A_226 = arith.constant 0 : i32
        %dma_wait3A_227 = tpu.memref_slice %arg14[%dma_wait3A_225, %dma_wait3A_226] : memref<10008x128xf32, #tpu.memory_space<vmem_shared>> -> memref<10008x128xf32, #tpu.memory_space<vmem_shared>>
        tpu.wait_indirect_dma semaphore(%run_scoped3A_215 : memref<!tpu.dma_semaphore, #tpu.memory_space<semaphore_mem>>) src(%arg13 : memref<112x128xf32, #tpu.memory_space<vmem>>) dst(%dma_wait3A_227 : memref<10008x128xf32, #tpu.memory_space<vmem_shared>>)
        tpu.yield
      }) : () -> ()
      %lt3A_205 = arith.constant 84 : i32
      %lt3A_206 = arith.cmpi slt, %add3A_196, %lt3A_205 : i32
      %convert_element_type3A_207 = arith.extui %lt3A_206 : i1 to i32
      %cond3A_208 = arith.constant 0 : i32
      %cond3A_209 = arith.cmpi ne, %convert_element_type3A_207, %cond3A_208 : i32
      scf.if %cond3A_209 {
        %add3A_215 = arith.constant 6 : i32
        %add3A_216 = arith.addi %add3A_196, %add3A_215 : i32
        %dma_start3A_217 = arith.constant 0 : i32
        %dma_start3A_218 = arith.constant 0 : i32
        %dma_start3A_219 = tpu.memref_slice %arg3[%add3A, %add3A_216, %dma_start3A_217, %dma_start3A_218] : memref<32x90x2x112xi32, #tpu.memory_space<hbm>> -> memref<1x1x2x112xi32, #tpu.memory_space<hbm>>
        %dma_start3A_220 = tpu.memref_squeeze %dma_start3A_219 : memref<1x1x2x112xi32, #tpu.memory_space<hbm>> -> memref<2x112xi32, #tpu.memory_space<hbm>>
        %dma_start3A_221 = arith.constant 0 : i32
        %dma_start3A_222 = arith.constant 0 : i32
        %dma_start3A_223 = tpu.memref_slice %arg3[%add3A, %add3A_216, %dma_start3A_221, %dma_start3A_222] : memref<32x90x2x112xi32, #tpu.memory_space<hbm>> -> memref<1x1x2x112xi32, #tpu.memory_space<hbm>>
        %dma_start3A_224 = tpu.memref_squeeze %dma_start3A_223 : memref<1x1x2x112xi32, #tpu.memory_space<hbm>> -> memref<2x112xi32, #tpu.memory_space<hbm>>
        tpu.enqueue_dma source(%dma_start3A_224 : memref<2x112xi32, #tpu.memory_space<hbm>>) target(%arg10 : memref<2x112xi32, #tpu.memory_space<vmem>>) target_semaphore(%arg23 : memref<!tpu.dma_semaphore, #tpu.memory_space<semaphore_mem>>)
      } else {
      }
      %lt3A_210 = arith.constant 87 : i32
      %lt3A_211 = arith.cmpi slt, %add3A_196, %lt3A_210 : i32
      %convert_element_type3A_212 = arith.extui %lt3A_211 : i1 to i32
      %cond3A_213 = arith.constant 0 : i32
      %cond3A_214 = arith.cmpi ne, %convert_element_type3A_212, %cond3A_213 : i32
      scf.if %cond3A_214 {
        %dma_wait3A_215 = arith.constant 0 : i32
        %dma_wait3A_216 = arith.constant 0 : i32
        %dma_wait3A_217 = arith.constant 0 : i32
        %dma_wait3A_218 = tpu.memref_slice %arg3[%add3A, %dma_wait3A_215, %dma_wait3A_216, %dma_wait3A_217] : memref<32x90x2x112xi32, #tpu.memory_space<hbm>> -> memref<1x1x2x112xi32, #tpu.memory_space<hbm>>
        %dma_wait3A_219 = tpu.memref_squeeze %dma_wait3A_218 : memref<1x1x2x112xi32, #tpu.memory_space<hbm>> -> memref<2x112xi32, #tpu.memory_space<hbm>>
        %dma_wait3A_220 = arith.constant 0 : i32
        %dma_wait3A_221 = arith.constant 0 : i32
        %dma_wait3A_222 = tpu.memref_slice %arg3[%add3A, %dma_wait3A_215, %dma_wait3A_220, %dma_wait3A_221] : memref<32x90x2x112xi32, #tpu.memory_space<hbm>> -> memref<1x1x2x112xi32, #tpu.memory_space<hbm>>
        %dma_wait3A_223 = tpu.memref_squeeze %dma_wait3A_222 : memref<1x1x2x112xi32, #tpu.memory_space<hbm>> -> memref<2x112xi32, #tpu.memory_space<hbm>>
        tpu.wait_dma2 semaphore(%arg20 : memref<!tpu.dma_semaphore, #tpu.memory_space<semaphore_mem>>) src(%dma_wait3A_223 : memref<2x112xi32, #tpu.memory_space<hbm>>) dst(%arg7 : memref<2x112xi32, #tpu.memory_space<vmem>>)
        %dma_start3A_224 = arith.constant 0 : i32
        %dma_start3A_225 = arith.constant 0 : i32
        %dma_start3A_226 = tpu.memref_slice %arg7[%dma_start3A_224, %dma_start3A_225] : memref<2x112xi32, #tpu.memory_space<vmem>> -> memref<1x112xi32, #tpu.memory_space<vmem>>
        %dma_start3A_227 = tpu.memref_squeeze %dma_start3A_226 : memref<1x112xi32, #tpu.memory_space<vmem>> -> memref<112xi32, #tpu.memory_space<vmem>>
        %dma_start3A_228 = arith.constant 0 : i32
        %dma_start3A_229 = arith.constant 0 : i32
        %dma_start3A_230 = tpu.memref_slice %arg2[%dma_start3A_228, %dma_start3A_229] : memref<10000x128xf32, #tpu.memory_space<hbm>> -> memref<10000x128xf32, #tpu.memory_space<hbm>>
        tpu.enqueue_indirect_dma source(%dma_start3A_230 : memref<10000x128xf32, #tpu.memory_space<hbm>>) target(%arg13 : memref<112x128xf32, #tpu.memory_space<vmem>>) offsets(%dma_start3A_227 : memref<112xi32, #tpu.memory_space<vmem>>) semaphore(%arg17 : memref<!tpu.dma_semaphore, #tpu.memory_space<semaphore_mem>>)
      } else {
      }
    }
    %scan3A_77 = arith.constant 15 : i32
    %barrier3A_78 = arith.constant 0 : index
    tpu.barrier barrier_id(%barrier3A_78)
    "tpu.region"() ({
      %run_scoped3A_84 = tpu.sem_alloc : memref<!tpu.dma_semaphore, #tpu.memory_space<semaphore_mem>>
      %dma_start3A_85 = arith.constant 0 : i32
      %dma_start3A_86 = tpu.memref_slice %arg4[%arg0, %mul3A_2, %dma_start3A_85] : memref<2x10000x128xf32, #tpu.memory_space<hbm>> -> memref<1x624x128xf32, #tpu.memory_space<hbm>>
      %dma_start3A_87 = tpu.memref_squeeze %dma_start3A_86 : memref<1x624x128xf32, #tpu.memory_space<hbm>> -> memref<624x128xf32, #tpu.memory_space<hbm>>
      %dma_start3A_88 = arith.constant 0 : i32
      %dma_start3A_89 = tpu.memref_slice %arg14[%mul3A_2, %dma_start3A_88] : memref<10008x128xf32, #tpu.memory_space<vmem_shared>> -> memref<624x128xf32, #tpu.memory_space<vmem_shared>>
      tpu.enqueue_dma source(%dma_start3A_89 : memref<624x128xf32, #tpu.memory_space<vmem_shared>>) target(%dma_start3A_87 : memref<624x128xf32, #tpu.memory_space<hbm>>) target_semaphore(%run_scoped3A_84 : memref<!tpu.dma_semaphore, #tpu.memory_space<semaphore_mem>>)
      %dma_wait3A = arith.constant 0 : i32
      %dma_wait3A_90 = tpu.memref_slice %arg4[%arg0, %mul3A_2, %dma_wait3A] : memref<2x10000x128xf32, #tpu.memory_space<hbm>> -> memref<1x624x128xf32, #tpu.memory_space<hbm>>
      %dma_wait3A_91 = tpu.memref_squeeze %dma_wait3A_90 : memref<1x624x128xf32, #tpu.memory_space<hbm>> -> memref<624x128xf32, #tpu.memory_space<hbm>>
      %dma_wait3A_92 = arith.constant 0 : i32
      %dma_wait3A_93 = tpu.memref_slice %arg14[%mul3A_2, %dma_wait3A_92] : memref<10008x128xf32, #tpu.memory_space<vmem_shared>> -> memref<624x128xf32, #tpu.memory_space<vmem_shared>>
      tpu.wait_dma2 semaphore(%run_scoped3A_84 : memref<!tpu.dma_semaphore, #tpu.memory_space<semaphore_mem>>) src(%dma_wait3A_93 : memref<624x128xf32, #tpu.memory_space<vmem_shared>>) dst(%dma_wait3A_91 : memref<624x128xf32, #tpu.memory_space<hbm>>)
      tpu.yield
    }) : () -> ()
    %eq3A_79 = arith.constant 15 : i32
    %eq3A_80 = arith.cmpi eq, %arg1, %eq3A_79 : i32
    %convert_element_type3A_81 = arith.extui %eq3A_80 : i1 to i32
    %cond3A_82 = arith.constant 0 : i32
    %cond3A_83 = arith.cmpi ne, %convert_element_type3A_81, %cond3A_82 : i32
    scf.if %cond3A_83 {
      "tpu.region"() ({
        %run_scoped3A_84 = tpu.sem_alloc : memref<!tpu.dma_semaphore, #tpu.memory_space<semaphore_mem>>
        %dma_start3A_85 = arith.constant 9984 : i32
        %dma_start3A_86 = arith.constant 0 : i32
        %dma_start3A_87 = tpu.memref_slice %arg4[%arg0, %dma_start3A_85, %dma_start3A_86] : memref<2x10000x128xf32, #tpu.memory_space<hbm>> -> memref<1x16x128xf32, #tpu.memory_space<hbm>>
        %dma_start3A_88 = tpu.memref_squeeze %dma_start3A_87 : memref<1x16x128xf32, #tpu.memory_space<hbm>> -> memref<16x128xf32, #tpu.memory_space<hbm>>
        %dma_start3A_89 = arith.constant 9984 : i32
        %dma_start3A_90 = arith.constant 0 : i32
        %dma_start3A_91 = tpu.memref_slice %arg14[%dma_start3A_89, %dma_start3A_90] : memref<10008x128xf32, #tpu.memory_space<vmem_shared>> -> memref<16x128xf32, #tpu.memory_space<vmem_shared>>
        tpu.enqueue_dma source(%dma_start3A_91 : memref<16x128xf32, #tpu.memory_space<vmem_shared>>) target(%dma_start3A_88 : memref<16x128xf32, #tpu.memory_space<hbm>>) target_semaphore(%run_scoped3A_84 : memref<!tpu.dma_semaphore, #tpu.memory_space<semaphore_mem>>)
        %dma_wait3A = arith.constant 9984 : i32
        %dma_wait3A_92 = arith.constant 0 : i32
        %dma_wait3A_93 = tpu.memref_slice %arg4[%arg0, %dma_wait3A, %dma_wait3A_92] : memref<2x10000x128xf32, #tpu.memory_space<hbm>> -> memref<1x16x128xf32, #tpu.memory_space<hbm>>
        %dma_wait3A_94 = tpu.memref_squeeze %dma_wait3A_93 : memref<1x16x128xf32, #tpu.memory_space<hbm>> -> memref<16x128xf32, #tpu.memory_space<hbm>>
        %dma_wait3A_95 = arith.constant 9984 : i32
        %dma_wait3A_96 = arith.constant 0 : i32
        %dma_wait3A_97 = tpu.memref_slice %arg14[%dma_wait3A_95, %dma_wait3A_96] : memref<10008x128xf32, #tpu.memory_space<vmem_shared>> -> memref<16x128xf32, #tpu.memory_space<vmem_shared>>
        tpu.wait_dma2 semaphore(%run_scoped3A_84 : memref<!tpu.dma_semaphore, #tpu.memory_space<semaphore_mem>>) src(%dma_wait3A_97 : memref<16x128xf32, #tpu.memory_space<vmem_shared>>) dst(%dma_wait3A_94 : memref<16x128xf32, #tpu.memory_space<hbm>>)
        tpu.yield
      }) : () -> ()
    } else {
    }
    return
  }
}

module attributes {stable_mosaic.version = 14 : i64} {
  func.func @_encode_body(%arg0: i32, %arg1: memref<1000x128xf32, #tpu.memory_space<vmem>>, %arg2: memref<128x128xf32, #tpu.memory_space<vmem>>, %arg3: memref<1x128xf32, #tpu.memory_space<vmem>>, %arg4: memref<2x1000x128xf32, #tpu.memory_space<vmem>>, %arg5: memref<1000x128xf32, #tpu.memory_space<vmem>>, %arg6: memref<1000x16xf32, #tpu.memory_space<vmem>>) attributes {dimension_semantics = [#tpu.dimension_semantics<arbitrary>], iteration_bounds = array<i64: 10>, scalar_prefetch = 0 : i64, scratch_operands = 0 : i64, tpu.core_type = #tpu.core_type<tc>, window_params = [{transform_indices = @transform_0, window_bounds = array<i64: 1000, 128>}, {pipeline_mode = #tpu.pipeline_mode<synchronous>, transform_indices = @transform_1, window_bounds = array<i64: 128, 128>}, {pipeline_mode = #tpu.pipeline_mode<synchronous>, transform_indices = @transform_2, window_bounds = array<i64: 1, 128>}, {transform_indices = @transform_3, window_bounds = array<i64: 2, 1000, 128>}, {transform_indices = @transform_4, window_bounds = array<i64: 1000, 128>}, {transform_indices = @transform_5, window_bounds = array<i64: 1000, 16>}]} {
    %get3A = arith.constant 0 : index
    %get3A_0 = arith.constant 0 : index
    %get3A_1 = vector.load %arg1[%get3A, %get3A_0] : memref<1000x128xf32, #tpu.memory_space<vmem>>, vector<1000x128xf32>
    %get3A_2 = arith.constant 0 : index
    %get3A_3 = arith.constant 0 : index
    %get3A_4 = vector.load %arg2[%get3A_2, %get3A_3] : memref<128x128xf32, #tpu.memory_space<vmem>>, vector<128x128xf32>
    %dot_general3A = arith.constant dense<0.000000e+00> : vector<1000x128xf32>
    %dot_general3A_5 = tpu.matmul %get3A_1, %get3A_4, %dot_general3A {dimension_numbers = #tpu.dot_dimension_numbers<[1], [0], [0], [1], [0, 0, 1, 1], [], []>, transpose_lhs_hint = false} : vector<1000x128xf32>, vector<128x128xf32>, vector<1000x128xf32> -> vector<1000x128xf32>
    %get3A_6 = arith.constant 0 : index
    %get3A_7 = arith.constant 0 : index
    %get3A_8 = vector.load %arg3[%get3A_6, %get3A_7] : memref<1x128xf32, #tpu.memory_space<vmem>>, vector<1x128xf32>
    %add3A = vector.broadcast %get3A_8 : vector<1x128xf32> to vector<1000x128xf32>
    %add3A_9 = arith.addf %dot_general3A_5, %add3A : vector<1000x128xf32>
    %max3A = arith.constant 0.000000e+00 : f32
    %max3A_10 = vector.broadcast %max3A : f32 to vector<1000x128xf32>
    %max3A_11 = arith.maximumf %add3A_9, %max3A_10 : vector<1000x128xf32>
    %swap3A = arith.constant 0 : index
    %swap3A_12 = arith.constant 0 : index
    %swap3A_13 = vector.load %arg5[%swap3A, %swap3A_12] : memref<1000x128xf32, #tpu.memory_space<vmem>>, vector<1000x128xf32>
    tpu.vector_store %arg5[%swap3A, %swap3A_12], %max3A_11 {strides = array<i32>} : memref<1000x128xf32, #tpu.memory_space<vmem>>, vector<1000x128xf32>,
    %get3A_14 = arith.constant 0 : index
    %get3A_15 = arith.constant 0 : index
    %get3A_16 = arith.constant 0 : index
    %get3A_17 = vector.load %arg4[%get3A_14, %get3A_15, %get3A_16] : memref<2x1000x128xf32, #tpu.memory_space<vmem>>, vector<1x1000x1xf32>
    %get3A_18 = vector.shape_cast %get3A_17 : vector<1x1000x1xf32> to vector<1000x1xf32>
    %get3A_19 = arith.constant 1 : index
    %get3A_20 = arith.constant 0 : index
    %get3A_21 = arith.constant 0 : index
    %get3A_22 = vector.load %arg4[%get3A_19, %get3A_20, %get3A_21] : memref<2x1000x128xf32, #tpu.memory_space<vmem>>, vector<1x1000x1xf32>
    %get3A_23 = vector.shape_cast %get3A_22 : vector<1x1000x1xf32> to vector<1000x1xf32>
    %add3A_24 = arith.addf %get3A_18, %get3A_23 : vector<1000x1xf32>
    %max3A_25 = arith.constant 1.000000e+00 : f32
    %max3A_26 = vector.broadcast %max3A_25 : f32 to vector<1000x1xf32>
    %max3A_27 = arith.maximumf %add3A_24, %max3A_26 : vector<1000x1xf32>
    %div3A = arith.constant 1.000000e+00 : f32
    %div3A_28 = vector.broadcast %div3A : f32 to vector<1000x1xf32>
    %div3A_29 = arith.divf %div3A_28, %max3A_27 : vector<1000x1xf32>
    %broadcast_in_dim3A = vector.shape_cast %div3A_29 : vector<1000x1xf32> to vector<1000x1xf32>
    %broadcast_in_dim3A_30 = vector.broadcast %broadcast_in_dim3A : vector<1000x1xf32> to vector<1000x16xf32>
    %swap3A_31 = arith.constant 0 : index
    %swap3A_32 = arith.constant 0 : index
    %swap3A_33 = vector.load %arg6[%swap3A_31, %swap3A_32] : memref<1000x16xf32, #tpu.memory_space<vmem>>, vector<1000x16xf32>
    tpu.vector_store %arg6[%swap3A_31, %swap3A_32], %broadcast_in_dim3A_30 {strides = array<i32>} : memref<1000x16xf32, #tpu.memory_space<vmem>>, vector<1000x16xf32>,
    return
  }
  func.func @transform_0(%arg0: i32) -> (i32, i32) {
    %c0_i32 = arith.constant 0 : i32
    %c0_i32_0 = arith.constant 0 : i32
    return %arg0, %c0_i32 : i32, i32
  }
  func.func @transform_1(%arg0: i32) -> (i32, i32) {
    %c0_i32 = arith.constant 0 : i32
    %c0_i32_0 = arith.constant 0 : i32
    %c0_i32_1 = arith.constant 0 : i32
    return %c0_i32, %c0_i32_0 : i32, i32
  }
  func.func @transform_2(%arg0: i32) -> (i32, i32) {
    %c0_i32 = arith.constant 0 : i32
    %c0_i32_0 = arith.constant 0 : i32
    %c0_i32_1 = arith.constant 0 : i32
    return %c0_i32, %c0_i32_0 : i32, i32
  }
  func.func @transform_3(%arg0: i32) -> (i32, i32, i32) {
    %c0_i32 = arith.constant 0 : i32
    %c0_i32_0 = arith.constant 0 : i32
    %c0_i32_1 = arith.constant 0 : i32
    return %c0_i32, %arg0, %c0_i32_0 : i32, i32, i32
  }
  func.func @transform_4(%arg0: i32) -> (i32, i32) {
    %c0_i32 = arith.constant 0 : i32
    %c0_i32_0 = arith.constant 0 : i32
    return %arg0, %c0_i32 : i32, i32
  }
  func.func @transform_5(%arg0: i32) -> (i32, i32) {
    %c0_i32 = arith.constant 0 : i32
    %c0_i32_0 = arith.constant 0 : i32
    return %arg0, %c0_i32 : i32, i32
  }
}

module attributes {stable_mosaic.version = 14 : i64} {
  func.func @_update_body(%arg0: i32, %arg1: memref<1000x128xf32, #tpu.memory_space<vmem>>, %arg2: memref<2x1000x128xf32, #tpu.memory_space<vmem>>, %arg3: memref<1000x16xf32, #tpu.memory_space<vmem>>, %arg4: memref<128x128xf32, #tpu.memory_space<vmem>>, %arg5: memref<128x128xf32, #tpu.memory_space<vmem>>, %arg6: memref<1x128xf32, #tpu.memory_space<vmem>>, %arg7: memref<1000x128xf32, #tpu.memory_space<vmem>>) attributes {dimension_semantics = [#tpu.dimension_semantics<arbitrary>], iteration_bounds = array<i64: 10>, scalar_prefetch = 0 : i64, scratch_operands = 0 : i64, tpu.core_type = #tpu.core_type<tc>, window_params = [{transform_indices = @transform_0, window_bounds = array<i64: 1000, 128>}, {transform_indices = @transform_1, window_bounds = array<i64: 2, 1000, 128>}, {transform_indices = @transform_2, window_bounds = array<i64: 1000, 16>}, {pipeline_mode = #tpu.pipeline_mode<synchronous>, transform_indices = @transform_3, window_bounds = array<i64: 128, 128>}, {pipeline_mode = #tpu.pipeline_mode<synchronous>, transform_indices = @transform_4, window_bounds = array<i64: 128, 128>}, {pipeline_mode = #tpu.pipeline_mode<synchronous>, transform_indices = @transform_5, window_bounds = array<i64: 1, 128>}, {transform_indices = @transform_6, window_bounds = array<i64: 1000, 128>}]} {
    %get3A = arith.constant 0 : index
    %get3A_0 = arith.constant 0 : index
    %get3A_1 = arith.constant 0 : index
    %get3A_2 = vector.load %arg2[%get3A, %get3A_0, %get3A_1] : memref<2x1000x128xf32, #tpu.memory_space<vmem>>, vector<1x1000x128xf32>
    %get3A_3 = vector.shape_cast %get3A_2 : vector<1x1000x128xf32> to vector<1000x128xf32>
    %get3A_4 = arith.constant 1 : index
    %get3A_5 = arith.constant 0 : index
    %get3A_6 = arith.constant 0 : index
    %get3A_7 = vector.load %arg2[%get3A_4, %get3A_5, %get3A_6] : memref<2x1000x128xf32, #tpu.memory_space<vmem>>, vector<1x1000x128xf32>
    %get3A_8 = vector.shape_cast %get3A_7 : vector<1x1000x128xf32> to vector<1000x128xf32>
    %add3A = arith.addf %get3A_3, %get3A_8 : vector<1000x128xf32>
    %get3A_9 = arith.constant 0 : index
    %get3A_10 = arith.constant 0 : index
    %get3A_11 = vector.load %arg3[%get3A_9, %get3A_10] : memref<1000x16xf32, #tpu.memory_space<vmem>>, vector<1000x1xf32>
    %mul3A = vector.broadcast %get3A_11 : vector<1000x1xf32> to vector<1000x128xf32>
    %mul3A_12 = arith.mulf %add3A, %mul3A : vector<1000x128xf32>
    %get3A_13 = arith.constant 0 : index
    %get3A_14 = arith.constant 0 : index
    %get3A_15 = vector.load %arg1[%get3A_13, %get3A_14] : memref<1000x128xf32, #tpu.memory_space<vmem>>, vector<1000x128xf32>
    %get3A_16 = arith.constant 0 : index
    %get3A_17 = arith.constant 0 : index
    %get3A_18 = vector.load %arg4[%get3A_16, %get3A_17] : memref<128x128xf32, #tpu.memory_space<vmem>>, vector<128x128xf32>
    %dot_general3A = arith.constant dense<0.000000e+00> : vector<1000x128xf32>
    %dot_general3A_19 = tpu.matmul %get3A_15, %get3A_18, %dot_general3A {dimension_numbers = #tpu.dot_dimension_numbers<[1], [0], [0], [1], [0, 0, 1, 1], [], []>, transpose_lhs_hint = false} : vector<1000x128xf32>, vector<128x128xf32>, vector<1000x128xf32> -> vector<1000x128xf32>
    %get3A_20 = arith.constant 0 : index
    %get3A_21 = arith.constant 0 : index
    %get3A_22 = vector.load %arg5[%get3A_20, %get3A_21] : memref<128x128xf32, #tpu.memory_space<vmem>>, vector<128x128xf32>
    %dot_general3A_23 = arith.constant dense<0.000000e+00> : vector<1000x128xf32>
    %dot_general3A_24 = tpu.matmul %mul3A_12, %get3A_22, %dot_general3A_23 {dimension_numbers = #tpu.dot_dimension_numbers<[1], [0], [0], [1], [0, 0, 1, 1], [], []>, transpose_lhs_hint = false} : vector<1000x128xf32>, vector<128x128xf32>, vector<1000x128xf32> -> vector<1000x128xf32>
    %add3A_25 = arith.addf %dot_general3A_19, %dot_general3A_24 : vector<1000x128xf32>
    %get3A_26 = arith.constant 0 : index
    %get3A_27 = arith.constant 0 : index
    %get3A_28 = vector.load %arg6[%get3A_26, %get3A_27] : memref<1x128xf32, #tpu.memory_space<vmem>>, vector<1x128xf32>
    %add3A_29 = vector.broadcast %get3A_28 : vector<1x128xf32> to vector<1000x128xf32>
    %add3A_30 = arith.addf %add3A_25, %add3A_29 : vector<1000x128xf32>
    %max3A = arith.constant 0.000000e+00 : f32
    %max3A_31 = vector.broadcast %max3A : f32 to vector<1000x128xf32>
    %max3A_32 = arith.maximumf %add3A_30, %max3A_31 : vector<1000x128xf32>
    %swap3A = arith.constant 0 : index
    %swap3A_33 = arith.constant 0 : index
    %swap3A_34 = vector.load %arg7[%swap3A, %swap3A_33] : memref<1000x128xf32, #tpu.memory_space<vmem>>, vector<1000x128xf32>
    tpu.vector_store %arg7[%swap3A, %swap3A_33], %max3A_32 {strides = array<i32>} : memref<1000x128xf32, #tpu.memory_space<vmem>>, vector<1000x128xf32>,
    return
  }
  func.func @transform_0(%arg0: i32) -> (i32, i32) {
    %c0_i32 = arith.constant 0 : i32
    %c0_i32_0 = arith.constant 0 : i32
    return %arg0, %c0_i32 : i32, i32
  }
  func.func @transform_1(%arg0: i32) -> (i32, i32, i32) {
    %c0_i32 = arith.constant 0 : i32
    %c0_i32_0 = arith.constant 0 : i32
    %c0_i32_1 = arith.constant 0 : i32
    return %c0_i32, %arg0, %c0_i32_0 : i32, i32, i32
  }
  func.func @transform_2(%arg0: i32) -> (i32, i32) {
    %c0_i32 = arith.constant 0 : i32
    %c0_i32_0 = arith.constant 0 : i32
    return %arg0, %c0_i32 : i32, i32
  }
  func.func @transform_3(%arg0: i32) -> (i32, i32) {
    %c0_i32 = arith.constant 0 : i32
    %c0_i32_0 = arith.constant 0 : i32
    %c0_i32_1 = arith.constant 0 : i32
    return %c0_i32, %c0_i32_0 : i32, i32
  }
  func.func @transform_4(%arg0: i32) -> (i32, i32) {
    %c0_i32 = arith.constant 0 : i32
    %c0_i32_0 = arith.constant 0 : i32
    %c0_i32_1 = arith.constant 0 : i32
    return %c0_i32, %c0_i32_0 : i32, i32
  }
  func.func @transform_5(%arg0: i32) -> (i32, i32) {
    %c0_i32 = arith.constant 0 : i32
    %c0_i32_0 = arith.constant 0 : i32
    %c0_i32_1 = arith.constant 0 : i32
    return %c0_i32, %c0_i32_0 : i32, i32
  }
  func.func @transform_6(%arg0: i32) -> (i32, i32) {
    %c0_i32 = arith.constant 0 : i32
    %c0_i32_0 = arith.constant 0 : i32
    return %arg0, %c0_i32 : i32, i32
  }
}

module attributes {stable_mosaic.version = 14 : i64} {
  func.func @_final_body(%arg0: i32, %arg1: memref<1000x128xf32, #tpu.memory_space<vmem>>, %arg2: memref<2x1000x128xf32, #tpu.memory_space<vmem>>, %arg3: memref<1000x16xf32, #tpu.memory_space<vmem>>, %arg4: memref<128x128xf32, #tpu.memory_space<vmem>>, %arg5: memref<128x128xf32, #tpu.memory_space<vmem>>, %arg6: memref<1x128xf32, #tpu.memory_space<vmem>>, %arg7: memref<128x256xf32, #tpu.memory_space<vmem>>, %arg8: memref<1x256xf32, #tpu.memory_space<vmem>>, %arg9: memref<256x256xf32, #tpu.memory_space<vmem>>, %arg10: memref<1x256xf32, #tpu.memory_space<vmem>>, %arg11: memref<1x256xf32, #tpu.memory_space<vmem>>, %arg12: memref<1x128xf32, #tpu.memory_space<vmem>>) attributes {dimension_semantics = [#tpu.dimension_semantics<arbitrary>], iteration_bounds = array<i64: 10>, scalar_prefetch = 0 : i64, scratch_operands = 1 : i64, tpu.core_type = #tpu.core_type<tc>, window_params = [{transform_indices = @transform_0, window_bounds = array<i64: 1000, 128>}, {transform_indices = @transform_1, window_bounds = array<i64: 2, 1000, 128>}, {transform_indices = @transform_2, window_bounds = array<i64: 1000, 16>}, {pipeline_mode = #tpu.pipeline_mode<synchronous>, transform_indices = @transform_3, window_bounds = array<i64: 128, 128>}, {pipeline_mode = #tpu.pipeline_mode<synchronous>, transform_indices = @transform_4, window_bounds = array<i64: 128, 128>}, {pipeline_mode = #tpu.pipeline_mode<synchronous>, transform_indices = @transform_5, window_bounds = array<i64: 1, 128>}, {pipeline_mode = #tpu.pipeline_mode<synchronous>, transform_indices = @transform_6, window_bounds = array<i64: 128, 256>}, {pipeline_mode = #tpu.pipeline_mode<synchronous>, transform_indices = @transform_7, window_bounds = array<i64: 1, 256>}, {pipeline_mode = #tpu.pipeline_mode<synchronous>, transform_indices = @transform_8, window_bounds = array<i64: 256, 256>}, {pipeline_mode = #tpu.pipeline_mode<synchronous>, transform_indices = @transform_9, window_bounds = array<i64: 1, 256>}, {pipeline_mode = #tpu.pipeline_mode<synchronous>, transform_indices = @transform_10, window_bounds = array<i64: 1, 256>}]} {
    %get3A = arith.constant 0 : index
    %get3A_0 = arith.constant 0 : index
    %get3A_1 = arith.constant 0 : index
    %get3A_2 = vector.load %arg2[%get3A, %get3A_0, %get3A_1] : memref<2x1000x128xf32, #tpu.memory_space<vmem>>, vector<1x1000x128xf32>
    %get3A_3 = vector.shape_cast %get3A_2 : vector<1x1000x128xf32> to vector<1000x128xf32>
    %get3A_4 = arith.constant 1 : index
    %get3A_5 = arith.constant 0 : index
    %get3A_6 = arith.constant 0 : index
    %get3A_7 = vector.load %arg2[%get3A_4, %get3A_5, %get3A_6] : memref<2x1000x128xf32, #tpu.memory_space<vmem>>, vector<1x1000x128xf32>
    %get3A_8 = vector.shape_cast %get3A_7 : vector<1x1000x128xf32> to vector<1000x128xf32>
    %add3A = arith.addf %get3A_3, %get3A_8 : vector<1000x128xf32>
    %get3A_9 = arith.constant 0 : index
    %get3A_10 = arith.constant 0 : index
    %get3A_11 = vector.load %arg3[%get3A_9, %get3A_10] : memref<1000x16xf32, #tpu.memory_space<vmem>>, vector<1000x1xf32>
    %mul3A = vector.broadcast %get3A_11 : vector<1000x1xf32> to vector<1000x128xf32>
    %mul3A_12 = arith.mulf %add3A, %mul3A : vector<1000x128xf32>
    %get3A_13 = arith.constant 0 : index
    %get3A_14 = arith.constant 0 : index
    %get3A_15 = vector.load %arg1[%get3A_13, %get3A_14] : memref<1000x128xf32, #tpu.memory_space<vmem>>, vector<1000x128xf32>
    %get3A_16 = arith.constant 0 : index
    %get3A_17 = arith.constant 0 : index
    %get3A_18 = vector.load %arg4[%get3A_16, %get3A_17] : memref<128x128xf32, #tpu.memory_space<vmem>>, vector<128x128xf32>
    %dot_general3A = arith.constant dense<0.000000e+00> : vector<1000x128xf32>
    %dot_general3A_19 = tpu.matmul %get3A_15, %get3A_18, %dot_general3A {dimension_numbers = #tpu.dot_dimension_numbers<[1], [0], [0], [1], [0, 0, 1, 1], [], []>, transpose_lhs_hint = false} : vector<1000x128xf32>, vector<128x128xf32>, vector<1000x128xf32> -> vector<1000x128xf32>
    %get3A_20 = arith.constant 0 : index
    %get3A_21 = arith.constant 0 : index
    %get3A_22 = vector.load %arg5[%get3A_20, %get3A_21] : memref<128x128xf32, #tpu.memory_space<vmem>>, vector<128x128xf32>
    %dot_general3A_23 = arith.constant dense<0.000000e+00> : vector<1000x128xf32>
    %dot_general3A_24 = tpu.matmul %mul3A_12, %get3A_22, %dot_general3A_23 {dimension_numbers = #tpu.dot_dimension_numbers<[1], [0], [0], [1], [0, 0, 1, 1], [], []>, transpose_lhs_hint = false} : vector<1000x128xf32>, vector<128x128xf32>, vector<1000x128xf32> -> vector<1000x128xf32>
    %add3A_25 = arith.addf %dot_general3A_19, %dot_general3A_24 : vector<1000x128xf32>
    %get3A_26 = arith.constant 0 : index
    %get3A_27 = arith.constant 0 : index
    %get3A_28 = vector.load %arg6[%get3A_26, %get3A_27] : memref<1x128xf32, #tpu.memory_space<vmem>>, vector<1x128xf32>
    %add3A_29 = vector.broadcast %get3A_28 : vector<1x128xf32> to vector<1000x128xf32>
    %add3A_30 = arith.addf %add3A_25, %add3A_29 : vector<1000x128xf32>
    %max3A = arith.constant 0.000000e+00 : f32
    %max3A_31 = vector.broadcast %max3A : f32 to vector<1000x128xf32>
    %max3A_32 = arith.maximumf %add3A_30, %max3A_31 : vector<1000x128xf32>
    %eq3A = arith.constant 0 : i32
    %eq3A_33 = arith.cmpi eq, %arg0, %eq3A : i32
    %convert_element_type3A = arith.extui %eq3A_33 : i1 to i32
    %cond3A = arith.constant 0 : i32
    %cond3A_34 = arith.cmpi ne, %convert_element_type3A, %cond3A : i32
    scf.if %cond3A_34 {
      %broadcast_in_dim3A_47 = arith.constant 0.000000e+00 : f32
      %broadcast_in_dim3A_48 = vector.broadcast %broadcast_in_dim3A_47 : f32 to vector<1x128xf32>
      %swap3A_49 = arith.constant 0 : index
      %swap3A_50 = arith.constant 0 : index
      %swap3A_51 = vector.load %arg12[%swap3A_49, %swap3A_50] : memref<1x128xf32, #tpu.memory_space<vmem>>, vector<1x128xf32>
      tpu.vector_store %arg12[%swap3A_49, %swap3A_50], %broadcast_in_dim3A_48 {strides = array<i32>} : memref<1x128xf32, #tpu.memory_space<vmem>>, vector<1x128xf32>,
    } else {
    }
    %get3A_35 = arith.constant 0 : index
    %get3A_36 = arith.constant 0 : index
    %get3A_37 = vector.load %arg12[%get3A_35, %get3A_36] : memref<1x128xf32, #tpu.memory_space<vmem>>, vector<1x128xf32>
    %reduce_sum3A = arith.constant dense<0.000000e+00> : vector<128xf32>
    %reduce_sum3A_38 = vector.multi_reduction <add>, %max3A_32, %reduce_sum3A [0] : vector<1000x128xf32> to vector<128xf32>
    %broadcast_in_dim3A = vector.shape_cast %reduce_sum3A_38 : vector<128xf32> to vector<1x128xf32>
    %add3A_39 = arith.addf %get3A_37, %broadcast_in_dim3A : vector<1x128xf32>
    %swap3A = arith.constant 0 : index
    %swap3A_40 = arith.constant 0 : index
    %swap3A_41 = vector.load %arg12[%swap3A, %swap3A_40] : memref<1x128xf32, #tpu.memory_space<vmem>>, vector<1x128xf32>
    tpu.vector_store %arg12[%swap3A, %swap3A_40], %add3A_39 {strides = array<i32>} : memref<1x128xf32, #tpu.memory_space<vmem>>, vector<1x128xf32>,
    %eq3A_42 = arith.constant 9 : i32
    %eq3A_43 = arith.cmpi eq, %arg0, %eq3A_42 : i32
    %convert_element_type3A_44 = arith.extui %eq3A_43 : i1 to i32
    %cond3A_45 = arith.constant 0 : i32
    %cond3A_46 = arith.cmpi ne, %convert_element_type3A_44, %cond3A_45 : i32
    scf.if %cond3A_46 {
      %get3A_47 = arith.constant 0 : index
      %get3A_48 = arith.constant 0 : index
      %get3A_49 = vector.load %arg12[%get3A_47, %get3A_48] : memref<1x128xf32, #tpu.memory_space<vmem>>, vector<1x128xf32>
      %mul3A_50 = arith.constant 9.99999974E-5 : f32
      %mul3A_51 = vector.broadcast %mul3A_50 : f32 to vector<1x128xf32>
      %mul3A_52 = arith.mulf %get3A_49, %mul3A_51 : vector<1x128xf32>
      %get3A_53 = arith.constant 0 : index
      %get3A_54 = arith.constant 0 : index
      %get3A_55 = vector.load %arg7[%get3A_53, %get3A_54] : memref<128x256xf32, #tpu.memory_space<vmem>>, vector<128x256xf32>
      %dot_general3A_56 = arith.constant dense<0.000000e+00> : vector<1x256xf32>
      %dot_general3A_57 = tpu.matmul %mul3A_52, %get3A_55, %dot_general3A_56 {dimension_numbers = #tpu.dot_dimension_numbers<[1], [0], [0], [1], [0, 0, 1, 1], [], []>, transpose_lhs_hint = false} : vector<1x128xf32>, vector<128x256xf32>, vector<1x256xf32> -> vector<1x256xf32>
      %get3A_58 = arith.constant 0 : index
      %get3A_59 = arith.constant 0 : index
      %get3A_60 = vector.load %arg8[%get3A_58, %get3A_59] : memref<1x256xf32, #tpu.memory_space<vmem>>, vector<1x256xf32>
      %add3A_61 = arith.addf %dot_general3A_57, %get3A_60 : vector<1x256xf32>
      %max3A_62 = arith.constant 0.000000e+00 : f32
      %max3A_63 = vector.broadcast %max3A_62 : f32 to vector<1x256xf32>
      %max3A_64 = arith.maximumf %add3A_61, %max3A_63 : vector<1x256xf32>
      %get3A_65 = arith.constant 0 : index
      %get3A_66 = arith.constant 0 : index
      %get3A_67 = vector.load %arg9[%get3A_65, %get3A_66] : memref<256x256xf32, #tpu.memory_space<vmem>>, vector<256x256xf32>
      %dot_general3A_68 = arith.constant dense<0.000000e+00> : vector<1x256xf32>
      %dot_general3A_69 = tpu.matmul %max3A_64, %get3A_67, %dot_general3A_68 {dimension_numbers = #tpu.dot_dimension_numbers<[1], [0], [0], [1], [0, 0, 1, 1], [], []>, transpose_lhs_hint = false} : vector<1x256xf32>, vector<256x256xf32>, vector<1x256xf32> -> vector<1x256xf32>
      %get3A_70 = arith.constant 0 : index
      %get3A_71 = arith.constant 0 : index
      %get3A_72 = vector.load %arg10[%get3A_70, %get3A_71] : memref<1x256xf32, #tpu.memory_space<vmem>>, vector<1x256xf32>
      %add3A_73 = arith.addf %dot_general3A_69, %get3A_72 : vector<1x256xf32>
      %swap3A_74 = arith.constant 0 : index
      %swap3A_75 = arith.constant 0 : index
      %swap3A_76 = vector.load %arg11[%swap3A_74, %swap3A_75] : memref<1x256xf32, #tpu.memory_space<vmem>>, vector<1x256xf32>
      tpu.vector_store %arg11[%swap3A_74, %swap3A_75], %add3A_73 {strides = array<i32>} : memref<1x256xf32, #tpu.memory_space<vmem>>, vector<1x256xf32>,
    } else {
    }
    return
  }
  func.func @transform_0(%arg0: i32) -> (i32, i32) {
    %c0_i32 = arith.constant 0 : i32
    %c0_i32_0 = arith.constant 0 : i32
    return %arg0, %c0_i32 : i32, i32
  }
  func.func @transform_1(%arg0: i32) -> (i32, i32, i32) {
    %c0_i32 = arith.constant 0 : i32
    %c0_i32_0 = arith.constant 0 : i32
    %c0_i32_1 = arith.constant 0 : i32
    return %c0_i32, %arg0, %c0_i32_0 : i32, i32, i32
  }
  func.func @transform_2(%arg0: i32) -> (i32, i32) {
    %c0_i32 = arith.constant 0 : i32
    %c0_i32_0 = arith.constant 0 : i32
    return %arg0, %c0_i32 : i32, i32
  }
  func.func @transform_3(%arg0: i32) -> (i32, i32) {
    %c0_i32 = arith.constant 0 : i32
    %c0_i32_0 = arith.constant 0 : i32
    %c0_i32_1 = arith.constant 0 : i32
    return %c0_i32, %c0_i32_0 : i32, i32
  }
  func.func @transform_4(%arg0: i32) -> (i32, i32) {
    %c0_i32 = arith.constant 0 : i32
    %c0_i32_0 = arith.constant 0 : i32
    %c0_i32_1 = arith.constant 0 : i32
    return %c0_i32, %c0_i32_0 : i32, i32
  }
  func.func @transform_5(%arg0: i32) -> (i32, i32) {
    %c0_i32 = arith.constant 0 : i32
    %c0_i32_0 = arith.constant 0 : i32
    %c0_i32_1 = arith.constant 0 : i32
    return %c0_i32, %c0_i32_0 : i32, i32
  }
  func.func @transform_6(%arg0: i32) -> (i32, i32) {
    %c0_i32 = arith.constant 0 : i32
    %c0_i32_0 = arith.constant 0 : i32
    %c0_i32_1 = arith.constant 0 : i32
    return %c0_i32, %c0_i32_0 : i32, i32
  }
  func.func @transform_7(%arg0: i32) -> (i32, i32) {
    %c0_i32 = arith.constant 0 : i32
    %c0_i32_0 = arith.constant 0 : i32
    %c0_i32_1 = arith.constant 0 : i32
    return %c0_i32, %c0_i32_0 : i32, i32
  }
  func.func @transform_8(%arg0: i32) -> (i32, i32) {
    %c0_i32 = arith.constant 0 : i32
    %c0_i32_0 = arith.constant 0 : i32
    %c0_i32_1 = arith.constant 0 : i32
    return %c0_i32, %c0_i32_0 : i32, i32
  }
  func.func @transform_9(%arg0: i32) -> (i32, i32) {
    %c0_i32 = arith.constant 0 : i32
    %c0_i32_0 = arith.constant 0 : i32
    %c0_i32_1 = arith.constant 0 : i32
    return %c0_i32, %c0_i32_0 : i32, i32
  }
  func.func @transform_10(%arg0: i32) -> (i32, i32) {
    %c0_i32 = arith.constant 0 : i32
    %c0_i32_0 = arith.constant 0 : i32
    %c0_i32_1 = arith.constant 0 : i32
    return %c0_i32, %c0_i32_0 : i32, i32
  }
}

</mosaic_0001>

<sc_bundles>
// kernel: kernel.10.cloned.1.call-start
scs
__scs_entry_jumppad:
0x0: {  	(pc) =	sbr.rel $0x88, $3  }
0x1: {  	(tag) =	ssettag $0x0;
	lr =	simm.s32 $0x1  }
0x2: {  	[smem:$0x3F90] =	sst lr;
	_ =	strace $0xD0000000  }
0x3: {  	_ = 	snop  }
0x4: {  	_ = 	snop  }
0x5: {  	_ = 	snop  }
0x6: {  	_ = 	snop  }
0x7: {  	_ = 	snop  }
__scs_overlays_trampoline_lowered:
0x8: {  	[smem:$0x3F9F] =	sst s0  }
0x9: {  	[smem:$0x3FA0] =	sst s1  }
0xa: {  	[smem:$0x3FA1] =	sst s2  }
0xb: {  	[smem:$0x3FA2] =	sst s3  }
0xc: {  	[smem:$0x3FA3] =	sst s4  }
0xd: {  	[smem:$0x3FA4] =	sst s5  }
0xe: {  	[smem:$0x3FA5] =	sst s6  }
0xf: {  	[smem:$0x3FA6] =	sst s7  }
0x10: {  	[smem:$0x3FA7] =	sst s8  }
0x11: {  	[smem:$0x3FA8] =	sst s9;
	s0 =	simm.s32 @!p0 $0x0  }
0x12: {  	s1 =	sld [smem:$0x3F8E];
	s0 =	simm.s32 @p0 $0x1  }
0x13: {  	[smem:$0x3FA9] =	sst s0;
	s0 =	simm.s32 @!p1 $0x0  }
0x14: {  	s2 =	sld [smem:$0x3F8D];
	s0 =	simm.s32 @p1 $0x1  }
0x15: {  	[smem:$0x3FAA] =	sst s0;
	s0 =	simm.s32 @!p2 $0x0  }
0x16: {  	s3 =	sld [smem:$0x3FDB];
	s0 =	simm.s32 @p2 $0x1  }
0x17: {  	s4 =	simm.s32 $0x1BF5;
	[smem:$0x3FAC] =	sst s0  }
0x18: {  	s0 =	sld [smem:$0x3F8F];
	_ =	swait.ge [sflag:s4], $0x0  }
0x19: {  	s7 =	sld [smem:$0x3F90]  }
0x1a: {  	s8 =	sadd.s32 $0xFFFFE003, lr  }
0x1b: {  	s9 =	sadd.s32 $0xFFFFFEF7, lr;
	s5 =	simm.s32 $0xFFFFFFFF;
	p2 =	slt.u32 s8, $0xFFFFF086  }
0x1c: {  	p1 =	slt.u32 s9, $0xF7A;
	s5 =	simm.s32 @!p2 $0x0  }
0x1d: {  	s5 =	simm.s32 @p1 $0x1;
	p0 =	seq.s32 s7, s2  }
0x1e: {  	s7 =	smul.u32 @!p0 $0xF7A, s2;
	p2 =	seq.s32 @!p0 s5, $0x0  }
0x1f: {  	s9 =	smul.u32 $0xF7A, s1;
	s8 =	simm.s32 @!p0 $0x1BF5;
	p2 =	por !p2, p0  }
0x20: {  	[sflag:s8] =	ssyncset.s32 @!p0 $0xFFFFF086;
	s6 =	sadd.s32 @!p0 s3, s7;
	s7 =	simm.s32 @!p0 $0x108  }
0x21: {  	s3 =	sadd.s32 s3, s9;
	s6 =	sadd.s32 @!p0 $0x88, s6;
	s7 =	simm.s32 @p2 $0x1082  }
0x22: {  	[simem:s7], [sflag:s8] =	dma.local @!p0 [hbm:s6], $0xF7A  }
0x23: {  	s9 =	sor.u32 $0xD0000000, s2;
	s6 =	simm.s32 $0x108;
	_ =	swait.ge @!p0 [sflag:s8], $0x0  }
0x24: {  	s3 =	sadd.s32 $0x88, s3;
	s6 =	simm.s32 @!p1 $0x1082;
	[sflag:s4] =	ssyncset.s32 $0xFFFFF086  }
0x25: {  	[simem:s6], [sflag:s4] =	dma.local [hbm:s3], $0xF7A  }
0x26: {  	[smem:$0x3F90] =	sst s1;
	(tag) =	ssettag s2;
	_ =	strace s9  }
0x27: {  	s1 =	sld [smem:$0x3FA0]  }
0x28: {  	s2 =	sld [smem:$0x3FA1]  }
0x29: {  	s4 =	sld [smem:$0x3FA3]  }
0x2a: {  	p0 =	seq.s32 s5, $0x0;
	s5 =	sld [smem:$0x3FA4]  }
0x2b: {  	s6 =	sld [smem:$0x3FA5]  }
0x2c: {  	s7 =	sld [smem:$0x3FA6]  }
0x2d: {  	s3 =	simm.s32 $0x108;
	s8 =	sld [smem:$0x3FA7]  }
0x2e: {  	s3 =	simm.s32 @!p0 $0x1082;
	s9 =	sld [smem:$0x3FA8]  }
0x2f: {  	lr =	sadd.s32 s0, s3;
	s0 =	sld [smem:$0x3F9F]  }
0x30: {  	s3 =	sld [smem:$0x3FA2]  }
0x31: {  	[smem:$0x3FAB] =	sst s10  }
0x32: {  	s10 =	sld [smem:$0x3FA9];
	_ =	sdelay $0x3  }
0x33: {  	p0 =	seq.s32 s10, $0x1;
	s10 =	sld [smem:$0x3FAB];
	_ =	sdelay $0x3  }
0x34: {  	[smem:$0x3FAB] =	sst s10  }
0x35: {  	s10 =	sld [smem:$0x3FAA];
	_ =	sdelay $0x3  }
0x36: {  	p1 =	seq.s32 s10, $0x1;
	s10 =	sld [smem:$0x3FAB];
	_ =	sdelay $0x3  }
0x37: {  	[smem:$0x3FAB] =	sst s10  }
0x38: {  	s10 =	sld [smem:$0x3FAC]  }
0x39: {  	_ = 	snop;
	(pc) =	sbr.ind lr, $3  }
0x3a: {  	_ = 	snop  }
0x3b: {  	_ = 	snop  }
0x3c: {  	p2 =	seq.s32 s10, $0x1;
	s10 =	sld [smem:$0x3FAB]  }
0x3d: {  	_ =	shalt  }
0x3e: {  	_ =	shalt  }
0x3f: {  	_ =	shalt  }
0x40: {  	_ =	shalt  }
0x41: {  	_ =	shalt  }
0x42: {  	_ =	shalt  }
0x43: {  	_ =	shalt  }
0x44: {  	_ =	shalt  }
0x45: {  	_ =	shalt  }
0x46: {  	_ =	shalt  }
0x47: {  	_ =	shalt  }
0x48: {  	_ =	shalt  }
0x49: {  	_ =	shalt  }
0x4a: {  	_ =	shalt  }
0x4b: {  	_ =	shalt  }
0x4c: {  	_ =	shalt  }
0x4d: {  	_ =	shalt  }
0x4e: {  	_ =	shalt  }
0x4f: {  	_ =	shalt  }
0x50: {  	_ =	shalt  }
0x51: {  	_ =	shalt  }
0x52: {  	_ =	shalt  }
0x53: {  	_ =	shalt  }
0x54: {  	_ =	shalt  }
0x55: {  	_ =	shalt  }
0x56: {  	_ =	shalt  }
0x57: {  	_ =	shalt  }
0x58: {  	_ =	shalt  }
0x59: {  	_ =	shalt  }
0x5a: {  	_ =	shalt  }
0x5b: {  	_ =	shalt  }
0x5c: {  	_ =	shalt  }
0x5d: {  	_ =	shalt  }
0x5e: {  	_ =	shalt  }
0x5f: {  	_ =	shalt  }
0x60: {  	_ =	shalt  }
0x61: {  	_ =	shalt  }
0x62: {  	_ =	shalt  }
0x63: {  	_ =	shalt  }
0x64: {  	_ =	shalt  }
0x65: {  	_ =	shalt  }
0x66: {  	_ =	shalt  }
0x67: {  	_ =	shalt  }
0x68: {  	_ =	shalt  }
0x69: {  	_ =	shalt  }
0x6a: {  	_ =	shalt  }
0x6b: {  	_ =	shalt  }
0x6c: {  	_ =	shalt  }
0x6d: {  	_ =	shalt  }
0x6e: {  	_ =	shalt  }
0x6f: {  	_ =	shalt  }
0x70: {  	_ =	shalt  }
0x71: {  	_ =	shalt  }
0x72: {  	_ =	shalt  }
0x73: {  	_ =	shalt  }
0x74: {  	_ =	shalt  }
0x75: {  	_ =	shalt  }
0x76: {  	_ =	shalt  }
0x77: {  	_ =	shalt  }
0x78: {  	_ =	shalt  }
0x79: {  	_ =	shalt  }
0x7a: {  	_ =	shalt  }
0x7b: {  	_ =	shalt  }
0x7c: {  	_ =	shalt  }
0x7d: {  	_ =	shalt  }
0x7e: {  	_ =	shalt  }
0x7f: {  	_ =	shalt  }
0x80: {  	_ =	shalt  }
0x81: {  	_ =	shalt  }
0x82: {  	_ =	shalt  }
0x83: {  	_ =	shalt  }
0x84: {  	_ =	shalt  }
0x85: {  	_ =	shalt  }
0x86: {  	_ =	shalt  }
0x87: {  	_ =	shalt  }
.Lfunc_end0:
.L_simem_size_0:
called_computation_lowered:
.L_overlay_start_0:
0x88: {  	s2 =	sld [smem:$0x3FD9]  }
0x89: {  	s3 =	sld [smem:$0x3FFE];
	_ =	sdelay $0x1  }
0x8a: {  	s1 =	srdreg.scid  }
0x8b: {  	s0 =	sand.u32 $0x1, s1  }
0x8c: {  	s16 =	sshll.u32 s0, $0xA;
	s2 =	sadd.s32 s3, s2  }
0x8d: {  	s2 =	sadd.s32 s2, s16  }
0x8e: {  	[smem:$0x3FB7] =	sst s2  }
0x8f: {  	_ = 	snop  }
0x90: {  	(tm) =	ssettm $0x1  }
0x91: {  	s17 =	sld [smem:$0x3FFB];
	_ =	sdelay $0x3  }
0x92: {  	_ =	strace s17  }
0x93: {  	s2 =	sld [smem:$0x3FFC];
	_ =	sdelay $0x3  }
0x94: {  	_ =	strace s2  }
0x95: {  	s2 =	sld [smem:$0x3FFD];
	_ =	sdelay $0x3  }
0x96: {  	_ =	strace s2  }
0x97: {  	_ =	strace $0x8FFFFFFF  }
0x98: {  	s18 =	sld [smem:$0x3FDB];
	_ =	sdelay $0x1  }
0x99: {  	s19 =	simm.s32 $_scs_section_size  }
0x9a: {  	s4 =	simm.s32 $_size__tile_overlayer_lowered;
	s5 =	simm.s32 $_tile_overlayer_lowered  }
0x9b: {  	s22 =	simm.s32 $0x1BFF;
	s21 =	sshll.u32 s5, $0x1;
	s2 =	sadd.s32 s19, s18  }
0x9c: {  	s6 =	simm.s32 $0x0;
	s20 =	sshll.u32 s4, $0x1;
	s4 =	sadd.s32 s21, s2  }
0x9d: {  	[timem:s6], [sflag:s22] =	dma.local [hbm:s4], s20  }
0x9e: {  	_ =	swait.ge [sflag:s22], s20  }
0x9f: {  	s3 =	ssub.s32 $0x0, s20;
	[sflag:s22] =	ssyncset.done $0x0  }
0xa0: {  	[sflag:s22] =	ssyncadd.s32 s3;
	_ =	sdelay $0x1  }
0xa1: {  	s23 =	simm.s32 $0x1B8B  }
0xa2: {  	_ =	swait.ge [sflag:s23], $0x1  }
0xa3: {  	[sflag:s23] =	ssyncset.done $0x0  }
0xa4: {  	s25 =	simm.s32 $0x1B8E;
	s24 =	sld [smem:$0x3FFE];
	[sflag:s23] =	ssyncadd.s32 $0xFFFFFFFF  }
0xa5: {  	s26 =	simm.s32 $execute0_lowered;
	[smem:$0x3FD2] =	sst s25  }
0xa6: {  	s4 =	sshll.u32 s26, $0x1;
	_ =	strace $0x80000046;
	[dreg:$0x1] =	wrdreg $0xFFFFFFFF  }
0xa7: {  	s28 =	simm.s32 $_size_execute0_lowered;
	s2 =	sadd.s32 s2, s4;
	[dreg:$0x0] =	wrdreg $0x0  }
0xa8: {  	s4 =	sshll.u32 s28, $0x1;
	[dreg:$0x2] =	wrdreg s2  }
0xa9: {  	[dreg:$0x3] =	wrdreg s4  }
0xaa: {  	[dreg:$0x4] =	wrdreg $0xC0  }
0xab: {  	_ =	task [dreg:s6], $0x5FFFF  }
0xac: {  	[dreg:$0x1] =	wrdreg $0xFFFFFFFF  }
0xad: {  	[dreg:$0x0] =	wrdreg $0x60  }
0xae: {  	[dreg:$0x2] =	wrdreg s24  }
0xaf: {  	[dreg:$0x3] =	wrdreg $0x3E000  }
0xb0: {  	[dreg:$0x4] =	wrdreg $0x9  }
0xb1: {  	_ =	task.clear_ibuf [dreg:s6], $0x5FFFF;
	_ =	strace $0x90000046  }
0xb2: {  	s29 =	simm.s32 $0x9;
	_ =	strace $0x80000048  }
0xb3: {  	_ =	swait.ge [sflag:s29], $0x1  }
0xb4: {  	[sflag:s29] =	ssyncadd.s32 $0xFFFFFFFF  }
0xb5: {  	_ =	strace $0x90000048  }
0xb6: {  	_ =	sfence  }
0xb7: {  	s30 =	sld [smem:$0x0];
	_ =	sdelay $0x2  }
0xb8: {  	s31 =	sshll.u32 s1, $0xD;
	s1 =	sshrl.u32 s1, $0x2  }
0xb9: {  	s3 =	sand.u32 $0x4000, s31;
	s1 =	sadd.s32 s1, s30  }
0xba: {  	s0 =	sor.u32 s3, s0;
	s1 =	sshll.u32 s1, $0x11  }
0xbb: {  	s0 =	sor.u32 s1, s0  }
0xbc: {  	s0 =	sadd.s32 $0x8F2B, s0  }
0xbd: {  	[sflag:s0] =	ssyncadd.remote.s32 $0x1  }
0xbe: {  	_ =	sfence.sel $0xFFFF  }
0xbf: {  	[dreg:$0x0] =	wrdreg $0xFFFFFFFF;
	(pc) =	sbr.abs _section_cstart, $3  }
0xc0: {  	[dreg:$0x1] =	wrdreg $0xFFFFFFFF  }
0xc1: {  	_ =	task.clear_ibuf [dreg:s6], $0x2FFFF;
	_ =	strace $0x9FFFFFFF  }
0xc2: {  	(tm) =	ssettm $0x7FFFFFFF  }
0xc3: {  	_ =	shalt  }
tec
execute0_lowered:
.L_overlay_start_1:
0x0: {  	(tag) =	ssettag $0x1  }
0x1: {  	s0 =	rddreg [dreg:$0x0]  }
0x2: {  	s1 =	rddreg [dreg:$0x1]  }
0x3: {  	s3 =	simm.s32 $0x0;
	s2 =	srdreg.scid;
	s10 =	stileid.u32  }
0x4: {  	s28 =	simm.s32 $0x600;
	s29 =	simm.s32 $0x7;
	s30 =	simm.s32 $0x500  }
0x5: {  	[smem:$0x7FF] =	sst s3;
	s2 =	sand.u32 $0x1, s2;
	s5 =	smul.u32 $0x4E000, s10  }
0x6: {  	s4 =	sadd.s32 $0x4400, s0;
	s0 =	sadd.s32 $0x1AC00, s0;
	s9 =	smul.u32 $0x13800, s10  }
0x7: {  	s12 =	sadd.s32 $0x138000, s1;
	s25 =	smul.u32 $0x5A00, s10;
	p0 =	sne.s32 s10, $0xF  }
0x8: {  	s31 =	simm.s32 $0x1;
	_ =	strace $0x80000047;
	s22 =	smul.u32 $0x138800, s2  }
0x9: {  	s6 =	ssub.s32 $0x2, s2;
	s8 =	sshll.u32 s2, $0x4;
	s2 =	smul.u32 $0x5A000, s2  }
0xa: {  	[dreg:$0x9] =	wrdreg s12;
	s7 =	sshrl.u32 s6, $0x1;
	s5 =	sshrl.u32 s5, $0x2  }
0xb: {  	s18 =	sor.u32 s10, s8;
	s10 =	simm.s32 $0x480;
	s6 =	ssub.s32 s6, s7  }
0xc: {  	s11 =	sadd.s32 s5, s1;
	s7 =	smul.u32 $0x5A00, s18;
	s9 =	sadd.s32 s9, s22  }
0xd: {  	s8 =	sshrl.u32 s22, $0x3;
	s2 =	sadd.s32 s25, s2;
	s5 =	sadd.s32 $0x3800, s11  }
0xe: {  	s19 =	sadd.s32 $0x7000, s11;
	s20 =	sadd.s32 $0xA800, s11;
	[dreg:$0x3] =	wrdreg s11  }
0xf: {  	s21 =	sadd.s32 $0xE000, s11;
	s23 =	sadd.s32 $0x11800, s11;
	[dreg:$0x4] =	wrdreg s5  }
0x10: {  	s9 =	sshrl.u32 s9, $0x3;
	s15 =	sadd.s32 $0xA00, s2;
	[dreg:$0x5] =	wrdreg s19  }
0x11: {  	s6 =	smax.u32 s6, $0x1;
	s17 =	sadd.s32 $0x900, s2;
	[dreg:$0x6] =	wrdreg s20  }
0x12: {  	s18 =	sadd.s32 $0x800, s2;
	s25 =	sadd.s32 $0x600, s2;
	[dreg:$0x7] =	wrdreg s21  }
0x13: {  	[dreg:$0x8] =	wrdreg s23;
	s7 =	sshrl.u32 s7, $0x3;
	s9 =	sadd.s32 s0, s9  }
0x14: {  	s0 =	sadd.s32 s0, s8;
	[dreg:$0x11] =	wrdreg s6;
	s16 =	sshrl.u32 s15, $0x3  }
0x15: {  	s6 =	sshrl.u32 s18, $0x3;
	s19 =	sadd.s32 $0x700, s2;
	[dreg:$0x12] =	wrdreg s25  }
0x16: {  	s8 =	simm.s32 $0x280;
	[dreg:$0xf] =	wrdreg s9;
	s0 =	sadd.s32 $0x27000, s0  }
0x17: {  	s15 =	simm.s32 $0x0;
	s5 =	sadd.s32 s4, s7;
	[dreg:$0x10] =	wrdreg s0  }
0x18: {  	s21 =	sadd.s32 s16, s4;
	s7 =	sadd.s32 $0x20, s5;
	[dreg:$0xa] =	wrdreg s5  }
0x19: {  	s23 =	sadd.s32 s6, s4;
	s24 =	sadd.s32 $0x40, s5;
	[dreg:$0xb] =	wrdreg s7  }
0x1a: {  	s6 =	simm.s32 $0x80;
	s13 =	sadd.s32 $0x60, s5;
	[dreg:$0xc] =	wrdreg s24  }
0x1b: {  	s9 =	simm.s32 $0x5;
	s26 =	sadd.s32 $0x80, s5;
	[dreg:$0xd] =	wrdreg s13  }
.Ltmp0:
0x1c: {  	s0 =	sshrl.u32 s17, $0x3;
	[dreg:$0xe] =	wrdreg s26;
	(pc) =	sbr.rel .LBB2_1-.Ltmp0, $4  }
0x1d: {  	s13 =	sadd.s32 $0xB00, s2;
	s22 =	sadd.s32 s0, s4;
	s24 =	sshrl.u32 s19, $0x3  }
0x1e: {  	s26 =	sadd.s32 $0xA0, s5;
	s0 =	simm.s32 $0x70;
	s7 =	simm.s32 $0x3  }
0x1f: {  	s14 =	sshrl.u32 s13, $0x3;
	s24 =	sadd.s32 s24, s4;
	[dreg:$0x13] =	wrdreg s26  }
0x20: {  	v0 =	vimm.f32 $0.0e+00;
	v1 =	vimm.f32 $1.000000000e+00;
	s13 =	simm.s32 $0x6;
	s20 =	sadd.s32 s14, s4;
	s14 =	simm.s32 $0x580  }
.LBB2_8:
0x21: {  	_ =	swait.ge [sflag:s13], $0x100  }
0x22: {  	[sflag:s13] =	ssyncset.done $0x0  }
0x23: {  	[sflag:s13] =	ssyncadd.s32 $0xFFFFFF00  }
0x24: {  	[spmem:s1] =	stream.indirect.scatter.add.f32 [tilespmem:s28], [sflag:$0x7], $0x80, s14, s0, $0xb8;
	[tilespmem:$0x176C0] =	vst v63  }
0x25: {  	_ =	swait.ge [sflag:s29], $0x3800  }
0x26: {  	[sflag:s29] =	ssyncset.done $0x0  }
0x27: {  	[sflag:s29] =	ssyncadd.s32 $0xFFFFC800  }
0x28: {  	s2 =	stileid.u32;
	[bflag:$0x0] =	sbarrier.arrive $0xFFFF  }
0x29: {  	s2 =	sshll.u32 s2, $0x6;
	s11 =	rddreg [dreg:$0x3]  }
0x2a: {  	s2 =	sor.u32 $0x1C07, s2;
	s12 =	rddreg [dreg:$0xf];
	s5 =	sshrl.u32 s11, $0x3  }
0x2b: {  	[hbm:s12], [sflag:s2] =	dma.local [spmem:s5], $0x2700  }
0x2c: {  	_ =	swait.ge [sflag:s29], $0x2700  }
0x2d: {  	[sflag:s29] =	ssyncset.done $0x0;
	s12 =	rddreg [dreg:$0x9]  }
0x2e: {  	s15 =	rddreg [dreg:$0x10];
	[sflag:s29] =	ssyncadd.s32 $0xFFFFD900;
	s5 =	sshrl.u32 @!p0 s12, $0x3  }
0x2f: {  	[hbm:s15], [sflag:s2] =	dma.local @!p0 [spmem:s5], $0x100  }
0x30: {  	s2 =	simm.s32 @!p0 $0x7  }
0x31: {  	_ =	swait.ge @!p0 [sflag:s2], $0x100  }
0x32: {  	s25 =	rddreg [dreg:$0x14]  }
0x33: {  	s26 =	rddreg [dreg:$0x11];
	s15 =	sadd.s32 $0x1, s25  }
0x34: {  	p1 =	sne.s32 s15, s26  }
.Ltmp1:
0x35: {  	_ = 	snop;
	(pc) =	sbr.rel @!p1 .LBB2_9-.Ltmp1, $3  }
0x36: {  	_ =	sdelay $0x1  }
0x37: {  	[sflag:s2] =	ssyncset.done @!p0 $0x0  }
0x38: {  	[sflag:s2] =	ssyncadd.s32 @!p0 $0xFFFFFF00  }
.LBB2_1:
0x39: {  	s16 =	simm.s32 $0x0;
	s25 =	simm.s32 $0x200  }
.LBB2_2:
0x3a: {  	p1 =	sne.s32 s25, $0xDE00;
	[tilespmem:s16+$0x670] =	vst v0  }
0x3b: {  	[tilespmem:s16+$0x600] =	vst v0  }
0x3c: {  	[tilespmem:s16+$0x610] =	vst v0  }
.Ltmp2:
0x3d: {  	[tilespmem:s16+$0x620] =	vst v0;
	(pc) =	sbr.rel @p1 .LBB2_2-.Ltmp2, $4  }
0x3e: {  	[tilespmem:s16+$0x630] =	vst v0  }
0x3f: {  	[tilespmem:s16+$0x640] =	vst v0  }
0x40: {  	[tilespmem:s16+$0x650] =	vst v0  }
0x41: {  	[tilespmem:s16+$0x660] =	vst v0;
	s16 =	sshra.s32 s25, $0x2;
	s25 =	sadd.s32 $0x200, s25  }
0x42: {  	[tilespmem:s16+$0x670] =	vst v0  }
0x43: {  	[tilespmem:s16+$0x600] =	vst v0  }
0x44: {  	[tilespmem:s16+$0x610] =	vst v0  }
0x45: {  	[tilespmem:s16+$0x620] =	vst v0  }
0x46: {  	[tilespmem:s16+$0x630] =	vst v0  }
0x47: {  	[tilespmem:s16+$0x640] =	vst v0  }
0x48: {  	[tilespmem:s16+$0x650] =	vst v0  }
0x49: {  	[dreg:$0x14] =	wrdreg s15;
	[tilespmem:s16+$0x660] =	vst v0  }
0x4a: {  	[spmem:s11] =	stream.linear.scatter [tilespmem:s28], [sflag:$0x7], $0x3800, $0x38;
	[tilespmem:$0x176C0] =	vst v63  }
0x4b: {  	_ =	swait.ge [sflag:s29], $0x3800  }
0x4c: {  	[sflag:s29] =	ssyncset.done $0x0  }
0x4d: {  	s2 =	rddreg [dreg:$0x4];
	[sflag:s29] =	ssyncadd.s32 $0xFFFFC800  }
0x4e: {  	[spmem:s2] =	stream.linear.scatter [tilespmem:s28], [sflag:$0x7], $0x3800, $0x38;
	[tilespmem:$0x176C0] =	vst v63  }
0x4f: {  	_ =	swait.ge [sflag:s29], $0x3800  }
0x50: {  	[sflag:s29] =	ssyncset.done $0x0  }
0x51: {  	s18 =	rddreg [dreg:$0x5];
	[sflag:s29] =	ssyncadd.s32 $0xFFFFC800  }
0x52: {  	[spmem:s18] =	stream.linear.scatter [tilespmem:s28], [sflag:$0x7], $0x3800, $0x38;
	[tilespmem:$0x176C0] =	vst v63  }
0x53: {  	_ =	swait.ge [sflag:s29], $0x3800  }
0x54: {  	[sflag:s29] =	ssyncset.done $0x0  }
0x55: {  	s19 =	rddreg [dreg:$0x6];
	[sflag:s29] =	ssyncadd.s32 $0xFFFFC800  }
0x56: {  	[spmem:s19] =	stream.linear.scatter [tilespmem:s28], [sflag:$0x7], $0x3800, $0x38;
	[tilespmem:$0x176C0] =	vst v63  }
0x57: {  	_ =	swait.ge [sflag:s29], $0x3800  }
0x58: {  	[sflag:s29] =	ssyncset.done $0x0  }
0x59: {  	s25 =	rddreg [dreg:$0x7];
	[sflag:s29] =	ssyncadd.s32 $0xFFFFC800  }
0x5a: {  	[spmem:s25] =	stream.linear.scatter [tilespmem:s28], [sflag:$0x7], $0x3800, $0x38;
	[tilespmem:$0x176C0] =	vst v63  }
0x5b: {  	_ =	swait.ge [sflag:s29], $0x3800  }
0x5c: {  	[sflag:s29] =	ssyncset.done $0x0  }
0x5d: {  	s26 =	rddreg [dreg:$0x8];
	[sflag:s29] =	ssyncadd.s32 $0xFFFFC800  }
0x5e: {  	[spmem:s26] =	stream.linear.scatter [tilespmem:s28], [sflag:$0x7], $0x2000, $0x38;
	[tilespmem:$0x176C0] =	vst v63  }
0x5f: {  	_ =	swait.ge [sflag:s29], $0x2000  }
0x60: {  	[sflag:s29] =	ssyncset.done $0x0  }
0x61: {  	s16 =	simm.s32 @!p0 $0x600;
	[sflag:s29] =	ssyncadd.s32 $0xFFFFE000  }
0x62: {  	[spmem:s12] =	stream.linear.scatter @!p0 [tilespmem:s16], [sflag:$0x7], $0x800, $0x38;
	[tilespmem:$0x176C0] =	vst v63  }
0x63: {  	s16 =	simm.s32 @!p0 $0x7  }
0x64: {  	_ =	swait.ge @!p0 [sflag:s16], $0x800  }
0x65: {  	[sflag:s16] =	ssyncset.done @!p0 $0x0  }
0x66: {  	s25 =	simm.s32 $0x200;
	[sflag:s16] =	ssyncadd.s32 @!p0 $0xFFFFF800;
	s16 =	simm.s32 $0x0  }
.LBB2_4:
0x67: {  	p1 =	sne.s32 s25, $0xDE00;
	[tilespmem:s16+$0x670] =	vst v1  }
0x68: {  	[tilespmem:s16+$0x600] =	vst v1  }
0x69: {  	[tilespmem:s16+$0x610] =	vst v1  }
.Ltmp3:
0x6a: {  	[tilespmem:s16+$0x620] =	vst v1;
	(pc) =	sbr.rel @p1 .LBB2_4-.Ltmp3, $4  }
0x6b: {  	[tilespmem:s16+$0x630] =	vst v1  }
0x6c: {  	[tilespmem:s16+$0x640] =	vst v1  }
0x6d: {  	[tilespmem:s16+$0x650] =	vst v1  }
0x6e: {  	[tilespmem:s16+$0x660] =	vst v1;
	s16 =	sshra.s32 s25, $0x2;
	s25 =	sadd.s32 $0x200, s25  }
0x6f: {  	[tilespmem:s16+$0x670] =	vst v1  }
0x70: {  	[tilespmem:s16+$0x600] =	vst v1  }
0x71: {  	[tilespmem:s16+$0x610] =	vst v1  }
0x72: {  	[tilespmem:s16+$0x620] =	vst v1  }
0x73: {  	[tilespmem:s16+$0x630] =	vst v1  }
0x74: {  	[tilespmem:s16+$0x640] =	vst v1  }
0x75: {  	[tilespmem:s16+$0x650] =	vst v1  }
0x76: {  	[tilespmem:s16+$0x660] =	vst v1  }
0x77: {  	[bflag:$0x0] =	sbarrier.arrive $0xFFFF  }
0x78: {  	s2 =	rddreg [dreg:$0xa]  }
0x79: {  	s16 =	simm.s32 $0x0;
	s11 =	rddreg [dreg:$0xb]  }
0x7a: {  	[tilespmem:s16], [sflag:$0x1] =	stream.linear.gather [hbm4b:s2+s16], $0x100, $0x38;
	[tilespmem:$0x176C0] =	vst v63  }
0x7b: {  	s5 =	simm.s32 $0x100;
	s12 =	rddreg [dreg:$0xc]  }
0x7c: {  	[tilespmem:s5], [sflag:$0x2] =	stream.linear.gather [hbm4b:s11+s16], $0x100, $0x38;
	[tilespmem:$0x176C0] =	vst v63  }
0x7d: {  	s15 =	simm.s32 $0x200;
	s17 =	rddreg [dreg:$0xd]  }
0x7e: {  	[tilespmem:s15], [sflag:$0x3] =	stream.linear.gather [hbm4b:s12+s16], $0x100, $0x38;
	[tilespmem:$0x176C0] =	vst v63  }
0x7f: {  	s18 =	simm.s32 $0x300;
	s19 =	rddreg [dreg:$0xe]  }
0x80: {  	[tilespmem:s18], [sflag:$0x4] =	stream.linear.gather [hbm4b:s17+s16], $0x100, $0x38;
	[tilespmem:$0x176C0] =	vst v63  }
0x81: {  	s25 =	simm.s32 $0x400;
	s26 =	rddreg [dreg:$0x13]  }
0x82: {  	[tilespmem:s25], [sflag:$0x5] =	stream.linear.gather [hbm4b:s19+s16], $0x100, $0x38;
	[tilespmem:$0x176C0] =	vst v63  }
0x83: {  	s25 =	rddreg [dreg:$0x12]  }
0x84: {  	[tilespmem:s30], [sflag:$0x6] =	stream.linear.gather [hbm4b:s26+s16], $0x100, $0x38;
	[tilespmem:$0x176C0] =	vst v63  }
.LBB2_6:
0x85: {  	_ =	swait.ge [sflag:s31], $0x100  }
0x86: {  	[sflag:s31] =	ssyncset.done $0x0  }
0x87: {  	[sflag:s31] =	ssyncadd.s32 $0xFFFFFF00  }
0x88: {  	[spmem:s1] =	stream.indirect.scatter.add.f32 [tilespmem:s28], [sflag:$0x7], $0x80, s6, s0, $0xb8;
	[tilespmem:$0x176C0] =	vst v63  }
0x89: {  	_ =	swait.ge [sflag:s29], $0x3800  }
0x8a: {  	p1 =	seq.s32 s16, $0xA80;
	[sflag:s29] =	ssyncset.done $0x0  }
0x8b: {  	s18 =	simm.s32 @p1 $0x2;
	[sflag:s29] =	ssyncadd.s32 $0xFFFFC800  }
0x8c: {  	_ =	swait.ge @p1 [sflag:s18], $0x100  }
0x8d: {  	s19 =	simm.s32 @p1 $0x180;
	[sflag:s18] =	ssyncset.done @p1 $0x0  }
0x8e: {  	s26 =	simm.s32 @p1 $0x600;
	[sflag:s18] =	ssyncadd.s32 @p1 $0xFFFFFF00;
	s18 =	simm.s32 @p1 $0x70  }
0x8f: {  	[spmem:s1] =	stream.indirect.scatter.add.f32 @p1 [tilespmem:s26], [sflag:$0x7], $0x80, s19, s18, $0xb8;
	[tilespmem:$0x176C0] =	vst v63  }
0x90: {  	s19 =	simm.s32 @p1 $0x7  }
0x91: {  	_ =	swait.ge @p1 [sflag:s19], $0x3800  }
0x92: {  	s17 =	sshrl.u32 @!p1 s25, $0x3;
	[sflag:s19] =	ssyncset.done @p1 $0x0  }
0x93: {  	s12 =	simm.s32 @!p1 $0x0;
	s17 =	sadd.s32 @!p1 s4, s17;
	[sflag:s19] =	ssyncadd.s32 @p1 $0xFFFFC800  }
0x94: {  	[tilespmem:s12], [sflag:$0x1] =	stream.linear.gather @!p1 [hbm4b:s17+s12], $0x100, $0x38;
	[tilespmem:$0x176C0] =	vst v63  }
0x95: {  	s17 =	simm.s32 @!p1 $0x2  }
0x96: {  	_ =	swait.ge @!p1 [sflag:s17], $0x100  }
0x97: {  	s11 =	simm.s32 @!p1 $0x180;
	[sflag:s17] =	ssyncset.done @!p1 $0x0  }
0x98: {  	s5 =	simm.s32 @!p1 $0x600;
	[sflag:s17] =	ssyncadd.s32 @!p1 $0xFFFFFF00;
	s17 =	simm.s32 @!p1 $0x70  }
0x99: {  	[spmem:s1] =	stream.indirect.scatter.add.f32 @!p1 [tilespmem:s5], [sflag:$0x7], $0x80, s11, s17, $0xb8;
	[tilespmem:$0x176C0] =	vst v63  }
0x9a: {  	s11 =	simm.s32 @!p1 $0x7  }
0x9b: {  	_ =	swait.ge @!p1 [sflag:s11], $0x3800  }
0x9c: {  	[sflag:s11] =	ssyncset.done @!p1 $0x0  }
0x9d: {  	s15 =	sadd.s32 @!p1 s16, s24;
	s2 =	simm.s32 @!p1 $0x100;
	[sflag:s11] =	ssyncadd.s32 @!p1 $0xFFFFC800  }
0x9e: {  	[tilespmem:s2], [sflag:$0x2] =	stream.linear.gather @!p1 [hbm4b:s15+s12], $0x100, $0x38;
	[tilespmem:$0x176C0] =	vst v63  }
0x9f: {  	_ =	swait.ge [sflag:s7], $0x100  }
0xa0: {  	[sflag:s7] =	ssyncset.done $0x0  }
0xa1: {  	[sflag:s7] =	ssyncadd.s32 $0xFFFFFF00  }
0xa2: {  	[spmem:s1] =	stream.indirect.scatter.add.f32 [tilespmem:s28], [sflag:$0x7], $0x80, s8, s0, $0xb8;
	[tilespmem:$0x176C0] =	vst v63  }
0xa3: {  	_ =	swait.ge [sflag:s29], $0x3800  }
0xa4: {  	[sflag:s29] =	ssyncset.done $0x0  }
0xa5: {  	s2 =	simm.s32 @p1 $0x4;
	[sflag:s29] =	ssyncadd.s32 $0xFFFFC800  }
0xa6: {  	_ =	swait.ge @p1 [sflag:s2], $0x100  }
0xa7: {  	[sflag:s2] =	ssyncset.done @p1 $0x0  }
0xa8: {  	[sflag:s2] =	ssyncadd.s32 @p1 $0xFFFFFF00;
	s2 =	simm.s32 @p1 $0x380  }
0xa9: {  	[spmem:s1] =	stream.indirect.scatter.add.f32 @p1 [tilespmem:s26], [sflag:$0x7], $0x80, s2, s18, $0xb8;
	[tilespmem:$0x176C0] =	vst v63  }
0xaa: {  	_ =	swait.ge @p1 [sflag:s19], $0x3800  }
0xab: {  	[sflag:s19] =	ssyncset.done @p1 $0x0  }
0xac: {  	s15 =	simm.s32 @!p1 $0x200;
	s2 =	sadd.s32 @!p1 s16, s23;
	[sflag:s19] =	ssyncadd.s32 @p1 $0xFFFFC800  }
0xad: {  	[tilespmem:s15], [sflag:$0x3] =	stream.linear.gather @!p1 [hbm4b:s2+s12], $0x100, $0x38;
	[tilespmem:$0x176C0] =	vst v63  }
0xae: {  	s2 =	simm.s32 @!p1 $0x4  }
0xaf: {  	_ =	swait.ge @!p1 [sflag:s2], $0x100  }
0xb0: {  	[sflag:s2] =	ssyncset.done @!p1 $0x0  }
0xb1: {  	[sflag:s2] =	ssyncadd.s32 @!p1 $0xFFFFFF00;
	s2 =	simm.s32 @!p1 $0x380  }
0xb2: {  	[spmem:s1] =	stream.indirect.scatter.add.f32 @!p1 [tilespmem:s5], [sflag:$0x7], $0x80, s2, s17, $0xb8;
	[tilespmem:$0x176C0] =	vst v63  }
0xb3: {  	_ =	swait.ge @!p1 [sflag:s11], $0x3800  }
0xb4: {  	[sflag:s11] =	ssyncset.done @!p1 $0x0  }
0xb5: {  	s2 =	sadd.s32 @!p1 s16, s22;
	s5 =	simm.s32 @!p1 $0x300;
	[sflag:s11] =	ssyncadd.s32 @!p1 $0xFFFFC800  }
0xb6: {  	[tilespmem:s5], [sflag:$0x4] =	stream.linear.gather @!p1 [hbm4b:s2+s12], $0x100, $0x38;
	[tilespmem:$0x176C0] =	vst v63  }
0xb7: {  	_ =	swait.ge [sflag:s9], $0x100  }
0xb8: {  	[sflag:s9] =	ssyncset.done $0x0  }
.Ltmp4:
0xb9: {  	[sflag:s9] =	ssyncadd.s32 $0xFFFFFF00;
	(pc) =	sbr.rel @p1 .LBB2_8-.Ltmp4, $4  }
0xba: {  	[spmem:s1] =	stream.indirect.scatter.add.f32 [tilespmem:s28], [sflag:$0x7], $0x80, s10, s0, $0xb8;
	[tilespmem:$0x176C0] =	vst v63  }
0xbb: {  	_ =	swait.ge [sflag:s29], $0x3800  }
0xbc: {  	[sflag:s29] =	ssyncset.done $0x0  }
0xbd: {  	[sflag:s29] =	ssyncadd.s32 $0xFFFFC800  }
0xbe: {  	s2 =	sadd.s32 s16, s21;
	s5 =	simm.s32 $0x400  }
0xbf: {  	[tilespmem:s5], [sflag:$0x5] =	stream.linear.gather [hbm4b:s2+s3], $0x100, $0x38;
	[tilespmem:$0x176C0] =	vst v63  }
0xc0: {  	_ =	swait.ge [sflag:s13], $0x100  }
0xc1: {  	[sflag:s13] =	ssyncset.done $0x0  }
0xc2: {  	[sflag:s13] =	ssyncadd.s32 $0xFFFFFF00  }
0xc3: {  	[spmem:s1] =	stream.indirect.scatter.add.f32 [tilespmem:s28], [sflag:$0x7], $0x80, s14, s0, $0xb8;
	[tilespmem:$0x176C0] =	vst v63  }
.Ltmp5:
0xc4: {  	_ = 	snop;
	(pc) =	sbr.rel .LBB2_6-.Ltmp5, $4  }
0xc5: {  	_ =	swait.ge [sflag:s29], $0x3800  }
0xc6: {  	s26 =	sadd.s32 s16, s20;
	[sflag:s29] =	ssyncset.done $0x0  }
0xc7: {  	s16 =	sadd.s32 $0xC0, s16;
	s25 =	sadd.s32 $0x600, s25;
	[sflag:s29] =	ssyncadd.s32 $0xFFFFC800  }
0xc8: {  	[tilespmem:s30], [sflag:$0x6] =	stream.linear.gather [hbm4b:s26+s3], $0x100, $0x38;
	[tilespmem:$0x176C0] =	vst v63  }
.LBB2_9:
0xc9: {  	_ =	sfence.sel $0x180000  }
0xca: {  	[bflag:$0x0] =	sbarrier.arrive $0xFFFF  }
0xcb: {  	_ =	strace $0x90000047  }
0xcc: {  	s0 =	stileid.u32;
	[bflag:$0x2] =	sbarrier.arrive $0xFFFF  }
0xcd: {  	p0 =	sne.s32 s0, $0x0;
	s0 =	rddreg [dreg:$0x2]  }
0xce: {  	s0 =	sadd.s32 @!p0 $0x100000, s0  }
0xcf: {  	[sflag:s0] =	ssyncadd.tile.s32 @!p0 $0x1;
	_ =	shalt  }
.Lfunc_end2:
_tile_overlayer_lowered:
.L_overlay_start_2:
0xd0: {  	(tag) =	ssettag $0x2  }
0xd1: {  	s0 =	rddreg [dreg:$0x0];
	s2 =	stileid.u32  }
0xd2: {  	s1 =	rddreg [dreg:$0x1];
	p0 =	sne.s32 s2, $0x0  }
0xd3: {  	s3 =	rddreg [dreg:$0x2];
	[bflag:$0x3] =	sbarrier.arrive $0xFFFF;
	s2 =	simm.s32 @!p0 $0x1C07  }
0xd4: {  	[timem:s3], [sflag:s2] =	dma.local @!p0 [hbm:s0], s1  }
0xd5: {  	s0 =	simm.s32 @!p0 $0x7  }
0xd6: {  	_ =	swait.ge @!p0 [sflag:s0], s1  }
0xd7: {  	s1 =	ssub.s32 @!p0 $0x0, s1;
	[sflag:s0] =	ssyncset.done @!p0 $0x0  }
0xd8: {  	[sflag:s0] =	ssyncadd.s32 @!p0 s1  }
0xd9: {  	[bflag:$0x3] =	sbarrier.arrive $0xFFFF  }
0xda: {  	_ =	shalt  }

// kernel: kernel.13.cloned.1.call-start
scs
__scs_entry_jumppad:
0x0: {  	(pc) =	sbr.rel $0x88, $3  }
0x1: {  	(tag) =	ssettag $0x0;
	lr =	simm.s32 $0x1  }
0x2: {  	[smem:$0x3F90] =	sst lr;
	_ =	strace $0xD0000000  }
0x3: {  	_ = 	snop  }
0x4: {  	_ = 	snop  }
0x5: {  	_ = 	snop  }
0x6: {  	_ = 	snop  }
0x7: {  	_ = 	snop  }
__scs_overlays_trampoline_lowered:
0x8: {  	[smem:$0x3F9F] =	sst s0  }
0x9: {  	[smem:$0x3FA0] =	sst s1  }
0xa: {  	[smem:$0x3FA1] =	sst s2  }
0xb: {  	[smem:$0x3FA2] =	sst s3  }
0xc: {  	[smem:$0x3FA3] =	sst s4  }
0xd: {  	[smem:$0x3FA4] =	sst s5  }
0xe: {  	[smem:$0x3FA5] =	sst s6  }
0xf: {  	[smem:$0x3FA6] =	sst s7  }
0x10: {  	[smem:$0x3FA7] =	sst s8  }
0x11: {  	[smem:$0x3FA8] =	sst s9;
	s0 =	simm.s32 @!p0 $0x0  }
0x12: {  	s1 =	sld [smem:$0x3F8E];
	s0 =	simm.s32 @p0 $0x1  }
0x13: {  	[smem:$0x3FA9] =	sst s0;
	s0 =	simm.s32 @!p1 $0x0  }
0x14: {  	s2 =	sld [smem:$0x3F8D];
	s0 =	simm.s32 @p1 $0x1  }
0x15: {  	[smem:$0x3FAA] =	sst s0;
	s0 =	simm.s32 @!p2 $0x0  }
0x16: {  	s3 =	sld [smem:$0x3FDB];
	s0 =	simm.s32 @p2 $0x1  }
0x17: {  	s4 =	simm.s32 $0x1BF5;
	[smem:$0x3FAC] =	sst s0  }
0x18: {  	s0 =	sld [smem:$0x3F8F];
	_ =	swait.ge [sflag:s4], $0x0  }
0x19: {  	s7 =	sld [smem:$0x3F90]  }
0x1a: {  	s8 =	sadd.s32 $0xFFFFE003, lr  }
0x1b: {  	s9 =	sadd.s32 $0xFFFFFEF7, lr;
	s5 =	simm.s32 $0xFFFFFFFF;
	p2 =	slt.u32 s8, $0xFFFFF086  }
0x1c: {  	p1 =	slt.u32 s9, $0xF7A;
	s5 =	simm.s32 @!p2 $0x0  }
0x1d: {  	s5 =	simm.s32 @p1 $0x1;
	p0 =	seq.s32 s7, s2  }
0x1e: {  	s7 =	smul.u32 @!p0 $0xF7A, s2;
	p2 =	seq.s32 @!p0 s5, $0x0  }
0x1f: {  	s9 =	smul.u32 $0xF7A, s1;
	s8 =	simm.s32 @!p0 $0x1BF5;
	p2 =	por !p2, p0  }
0x20: {  	[sflag:s8] =	ssyncset.s32 @!p0 $0xFFFFF086;
	s6 =	sadd.s32 @!p0 s3, s7;
	s7 =	simm.s32 @!p0 $0x108  }
0x21: {  	s3 =	sadd.s32 s3, s9;
	s6 =	sadd.s32 @!p0 $0x88, s6;
	s7 =	simm.s32 @p2 $0x1082  }
0x22: {  	[simem:s7], [sflag:s8] =	dma.local @!p0 [hbm:s6], $0xF7A  }
0x23: {  	s9 =	sor.u32 $0xD0000000, s2;
	s6 =	simm.s32 $0x108;
	_ =	swait.ge @!p0 [sflag:s8], $0x0  }
0x24: {  	s3 =	sadd.s32 $0x88, s3;
	s6 =	simm.s32 @!p1 $0x1082;
	[sflag:s4] =	ssyncset.s32 $0xFFFFF086  }
0x25: {  	[simem:s6], [sflag:s4] =	dma.local [hbm:s3], $0xF7A  }
0x26: {  	[smem:$0x3F90] =	sst s1;
	(tag) =	ssettag s2;
	_ =	strace s9  }
0x27: {  	s1 =	sld [smem:$0x3FA0]  }
0x28: {  	s2 =	sld [smem:$0x3FA1]  }
0x29: {  	s4 =	sld [smem:$0x3FA3]  }
0x2a: {  	p0 =	seq.s32 s5, $0x0;
	s5 =	sld [smem:$0x3FA4]  }
0x2b: {  	s6 =	sld [smem:$0x3FA5]  }
0x2c: {  	s7 =	sld [smem:$0x3FA6]  }
0x2d: {  	s3 =	simm.s32 $0x108;
	s8 =	sld [smem:$0x3FA7]  }
0x2e: {  	s3 =	simm.s32 @!p0 $0x1082;
	s9 =	sld [smem:$0x3FA8]  }
0x2f: {  	lr =	sadd.s32 s0, s3;
	s0 =	sld [smem:$0x3F9F]  }
0x30: {  	s3 =	sld [smem:$0x3FA2]  }
0x31: {  	[smem:$0x3FAB] =	sst s10  }
0x32: {  	s10 =	sld [smem:$0x3FA9];
	_ =	sdelay $0x3  }
0x33: {  	p0 =	seq.s32 s10, $0x1;
	s10 =	sld [smem:$0x3FAB];
	_ =	sdelay $0x3  }
0x34: {  	[smem:$0x3FAB] =	sst s10  }
0x35: {  	s10 =	sld [smem:$0x3FAA];
	_ =	sdelay $0x3  }
0x36: {  	p1 =	seq.s32 s10, $0x1;
	s10 =	sld [smem:$0x3FAB];
	_ =	sdelay $0x3  }
0x37: {  	[smem:$0x3FAB] =	sst s10  }
0x38: {  	s10 =	sld [smem:$0x3FAC]  }
0x39: {  	_ = 	snop;
	(pc) =	sbr.ind lr, $3  }
0x3a: {  	_ = 	snop  }
0x3b: {  	_ = 	snop  }
0x3c: {  	p2 =	seq.s32 s10, $0x1;
	s10 =	sld [smem:$0x3FAB]  }
0x3d: {  	_ =	shalt  }
0x3e: {  	_ =	shalt  }
0x3f: {  	_ =	shalt  }
0x40: {  	_ =	shalt  }
0x41: {  	_ =	shalt  }
0x42: {  	_ =	shalt  }
0x43: {  	_ =	shalt  }
0x44: {  	_ =	shalt  }
0x45: {  	_ =	shalt  }
0x46: {  	_ =	shalt  }
0x47: {  	_ =	shalt  }
0x48: {  	_ =	shalt  }
0x49: {  	_ =	shalt  }
0x4a: {  	_ =	shalt  }
0x4b: {  	_ =	shalt  }
0x4c: {  	_ =	shalt  }
0x4d: {  	_ =	shalt  }
0x4e: {  	_ =	shalt  }
0x4f: {  	_ =	shalt  }
0x50: {  	_ =	shalt  }
0x51: {  	_ =	shalt  }
0x52: {  	_ =	shalt  }
0x53: {  	_ =	shalt  }
0x54: {  	_ =	shalt  }
0x55: {  	_ =	shalt  }
0x56: {  	_ =	shalt  }
0x57: {  	_ =	shalt  }
0x58: {  	_ =	shalt  }
0x59: {  	_ =	shalt  }
0x5a: {  	_ =	shalt  }
0x5b: {  	_ =	shalt  }
0x5c: {  	_ =	shalt  }
0x5d: {  	_ =	shalt  }
0x5e: {  	_ =	shalt  }
0x5f: {  	_ =	shalt  }
0x60: {  	_ =	shalt  }
0x61: {  	_ =	shalt  }
0x62: {  	_ =	shalt  }
0x63: {  	_ =	shalt  }
0x64: {  	_ =	shalt  }
0x65: {  	_ =	shalt  }
0x66: {  	_ =	shalt  }
0x67: {  	_ =	shalt  }
0x68: {  	_ =	shalt  }
0x69: {  	_ =	shalt  }
0x6a: {  	_ =	shalt  }
0x6b: {  	_ =	shalt  }
0x6c: {  	_ =	shalt  }
0x6d: {  	_ =	shalt  }
0x6e: {  	_ =	shalt  }
0x6f: {  	_ =	shalt  }
0x70: {  	_ =	shalt  }
0x71: {  	_ =	shalt  }
0x72: {  	_ =	shalt  }
0x73: {  	_ =	shalt  }
0x74: {  	_ =	shalt  }
0x75: {  	_ =	shalt  }
0x76: {  	_ =	shalt  }
0x77: {  	_ =	shalt  }
0x78: {  	_ =	shalt  }
0x79: {  	_ =	shalt  }
0x7a: {  	_ =	shalt  }
0x7b: {  	_ =	shalt  }
0x7c: {  	_ =	shalt  }
0x7d: {  	_ =	shalt  }
0x7e: {  	_ =	shalt  }
0x7f: {  	_ =	shalt  }
0x80: {  	_ =	shalt  }
0x81: {  	_ =	shalt  }
0x82: {  	_ =	shalt  }
0x83: {  	_ =	shalt  }
0x84: {  	_ =	shalt  }
0x85: {  	_ =	shalt  }
0x86: {  	_ =	shalt  }
0x87: {  	_ =	shalt  }
.Lfunc_end0:
.L_simem_size_0:
called_computation.1_lowered:
.L_overlay_start_0:
0x88: {  	s2 =	sld [smem:$0x3FD9]  }
0x89: {  	s3 =	sld [smem:$0x3FFE];
	_ =	sdelay $0x1  }
0x8a: {  	s1 =	srdreg.scid  }
0x8b: {  	s0 =	sand.u32 $0x1, s1  }
0x8c: {  	s16 =	sshll.u32 s0, $0xA;
	s2 =	sadd.s32 s3, s2  }
0x8d: {  	s2 =	sadd.s32 s2, s16  }
0x8e: {  	[smem:$0x3FB7] =	sst s2  }
0x8f: {  	_ = 	snop  }
0x90: {  	(tm) =	ssettm $0x1  }
0x91: {  	s17 =	sld [smem:$0x3FFB];
	_ =	sdelay $0x3  }
0x92: {  	_ =	strace s17  }
0x93: {  	s2 =	sld [smem:$0x3FFC];
	_ =	sdelay $0x3  }
0x94: {  	_ =	strace s2  }
0x95: {  	s2 =	sld [smem:$0x3FFD];
	_ =	sdelay $0x3  }
0x96: {  	_ =	strace s2  }
0x97: {  	_ =	strace $0x8FFFFFFF  }
0x98: {  	s18 =	sld [smem:$0x3FDB];
	_ =	sdelay $0x1  }
0x99: {  	s19 =	simm.s32 $_scs_section_size  }
0x9a: {  	s4 =	simm.s32 $_size__tile_overlayer_lowered;
	s5 =	simm.s32 $_tile_overlayer_lowered  }
0x9b: {  	s22 =	simm.s32 $0x1BFF;
	s21 =	sshll.u32 s5, $0x1;
	s2 =	sadd.s32 s19, s18  }
0x9c: {  	s6 =	simm.s32 $0x0;
	s20 =	sshll.u32 s4, $0x1;
	s4 =	sadd.s32 s21, s2  }
0x9d: {  	[timem:s6], [sflag:s22] =	dma.local [hbm:s4], s20  }
0x9e: {  	_ =	swait.ge [sflag:s22], s20  }
0x9f: {  	s3 =	ssub.s32 $0x0, s20;
	[sflag:s22] =	ssyncset.done $0x0  }
0xa0: {  	[sflag:s22] =	ssyncadd.s32 s3;
	_ =	sdelay $0x1  }
0xa1: {  	s23 =	simm.s32 $0x1B8B  }
0xa2: {  	_ =	swait.ge [sflag:s23], $0x1  }
0xa3: {  	[sflag:s23] =	ssyncset.done $0x0  }
0xa4: {  	s25 =	simm.s32 $0x1B8E;
	s24 =	sld [smem:$0x3FFE];
	[sflag:s23] =	ssyncadd.s32 $0xFFFFFFFF  }
0xa5: {  	s26 =	simm.s32 $execute0_lowered;
	[smem:$0x3FD2] =	sst s25  }
0xa6: {  	s4 =	sshll.u32 s26, $0x1;
	_ =	strace $0x80000049;
	[dreg:$0x1] =	wrdreg $0xFFFFFFFF  }
0xa7: {  	s28 =	simm.s32 $_size_execute0_lowered;
	s2 =	sadd.s32 s2, s4;
	[dreg:$0x0] =	wrdreg $0x0  }
0xa8: {  	s4 =	sshll.u32 s28, $0x1;
	[dreg:$0x2] =	wrdreg s2  }
0xa9: {  	[dreg:$0x3] =	wrdreg s4  }
0xaa: {  	[dreg:$0x4] =	wrdreg $0xC0  }
0xab: {  	_ =	task [dreg:s6], $0x5FFFF  }
0xac: {  	[dreg:$0x1] =	wrdreg $0xFFFFFFFF  }
0xad: {  	[dreg:$0x0] =	wrdreg $0x60  }
0xae: {  	[dreg:$0x2] =	wrdreg s24  }
0xaf: {  	[dreg:$0x3] =	wrdreg $0xAE000  }
0xb0: {  	[dreg:$0x4] =	wrdreg $0x9  }
0xb1: {  	_ =	task.clear_ibuf [dreg:s6], $0x5FFFF;
	_ =	strace $0x90000049  }
0xb2: {  	s29 =	simm.s32 $0x9;
	_ =	strace $0x8000004B  }
0xb3: {  	_ =	swait.ge [sflag:s29], $0x1  }
0xb4: {  	[sflag:s29] =	ssyncadd.s32 $0xFFFFFFFF  }
0xb5: {  	_ =	strace $0x9000004B  }
0xb6: {  	_ =	sfence  }
0xb7: {  	s30 =	sld [smem:$0x0];
	_ =	sdelay $0x2  }
0xb8: {  	s31 =	sshll.u32 s1, $0xD;
	s1 =	sshrl.u32 s1, $0x2  }
0xb9: {  	s3 =	sand.u32 $0x4000, s31;
	s1 =	sadd.s32 s1, s30  }
0xba: {  	s0 =	sor.u32 s3, s0;
	s1 =	sshll.u32 s1, $0x11  }
0xbb: {  	s0 =	sor.u32 s1, s0  }
0xbc: {  	s0 =	sadd.s32 $0x8F2B, s0  }
0xbd: {  	[sflag:s0] =	ssyncadd.remote.s32 $0x1  }
0xbe: {  	_ =	sfence.sel $0xFFFF  }
0xbf: {  	[dreg:$0x0] =	wrdreg $0xFFFFFFFF;
	(pc) =	sbr.abs _section_cstart, $3  }
0xc0: {  	[dreg:$0x1] =	wrdreg $0xFFFFFFFF  }
0xc1: {  	_ =	task.clear_ibuf [dreg:s6], $0x2FFFF;
	_ =	strace $0x9FFFFFFF  }
0xc2: {  	(tm) =	ssettm $0x7FFFFFFF  }
0xc3: {  	_ =	shalt  }
tec
execute0_lowered:
.L_overlay_start_1:
0x0: {  	(tag) =	ssettag $0x1  }
0x1: {  	s0 =	rddreg [dreg:$0x0]  }
0x2: {  	s1 =	rddreg [dreg:$0x1];
	s2 =	simm.s32 $0x0  }
0x3: {  	s15 =	srdreg.scid;
	s9 =	stileid.u32;
	s29 =	simm.s32 $0x600  }
0x4: {  	s30 =	simm.s32 $0xA;
	s28 =	simm.s32 $0x200;
	[smem:$0x7FF] =	sst s2  }
0x5: {  	s4 =	sadd.s32 $0x1AC00, s0;
	s2 =	sand.u32 $0x1, s15;
	s3 =	smul.u32 $0x4E000, s9  }
0x6: {  	s5 =	sadd.s32 $0x4400, s0;
	s0 =	sadd.s32 $0x41E00, s0;
	s23 =	smul.u32 $0x13800, s9  }
0x7: {  	s15 =	sadd.s32 $0x138000, s1;
	s25 =	smul.u32 $0x5A00, s9;
	p0 =	sne.s32 s9, $0xF  }
0x8: {  	s31 =	simm.s32 $0x3;
	_ =	strace $0x8000004A;
	s21 =	smul.u32 $0x138800, s2  }
0x9: {  	s6 =	ssub.s32 $0x2, s2;
	s8 =	sshll.u32 s2, $0x4;
	s2 =	smul.u32 $0x5A000, s2  }
0xa: {  	[dreg:$0x9] =	wrdreg s15;
	s7 =	sshrl.u32 s6, $0x1;
	s3 =	sshrl.u32 s3, $0x2  }
0xb: {  	s16 =	sor.u32 s9, s8;
	s6 =	ssub.s32 s6, s7;
	s10 =	sadd.s32 s3, s1  }
0xc: {  	s18 =	smul.u32 $0x5A00, s16;
	s3 =	sadd.s32 $0x3800, s10;
	[dreg:$0x3] =	wrdreg s10  }
0xd: {  	s24 =	sadd.s32 s23, s21;
	s17 =	sadd.s32 $0x7000, s10;
	[dreg:$0x4] =	wrdreg s3  }
0xe: {  	s7 =	sshrl.u32 s21, $0x3;
	s19 =	sadd.s32 $0xA800, s10;
	[dreg:$0x5] =	wrdreg s17  }
0xf: {  	s2 =	sadd.s32 s25, s2;
	s20 =	sadd.s32 $0xE000, s10;
	[dreg:$0x6] =	wrdreg s19  }
0x10: {  	s22 =	sadd.s32 $0x11800, s10;
	s8 =	sadd.s32 $0xB00, s2;
	[dreg:$0x7] =	wrdreg s20  }
0x11: {  	s6 =	smax.u32 s6, $0x1;
	s16 =	sadd.s32 $0x900, s2;
	[dreg:$0x8] =	wrdreg s22  }
0x12: {  	s3 =	sshrl.u32 s18, $0x3;
	s13 =	sshrl.u32 s8, $0x3;
	[dreg:$0x10] =	wrdreg s6  }
0x13: {  	s17 =	sadd.s32 $0x800, s2;
	s18 =	sadd.s32 $0x700, s2;
	s19 =	sadd.s32 $0x600, s2  }
0x14: {  	s8 =	simm.s32 $0x7600;
	s11 =	sadd.s32 s5, s3;
	[dreg:$0x11] =	wrdreg s19  }
0x15: {  	s20 =	sadd.s32 s13, s5;
	s3 =	sadd.s32 $0x20, s11;
	[dreg:$0xa] =	wrdreg s11  }
0x16: {  	s6 =	sshrl.u32 s18, $0x3;
	s12 =	sadd.s32 $0x40, s11;
	[dreg:$0xb] =	wrdreg s3  }
0x17: {  	s19 =	simm.s32 $0x8;
	s26 =	sadd.s32 $0x60, s11;
	[dreg:$0xc] =	wrdreg s12  }
0x18: {  	s13 =	simm.s32 $0x580;
	s25 =	sadd.s32 $0x80, s11;
	[dreg:$0xd] =	wrdreg s26  }
0x19: {  	s3 =	sshrl.u32 s24, $0x3;
	s12 =	sadd.s32 $0xA00, s2;
	s24 =	sadd.s32 s6, s5  }
0x1a: {  	[dreg:$0x12] =	wrdreg s25;
	s26 =	sadd.s32 $0xA0, s11;
	s2 =	simm.s32 $0x70  }
0x1b: {  	s11 =	simm.s32 $0x500;
	s25 =	simm.s32 $0x9;
	s6 =	simm.s32 $0x0  }
0x1c: {  	s3 =	sadd.s32 s0, s3;
	s0 =	sadd.s32 s0, s7;
	s14 =	sshrl.u32 s12, $0x3  }
.Ltmp0:
0x1d: {  	[dreg:$0x13] =	wrdreg s26;
	s7 =	simm.s32 $0x3E00;
	(pc) =	sbr.rel .LBB2_1-.Ltmp0, $4  }
0x1e: {  	s12 =	simm.s32 $0x6;
	[dreg:$0xe] =	wrdreg s3;
	s0 =	sadd.s32 $0x27000, s0  }
0x1f: {  	s21 =	sadd.s32 s14, s5;
	s3 =	sshrl.u32 s17, $0x3;
	s14 =	simm.s32 $0x1  }
0x20: {  	s17 =	simm.s32 $0x2;
	[dreg:$0xf] =	wrdreg s0;
	s0 =	sshrl.u32 s16, $0x3  }
0x21: {  	v0 =	vimm.f32 $0.0e+00;
	s23 =	sadd.s32 s3, s5;
	s16 =	simm.s32 $0x7;
	s22 =	sadd.s32 s0, s5  }
.LBB2_6:
0x22: {  	s0 =	stileid.u32;
	[bflag:$0x0] =	sbarrier.arrive $0xFFFF  }
0x23: {  	s0 =	sshll.u32 s0, $0x6;
	s10 =	rddreg [dreg:$0x3]  }
0x24: {  	s6 =	rddreg [dreg:$0xe];
	s0 =	sor.u32 $0x1C0A, s0;
	s3 =	sshrl.u32 s10, $0x3  }
0x25: {  	[hbm:s6], [sflag:s0] =	dma.local [spmem:s3], $0x2700  }
0x26: {  	_ =	swait.ge [sflag:s30], $0x2700  }
0x27: {  	[sflag:s30] =	ssyncset.done $0x0;
	s15 =	rddreg [dreg:$0x9]  }
0x28: {  	s6 =	rddreg [dreg:$0xf];
	[sflag:s30] =	ssyncadd.s32 $0xFFFFD900;
	s3 =	sshrl.u32 @!p0 s15, $0x3  }
0x29: {  	[hbm:s6], [sflag:s0] =	dma.local @!p0 [spmem:s3], $0x100  }
0x2a: {  	s0 =	simm.s32 @!p0 $0xA  }
0x2b: {  	_ =	swait.ge @!p0 [sflag:s0], $0x100  }
0x2c: {  	s18 =	rddreg [dreg:$0x14]  }
0x2d: {  	s26 =	rddreg [dreg:$0x10];
	s6 =	sadd.s32 $0x1, s18  }
0x2e: {  	p1 =	sne.s32 s6, s26  }
.Ltmp1:
0x2f: {  	_ = 	snop;
	(pc) =	sbr.rel @!p1 .LBB2_7-.Ltmp1, $3  }
0x30: {  	_ =	sdelay $0x1  }
0x31: {  	[sflag:s0] =	ssyncset.done @!p0 $0x0  }
0x32: {  	[sflag:s0] =	ssyncadd.s32 @!p0 $0xFFFFFF00  }
.LBB2_1:
0x33: {  	[dreg:$0x14] =	wrdreg s6;
	s0 =	simm.s32 $0x0;
	s3 =	simm.s32 $0x200  }
.LBB2_2:
0x34: {  	p1 =	sne.s32 s3, $0xDE00;
	[tilespmem:s0+$0x670] =	vst v0  }
0x35: {  	[tilespmem:s0+$0x600] =	vst v0  }
0x36: {  	[tilespmem:s0+$0x610] =	vst v0  }
.Ltmp2:
0x37: {  	[tilespmem:s0+$0x620] =	vst v0;
	(pc) =	sbr.rel @p1 .LBB2_2-.Ltmp2, $4  }
0x38: {  	[tilespmem:s0+$0x630] =	vst v0  }
0x39: {  	[tilespmem:s0+$0x640] =	vst v0  }
0x3a: {  	[tilespmem:s0+$0x650] =	vst v0  }
0x3b: {  	[tilespmem:s0+$0x660] =	vst v0;
	s0 =	sshra.s32 s3, $0x2;
	s3 =	sadd.s32 $0x200, s3  }
0x3c: {  	[tilespmem:s0+$0x670] =	vst v0  }
0x3d: {  	[tilespmem:s0+$0x600] =	vst v0  }
0x3e: {  	[tilespmem:s0+$0x610] =	vst v0  }
0x3f: {  	[tilespmem:s0+$0x620] =	vst v0  }
0x40: {  	[tilespmem:s0+$0x630] =	vst v0  }
0x41: {  	[tilespmem:s0+$0x640] =	vst v0  }
0x42: {  	[tilespmem:s0+$0x650] =	vst v0  }
0x43: {  	[tilespmem:s0+$0x660] =	vst v0  }
0x44: {  	[spmem:s10] =	stream.linear.scatter [tilespmem:s29], [sflag:$0xA], $0x3800, $0x38;
	[tilespmem:$0x1E6C0] =	vst v63  }
0x45: {  	_ =	swait.ge [sflag:s30], $0x3800  }
0x46: {  	[sflag:s30] =	ssyncset.done $0x0  }
0x47: {  	s26 =	rddreg [dreg:$0x4];
	[sflag:s30] =	ssyncadd.s32 $0xFFFFC800  }
0x48: {  	[spmem:s26] =	stream.linear.scatter [tilespmem:s29], [sflag:$0xA], $0x3800, $0x38;
	[tilespmem:$0x1E6C0] =	vst v63  }
0x49: {  	_ =	swait.ge [sflag:s30], $0x3800  }
0x4a: {  	[sflag:s30] =	ssyncset.done $0x0  }
0x4b: {  	s3 =	rddreg [dreg:$0x5];
	[sflag:s30] =	ssyncadd.s32 $0xFFFFC800  }
0x4c: {  	[spmem:s3] =	stream.linear.scatter [tilespmem:s29], [sflag:$0xA], $0x3800, $0x38;
	[tilespmem:$0x1E6C0] =	vst v63  }
0x4d: {  	_ =	swait.ge [sflag:s30], $0x3800  }
0x4e: {  	[sflag:s30] =	ssyncset.done $0x0  }
0x4f: {  	s6 =	rddreg [dreg:$0x6];
	[sflag:s30] =	ssyncadd.s32 $0xFFFFC800  }
0x50: {  	[spmem:s6] =	stream.linear.scatter [tilespmem:s29], [sflag:$0xA], $0x3800, $0x38;
	[tilespmem:$0x1E6C0] =	vst v63  }
0x51: {  	_ =	swait.ge [sflag:s30], $0x3800  }
0x52: {  	[sflag:s30] =	ssyncset.done $0x0  }
0x53: {  	s9 =	rddreg [dreg:$0x7];
	[sflag:s30] =	ssyncadd.s32 $0xFFFFC800  }
0x54: {  	[spmem:s9] =	stream.linear.scatter [tilespmem:s29], [sflag:$0xA], $0x3800, $0x38;
	[tilespmem:$0x1E6C0] =	vst v63  }
0x55: {  	_ =	swait.ge [sflag:s30], $0x3800  }
0x56: {  	[sflag:s30] =	ssyncset.done $0x0  }
0x57: {  	s10 =	rddreg [dreg:$0x8];
	[sflag:s30] =	ssyncadd.s32 $0xFFFFC800  }
0x58: {  	[spmem:s10] =	stream.linear.scatter [tilespmem:s29], [sflag:$0xA], $0x2000, $0x38;
	[tilespmem:$0x1E6C0] =	vst v63  }
0x59: {  	_ =	swait.ge [sflag:s30], $0x2000  }
0x5a: {  	[sflag:s30] =	ssyncset.done $0x0  }
0x5b: {  	s0 =	simm.s32 @!p0 $0x600;
	[sflag:s30] =	ssyncadd.s32 $0xFFFFE000  }
0x5c: {  	[spmem:s15] =	stream.linear.scatter @!p0 [tilespmem:s0], [sflag:$0xA], $0x800, $0x38;
	[tilespmem:$0x1E6C0] =	vst v63  }
0x5d: {  	s0 =	simm.s32 @!p0 $0xA  }
0x5e: {  	_ =	swait.ge @!p0 [sflag:s0], $0x800  }
0x5f: {  	[sflag:s0] =	ssyncset.done @!p0 $0x0  }
0x60: {  	[sflag:s0] =	ssyncadd.s32 @!p0 $0xFFFFF800  }
0x61: {  	[bflag:$0x0] =	sbarrier.arrive $0xFFFF  }
0x62: {  	s6 =	simm.s32 $0x0;
	s15 =	rddreg [dreg:$0xa]  }
0x63: {  	[tilespmem:s6], [sflag:$0xA] =	stream.linear.gather [hbm4b:s15+s6], $0x100, $0x38;
	[tilespmem:$0x1E6C0] =	vst v63  }
0x64: {  	_ =	swait.ge [sflag:s30], $0x100  }
0x65: {  	[sflag:s30] =	ssyncset.done $0x0  }
0x66: {  	s3 =	simm.s32 $0x100;
	s18 =	rddreg [dreg:$0xb];
	[sflag:s30] =	ssyncadd.s32 $0xFFFFFF00  }
0x67: {  	[tilespmem:s3], [sflag:$0xA] =	stream.linear.gather [hbm4b:s18+s6], $0x100, $0x38;
	[tilespmem:$0x1E6C0] =	vst v63  }
0x68: {  	_ =	swait.ge [sflag:s30], $0x100  }
0x69: {  	[sflag:s30] =	ssyncset.done $0x0  }
0x6a: {  	s9 =	simm.s32 $0x200;
	s26 =	rddreg [dreg:$0xc];
	[sflag:s30] =	ssyncadd.s32 $0xFFFFFF00  }
0x6b: {  	[tilespmem:s9], [sflag:$0xA] =	stream.linear.gather [hbm4b:s26+s6], $0x100, $0x38;
	[tilespmem:$0x1E6C0] =	vst v63  }
0x6c: {  	_ =	swait.ge [sflag:s30], $0x100  }
0x6d: {  	[sflag:s30] =	ssyncset.done $0x0  }
0x6e: {  	[sflag:s30] =	ssyncadd.s32 $0xFFFFFF00  }
0x6f: {  	[tilespmem:s29], [sflag:$0x1] =	stream.indirect.gather [hbm4b:s4+s2], $0x80, s6, s2, $0xb8;
	[tilespmem:$0x1E6C0] =	vst v63  }
0x70: {  	_ = 	snop  }
0x71: {  	[tilespmem:s7], [sflag:$0x2] =	stream.indirect.gather [hbm4b:s4+s2], $0x80, s3, s2, $0xb8;
	[tilespmem:$0x1E6C0] =	vst v63  }
0x72: {  	s15 =	rddreg [dreg:$0x12]  }
0x73: {  	[tilespmem:s8], [sflag:$0x3] =	stream.indirect.gather [hbm4b:s4+s2], $0x80, s9, s2, $0xb8;
	[tilespmem:$0x1E6C0] =	vst v63  }
0x74: {  	s10 =	simm.s32 $0x300;
	s9 =	rddreg [dreg:$0xd]  }
0x75: {  	[tilespmem:s10], [sflag:$0x7] =	stream.linear.gather [hbm4b:s9+s6], $0x100, $0x38;
	[tilespmem:$0x1E6C0] =	vst v63  }
0x76: {  	s18 =	simm.s32 $0x400;
	s26 =	rddreg [dreg:$0x13]  }
0x77: {  	[tilespmem:s18], [sflag:$0x8] =	stream.linear.gather [hbm4b:s15+s6], $0x100, $0x38;
	[tilespmem:$0x1E6C0] =	vst v63  }
0x78: {  	s3 =	rddreg [dreg:$0x11]  }
0x79: {  	[tilespmem:s11], [sflag:$0x9] =	stream.linear.gather [hbm4b:s26+s6], $0x100, $0x38;
	[tilespmem:$0x1E6C0] =	vst v63  }
.LBB2_4:
0x7a: {  	_ =	swait.ge [sflag:s14], $0x3800  }
0x7b: {  	[sflag:s14] =	ssyncset.done $0x0  }
0x7c: {  	s0 =	simm.s32 $0x80;
	[sflag:s14] =	ssyncadd.s32 $0xFFFFC800  }
0x7d: {  	[spmem:s1] =	stream.indirect.scatter.add.f32 [tilespmem:s29], [sflag:$0xA], $0x80, s0, s2, $0xb8;
	[tilespmem:$0x1E6C0] =	vst v63  }
0x7e: {  	p1 =	seq.s32 s6, $0xA80;
	_ =	swait.ge [sflag:s30], $0x3800  }
0x7f: {  	s0 =	sshrl.u32 @!p1 s3, $0x3;
	[sflag:s30] =	ssyncset.done $0x0  }
0x80: {  	s15 =	sadd.s32 @!p1 s5, s0;
	s0 =	simm.s32 @!p1 $0x0;
	[sflag:s30] =	ssyncadd.s32 $0xFFFFC800  }
0x81: {  	[tilespmem:s0], [sflag:$0x4] =	stream.linear.gather @!p1 [hbm4b:s15+s0], $0x100, $0x38;
	[tilespmem:$0x1E6C0] =	vst v63  }
0x82: {  	_ =	swait.ge [sflag:s16], $0x100  }
0x83: {  	[sflag:s16] =	ssyncset.done $0x0  }
0x84: {  	s9 =	simm.s32 $0x300;
	[sflag:s16] =	ssyncadd.s32 $0xFFFFFF00  }
0x85: {  	[tilespmem:s29], [sflag:$0x1] =	stream.indirect.gather [hbm4b:s4+s2], $0x80, s9, s2, $0xb8;
	[tilespmem:$0x1E6C0] =	vst v63  }
0x86: {  	_ =	swait.ge [sflag:s17], $0x3800  }
0x87: {  	[sflag:s17] =	ssyncset.done $0x0  }
0x88: {  	s26 =	simm.s32 $0x180;
	[sflag:s17] =	ssyncadd.s32 $0xFFFFC800  }
0x89: {  	[spmem:s1] =	stream.indirect.scatter.add.f32 [tilespmem:s7], [sflag:$0xA], $0x80, s26, s2, $0xb8;
	[tilespmem:$0x1E6C0] =	vst v63  }
0x8a: {  	_ =	swait.ge [sflag:s30], $0x3800  }
0x8b: {  	[sflag:s30] =	ssyncset.done $0x0  }
0x8c: {  	s18 =	sadd.s32 @!p1 s6, s24;
	s15 =	simm.s32 @!p1 $0x100;
	[sflag:s30] =	ssyncadd.s32 $0xFFFFC800  }
0x8d: {  	[tilespmem:s15], [sflag:$0x5] =	stream.linear.gather @!p1 [hbm4b:s18+s0], $0x100, $0x38;
	[tilespmem:$0x1E6C0] =	vst v63  }
0x8e: {  	_ =	swait.ge [sflag:s19], $0x100  }
0x8f: {  	[sflag:s19] =	ssyncset.done $0x0  }
0x90: {  	s10 =	simm.s32 $0x400;
	[sflag:s19] =	ssyncadd.s32 $0xFFFFFF00  }
0x91: {  	[tilespmem:s7], [sflag:$0x2] =	stream.indirect.gather [hbm4b:s4+s2], $0x80, s10, s2, $0xb8;
	[tilespmem:$0x1E6C0] =	vst v63  }
0x92: {  	_ =	swait.ge [sflag:s31], $0x3800  }
0x93: {  	[sflag:s31] =	ssyncset.done $0x0  }
0x94: {  	s18 =	simm.s32 $0x280;
	[sflag:s31] =	ssyncadd.s32 $0xFFFFC800  }
0x95: {  	[spmem:s1] =	stream.indirect.scatter.add.f32 [tilespmem:s8], [sflag:$0xA], $0x80, s18, s2, $0xb8;
	[tilespmem:$0x1E6C0] =	vst v63  }
0x96: {  	_ =	swait.ge [sflag:s30], $0x3800  }
0x97: {  	[sflag:s30] =	ssyncset.done $0x0  }
0x98: {  	s9 =	simm.s32 @!p1 $0x200;
	s18 =	sadd.s32 @!p1 s6, s23;
	[sflag:s30] =	ssyncadd.s32 $0xFFFFC800  }
0x99: {  	[tilespmem:s9], [sflag:$0x6] =	stream.linear.gather @!p1 [hbm4b:s18+s0], $0x100, $0x38;
	[tilespmem:$0x1E6C0] =	vst v63  }
0x9a: {  	_ =	swait.ge [sflag:s25], $0x100  }
0x9b: {  	[sflag:s25] =	ssyncset.done $0x0  }
0x9c: {  	[sflag:s25] =	ssyncadd.s32 $0xFFFFFF00  }
0x9d: {  	[tilespmem:s8], [sflag:$0x3] =	stream.indirect.gather [hbm4b:s4+s2], $0x80, s11, s2, $0xb8;
	[tilespmem:$0x1E6C0] =	vst v63  }
0x9e: {  	_ =	swait.ge [sflag:s14], $0x3800  }
0x9f: {  	[sflag:s14] =	ssyncset.done $0x0  }
0xa0: {  	s26 =	simm.s32 $0x380;
	[sflag:s14] =	ssyncadd.s32 $0xFFFFC800  }
0xa1: {  	[spmem:s1] =	stream.indirect.scatter.add.f32 [tilespmem:s29], [sflag:$0xA], $0x80, s26, s2, $0xb8;
	[tilespmem:$0x1E6C0] =	vst v63  }
0xa2: {  	_ =	swait.ge [sflag:s30], $0x3800  }
0xa3: {  	[sflag:s30] =	ssyncset.done $0x0  }
0xa4: {  	s9 =	simm.s32 @p1 $0x2;
	[sflag:s30] =	ssyncadd.s32 $0xFFFFC800  }
0xa5: {  	_ =	swait.ge @p1 [sflag:s9], $0x3800  }
0xa6: {  	s10 =	simm.s32 @p1 $0x3E00;
	[sflag:s9] =	ssyncset.done @p1 $0x0  }
0xa7: {  	s18 =	simm.s32 @p1 $0x480;
	[sflag:s9] =	ssyncadd.s32 @p1 $0xFFFFC800;
	s9 =	simm.s32 @p1 $0x70  }
0xa8: {  	[spmem:s1] =	stream.indirect.scatter.add.f32 @p1 [tilespmem:s10], [sflag:$0xA], $0x80, s18, s9, $0xb8;
	[tilespmem:$0x1E6C0] =	vst v63  }
0xa9: {  	s9 =	simm.s32 @p1 $0xA  }
0xaa: {  	_ =	swait.ge @p1 [sflag:s9], $0x3800  }
0xab: {  	[sflag:s9] =	ssyncset.done @p1 $0x0  }
0xac: {  	s10 =	simm.s32 @!p1 $0x300;
	[sflag:s9] =	ssyncadd.s32 @p1 $0xFFFFC800;
	s9 =	sadd.s32 @!p1 s6, s22  }
0xad: {  	[tilespmem:s10], [sflag:$0x7] =	stream.linear.gather @!p1 [hbm4b:s9+s0], $0x100, $0x38;
	[tilespmem:$0x1E6C0] =	vst v63  }
0xae: {  	s9 =	simm.s32 @!p1 $0x4  }
0xaf: {  	_ =	swait.ge @!p1 [sflag:s9], $0x100  }
0xb0: {  	[sflag:s9] =	ssyncset.done @!p1 $0x0  }
0xb1: {  	s10 =	simm.s32 @!p1 $0x600;
	[sflag:s9] =	ssyncadd.s32 @!p1 $0xFFFFFF00;
	s9 =	simm.s32 @!p1 $0x70  }
0xb2: {  	[tilespmem:s10], [sflag:$0x1] =	stream.indirect.gather @!p1 [hbm4b:s4+s9], $0x80, s0, s9, $0xb8;
	[tilespmem:$0x1E6C0] =	vst v63  }
0xb3: {  	s10 =	simm.s32 @!p1 $0x2  }
0xb4: {  	_ =	swait.ge @!p1 [sflag:s10], $0x3800  }
0xb5: {  	[sflag:s10] =	ssyncset.done @!p1 $0x0  }
0xb6: {  	s18 =	simm.s32 @!p1 $0x3E00;
	[sflag:s10] =	ssyncadd.s32 @!p1 $0xFFFFC800;
	s10 =	simm.s32 @!p1 $0x480  }
0xb7: {  	[spmem:s1] =	stream.indirect.scatter.add.f32 @!p1 [tilespmem:s18], [sflag:$0xA], $0x80, s10, s9, $0xb8;
	[tilespmem:$0x1E6C0] =	vst v63  }
0xb8: {  	s10 =	simm.s32 @!p1 $0xA  }
0xb9: {  	_ =	swait.ge @!p1 [sflag:s10], $0x3800  }
0xba: {  	[sflag:s10] =	ssyncset.done @!p1 $0x0  }
0xbb: {  	s26 =	simm.s32 @!p1 $0x400;
	[sflag:s10] =	ssyncadd.s32 @!p1 $0xFFFFC800;
	s10 =	sadd.s32 @!p1 s6, s21  }
0xbc: {  	[tilespmem:s26], [sflag:$0x8] =	stream.linear.gather @!p1 [hbm4b:s10+s0], $0x100, $0x38;
	[tilespmem:$0x1E6C0] =	vst v63  }
0xbd: {  	s0 =	simm.s32 @!p1 $0x5  }
0xbe: {  	_ =	swait.ge @!p1 [sflag:s0], $0x100  }
0xbf: {  	[sflag:s0] =	ssyncset.done @!p1 $0x0  }
0xc0: {  	[sflag:s0] =	ssyncadd.s32 @!p1 $0xFFFFFF00  }
0xc1: {  	[tilespmem:s18], [sflag:$0x2] =	stream.indirect.gather @!p1 [hbm4b:s4+s9], $0x80, s15, s9, $0xb8;
	[tilespmem:$0x1E6C0] =	vst v63  }
0xc2: {  	_ =	swait.ge [sflag:s31], $0x3800  }
0xc3: {  	[sflag:s31] =	ssyncset.done $0x0  }
.Ltmp3:
0xc4: {  	[sflag:s31] =	ssyncadd.s32 $0xFFFFC800;
	(pc) =	sbr.rel @p1 .LBB2_6-.Ltmp3, $4  }
0xc5: {  	[spmem:s1] =	stream.indirect.scatter.add.f32 [tilespmem:s8], [sflag:$0xA], $0x80, s13, s2, $0xb8;
	[tilespmem:$0x1E6C0] =	vst v63  }
0xc6: {  	_ =	swait.ge [sflag:s30], $0x3800  }
0xc7: {  	[sflag:s30] =	ssyncset.done $0x0  }
0xc8: {  	[sflag:s30] =	ssyncadd.s32 $0xFFFFC800  }
0xc9: {  	s0 =	sadd.s32 s6, s20;
	s9 =	simm.s32 $0x0  }
0xca: {  	[tilespmem:s11], [sflag:$0x9] =	stream.linear.gather [hbm4b:s0+s9], $0x100, $0x38;
	[tilespmem:$0x1E6C0] =	vst v63  }
.Ltmp4:
0xcb: {  	_ = 	snop;
	(pc) =	sbr.rel .LBB2_4-.Ltmp4, $4  }
0xcc: {  	_ =	swait.ge [sflag:s12], $0x100  }
0xcd: {  	[sflag:s12] =	ssyncset.done $0x0  }
0xce: {  	s6 =	sadd.s32 $0xC0, s6;
	s3 =	sadd.s32 $0x600, s3;
	[sflag:s12] =	ssyncadd.s32 $0xFFFFFF00  }
0xcf: {  	[tilespmem:s8], [sflag:$0x3] =	stream.indirect.gather [hbm4b:s4+s2], $0x80, s28, s2, $0xb8;
	[tilespmem:$0x1E6C0] =	vst v63  }
.LBB2_7:
0xd0: {  	_ =	sfence.sel $0x180000  }
0xd1: {  	[bflag:$0x0] =	sbarrier.arrive $0xFFFF  }
0xd2: {  	_ =	strace $0x9000004A  }
0xd3: {  	s0 =	stileid.u32;
	[bflag:$0x2] =	sbarrier.arrive $0xFFFF  }
0xd4: {  	p0 =	sne.s32 s0, $0x0;
	s0 =	rddreg [dreg:$0x2]  }
0xd5: {  	s0 =	sadd.s32 @!p0 $0x100000, s0  }
0xd6: {  	[sflag:s0] =	ssyncadd.tile.s32 @!p0 $0x1;
	_ =	shalt  }
.Lfunc_end2:
_tile_overlayer_lowered:
.L_overlay_start_2:
0xd7: {  	(tag) =	ssettag $0x2  }
0xd8: {  	s0 =	rddreg [dreg:$0x0];
	s2 =	stileid.u32  }
0xd9: {  	s1 =	rddreg [dreg:$0x1];
	p0 =	sne.s32 s2, $0x0  }
0xda: {  	s3 =	rddreg [dreg:$0x2];
	[bflag:$0x3] =	sbarrier.arrive $0xFFFF;
	s2 =	simm.s32 @!p0 $0x1C0A  }
0xdb: {  	[timem:s3], [sflag:s2] =	dma.local @!p0 [hbm:s0], s1  }
0xdc: {  	s0 =	simm.s32 @!p0 $0xA  }
0xdd: {  	_ =	swait.ge @!p0 [sflag:s0], s1  }
0xde: {  	s1 =	ssub.s32 @!p0 $0x0, s1;
	[sflag:s0] =	ssyncset.done @!p0 $0x0  }
0xdf: {  	[sflag:s0] =	ssyncadd.s32 @!p0 s1  }
0xe0: {  	[bflag:$0x3] =	sbarrier.arrive $0xFFFF  }
0xe1: {  	_ =	shalt  }

// kernel: kernel.16.cloned.1.call-start
scs
__scs_entry_jumppad:
0x0: {  	(pc) =	sbr.rel $0x88, $3  }
0x1: {  	(tag) =	ssettag $0x0;
	lr =	simm.s32 $0x1  }
0x2: {  	[smem:$0x3F90] =	sst lr;
	_ =	strace $0xD0000000  }
0x3: {  	_ = 	snop  }
0x4: {  	_ = 	snop  }
0x5: {  	_ = 	snop  }
0x6: {  	_ = 	snop  }
0x7: {  	_ = 	snop  }
__scs_overlays_trampoline_lowered:
0x8: {  	[smem:$0x3F9F] =	sst s0  }
0x9: {  	[smem:$0x3FA0] =	sst s1  }
0xa: {  	[smem:$0x3FA1] =	sst s2  }
0xb: {  	[smem:$0x3FA2] =	sst s3  }
0xc: {  	[smem:$0x3FA3] =	sst s4  }
0xd: {  	[smem:$0x3FA4] =	sst s5  }
0xe: {  	[smem:$0x3FA5] =	sst s6  }
0xf: {  	[smem:$0x3FA6] =	sst s7  }
0x10: {  	[smem:$0x3FA7] =	sst s8  }
0x11: {  	[smem:$0x3FA8] =	sst s9;
	s0 =	simm.s32 @!p0 $0x0  }
0x12: {  	s1 =	sld [smem:$0x3F8E];
	s0 =	simm.s32 @p0 $0x1  }
0x13: {  	[smem:$0x3FA9] =	sst s0;
	s0 =	simm.s32 @!p1 $0x0  }
0x14: {  	s2 =	sld [smem:$0x3F8D];
	s0 =	simm.s32 @p1 $0x1  }
0x15: {  	[smem:$0x3FAA] =	sst s0;
	s0 =	simm.s32 @!p2 $0x0  }
0x16: {  	s3 =	sld [smem:$0x3FDB];
	s0 =	simm.s32 @p2 $0x1  }
0x17: {  	s4 =	simm.s32 $0x1BF5;
	[smem:$0x3FAC] =	sst s0  }
0x18: {  	s0 =	sld [smem:$0x3F8F];
	_ =	swait.ge [sflag:s4], $0x0  }
0x19: {  	s7 =	sld [smem:$0x3F90]  }
0x1a: {  	s8 =	sadd.s32 $0xFFFFE003, lr  }
0x1b: {  	s9 =	sadd.s32 $0xFFFFFEF7, lr;
	s5 =	simm.s32 $0xFFFFFFFF;
	p2 =	slt.u32 s8, $0xFFFFF086  }
0x1c: {  	p1 =	slt.u32 s9, $0xF7A;
	s5 =	simm.s32 @!p2 $0x0  }
0x1d: {  	s5 =	simm.s32 @p1 $0x1;
	p0 =	seq.s32 s7, s2  }
0x1e: {  	s7 =	smul.u32 @!p0 $0xF7A, s2;
	p2 =	seq.s32 @!p0 s5, $0x0  }
0x1f: {  	s9 =	smul.u32 $0xF7A, s1;
	s8 =	simm.s32 @!p0 $0x1BF5;
	p2 =	por !p2, p0  }
0x20: {  	[sflag:s8] =	ssyncset.s32 @!p0 $0xFFFFF086;
	s6 =	sadd.s32 @!p0 s3, s7;
	s7 =	simm.s32 @!p0 $0x108  }
0x21: {  	s3 =	sadd.s32 s3, s9;
	s6 =	sadd.s32 @!p0 $0x88, s6;
	s7 =	simm.s32 @p2 $0x1082  }
0x22: {  	[simem:s7], [sflag:s8] =	dma.local @!p0 [hbm:s6], $0xF7A  }
0x23: {  	s9 =	sor.u32 $0xD0000000, s2;
	s6 =	simm.s32 $0x108;
	_ =	swait.ge @!p0 [sflag:s8], $0x0  }
0x24: {  	s3 =	sadd.s32 $0x88, s3;
	s6 =	simm.s32 @!p1 $0x1082;
	[sflag:s4] =	ssyncset.s32 $0xFFFFF086  }
0x25: {  	[simem:s6], [sflag:s4] =	dma.local [hbm:s3], $0xF7A  }
0x26: {  	[smem:$0x3F90] =	sst s1;
	(tag) =	ssettag s2;
	_ =	strace s9  }
0x27: {  	s1 =	sld [smem:$0x3FA0]  }
0x28: {  	s2 =	sld [smem:$0x3FA1]  }
0x29: {  	s4 =	sld [smem:$0x3FA3]  }
0x2a: {  	p0 =	seq.s32 s5, $0x0;
	s5 =	sld [smem:$0x3FA4]  }
0x2b: {  	s6 =	sld [smem:$0x3FA5]  }
0x2c: {  	s7 =	sld [smem:$0x3FA6]  }
0x2d: {  	s3 =	simm.s32 $0x108;
	s8 =	sld [smem:$0x3FA7]  }
0x2e: {  	s3 =	simm.s32 @!p0 $0x1082;
	s9 =	sld [smem:$0x3FA8]  }
0x2f: {  	lr =	sadd.s32 s0, s3;
	s0 =	sld [smem:$0x3F9F]  }
0x30: {  	s3 =	sld [smem:$0x3FA2]  }
0x31: {  	[smem:$0x3FAB] =	sst s10  }
0x32: {  	s10 =	sld [smem:$0x3FA9];
	_ =	sdelay $0x3  }
0x33: {  	p0 =	seq.s32 s10, $0x1;
	s10 =	sld [smem:$0x3FAB];
	_ =	sdelay $0x3  }
0x34: {  	[smem:$0x3FAB] =	sst s10  }
0x35: {  	s10 =	sld [smem:$0x3FAA];
	_ =	sdelay $0x3  }
0x36: {  	p1 =	seq.s32 s10, $0x1;
	s10 =	sld [smem:$0x3FAB];
	_ =	sdelay $0x3  }
0x37: {  	[smem:$0x3FAB] =	sst s10  }
0x38: {  	s10 =	sld [smem:$0x3FAC]  }
0x39: {  	_ = 	snop;
	(pc) =	sbr.ind lr, $3  }
0x3a: {  	_ = 	snop  }
0x3b: {  	_ = 	snop  }
0x3c: {  	p2 =	seq.s32 s10, $0x1;
	s10 =	sld [smem:$0x3FAB]  }
0x3d: {  	_ =	shalt  }
0x3e: {  	_ =	shalt  }
0x3f: {  	_ =	shalt  }
0x40: {  	_ =	shalt  }
0x41: {  	_ =	shalt  }
0x42: {  	_ =	shalt  }
0x43: {  	_ =	shalt  }
0x44: {  	_ =	shalt  }
0x45: {  	_ =	shalt  }
0x46: {  	_ =	shalt  }
0x47: {  	_ =	shalt  }
0x48: {  	_ =	shalt  }
0x49: {  	_ =	shalt  }
0x4a: {  	_ =	shalt  }
0x4b: {  	_ =	shalt  }
0x4c: {  	_ =	shalt  }
0x4d: {  	_ =	shalt  }
0x4e: {  	_ =	shalt  }
0x4f: {  	_ =	shalt  }
0x50: {  	_ =	shalt  }
0x51: {  	_ =	shalt  }
0x52: {  	_ =	shalt  }
0x53: {  	_ =	shalt  }
0x54: {  	_ =	shalt  }
0x55: {  	_ =	shalt  }
0x56: {  	_ =	shalt  }
0x57: {  	_ =	shalt  }
0x58: {  	_ =	shalt  }
0x59: {  	_ =	shalt  }
0x5a: {  	_ =	shalt  }
0x5b: {  	_ =	shalt  }
0x5c: {  	_ =	shalt  }
0x5d: {  	_ =	shalt  }
0x5e: {  	_ =	shalt  }
0x5f: {  	_ =	shalt  }
0x60: {  	_ =	shalt  }
0x61: {  	_ =	shalt  }
0x62: {  	_ =	shalt  }
0x63: {  	_ =	shalt  }
0x64: {  	_ =	shalt  }
0x65: {  	_ =	shalt  }
0x66: {  	_ =	shalt  }
0x67: {  	_ =	shalt  }
0x68: {  	_ =	shalt  }
0x69: {  	_ =	shalt  }
0x6a: {  	_ =	shalt  }
0x6b: {  	_ =	shalt  }
0x6c: {  	_ =	shalt  }
0x6d: {  	_ =	shalt  }
0x6e: {  	_ =	shalt  }
0x6f: {  	_ =	shalt  }
0x70: {  	_ =	shalt  }
0x71: {  	_ =	shalt  }
0x72: {  	_ =	shalt  }
0x73: {  	_ =	shalt  }
0x74: {  	_ =	shalt  }
0x75: {  	_ =	shalt  }
0x76: {  	_ =	shalt  }
0x77: {  	_ =	shalt  }
0x78: {  	_ =	shalt  }
0x79: {  	_ =	shalt  }
0x7a: {  	_ =	shalt  }
0x7b: {  	_ =	shalt  }
0x7c: {  	_ =	shalt  }
0x7d: {  	_ =	shalt  }
0x7e: {  	_ =	shalt  }
0x7f: {  	_ =	shalt  }
0x80: {  	_ =	shalt  }
0x81: {  	_ =	shalt  }
0x82: {  	_ =	shalt  }
0x83: {  	_ =	shalt  }
0x84: {  	_ =	shalt  }
0x85: {  	_ =	shalt  }
0x86: {  	_ =	shalt  }
0x87: {  	_ =	shalt  }
.Lfunc_end0:
.L_simem_size_0:
called_computation.2_lowered:
.L_overlay_start_0:
0x88: {  	s2 =	sld [smem:$0x3FD9]  }
0x89: {  	s3 =	sld [smem:$0x3FFE];
	_ =	sdelay $0x1  }
0x8a: {  	s1 =	srdreg.scid  }
0x8b: {  	s0 =	sand.u32 $0x1, s1  }
0x8c: {  	s16 =	sshll.u32 s0, $0xA;
	s2 =	sadd.s32 s3, s2  }
0x8d: {  	s2 =	sadd.s32 s2, s16  }
0x8e: {  	[smem:$0x3FB7] =	sst s2  }
0x8f: {  	_ = 	snop  }
0x90: {  	(tm) =	ssettm $0x1  }
0x91: {  	s17 =	sld [smem:$0x3FFB];
	_ =	sdelay $0x3  }
0x92: {  	_ =	strace s17  }
0x93: {  	s2 =	sld [smem:$0x3FFC];
	_ =	sdelay $0x3  }
0x94: {  	_ =	strace s2  }
0x95: {  	s2 =	sld [smem:$0x3FFD];
	_ =	sdelay $0x3  }
0x96: {  	_ =	strace s2  }
0x97: {  	_ =	strace $0x8FFFFFFF  }
0x98: {  	s18 =	sld [smem:$0x3FDB];
	_ =	sdelay $0x1  }
0x99: {  	s19 =	simm.s32 $_scs_section_size  }
0x9a: {  	s4 =	simm.s32 $_size__tile_overlayer_lowered;
	s5 =	simm.s32 $_tile_overlayer_lowered  }
0x9b: {  	s22 =	simm.s32 $0x1BFF;
	s21 =	sshll.u32 s5, $0x1;
	s2 =	sadd.s32 s19, s18  }
0x9c: {  	s6 =	simm.s32 $0x0;
	s20 =	sshll.u32 s4, $0x1;
	s4 =	sadd.s32 s21, s2  }
0x9d: {  	[timem:s6], [sflag:s22] =	dma.local [hbm:s4], s20  }
0x9e: {  	_ =	swait.ge [sflag:s22], s20  }
0x9f: {  	s3 =	ssub.s32 $0x0, s20;
	[sflag:s22] =	ssyncset.done $0x0  }
0xa0: {  	[sflag:s22] =	ssyncadd.s32 s3;
	_ =	sdelay $0x1  }
0xa1: {  	s23 =	simm.s32 $0x1B8B  }
0xa2: {  	_ =	swait.ge [sflag:s23], $0x1  }
0xa3: {  	[sflag:s23] =	ssyncset.done $0x0  }
0xa4: {  	s25 =	simm.s32 $0x1B8E;
	s24 =	sld [smem:$0x3FFE];
	[sflag:s23] =	ssyncadd.s32 $0xFFFFFFFF  }
0xa5: {  	s26 =	simm.s32 $execute0_lowered;
	[smem:$0x3FD2] =	sst s25  }
0xa6: {  	s4 =	sshll.u32 s26, $0x1;
	_ =	strace $0x8000004C;
	[dreg:$0x1] =	wrdreg $0xFFFFFFFF  }
0xa7: {  	s28 =	simm.s32 $_size_execute0_lowered;
	s2 =	sadd.s32 s2, s4;
	[dreg:$0x0] =	wrdreg $0x0  }
0xa8: {  	s4 =	sshll.u32 s28, $0x1;
	[dreg:$0x2] =	wrdreg s2  }
0xa9: {  	[dreg:$0x3] =	wrdreg s4  }
0xaa: {  	[dreg:$0x4] =	wrdreg $0xC0  }
0xab: {  	_ =	task [dreg:s6], $0x5FFFF  }
0xac: {  	[dreg:$0x1] =	wrdreg $0xFFFFFFFF  }
0xad: {  	[dreg:$0x0] =	wrdreg $0x60  }
0xae: {  	[dreg:$0x2] =	wrdreg s24  }
0xaf: {  	[dreg:$0x3] =	wrdreg $0xAE000  }
0xb0: {  	[dreg:$0x4] =	wrdreg $0x9  }
0xb1: {  	_ =	task.clear_ibuf [dreg:s6], $0x5FFFF;
	_ =	strace $0x9000004C  }
0xb2: {  	s29 =	simm.s32 $0x9;
	_ =	strace $0x8000004E  }
0xb3: {  	_ =	swait.ge [sflag:s29], $0x1  }
0xb4: {  	[sflag:s29] =	ssyncadd.s32 $0xFFFFFFFF  }
0xb5: {  	_ =	strace $0x9000004E  }
0xb6: {  	_ =	sfence  }
0xb7: {  	s30 =	sld [smem:$0x0];
	_ =	sdelay $0x2  }
0xb8: {  	s31 =	sshll.u32 s1, $0xD;
	s1 =	sshrl.u32 s1, $0x2  }
0xb9: {  	s3 =	sand.u32 $0x4000, s31;
	s1 =	sadd.s32 s1, s30  }
0xba: {  	s0 =	sor.u32 s3, s0;
	s1 =	sshll.u32 s1, $0x11  }
0xbb: {  	s0 =	sor.u32 s1, s0  }
0xbc: {  	s0 =	sadd.s32 $0x8F2B, s0  }
0xbd: {  	[sflag:s0] =	ssyncadd.remote.s32 $0x1  }
0xbe: {  	_ =	sfence.sel $0xFFFF  }
0xbf: {  	[dreg:$0x0] =	wrdreg $0xFFFFFFFF;
	(pc) =	sbr.abs _section_cstart, $3  }
0xc0: {  	[dreg:$0x1] =	wrdreg $0xFFFFFFFF  }
0xc1: {  	_ =	task.clear_ibuf [dreg:s6], $0x2FFFF;
	_ =	strace $0x9FFFFFFF  }
0xc2: {  	(tm) =	ssettm $0x7FFFFFFF  }
0xc3: {  	_ =	shalt  }
tec
execute0_lowered:
.L_overlay_start_1:
0x0: {  	(tag) =	ssettag $0x1  }
0x1: {  	s0 =	rddreg [dreg:$0x0]  }
0x2: {  	s1 =	rddreg [dreg:$0x1];
	s2 =	simm.s32 $0x0  }
0x3: {  	s15 =	srdreg.scid;
	s9 =	stileid.u32;
	s29 =	simm.s32 $0x600  }
0x4: {  	s30 =	simm.s32 $0xA;
	s28 =	simm.s32 $0x200;
	[smem:$0x7FF] =	sst s2  }
0x5: {  	s4 =	sadd.s32 $0x1AC00, s0;
	s2 =	sand.u32 $0x1, s15;
	s3 =	smul.u32 $0x4E000, s9  }
0x6: {  	s5 =	sadd.s32 $0x4400, s0;
	s0 =	sadd.s32 $0x41E00, s0;
	s23 =	smul.u32 $0x13800, s9  }
0x7: {  	s15 =	sadd.s32 $0x138000, s1;
	s25 =	smul.u32 $0x5A00, s9;
	p0 =	sne.s32 s9, $0xF  }
0x8: {  	s31 =	simm.s32 $0x3;
	_ =	strace $0x8000004D;
	s21 =	smul.u32 $0x138800, s2  }
0x9: {  	s6 =	ssub.s32 $0x2, s2;
	s8 =	sshll.u32 s2, $0x4;
	s2 =	smul.u32 $0x5A000, s2  }
0xa: {  	[dreg:$0x9] =	wrdreg s15;
	s7 =	sshrl.u32 s6, $0x1;
	s3 =	sshrl.u32 s3, $0x2  }
0xb: {  	s16 =	sor.u32 s9, s8;
	s6 =	ssub.s32 s6, s7;
	s10 =	sadd.s32 s3, s1  }
0xc: {  	s18 =	smul.u32 $0x5A00, s16;
	s3 =	sadd.s32 $0x3800, s10;
	[dreg:$0x3] =	wrdreg s10  }
0xd: {  	s24 =	sadd.s32 s23, s21;
	s17 =	sadd.s32 $0x7000, s10;
	[dreg:$0x4] =	wrdreg s3  }
0xe: {  	s7 =	sshrl.u32 s21, $0x3;
	s19 =	sadd.s32 $0xA800, s10;
	[dreg:$0x5] =	wrdreg s17  }
0xf: {  	s2 =	sadd.s32 s25, s2;
	s20 =	sadd.s32 $0xE000, s10;
	[dreg:$0x6] =	wrdreg s19  }
0x10: {  	s22 =	sadd.s32 $0x11800, s10;
	s8 =	sadd.s32 $0xB00, s2;
	[dreg:$0x7] =	wrdreg s20  }
0x11: {  	s6 =	smax.u32 s6, $0x1;
	s16 =	sadd.s32 $0x900, s2;
	[dreg:$0x8] =	wrdreg s22  }
0x12: {  	s3 =	sshrl.u32 s18, $0x3;
	s13 =	sshrl.u32 s8, $0x3;
	[dreg:$0x10] =	wrdreg s6  }
0x13: {  	s17 =	sadd.s32 $0x800, s2;
	s18 =	sadd.s32 $0x700, s2;
	s19 =	sadd.s32 $0x600, s2  }
0x14: {  	s8 =	simm.s32 $0x7600;
	s11 =	sadd.s32 s5, s3;
	[dreg:$0x11] =	wrdreg s19  }
0x15: {  	s20 =	sadd.s32 s13, s5;
	s3 =	sadd.s32 $0x20, s11;
	[dreg:$0xa] =	wrdreg s11  }
0x16: {  	s6 =	sshrl.u32 s18, $0x3;
	s12 =	sadd.s32 $0x40, s11;
	[dreg:$0xb] =	wrdreg s3  }
0x17: {  	s19 =	simm.s32 $0x8;
	s26 =	sadd.s32 $0x60, s11;
	[dreg:$0xc] =	wrdreg s12  }
0x18: {  	s13 =	simm.s32 $0x580;
	s25 =	sadd.s32 $0x80, s11;
	[dreg:$0xd] =	wrdreg s26  }
0x19: {  	s3 =	sshrl.u32 s24, $0x3;
	s12 =	sadd.s32 $0xA00, s2;
	s24 =	sadd.s32 s6, s5  }
0x1a: {  	[dreg:$0x12] =	wrdreg s25;
	s26 =	sadd.s32 $0xA0, s11;
	s2 =	simm.s32 $0x70  }
0x1b: {  	s11 =	simm.s32 $0x500;
	s25 =	simm.s32 $0x9;
	s6 =	simm.s32 $0x0  }
0x1c: {  	s3 =	sadd.s32 s0, s3;
	s0 =	sadd.s32 s0, s7;
	s14 =	sshrl.u32 s12, $0x3  }
.Ltmp0:
0x1d: {  	[dreg:$0x13] =	wrdreg s26;
	s7 =	simm.s32 $0x3E00;
	(pc) =	sbr.rel .LBB2_1-.Ltmp0, $4  }
0x1e: {  	s12 =	simm.s32 $0x6;
	[dreg:$0xe] =	wrdreg s3;
	s0 =	sadd.s32 $0x27000, s0  }
0x1f: {  	s21 =	sadd.s32 s14, s5;
	s3 =	sshrl.u32 s17, $0x3;
	s14 =	simm.s32 $0x1  }
0x20: {  	s17 =	simm.s32 $0x2;
	[dreg:$0xf] =	wrdreg s0;
	s0 =	sshrl.u32 s16, $0x3  }
0x21: {  	v0 =	vimm.f32 $0.0e+00;
	s23 =	sadd.s32 s3, s5;
	s16 =	simm.s32 $0x7;
	s22 =	sadd.s32 s0, s5  }
.LBB2_6:
0x22: {  	s0 =	stileid.u32;
	[bflag:$0x0] =	sbarrier.arrive $0xFFFF  }
0x23: {  	s0 =	sshll.u32 s0, $0x6;
	s10 =	rddreg [dreg:$0x3]  }
0x24: {  	s6 =	rddreg [dreg:$0xe];
	s0 =	sor.u32 $0x1C0A, s0;
	s3 =	sshrl.u32 s10, $0x3  }
0x25: {  	[hbm:s6], [sflag:s0] =	dma.local [spmem:s3], $0x2700  }
0x26: {  	_ =	swait.ge [sflag:s30], $0x2700  }
0x27: {  	[sflag:s30] =	ssyncset.done $0x0;
	s15 =	rddreg [dreg:$0x9]  }
0x28: {  	s6 =	rddreg [dreg:$0xf];
	[sflag:s30] =	ssyncadd.s32 $0xFFFFD900;
	s3 =	sshrl.u32 @!p0 s15, $0x3  }
0x29: {  	[hbm:s6], [sflag:s0] =	dma.local @!p0 [spmem:s3], $0x100  }
0x2a: {  	s0 =	simm.s32 @!p0 $0xA  }
0x2b: {  	_ =	swait.ge @!p0 [sflag:s0], $0x100  }
0x2c: {  	s18 =	rddreg [dreg:$0x14]  }
0x2d: {  	s26 =	rddreg [dreg:$0x10];
	s6 =	sadd.s32 $0x1, s18  }
0x2e: {  	p1 =	sne.s32 s6, s26  }
.Ltmp1:
0x2f: {  	_ = 	snop;
	(pc) =	sbr.rel @!p1 .LBB2_7-.Ltmp1, $3  }
0x30: {  	_ =	sdelay $0x1  }
0x31: {  	[sflag:s0] =	ssyncset.done @!p0 $0x0  }
0x32: {  	[sflag:s0] =	ssyncadd.s32 @!p0 $0xFFFFFF00  }
.LBB2_1:
0x33: {  	[dreg:$0x14] =	wrdreg s6;
	s0 =	simm.s32 $0x0;
	s3 =	simm.s32 $0x200  }
.LBB2_2:
0x34: {  	p1 =	sne.s32 s3, $0xDE00;
	[tilespmem:s0+$0x670] =	vst v0  }
0x35: {  	[tilespmem:s0+$0x600] =	vst v0  }
0x36: {  	[tilespmem:s0+$0x610] =	vst v0  }
.Ltmp2:
0x37: {  	[tilespmem:s0+$0x620] =	vst v0;
	(pc) =	sbr.rel @p1 .LBB2_2-.Ltmp2, $4  }
0x38: {  	[tilespmem:s0+$0x630] =	vst v0  }
0x39: {  	[tilespmem:s0+$0x640] =	vst v0  }
0x3a: {  	[tilespmem:s0+$0x650] =	vst v0  }
0x3b: {  	[tilespmem:s0+$0x660] =	vst v0;
	s0 =	sshra.s32 s3, $0x2;
	s3 =	sadd.s32 $0x200, s3  }
0x3c: {  	[tilespmem:s0+$0x670] =	vst v0  }
0x3d: {  	[tilespmem:s0+$0x600] =	vst v0  }
0x3e: {  	[tilespmem:s0+$0x610] =	vst v0  }
0x3f: {  	[tilespmem:s0+$0x620] =	vst v0  }
0x40: {  	[tilespmem:s0+$0x630] =	vst v0  }
0x41: {  	[tilespmem:s0+$0x640] =	vst v0  }
0x42: {  	[tilespmem:s0+$0x650] =	vst v0  }
0x43: {  	[tilespmem:s0+$0x660] =	vst v0  }
0x44: {  	[spmem:s10] =	stream.linear.scatter [tilespmem:s29], [sflag:$0xA], $0x3800, $0x38;
	[tilespmem:$0x1E6C0] =	vst v63  }
0x45: {  	_ =	swait.ge [sflag:s30], $0x3800  }
0x46: {  	[sflag:s30] =	ssyncset.done $0x0  }
0x47: {  	s26 =	rddreg [dreg:$0x4];
	[sflag:s30] =	ssyncadd.s32 $0xFFFFC800  }
0x48: {  	[spmem:s26] =	stream.linear.scatter [tilespmem:s29], [sflag:$0xA], $0x3800, $0x38;
	[tilespmem:$0x1E6C0] =	vst v63  }
0x49: {  	_ =	swait.ge [sflag:s30], $0x3800  }
0x4a: {  	[sflag:s30] =	ssyncset.done $0x0  }
0x4b: {  	s3 =	rddreg [dreg:$0x5];
	[sflag:s30] =	ssyncadd.s32 $0xFFFFC800  }
0x4c: {  	[spmem:s3] =	stream.linear.scatter [tilespmem:s29], [sflag:$0xA], $0x3800, $0x38;
	[tilespmem:$0x1E6C0] =	vst v63  }
0x4d: {  	_ =	swait.ge [sflag:s30], $0x3800  }
0x4e: {  	[sflag:s30] =	ssyncset.done $0x0  }
0x4f: {  	s6 =	rddreg [dreg:$0x6];
	[sflag:s30] =	ssyncadd.s32 $0xFFFFC800  }
0x50: {  	[spmem:s6] =	stream.linear.scatter [tilespmem:s29], [sflag:$0xA], $0x3800, $0x38;
	[tilespmem:$0x1E6C0] =	vst v63  }
0x51: {  	_ =	swait.ge [sflag:s30], $0x3800  }
0x52: {  	[sflag:s30] =	ssyncset.done $0x0  }
0x53: {  	s9 =	rddreg [dreg:$0x7];
	[sflag:s30] =	ssyncadd.s32 $0xFFFFC800  }
0x54: {  	[spmem:s9] =	stream.linear.scatter [tilespmem:s29], [sflag:$0xA], $0x3800, $0x38;
	[tilespmem:$0x1E6C0] =	vst v63  }
0x55: {  	_ =	swait.ge [sflag:s30], $0x3800  }
0x56: {  	[sflag:s30] =	ssyncset.done $0x0  }
0x57: {  	s10 =	rddreg [dreg:$0x8];
	[sflag:s30] =	ssyncadd.s32 $0xFFFFC800  }
0x58: {  	[spmem:s10] =	stream.linear.scatter [tilespmem:s29], [sflag:$0xA], $0x2000, $0x38;
	[tilespmem:$0x1E6C0] =	vst v63  }
0x59: {  	_ =	swait.ge [sflag:s30], $0x2000  }
0x5a: {  	[sflag:s30] =	ssyncset.done $0x0  }
0x5b: {  	s0 =	simm.s32 @!p0 $0x600;
	[sflag:s30] =	ssyncadd.s32 $0xFFFFE000  }
0x5c: {  	[spmem:s15] =	stream.linear.scatter @!p0 [tilespmem:s0], [sflag:$0xA], $0x800, $0x38;
	[tilespmem:$0x1E6C0] =	vst v63  }
0x5d: {  	s0 =	simm.s32 @!p0 $0xA  }
0x5e: {  	_ =	swait.ge @!p0 [sflag:s0], $0x800  }
0x5f: {  	[sflag:s0] =	ssyncset.done @!p0 $0x0  }
0x60: {  	[sflag:s0] =	ssyncadd.s32 @!p0 $0xFFFFF800  }
0x61: {  	[bflag:$0x0] =	sbarrier.arrive $0xFFFF  }
0x62: {  	s6 =	simm.s32 $0x0;
	s15 =	rddreg [dreg:$0xa]  }
0x63: {  	[tilespmem:s6], [sflag:$0xA] =	stream.linear.gather [hbm4b:s15+s6], $0x100, $0x38;
	[tilespmem:$0x1E6C0] =	vst v63  }
0x64: {  	_ =	swait.ge [sflag:s30], $0x100  }
0x65: {  	[sflag:s30] =	ssyncset.done $0x0  }
0x66: {  	s3 =	simm.s32 $0x100;
	s18 =	rddreg [dreg:$0xb];
	[sflag:s30] =	ssyncadd.s32 $0xFFFFFF00  }
0x67: {  	[tilespmem:s3], [sflag:$0xA] =	stream.linear.gather [hbm4b:s18+s6], $0x100, $0x38;
	[tilespmem:$0x1E6C0] =	vst v63  }
0x68: {  	_ =	swait.ge [sflag:s30], $0x100  }
0x69: {  	[sflag:s30] =	ssyncset.done $0x0  }
0x6a: {  	s9 =	simm.s32 $0x200;
	s26 =	rddreg [dreg:$0xc];
	[sflag:s30] =	ssyncadd.s32 $0xFFFFFF00  }
0x6b: {  	[tilespmem:s9], [sflag:$0xA] =	stream.linear.gather [hbm4b:s26+s6], $0x100, $0x38;
	[tilespmem:$0x1E6C0] =	vst v63  }
0x6c: {  	_ =	swait.ge [sflag:s30], $0x100  }
0x6d: {  	[sflag:s30] =	ssyncset.done $0x0  }
0x6e: {  	[sflag:s30] =	ssyncadd.s32 $0xFFFFFF00  }
0x6f: {  	[tilespmem:s29], [sflag:$0x1] =	stream.indirect.gather [hbm4b:s4+s2], $0x80, s6, s2, $0xb8;
	[tilespmem:$0x1E6C0] =	vst v63  }
0x70: {  	_ = 	snop  }
0x71: {  	[tilespmem:s7], [sflag:$0x2] =	stream.indirect.gather [hbm4b:s4+s2], $0x80, s3, s2, $0xb8;
	[tilespmem:$0x1E6C0] =	vst v63  }
0x72: {  	s15 =	rddreg [dreg:$0x12]  }
0x73: {  	[tilespmem:s8], [sflag:$0x3] =	stream.indirect.gather [hbm4b:s4+s2], $0x80, s9, s2, $0xb8;
	[tilespmem:$0x1E6C0] =	vst v63  }
0x74: {  	s10 =	simm.s32 $0x300;
	s9 =	rddreg [dreg:$0xd]  }
0x75: {  	[tilespmem:s10], [sflag:$0x7] =	stream.linear.gather [hbm4b:s9+s6], $0x100, $0x38;
	[tilespmem:$0x1E6C0] =	vst v63  }
0x76: {  	s18 =	simm.s32 $0x400;
	s26 =	rddreg [dreg:$0x13]  }
0x77: {  	[tilespmem:s18], [sflag:$0x8] =	stream.linear.gather [hbm4b:s15+s6], $0x100, $0x38;
	[tilespmem:$0x1E6C0] =	vst v63  }
0x78: {  	s3 =	rddreg [dreg:$0x11]  }
0x79: {  	[tilespmem:s11], [sflag:$0x9] =	stream.linear.gather [hbm4b:s26+s6], $0x100, $0x38;
	[tilespmem:$0x1E6C0] =	vst v63  }
.LBB2_4:
0x7a: {  	_ =	swait.ge [sflag:s14], $0x3800  }
0x7b: {  	[sflag:s14] =	ssyncset.done $0x0  }
0x7c: {  	s0 =	simm.s32 $0x80;
	[sflag:s14] =	ssyncadd.s32 $0xFFFFC800  }
0x7d: {  	[spmem:s1] =	stream.indirect.scatter.add.f32 [tilespmem:s29], [sflag:$0xA], $0x80, s0, s2, $0xb8;
	[tilespmem:$0x1E6C0] =	vst v63  }
0x7e: {  	p1 =	seq.s32 s6, $0xA80;
	_ =	swait.ge [sflag:s30], $0x3800  }
0x7f: {  	s0 =	sshrl.u32 @!p1 s3, $0x3;
	[sflag:s30] =	ssyncset.done $0x0  }
0x80: {  	s15 =	sadd.s32 @!p1 s5, s0;
	s0 =	simm.s32 @!p1 $0x0;
	[sflag:s30] =	ssyncadd.s32 $0xFFFFC800  }
0x81: {  	[tilespmem:s0], [sflag:$0x4] =	stream.linear.gather @!p1 [hbm4b:s15+s0], $0x100, $0x38;
	[tilespmem:$0x1E6C0] =	vst v63  }
0x82: {  	_ =	swait.ge [sflag:s16], $0x100  }
0x83: {  	[sflag:s16] =	ssyncset.done $0x0  }
0x84: {  	s9 =	simm.s32 $0x300;
	[sflag:s16] =	ssyncadd.s32 $0xFFFFFF00  }
0x85: {  	[tilespmem:s29], [sflag:$0x1] =	stream.indirect.gather [hbm4b:s4+s2], $0x80, s9, s2, $0xb8;
	[tilespmem:$0x1E6C0] =	vst v63  }
0x86: {  	_ =	swait.ge [sflag:s17], $0x3800  }
0x87: {  	[sflag:s17] =	ssyncset.done $0x0  }
0x88: {  	s26 =	simm.s32 $0x180;
	[sflag:s17] =	ssyncadd.s32 $0xFFFFC800  }
0x89: {  	[spmem:s1] =	stream.indirect.scatter.add.f32 [tilespmem:s7], [sflag:$0xA], $0x80, s26, s2, $0xb8;
	[tilespmem:$0x1E6C0] =	vst v63  }
0x8a: {  	_ =	swait.ge [sflag:s30], $0x3800  }
0x8b: {  	[sflag:s30] =	ssyncset.done $0x0  }
0x8c: {  	s18 =	sadd.s32 @!p1 s6, s24;
	s15 =	simm.s32 @!p1 $0x100;
	[sflag:s30] =	ssyncadd.s32 $0xFFFFC800  }
0x8d: {  	[tilespmem:s15], [sflag:$0x5] =	stream.linear.gather @!p1 [hbm4b:s18+s0], $0x100, $0x38;
	[tilespmem:$0x1E6C0] =	vst v63  }
0x8e: {  	_ =	swait.ge [sflag:s19], $0x100  }
0x8f: {  	[sflag:s19] =	ssyncset.done $0x0  }
0x90: {  	s10 =	simm.s32 $0x400;
	[sflag:s19] =	ssyncadd.s32 $0xFFFFFF00  }
0x91: {  	[tilespmem:s7], [sflag:$0x2] =	stream.indirect.gather [hbm4b:s4+s2], $0x80, s10, s2, $0xb8;
	[tilespmem:$0x1E6C0] =	vst v63  }
0x92: {  	_ =	swait.ge [sflag:s31], $0x3800  }
0x93: {  	[sflag:s31] =	ssyncset.done $0x0  }
0x94: {  	s18 =	simm.s32 $0x280;
	[sflag:s31] =	ssyncadd.s32 $0xFFFFC800  }
0x95: {  	[spmem:s1] =	stream.indirect.scatter.add.f32 [tilespmem:s8], [sflag:$0xA], $0x80, s18, s2, $0xb8;
	[tilespmem:$0x1E6C0] =	vst v63  }
0x96: {  	_ =	swait.ge [sflag:s30], $0x3800  }
0x97: {  	[sflag:s30] =	ssyncset.done $0x0  }
0x98: {  	s9 =	simm.s32 @!p1 $0x200;
	s18 =	sadd.s32 @!p1 s6, s23;
	[sflag:s30] =	ssyncadd.s32 $0xFFFFC800  }
0x99: {  	[tilespmem:s9], [sflag:$0x6] =	stream.linear.gather @!p1 [hbm4b:s18+s0], $0x100, $0x38;
	[tilespmem:$0x1E6C0] =	vst v63  }
0x9a: {  	_ =	swait.ge [sflag:s25], $0x100  }
0x9b: {  	[sflag:s25] =	ssyncset.done $0x0  }
0x9c: {  	[sflag:s25] =	ssyncadd.s32 $0xFFFFFF00  }
0x9d: {  	[tilespmem:s8], [sflag:$0x3] =	stream.indirect.gather [hbm4b:s4+s2], $0x80, s11, s2, $0xb8;
	[tilespmem:$0x1E6C0] =	vst v63  }
0x9e: {  	_ =	swait.ge [sflag:s14], $0x3800  }
0x9f: {  	[sflag:s14] =	ssyncset.done $0x0  }
0xa0: {  	s26 =	simm.s32 $0x380;
	[sflag:s14] =	ssyncadd.s32 $0xFFFFC800  }
0xa1: {  	[spmem:s1] =	stream.indirect.scatter.add.f32 [tilespmem:s29], [sflag:$0xA], $0x80, s26, s2, $0xb8;
	[tilespmem:$0x1E6C0] =	vst v63  }
0xa2: {  	_ =	swait.ge [sflag:s30], $0x3800  }
0xa3: {  	[sflag:s30] =	ssyncset.done $0x0  }
0xa4: {  	s9 =	simm.s32 @p1 $0x2;
	[sflag:s30] =	ssyncadd.s32 $0xFFFFC800  }
0xa5: {  	_ =	swait.ge @p1 [sflag:s9], $0x3800  }
0xa6: {  	s10 =	simm.s32 @p1 $0x3E00;
	[sflag:s9] =	ssyncset.done @p1 $0x0  }
0xa7: {  	s18 =	simm.s32 @p1 $0x480;
	[sflag:s9] =	ssyncadd.s32 @p1 $0xFFFFC800;
	s9 =	simm.s32 @p1 $0x70  }
0xa8: {  	[spmem:s1] =	stream.indirect.scatter.add.f32 @p1 [tilespmem:s10], [sflag:$0xA], $0x80, s18, s9, $0xb8;
	[tilespmem:$0x1E6C0] =	vst v63  }
0xa9: {  	s9 =	simm.s32 @p1 $0xA  }
0xaa: {  	_ =	swait.ge @p1 [sflag:s9], $0x3800  }
0xab: {  	[sflag:s9] =	ssyncset.done @p1 $0x0  }
0xac: {  	s10 =	simm.s32 @!p1 $0x300;
	[sflag:s9] =	ssyncadd.s32 @p1 $0xFFFFC800;
	s9 =	sadd.s32 @!p1 s6, s22  }
0xad: {  	[tilespmem:s10], [sflag:$0x7] =	stream.linear.gather @!p1 [hbm4b:s9+s0], $0x100, $0x38;
	[tilespmem:$0x1E6C0] =	vst v63  }
0xae: {  	s9 =	simm.s32 @!p1 $0x4  }
0xaf: {  	_ =	swait.ge @!p1 [sflag:s9], $0x100  }
0xb0: {  	[sflag:s9] =	ssyncset.done @!p1 $0x0  }
0xb1: {  	s10 =	simm.s32 @!p1 $0x600;
	[sflag:s9] =	ssyncadd.s32 @!p1 $0xFFFFFF00;
	s9 =	simm.s32 @!p1 $0x70  }
0xb2: {  	[tilespmem:s10], [sflag:$0x1] =	stream.indirect.gather @!p1 [hbm4b:s4+s9], $0x80, s0, s9, $0xb8;
	[tilespmem:$0x1E6C0] =	vst v63  }
0xb3: {  	s10 =	simm.s32 @!p1 $0x2  }
0xb4: {  	_ =	swait.ge @!p1 [sflag:s10], $0x3800  }
0xb5: {  	[sflag:s10] =	ssyncset.done @!p1 $0x0  }
0xb6: {  	s18 =	simm.s32 @!p1 $0x3E00;
	[sflag:s10] =	ssyncadd.s32 @!p1 $0xFFFFC800;
	s10 =	simm.s32 @!p1 $0x480  }
0xb7: {  	[spmem:s1] =	stream.indirect.scatter.add.f32 @!p1 [tilespmem:s18], [sflag:$0xA], $0x80, s10, s9, $0xb8;
	[tilespmem:$0x1E6C0] =	vst v63  }
0xb8: {  	s10 =	simm.s32 @!p1 $0xA  }
0xb9: {  	_ =	swait.ge @!p1 [sflag:s10], $0x3800  }
0xba: {  	[sflag:s10] =	ssyncset.done @!p1 $0x0  }
0xbb: {  	s26 =	simm.s32 @!p1 $0x400;
	[sflag:s10] =	ssyncadd.s32 @!p1 $0xFFFFC800;
	s10 =	sadd.s32 @!p1 s6, s21  }
0xbc: {  	[tilespmem:s26], [sflag:$0x8] =	stream.linear.gather @!p1 [hbm4b:s10+s0], $0x100, $0x38;
	[tilespmem:$0x1E6C0] =	vst v63  }
0xbd: {  	s0 =	simm.s32 @!p1 $0x5  }
0xbe: {  	_ =	swait.ge @!p1 [sflag:s0], $0x100  }
0xbf: {  	[sflag:s0] =	ssyncset.done @!p1 $0x0  }
0xc0: {  	[sflag:s0] =	ssyncadd.s32 @!p1 $0xFFFFFF00  }
0xc1: {  	[tilespmem:s18], [sflag:$0x2] =	stream.indirect.gather @!p1 [hbm4b:s4+s9], $0x80, s15, s9, $0xb8;
	[tilespmem:$0x1E6C0] =	vst v63  }
0xc2: {  	_ =	swait.ge [sflag:s31], $0x3800  }
0xc3: {  	[sflag:s31] =	ssyncset.done $0x0  }
.Ltmp3:
0xc4: {  	[sflag:s31] =	ssyncadd.s32 $0xFFFFC800;
	(pc) =	sbr.rel @p1 .LBB2_6-.Ltmp3, $4  }
0xc5: {  	[spmem:s1] =	stream.indirect.scatter.add.f32 [tilespmem:s8], [sflag:$0xA], $0x80, s13, s2, $0xb8;
	[tilespmem:$0x1E6C0] =	vst v63  }
0xc6: {  	_ =	swait.ge [sflag:s30], $0x3800  }
0xc7: {  	[sflag:s30] =	ssyncset.done $0x0  }
0xc8: {  	[sflag:s30] =	ssyncadd.s32 $0xFFFFC800  }
0xc9: {  	s0 =	sadd.s32 s6, s20;
	s9 =	simm.s32 $0x0  }
0xca: {  	[tilespmem:s11], [sflag:$0x9] =	stream.linear.gather [hbm4b:s0+s9], $0x100, $0x38;
	[tilespmem:$0x1E6C0] =	vst v63  }
.Ltmp4:
0xcb: {  	_ = 	snop;
	(pc) =	sbr.rel .LBB2_4-.Ltmp4, $4  }
0xcc: {  	_ =	swait.ge [sflag:s12], $0x100  }
0xcd: {  	[sflag:s12] =	ssyncset.done $0x0  }
0xce: {  	s6 =	sadd.s32 $0xC0, s6;
	s3 =	sadd.s32 $0x600, s3;
	[sflag:s12] =	ssyncadd.s32 $0xFFFFFF00  }
0xcf: {  	[tilespmem:s8], [sflag:$0x3] =	stream.indirect.gather [hbm4b:s4+s2], $0x80, s28, s2, $0xb8;
	[tilespmem:$0x1E6C0] =	vst v63  }
.LBB2_7:
0xd0: {  	_ =	sfence.sel $0x180000  }
0xd1: {  	[bflag:$0x0] =	sbarrier.arrive $0xFFFF  }
0xd2: {  	_ =	strace $0x9000004D  }
0xd3: {  	s0 =	stileid.u32;
	[bflag:$0x2] =	sbarrier.arrive $0xFFFF  }
0xd4: {  	p0 =	sne.s32 s0, $0x0;
	s0 =	rddreg [dreg:$0x2]  }
0xd5: {  	s0 =	sadd.s32 @!p0 $0x100000, s0  }
0xd6: {  	[sflag:s0] =	ssyncadd.tile.s32 @!p0 $0x1;
	_ =	shalt  }
.Lfunc_end2:
_tile_overlayer_lowered:
.L_overlay_start_2:
0xd7: {  	(tag) =	ssettag $0x2  }
0xd8: {  	s0 =	rddreg [dreg:$0x0];
	s2 =	stileid.u32  }
0xd9: {  	s1 =	rddreg [dreg:$0x1];
	p0 =	sne.s32 s2, $0x0  }
0xda: {  	s3 =	rddreg [dreg:$0x2];
	[bflag:$0x3] =	sbarrier.arrive $0xFFFF;
	s2 =	simm.s32 @!p0 $0x1C0A  }
0xdb: {  	[timem:s3], [sflag:s2] =	dma.local @!p0 [hbm:s0], s1  }
0xdc: {  	s0 =	simm.s32 @!p0 $0xA  }
0xdd: {  	_ =	swait.ge @!p0 [sflag:s0], s1  }
0xde: {  	s1 =	ssub.s32 @!p0 $0x0, s1;
	[sflag:s0] =	ssyncset.done @!p0 $0x0  }
0xdf: {  	[sflag:s0] =	ssyncadd.s32 @!p0 s1  }
0xe0: {  	[bflag:$0x3] =	sbarrier.arrive $0xFFFF  }
0xe1: {  	_ =	shalt  }

// kernel: kernel.19.cloned.1.call-start
scs
__scs_entry_jumppad:
0x0: {  	(pc) =	sbr.rel $0x88, $3  }
0x1: {  	(tag) =	ssettag $0x0;
	lr =	simm.s32 $0x1  }
0x2: {  	[smem:$0x3F90] =	sst lr;
	_ =	strace $0xD0000000  }
0x3: {  	_ = 	snop  }
0x4: {  	_ = 	snop  }
0x5: {  	_ = 	snop  }
0x6: {  	_ = 	snop  }
0x7: {  	_ = 	snop  }
__scs_overlays_trampoline_lowered:
0x8: {  	[smem:$0x3F9F] =	sst s0  }
0x9: {  	[smem:$0x3FA0] =	sst s1  }
0xa: {  	[smem:$0x3FA1] =	sst s2  }
0xb: {  	[smem:$0x3FA2] =	sst s3  }
0xc: {  	[smem:$0x3FA3] =	sst s4  }
0xd: {  	[smem:$0x3FA4] =	sst s5  }
0xe: {  	[smem:$0x3FA5] =	sst s6  }
0xf: {  	[smem:$0x3FA6] =	sst s7  }
0x10: {  	[smem:$0x3FA7] =	sst s8  }
0x11: {  	[smem:$0x3FA8] =	sst s9;
	s0 =	simm.s32 @!p0 $0x0  }
0x12: {  	s1 =	sld [smem:$0x3F8E];
	s0 =	simm.s32 @p0 $0x1  }
0x13: {  	[smem:$0x3FA9] =	sst s0;
	s0 =	simm.s32 @!p1 $0x0  }
0x14: {  	s2 =	sld [smem:$0x3F8D];
	s0 =	simm.s32 @p1 $0x1  }
0x15: {  	[smem:$0x3FAA] =	sst s0;
	s0 =	simm.s32 @!p2 $0x0  }
0x16: {  	s3 =	sld [smem:$0x3FDB];
	s0 =	simm.s32 @p2 $0x1  }
0x17: {  	s4 =	simm.s32 $0x1BF5;
	[smem:$0x3FAC] =	sst s0  }
0x18: {  	s0 =	sld [smem:$0x3F8F];
	_ =	swait.ge [sflag:s4], $0x0  }
0x19: {  	s7 =	sld [smem:$0x3F90]  }
0x1a: {  	s8 =	sadd.s32 $0xFFFFE003, lr  }
0x1b: {  	s9 =	sadd.s32 $0xFFFFFEF7, lr;
	s5 =	simm.s32 $0xFFFFFFFF;
	p2 =	slt.u32 s8, $0xFFFFF086  }
0x1c: {  	p1 =	slt.u32 s9, $0xF7A;
	s5 =	simm.s32 @!p2 $0x0  }
0x1d: {  	s5 =	simm.s32 @p1 $0x1;
	p0 =	seq.s32 s7, s2  }
0x1e: {  	s7 =	smul.u32 @!p0 $0xF7A, s2;
	p2 =	seq.s32 @!p0 s5, $0x0  }
0x1f: {  	s9 =	smul.u32 $0xF7A, s1;
	s8 =	simm.s32 @!p0 $0x1BF5;
	p2 =	por !p2, p0  }
0x20: {  	[sflag:s8] =	ssyncset.s32 @!p0 $0xFFFFF086;
	s6 =	sadd.s32 @!p0 s3, s7;
	s7 =	simm.s32 @!p0 $0x108  }
0x21: {  	s3 =	sadd.s32 s3, s9;
	s6 =	sadd.s32 @!p0 $0x88, s6;
	s7 =	simm.s32 @p2 $0x1082  }
0x22: {  	[simem:s7], [sflag:s8] =	dma.local @!p0 [hbm:s6], $0xF7A  }
0x23: {  	s9 =	sor.u32 $0xD0000000, s2;
	s6 =	simm.s32 $0x108;
	_ =	swait.ge @!p0 [sflag:s8], $0x0  }
0x24: {  	s3 =	sadd.s32 $0x88, s3;
	s6 =	simm.s32 @!p1 $0x1082;
	[sflag:s4] =	ssyncset.s32 $0xFFFFF086  }
0x25: {  	[simem:s6], [sflag:s4] =	dma.local [hbm:s3], $0xF7A  }
0x26: {  	[smem:$0x3F90] =	sst s1;
	(tag) =	ssettag s2;
	_ =	strace s9  }
0x27: {  	s1 =	sld [smem:$0x3FA0]  }
0x28: {  	s2 =	sld [smem:$0x3FA1]  }
0x29: {  	s4 =	sld [smem:$0x3FA3]  }
0x2a: {  	p0 =	seq.s32 s5, $0x0;
	s5 =	sld [smem:$0x3FA4]  }
0x2b: {  	s6 =	sld [smem:$0x3FA5]  }
0x2c: {  	s7 =	sld [smem:$0x3FA6]  }
0x2d: {  	s3 =	simm.s32 $0x108;
	s8 =	sld [smem:$0x3FA7]  }
0x2e: {  	s3 =	simm.s32 @!p0 $0x1082;
	s9 =	sld [smem:$0x3FA8]  }
0x2f: {  	lr =	sadd.s32 s0, s3;
	s0 =	sld [smem:$0x3F9F]  }
0x30: {  	s3 =	sld [smem:$0x3FA2]  }
0x31: {  	[smem:$0x3FAB] =	sst s10  }
0x32: {  	s10 =	sld [smem:$0x3FA9];
	_ =	sdelay $0x3  }
0x33: {  	p0 =	seq.s32 s10, $0x1;
	s10 =	sld [smem:$0x3FAB];
	_ =	sdelay $0x3  }
0x34: {  	[smem:$0x3FAB] =	sst s10  }
0x35: {  	s10 =	sld [smem:$0x3FAA];
	_ =	sdelay $0x3  }
0x36: {  	p1 =	seq.s32 s10, $0x1;
	s10 =	sld [smem:$0x3FAB];
	_ =	sdelay $0x3  }
0x37: {  	[smem:$0x3FAB] =	sst s10  }
0x38: {  	s10 =	sld [smem:$0x3FAC]  }
0x39: {  	_ = 	snop;
	(pc) =	sbr.ind lr, $3  }
0x3a: {  	_ = 	snop  }
0x3b: {  	_ = 	snop  }
0x3c: {  	p2 =	seq.s32 s10, $0x1;
	s10 =	sld [smem:$0x3FAB]  }
0x3d: {  	_ =	shalt  }
0x3e: {  	_ =	shalt  }
0x3f: {  	_ =	shalt  }
0x40: {  	_ =	shalt  }
0x41: {  	_ =	shalt  }
0x42: {  	_ =	shalt  }
0x43: {  	_ =	shalt  }
0x44: {  	_ =	shalt  }
0x45: {  	_ =	shalt  }
0x46: {  	_ =	shalt  }
0x47: {  	_ =	shalt  }
0x48: {  	_ =	shalt  }
0x49: {  	_ =	shalt  }
0x4a: {  	_ =	shalt  }
0x4b: {  	_ =	shalt  }
0x4c: {  	_ =	shalt  }
0x4d: {  	_ =	shalt  }
0x4e: {  	_ =	shalt  }
0x4f: {  	_ =	shalt  }
0x50: {  	_ =	shalt  }
0x51: {  	_ =	shalt  }
0x52: {  	_ =	shalt  }
0x53: {  	_ =	shalt  }
0x54: {  	_ =	shalt  }
0x55: {  	_ =	shalt  }
0x56: {  	_ =	shalt  }
0x57: {  	_ =	shalt  }
0x58: {  	_ =	shalt  }
0x59: {  	_ =	shalt  }
0x5a: {  	_ =	shalt  }
0x5b: {  	_ =	shalt  }
0x5c: {  	_ =	shalt  }
0x5d: {  	_ =	shalt  }
0x5e: {  	_ =	shalt  }
0x5f: {  	_ =	shalt  }
0x60: {  	_ =	shalt  }
0x61: {  	_ =	shalt  }
0x62: {  	_ =	shalt  }
0x63: {  	_ =	shalt  }
0x64: {  	_ =	shalt  }
0x65: {  	_ =	shalt  }
0x66: {  	_ =	shalt  }
0x67: {  	_ =	shalt  }
0x68: {  	_ =	shalt  }
0x69: {  	_ =	shalt  }
0x6a: {  	_ =	shalt  }
0x6b: {  	_ =	shalt  }
0x6c: {  	_ =	shalt  }
0x6d: {  	_ =	shalt  }
0x6e: {  	_ =	shalt  }
0x6f: {  	_ =	shalt  }
0x70: {  	_ =	shalt  }
0x71: {  	_ =	shalt  }
0x72: {  	_ =	shalt  }
0x73: {  	_ =	shalt  }
0x74: {  	_ =	shalt  }
0x75: {  	_ =	shalt  }
0x76: {  	_ =	shalt  }
0x77: {  	_ =	shalt  }
0x78: {  	_ =	shalt  }
0x79: {  	_ =	shalt  }
0x7a: {  	_ =	shalt  }
0x7b: {  	_ =	shalt  }
0x7c: {  	_ =	shalt  }
0x7d: {  	_ =	shalt  }
0x7e: {  	_ =	shalt  }
0x7f: {  	_ =	shalt  }
0x80: {  	_ =	shalt  }
0x81: {  	_ =	shalt  }
0x82: {  	_ =	shalt  }
0x83: {  	_ =	shalt  }
0x84: {  	_ =	shalt  }
0x85: {  	_ =	shalt  }
0x86: {  	_ =	shalt  }
0x87: {  	_ =	shalt  }
.Lfunc_end0:
.L_simem_size_0:
called_computation.3_lowered:
.L_overlay_start_0:
0x88: {  	s2 =	sld [smem:$0x3FD9]  }
0x89: {  	s3 =	sld [smem:$0x3FFE];
	_ =	sdelay $0x1  }
0x8a: {  	s1 =	srdreg.scid  }
0x8b: {  	s0 =	sand.u32 $0x1, s1  }
0x8c: {  	s16 =	sshll.u32 s0, $0xA;
	s2 =	sadd.s32 s3, s2  }
0x8d: {  	s2 =	sadd.s32 s2, s16  }
0x8e: {  	[smem:$0x3FB7] =	sst s2  }
0x8f: {  	_ = 	snop  }
0x90: {  	(tm) =	ssettm $0x1  }
0x91: {  	s17 =	sld [smem:$0x3FFB];
	_ =	sdelay $0x3  }
0x92: {  	_ =	strace s17  }
0x93: {  	s2 =	sld [smem:$0x3FFC];
	_ =	sdelay $0x3  }
0x94: {  	_ =	strace s2  }
0x95: {  	s2 =	sld [smem:$0x3FFD];
	_ =	sdelay $0x3  }
0x96: {  	_ =	strace s2  }
0x97: {  	_ =	strace $0x8FFFFFFF  }
0x98: {  	s18 =	sld [smem:$0x3FDB];
	_ =	sdelay $0x1  }
0x99: {  	s19 =	simm.s32 $_scs_section_size  }
0x9a: {  	s4 =	simm.s32 $_size__tile_overlayer_lowered;
	s5 =	simm.s32 $_tile_overlayer_lowered  }
0x9b: {  	s22 =	simm.s32 $0x1BFF;
	s21 =	sshll.u32 s5, $0x1;
	s2 =	sadd.s32 s19, s18  }
0x9c: {  	s6 =	simm.s32 $0x0;
	s20 =	sshll.u32 s4, $0x1;
	s4 =	sadd.s32 s21, s2  }
0x9d: {  	[timem:s6], [sflag:s22] =	dma.local [hbm:s4], s20  }
0x9e: {  	_ =	swait.ge [sflag:s22], s20  }
0x9f: {  	s3 =	ssub.s32 $0x0, s20;
	[sflag:s22] =	ssyncset.done $0x0  }
0xa0: {  	[sflag:s22] =	ssyncadd.s32 s3;
	_ =	sdelay $0x1  }
0xa1: {  	s23 =	simm.s32 $0x1B8B  }
0xa2: {  	_ =	swait.ge [sflag:s23], $0x1  }
0xa3: {  	[sflag:s23] =	ssyncset.done $0x0  }
0xa4: {  	s25 =	simm.s32 $0x1B8E;
	s24 =	sld [smem:$0x3FFE];
	[sflag:s23] =	ssyncadd.s32 $0xFFFFFFFF  }
0xa5: {  	s26 =	simm.s32 $execute0_lowered;
	[smem:$0x3FD2] =	sst s25  }
0xa6: {  	s4 =	sshll.u32 s26, $0x1;
	_ =	strace $0x8000004F;
	[dreg:$0x1] =	wrdreg $0xFFFFFFFF  }
0xa7: {  	s28 =	simm.s32 $_size_execute0_lowered;
	s2 =	sadd.s32 s2, s4;
	[dreg:$0x0] =	wrdreg $0x0  }
0xa8: {  	s4 =	sshll.u32 s28, $0x1;
	[dreg:$0x2] =	wrdreg s2  }
0xa9: {  	[dreg:$0x3] =	wrdreg s4  }
0xaa: {  	[dreg:$0x4] =	wrdreg $0xC0  }
0xab: {  	_ =	task [dreg:s6], $0x5FFFF  }
0xac: {  	[dreg:$0x1] =	wrdreg $0xFFFFFFFF  }
0xad: {  	[dreg:$0x0] =	wrdreg $0x60  }
0xae: {  	[dreg:$0x2] =	wrdreg s24  }
0xaf: {  	[dreg:$0x3] =	wrdreg $0xAE000  }
0xb0: {  	[dreg:$0x4] =	wrdreg $0x9  }
0xb1: {  	_ =	task.clear_ibuf [dreg:s6], $0x5FFFF;
	_ =	strace $0x9000004F  }
0xb2: {  	s29 =	simm.s32 $0x9;
	_ =	strace $0x80000051  }
0xb3: {  	_ =	swait.ge [sflag:s29], $0x1  }
0xb4: {  	[sflag:s29] =	ssyncadd.s32 $0xFFFFFFFF  }
0xb5: {  	_ =	strace $0x90000051  }
0xb6: {  	_ =	sfence  }
0xb7: {  	s30 =	sld [smem:$0x0];
	_ =	sdelay $0x2  }
0xb8: {  	s31 =	sshll.u32 s1, $0xD;
	s1 =	sshrl.u32 s1, $0x2  }
0xb9: {  	s3 =	sand.u32 $0x4000, s31;
	s1 =	sadd.s32 s1, s30  }
0xba: {  	s0 =	sor.u32 s3, s0;
	s1 =	sshll.u32 s1, $0x11  }
0xbb: {  	s0 =	sor.u32 s1, s0  }
0xbc: {  	s0 =	sadd.s32 $0x8F2B, s0  }
0xbd: {  	[sflag:s0] =	ssyncadd.remote.s32 $0x1  }
0xbe: {  	_ =	sfence.sel $0xFFFF  }
0xbf: {  	[dreg:$0x0] =	wrdreg $0xFFFFFFFF;
	(pc) =	sbr.abs _section_cstart, $3  }
0xc0: {  	[dreg:$0x1] =	wrdreg $0xFFFFFFFF  }
0xc1: {  	_ =	task.clear_ibuf [dreg:s6], $0x2FFFF;
	_ =	strace $0x9FFFFFFF  }
0xc2: {  	(tm) =	ssettm $0x7FFFFFFF  }
0xc3: {  	_ =	shalt  }
tec
execute0_lowered:
.L_overlay_start_1:
0x0: {  	(tag) =	ssettag $0x1  }
0x1: {  	s0 =	rddreg [dreg:$0x0]  }
0x2: {  	s1 =	rddreg [dreg:$0x1];
	s2 =	simm.s32 $0x0  }
0x3: {  	s15 =	srdreg.scid;
	s9 =	stileid.u32;
	s29 =	simm.s32 $0x600  }
0x4: {  	s30 =	simm.s32 $0xA;
	s28 =	simm.s32 $0x200;
	[smem:$0x7FF] =	sst s2  }
0x5: {  	s4 =	sadd.s32 $0x1AC00, s0;
	s2 =	sand.u32 $0x1, s15;
	s3 =	smul.u32 $0x4E000, s9  }
0x6: {  	s5 =	sadd.s32 $0x4400, s0;
	s0 =	sadd.s32 $0x41E00, s0;
	s23 =	smul.u32 $0x13800, s9  }
0x7: {  	s15 =	sadd.s32 $0x138000, s1;
	s25 =	smul.u32 $0x5A00, s9;
	p0 =	sne.s32 s9, $0xF  }
0x8: {  	s31 =	simm.s32 $0x3;
	_ =	strace $0x80000050;
	s21 =	smul.u32 $0x138800, s2  }
0x9: {  	s6 =	ssub.s32 $0x2, s2;
	s8 =	sshll.u32 s2, $0x4;
	s2 =	smul.u32 $0x5A000, s2  }
0xa: {  	[dreg:$0x9] =	wrdreg s15;
	s7 =	sshrl.u32 s6, $0x1;
	s3 =	sshrl.u32 s3, $0x2  }
0xb: {  	s16 =	sor.u32 s9, s8;
	s6 =	ssub.s32 s6, s7;
	s10 =	sadd.s32 s3, s1  }
0xc: {  	s18 =	smul.u32 $0x5A00, s16;
	s3 =	sadd.s32 $0x3800, s10;
	[dreg:$0x3] =	wrdreg s10  }
0xd: {  	s24 =	sadd.s32 s23, s21;
	s17 =	sadd.s32 $0x7000, s10;
	[dreg:$0x4] =	wrdreg s3  }
0xe: {  	s7 =	sshrl.u32 s21, $0x3;
	s19 =	sadd.s32 $0xA800, s10;
	[dreg:$0x5] =	wrdreg s17  }
0xf: {  	s2 =	sadd.s32 s25, s2;
	s20 =	sadd.s32 $0xE000, s10;
	[dreg:$0x6] =	wrdreg s19  }
0x10: {  	s22 =	sadd.s32 $0x11800, s10;
	s8 =	sadd.s32 $0xB00, s2;
	[dreg:$0x7] =	wrdreg s20  }
0x11: {  	s6 =	smax.u32 s6, $0x1;
	s16 =	sadd.s32 $0x900, s2;
	[dreg:$0x8] =	wrdreg s22  }
0x12: {  	s3 =	sshrl.u32 s18, $0x3;
	s13 =	sshrl.u32 s8, $0x3;
	[dreg:$0x10] =	wrdreg s6  }
0x13: {  	s17 =	sadd.s32 $0x800, s2;
	s18 =	sadd.s32 $0x700, s2;
	s19 =	sadd.s32 $0x600, s2  }
0x14: {  	s8 =	simm.s32 $0x7600;
	s11 =	sadd.s32 s5, s3;
	[dreg:$0x11] =	wrdreg s19  }
0x15: {  	s20 =	sadd.s32 s13, s5;
	s3 =	sadd.s32 $0x20, s11;
	[dreg:$0xa] =	wrdreg s11  }
0x16: {  	s6 =	sshrl.u32 s18, $0x3;
	s12 =	sadd.s32 $0x40, s11;
	[dreg:$0xb] =	wrdreg s3  }
0x17: {  	s19 =	simm.s32 $0x8;
	s26 =	sadd.s32 $0x60, s11;
	[dreg:$0xc] =	wrdreg s12  }
0x18: {  	s13 =	simm.s32 $0x580;
	s25 =	sadd.s32 $0x80, s11;
	[dreg:$0xd] =	wrdreg s26  }
0x19: {  	s3 =	sshrl.u32 s24, $0x3;
	s12 =	sadd.s32 $0xA00, s2;
	s24 =	sadd.s32 s6, s5  }
0x1a: {  	[dreg:$0x12] =	wrdreg s25;
	s26 =	sadd.s32 $0xA0, s11;
	s2 =	simm.s32 $0x70  }
0x1b: {  	s11 =	simm.s32 $0x500;
	s25 =	simm.s32 $0x9;
	s6 =	simm.s32 $0x0  }
0x1c: {  	s3 =	sadd.s32 s0, s3;
	s0 =	sadd.s32 s0, s7;
	s14 =	sshrl.u32 s12, $0x3  }
.Ltmp0:
0x1d: {  	[dreg:$0x13] =	wrdreg s26;
	s7 =	simm.s32 $0x3E00;
	(pc) =	sbr.rel .LBB2_1-.Ltmp0, $4  }
0x1e: {  	s12 =	simm.s32 $0x6;
	[dreg:$0xe] =	wrdreg s3;
	s0 =	sadd.s32 $0x27000, s0  }
0x1f: {  	s21 =	sadd.s32 s14, s5;
	s3 =	sshrl.u32 s17, $0x3;
	s14 =	simm.s32 $0x1  }
0x20: {  	s17 =	simm.s32 $0x2;
	[dreg:$0xf] =	wrdreg s0;
	s0 =	sshrl.u32 s16, $0x3  }
0x21: {  	v0 =	vimm.f32 $0.0e+00;
	s23 =	sadd.s32 s3, s5;
	s16 =	simm.s32 $0x7;
	s22 =	sadd.s32 s0, s5  }
.LBB2_6:
0x22: {  	s0 =	stileid.u32;
	[bflag:$0x0] =	sbarrier.arrive $0xFFFF  }
0x23: {  	s0 =	sshll.u32 s0, $0x6;
	s10 =	rddreg [dreg:$0x3]  }
0x24: {  	s6 =	rddreg [dreg:$0xe];
	s0 =	sor.u32 $0x1C0A, s0;
	s3 =	sshrl.u32 s10, $0x3  }
0x25: {  	[hbm:s6], [sflag:s0] =	dma.local [spmem:s3], $0x2700  }
0x26: {  	_ =	swait.ge [sflag:s30], $0x2700  }
0x27: {  	[sflag:s30] =	ssyncset.done $0x0;
	s15 =	rddreg [dreg:$0x9]  }
0x28: {  	s6 =	rddreg [dreg:$0xf];
	[sflag:s30] =	ssyncadd.s32 $0xFFFFD900;
	s3 =	sshrl.u32 @!p0 s15, $0x3  }
0x29: {  	[hbm:s6], [sflag:s0] =	dma.local @!p0 [spmem:s3], $0x100  }
0x2a: {  	s0 =	simm.s32 @!p0 $0xA  }
0x2b: {  	_ =	swait.ge @!p0 [sflag:s0], $0x100  }
0x2c: {  	s18 =	rddreg [dreg:$0x14]  }
0x2d: {  	s26 =	rddreg [dreg:$0x10];
	s6 =	sadd.s32 $0x1, s18  }
0x2e: {  	p1 =	sne.s32 s6, s26  }
.Ltmp1:
0x2f: {  	_ = 	snop;
	(pc) =	sbr.rel @!p1 .LBB2_7-.Ltmp1, $3  }
0x30: {  	_ =	sdelay $0x1  }
0x31: {  	[sflag:s0] =	ssyncset.done @!p0 $0x0  }
0x32: {  	[sflag:s0] =	ssyncadd.s32 @!p0 $0xFFFFFF00  }
.LBB2_1:
0x33: {  	[dreg:$0x14] =	wrdreg s6;
	s0 =	simm.s32 $0x0;
	s3 =	simm.s32 $0x200  }
.LBB2_2:
0x34: {  	p1 =	sne.s32 s3, $0xDE00;
	[tilespmem:s0+$0x670] =	vst v0  }
0x35: {  	[tilespmem:s0+$0x600] =	vst v0  }
0x36: {  	[tilespmem:s0+$0x610] =	vst v0  }
.Ltmp2:
0x37: {  	[tilespmem:s0+$0x620] =	vst v0;
	(pc) =	sbr.rel @p1 .LBB2_2-.Ltmp2, $4  }
0x38: {  	[tilespmem:s0+$0x630] =	vst v0  }
0x39: {  	[tilespmem:s0+$0x640] =	vst v0  }
0x3a: {  	[tilespmem:s0+$0x650] =	vst v0  }
0x3b: {  	[tilespmem:s0+$0x660] =	vst v0;
	s0 =	sshra.s32 s3, $0x2;
	s3 =	sadd.s32 $0x200, s3  }
0x3c: {  	[tilespmem:s0+$0x670] =	vst v0  }
0x3d: {  	[tilespmem:s0+$0x600] =	vst v0  }
0x3e: {  	[tilespmem:s0+$0x610] =	vst v0  }
0x3f: {  	[tilespmem:s0+$0x620] =	vst v0  }
0x40: {  	[tilespmem:s0+$0x630] =	vst v0  }
0x41: {  	[tilespmem:s0+$0x640] =	vst v0  }
0x42: {  	[tilespmem:s0+$0x650] =	vst v0  }
0x43: {  	[tilespmem:s0+$0x660] =	vst v0  }
0x44: {  	[spmem:s10] =	stream.linear.scatter [tilespmem:s29], [sflag:$0xA], $0x3800, $0x38;
	[tilespmem:$0x1E6C0] =	vst v63  }
0x45: {  	_ =	swait.ge [sflag:s30], $0x3800  }
0x46: {  	[sflag:s30] =	ssyncset.done $0x0  }
0x47: {  	s26 =	rddreg [dreg:$0x4];
	[sflag:s30] =	ssyncadd.s32 $0xFFFFC800  }
0x48: {  	[spmem:s26] =	stream.linear.scatter [tilespmem:s29], [sflag:$0xA], $0x3800, $0x38;
	[tilespmem:$0x1E6C0] =	vst v63  }
0x49: {  	_ =	swait.ge [sflag:s30], $0x3800  }
0x4a: {  	[sflag:s30] =	ssyncset.done $0x0  }
0x4b: {  	s3 =	rddreg [dreg:$0x5];
	[sflag:s30] =	ssyncadd.s32 $0xFFFFC800  }
0x4c: {  	[spmem:s3] =	stream.linear.scatter [tilespmem:s29], [sflag:$0xA], $0x3800, $0x38;
	[tilespmem:$0x1E6C0] =	vst v63  }
0x4d: {  	_ =	swait.ge [sflag:s30], $0x3800  }
0x4e: {  	[sflag:s30] =	ssyncset.done $0x0  }
0x4f: {  	s6 =	rddreg [dreg:$0x6];
	[sflag:s30] =	ssyncadd.s32 $0xFFFFC800  }
0x50: {  	[spmem:s6] =	stream.linear.scatter [tilespmem:s29], [sflag:$0xA], $0x3800, $0x38;
	[tilespmem:$0x1E6C0] =	vst v63  }
0x51: {  	_ =	swait.ge [sflag:s30], $0x3800  }
0x52: {  	[sflag:s30] =	ssyncset.done $0x0  }
0x53: {  	s9 =	rddreg [dreg:$0x7];
	[sflag:s30] =	ssyncadd.s32 $0xFFFFC800  }
0x54: {  	[spmem:s9] =	stream.linear.scatter [tilespmem:s29], [sflag:$0xA], $0x3800, $0x38;
	[tilespmem:$0x1E6C0] =	vst v63  }
0x55: {  	_ =	swait.ge [sflag:s30], $0x3800  }
0x56: {  	[sflag:s30] =	ssyncset.done $0x0  }
0x57: {  	s10 =	rddreg [dreg:$0x8];
	[sflag:s30] =	ssyncadd.s32 $0xFFFFC800  }
0x58: {  	[spmem:s10] =	stream.linear.scatter [tilespmem:s29], [sflag:$0xA], $0x2000, $0x38;
	[tilespmem:$0x1E6C0] =	vst v63  }
0x59: {  	_ =	swait.ge [sflag:s30], $0x2000  }
0x5a: {  	[sflag:s30] =	ssyncset.done $0x0  }
0x5b: {  	s0 =	simm.s32 @!p0 $0x600;
	[sflag:s30] =	ssyncadd.s32 $0xFFFFE000  }
0x5c: {  	[spmem:s15] =	stream.linear.scatter @!p0 [tilespmem:s0], [sflag:$0xA], $0x800, $0x38;
	[tilespmem:$0x1E6C0] =	vst v63  }
0x5d: {  	s0 =	simm.s32 @!p0 $0xA  }
0x5e: {  	_ =	swait.ge @!p0 [sflag:s0], $0x800  }
0x5f: {  	[sflag:s0] =	ssyncset.done @!p0 $0x0  }
0x60: {  	[sflag:s0] =	ssyncadd.s32 @!p0 $0xFFFFF800  }
0x61: {  	[bflag:$0x0] =	sbarrier.arrive $0xFFFF  }
0x62: {  	s6 =	simm.s32 $0x0;
	s15 =	rddreg [dreg:$0xa]  }
0x63: {  	[tilespmem:s6], [sflag:$0xA] =	stream.linear.gather [hbm4b:s15+s6], $0x100, $0x38;
	[tilespmem:$0x1E6C0] =	vst v63  }
0x64: {  	_ =	swait.ge [sflag:s30], $0x100  }
0x65: {  	[sflag:s30] =	ssyncset.done $0x0  }
0x66: {  	s3 =	simm.s32 $0x100;
	s18 =	rddreg [dreg:$0xb];
	[sflag:s30] =	ssyncadd.s32 $0xFFFFFF00  }
0x67: {  	[tilespmem:s3], [sflag:$0xA] =	stream.linear.gather [hbm4b:s18+s6], $0x100, $0x38;
	[tilespmem:$0x1E6C0] =	vst v63  }
0x68: {  	_ =	swait.ge [sflag:s30], $0x100  }
0x69: {  	[sflag:s30] =	ssyncset.done $0x0  }
0x6a: {  	s9 =	simm.s32 $0x200;
	s26 =	rddreg [dreg:$0xc];
	[sflag:s30] =	ssyncadd.s32 $0xFFFFFF00  }
0x6b: {  	[tilespmem:s9], [sflag:$0xA] =	stream.linear.gather [hbm4b:s26+s6], $0x100, $0x38;
	[tilespmem:$0x1E6C0] =	vst v63  }
0x6c: {  	_ =	swait.ge [sflag:s30], $0x100  }
0x6d: {  	[sflag:s30] =	ssyncset.done $0x0  }
0x6e: {  	[sflag:s30] =	ssyncadd.s32 $0xFFFFFF00  }
0x6f: {  	[tilespmem:s29], [sflag:$0x1] =	stream.indirect.gather [hbm4b:s4+s2], $0x80, s6, s2, $0xb8;
	[tilespmem:$0x1E6C0] =	vst v63  }
0x70: {  	_ = 	snop  }
0x71: {  	[tilespmem:s7], [sflag:$0x2] =	stream.indirect.gather [hbm4b:s4+s2], $0x80, s3, s2, $0xb8;
	[tilespmem:$0x1E6C0] =	vst v63  }
0x72: {  	s15 =	rddreg [dreg:$0x12]  }
0x73: {  	[tilespmem:s8], [sflag:$0x3] =	stream.indirect.gather [hbm4b:s4+s2], $0x80, s9, s2, $0xb8;
	[tilespmem:$0x1E6C0] =	vst v63  }
0x74: {  	s10 =	simm.s32 $0x300;
	s9 =	rddreg [dreg:$0xd]  }
0x75: {  	[tilespmem:s10], [sflag:$0x7] =	stream.linear.gather [hbm4b:s9+s6], $0x100, $0x38;
	[tilespmem:$0x1E6C0] =	vst v63  }
0x76: {  	s18 =	simm.s32 $0x400;
	s26 =	rddreg [dreg:$0x13]  }
0x77: {  	[tilespmem:s18], [sflag:$0x8] =	stream.linear.gather [hbm4b:s15+s6], $0x100, $0x38;
	[tilespmem:$0x1E6C0] =	vst v63  }
0x78: {  	s3 =	rddreg [dreg:$0x11]  }
0x79: {  	[tilespmem:s11], [sflag:$0x9] =	stream.linear.gather [hbm4b:s26+s6], $0x100, $0x38;
	[tilespmem:$0x1E6C0] =	vst v63  }
.LBB2_4:
0x7a: {  	_ =	swait.ge [sflag:s14], $0x3800  }
0x7b: {  	[sflag:s14] =	ssyncset.done $0x0  }
0x7c: {  	s0 =	simm.s32 $0x80;
	[sflag:s14] =	ssyncadd.s32 $0xFFFFC800  }
0x7d: {  	[spmem:s1] =	stream.indirect.scatter.add.f32 [tilespmem:s29], [sflag:$0xA], $0x80, s0, s2, $0xb8;
	[tilespmem:$0x1E6C0] =	vst v63  }
0x7e: {  	p1 =	seq.s32 s6, $0xA80;
	_ =	swait.ge [sflag:s30], $0x3800  }
0x7f: {  	s0 =	sshrl.u32 @!p1 s3, $0x3;
	[sflag:s30] =	ssyncset.done $0x0  }
0x80: {  	s15 =	sadd.s32 @!p1 s5, s0;
	s0 =	simm.s32 @!p1 $0x0;
	[sflag:s30] =	ssyncadd.s32 $0xFFFFC800  }
0x81: {  	[tilespmem:s0], [sflag:$0x4] =	stream.linear.gather @!p1 [hbm4b:s15+s0], $0x100, $0x38;
	[tilespmem:$0x1E6C0] =	vst v63  }
0x82: {  	_ =	swait.ge [sflag:s16], $0x100  }
0x83: {  	[sflag:s16] =	ssyncset.done $0x0  }
0x84: {  	s9 =	simm.s32 $0x300;
	[sflag:s16] =	ssyncadd.s32 $0xFFFFFF00  }
0x85: {  	[tilespmem:s29], [sflag:$0x1] =	stream.indirect.gather [hbm4b:s4+s2], $0x80, s9, s2, $0xb8;
	[tilespmem:$0x1E6C0] =	vst v63  }
0x86: {  	_ =	swait.ge [sflag:s17], $0x3800  }
0x87: {  	[sflag:s17] =	ssyncset.done $0x0  }
0x88: {  	s26 =	simm.s32 $0x180;
	[sflag:s17] =	ssyncadd.s32 $0xFFFFC800  }
0x89: {  	[spmem:s1] =	stream.indirect.scatter.add.f32 [tilespmem:s7], [sflag:$0xA], $0x80, s26, s2, $0xb8;
	[tilespmem:$0x1E6C0] =	vst v63  }
0x8a: {  	_ =	swait.ge [sflag:s30], $0x3800  }
0x8b: {  	[sflag:s30] =	ssyncset.done $0x0  }
0x8c: {  	s18 =	sadd.s32 @!p1 s6, s24;
	s15 =	simm.s32 @!p1 $0x100;
	[sflag:s30] =	ssyncadd.s32 $0xFFFFC800  }
0x8d: {  	[tilespmem:s15], [sflag:$0x5] =	stream.linear.gather @!p1 [hbm4b:s18+s0], $0x100, $0x38;
	[tilespmem:$0x1E6C0] =	vst v63  }
0x8e: {  	_ =	swait.ge [sflag:s19], $0x100  }
0x8f: {  	[sflag:s19] =	ssyncset.done $0x0  }
0x90: {  	s10 =	simm.s32 $0x400;
	[sflag:s19] =	ssyncadd.s32 $0xFFFFFF00  }
0x91: {  	[tilespmem:s7], [sflag:$0x2] =	stream.indirect.gather [hbm4b:s4+s2], $0x80, s10, s2, $0xb8;
	[tilespmem:$0x1E6C0] =	vst v63  }
0x92: {  	_ =	swait.ge [sflag:s31], $0x3800  }
0x93: {  	[sflag:s31] =	ssyncset.done $0x0  }
0x94: {  	s18 =	simm.s32 $0x280;
	[sflag:s31] =	ssyncadd.s32 $0xFFFFC800  }
0x95: {  	[spmem:s1] =	stream.indirect.scatter.add.f32 [tilespmem:s8], [sflag:$0xA], $0x80, s18, s2, $0xb8;
	[tilespmem:$0x1E6C0] =	vst v63  }
0x96: {  	_ =	swait.ge [sflag:s30], $0x3800  }
0x97: {  	[sflag:s30] =	ssyncset.done $0x0  }
0x98: {  	s9 =	simm.s32 @!p1 $0x200;
	s18 =	sadd.s32 @!p1 s6, s23;
	[sflag:s30] =	ssyncadd.s32 $0xFFFFC800  }
0x99: {  	[tilespmem:s9], [sflag:$0x6] =	stream.linear.gather @!p1 [hbm4b:s18+s0], $0x100, $0x38;
	[tilespmem:$0x1E6C0] =	vst v63  }
0x9a: {  	_ =	swait.ge [sflag:s25], $0x100  }
0x9b: {  	[sflag:s25] =	ssyncset.done $0x0  }
0x9c: {  	[sflag:s25] =	ssyncadd.s32 $0xFFFFFF00  }
0x9d: {  	[tilespmem:s8], [sflag:$0x3] =	stream.indirect.gather [hbm4b:s4+s2], $0x80, s11, s2, $0xb8;
	[tilespmem:$0x1E6C0] =	vst v63  }
0x9e: {  	_ =	swait.ge [sflag:s14], $0x3800  }
0x9f: {  	[sflag:s14] =	ssyncset.done $0x0  }
0xa0: {  	s26 =	simm.s32 $0x380;
	[sflag:s14] =	ssyncadd.s32 $0xFFFFC800  }
0xa1: {  	[spmem:s1] =	stream.indirect.scatter.add.f32 [tilespmem:s29], [sflag:$0xA], $0x80, s26, s2, $0xb8;
	[tilespmem:$0x1E6C0] =	vst v63  }
0xa2: {  	_ =	swait.ge [sflag:s30], $0x3800  }
0xa3: {  	[sflag:s30] =	ssyncset.done $0x0  }
0xa4: {  	s9 =	simm.s32 @p1 $0x2;
	[sflag:s30] =	ssyncadd.s32 $0xFFFFC800  }
0xa5: {  	_ =	swait.ge @p1 [sflag:s9], $0x3800  }
0xa6: {  	s10 =	simm.s32 @p1 $0x3E00;
	[sflag:s9] =	ssyncset.done @p1 $0x0  }
0xa7: {  	s18 =	simm.s32 @p1 $0x480;
	[sflag:s9] =	ssyncadd.s32 @p1 $0xFFFFC800;
	s9 =	simm.s32 @p1 $0x70  }
0xa8: {  	[spmem:s1] =	stream.indirect.scatter.add.f32 @p1 [tilespmem:s10], [sflag:$0xA], $0x80, s18, s9, $0xb8;
	[tilespmem:$0x1E6C0] =	vst v63  }
0xa9: {  	s9 =	simm.s32 @p1 $0xA  }
0xaa: {  	_ =	swait.ge @p1 [sflag:s9], $0x3800  }
0xab: {  	[sflag:s9] =	ssyncset.done @p1 $0x0  }
0xac: {  	s10 =	simm.s32 @!p1 $0x300;
	[sflag:s9] =	ssyncadd.s32 @p1 $0xFFFFC800;
	s9 =	sadd.s32 @!p1 s6, s22  }
0xad: {  	[tilespmem:s10], [sflag:$0x7] =	stream.linear.gather @!p1 [hbm4b:s9+s0], $0x100, $0x38;
	[tilespmem:$0x1E6C0] =	vst v63  }
0xae: {  	s9 =	simm.s32 @!p1 $0x4  }
0xaf: {  	_ =	swait.ge @!p1 [sflag:s9], $0x100  }
0xb0: {  	[sflag:s9] =	ssyncset.done @!p1 $0x0  }
0xb1: {  	s10 =	simm.s32 @!p1 $0x600;
	[sflag:s9] =	ssyncadd.s32 @!p1 $0xFFFFFF00;
	s9 =	simm.s32 @!p1 $0x70  }
0xb2: {  	[tilespmem:s10], [sflag:$0x1] =	stream.indirect.gather @!p1 [hbm4b:s4+s9], $0x80, s0, s9, $0xb8;
	[tilespmem:$0x1E6C0] =	vst v63  }
0xb3: {  	s10 =	simm.s32 @!p1 $0x2  }
0xb4: {  	_ =	swait.ge @!p1 [sflag:s10], $0x3800  }
0xb5: {  	[sflag:s10] =	ssyncset.done @!p1 $0x0  }
0xb6: {  	s18 =	simm.s32 @!p1 $0x3E00;
	[sflag:s10] =	ssyncadd.s32 @!p1 $0xFFFFC800;
	s10 =	simm.s32 @!p1 $0x480  }
0xb7: {  	[spmem:s1] =	stream.indirect.scatter.add.f32 @!p1 [tilespmem:s18], [sflag:$0xA], $0x80, s10, s9, $0xb8;
	[tilespmem:$0x1E6C0] =	vst v63  }
0xb8: {  	s10 =	simm.s32 @!p1 $0xA  }
0xb9: {  	_ =	swait.ge @!p1 [sflag:s10], $0x3800  }
0xba: {  	[sflag:s10] =	ssyncset.done @!p1 $0x0  }
0xbb: {  	s26 =	simm.s32 @!p1 $0x400;
	[sflag:s10] =	ssyncadd.s32 @!p1 $0xFFFFC800;
	s10 =	sadd.s32 @!p1 s6, s21  }
0xbc: {  	[tilespmem:s26], [sflag:$0x8] =	stream.linear.gather @!p1 [hbm4b:s10+s0], $0x100, $0x38;
	[tilespmem:$0x1E6C0] =	vst v63  }
0xbd: {  	s0 =	simm.s32 @!p1 $0x5  }
0xbe: {  	_ =	swait.ge @!p1 [sflag:s0], $0x100  }
0xbf: {  	[sflag:s0] =	ssyncset.done @!p1 $0x0  }
0xc0: {  	[sflag:s0] =	ssyncadd.s32 @!p1 $0xFFFFFF00  }
0xc1: {  	[tilespmem:s18], [sflag:$0x2] =	stream.indirect.gather @!p1 [hbm4b:s4+s9], $0x80, s15, s9, $0xb8;
	[tilespmem:$0x1E6C0] =	vst v63  }
0xc2: {  	_ =	swait.ge [sflag:s31], $0x3800  }
0xc3: {  	[sflag:s31] =	ssyncset.done $0x0  }
.Ltmp3:
0xc4: {  	[sflag:s31] =	ssyncadd.s32 $0xFFFFC800;
	(pc) =	sbr.rel @p1 .LBB2_6-.Ltmp3, $4  }
0xc5: {  	[spmem:s1] =	stream.indirect.scatter.add.f32 [tilespmem:s8], [sflag:$0xA], $0x80, s13, s2, $0xb8;
	[tilespmem:$0x1E6C0] =	vst v63  }
0xc6: {  	_ =	swait.ge [sflag:s30], $0x3800  }
0xc7: {  	[sflag:s30] =	ssyncset.done $0x0  }
0xc8: {  	[sflag:s30] =	ssyncadd.s32 $0xFFFFC800  }
0xc9: {  	s0 =	sadd.s32 s6, s20;
	s9 =	simm.s32 $0x0  }
0xca: {  	[tilespmem:s11], [sflag:$0x9] =	stream.linear.gather [hbm4b:s0+s9], $0x100, $0x38;
	[tilespmem:$0x1E6C0] =	vst v63  }
.Ltmp4:
0xcb: {  	_ = 	snop;
	(pc) =	sbr.rel .LBB2_4-.Ltmp4, $4  }
0xcc: {  	_ =	swait.ge [sflag:s12], $0x100  }
0xcd: {  	[sflag:s12] =	ssyncset.done $0x0  }
0xce: {  	s6 =	sadd.s32 $0xC0, s6;
	s3 =	sadd.s32 $0x600, s3;
	[sflag:s12] =	ssyncadd.s32 $0xFFFFFF00  }
0xcf: {  	[tilespmem:s8], [sflag:$0x3] =	stream.indirect.gather [hbm4b:s4+s2], $0x80, s28, s2, $0xb8;
	[tilespmem:$0x1E6C0] =	vst v63  }
.LBB2_7:
0xd0: {  	_ =	sfence.sel $0x180000  }
0xd1: {  	[bflag:$0x0] =	sbarrier.arrive $0xFFFF  }
0xd2: {  	_ =	strace $0x90000050  }
0xd3: {  	s0 =	stileid.u32;
	[bflag:$0x2] =	sbarrier.arrive $0xFFFF  }
0xd4: {  	p0 =	sne.s32 s0, $0x0;
	s0 =	rddreg [dreg:$0x2]  }
0xd5: {  	s0 =	sadd.s32 @!p0 $0x100000, s0  }
0xd6: {  	[sflag:s0] =	ssyncadd.tile.s32 @!p0 $0x1;
	_ =	shalt  }
.Lfunc_end2:
_tile_overlayer_lowered:
.L_overlay_start_2:
0xd7: {  	(tag) =	ssettag $0x2  }
0xd8: {  	s0 =	rddreg [dreg:$0x0];
	s2 =	stileid.u32  }
0xd9: {  	s1 =	rddreg [dreg:$0x1];
	p0 =	sne.s32 s2, $0x0  }
0xda: {  	s3 =	rddreg [dreg:$0x2];
	[bflag:$0x3] =	sbarrier.arrive $0xFFFF;
	s2 =	simm.s32 @!p0 $0x1C0A  }
0xdb: {  	[timem:s3], [sflag:s2] =	dma.local @!p0 [hbm:s0], s1  }
0xdc: {  	s0 =	simm.s32 @!p0 $0xA  }
0xdd: {  	_ =	swait.ge @!p0 [sflag:s0], s1  }
0xde: {  	s1 =	ssub.s32 @!p0 $0x0, s1;
	[sflag:s0] =	ssyncset.done @!p0 $0x0  }
0xdf: {  	[sflag:s0] =	ssyncadd.s32 @!p0 s1  }
0xe0: {  	[bflag:$0x3] =	sbarrier.arrive $0xFFFF  }
0xe1: {  	_ =	shalt  }

</sc_bundles>
